<compile_context>
chip_gen: v7x
topology: tpu7x:2x2x1
jax: 0.10.2.dev20260603
libtpu: 0.0.44.dev20260713+nightly
codegen_flags: <defaults>
</compile_context>

<pallas_src>
import jax
import jax.numpy as jnp
from jax import lax
from jax.experimental import pallas as pl
from jax.experimental.pallas import tpu as pltpu
from jax.experimental.pallas import tpu_sc as plsc

N = 10000
E = 320000
D = 128
NC, NS = 2, 16
NW = NC * NS
CHUNK = 64
NCH = -(-E // (NW * CHUNK))
NCH += (-NCH) % 8
NP = NCH // 2
EPAD = NW * NCH * CHUNK
NPAD = 10240
RPT = NPAD // NS

_MESH = plsc.VectorSubcoreMesh(core_axis_name="c", subcore_axis_name="s")


def _sc_agg_body(h_hbm, ei_hbm, z_hbm, agg_out,
                 ib, rows0, rows1, rows2, rows3, agg_sh,
                 g0, g1, g2, g3, s0, s1, s2, s3, i0, i1, i2, i3):
  cid = lax.axis_index("c")
  sid = lax.axis_index("s")
  wid = sid * NC + cid
  base = sid * RPT

  pltpu.sync_copy(z_hbm, agg_sh.at[pl.ds(base, RPT)])
  plsc.subcore_barrier()

  rows = (rows0, rows1, rows2, rows3)
  gsem = (g0, g1, g2, g3)
  ssem = (s0, s1, s2, s3)
  isem = (i0, i1, i2, i3)

  def fetch_idx(p, sl):
    pltpu.async_copy(ei_hbm.at[wid, p], ib.at[sl], isem[sl])

  def wait_idx(sl):
    pltpu.make_async_copy(ei_hbm.at[wid, 0], ib.at[sl], isem[sl]).wait()

  def gather(sl, half, b):
    pltpu.async_copy(h_hbm.at[ib.at[sl, 0, half]], rows[b], gsem[b])

  def wait_gather(b):
    pltpu.make_async_copy(h_hbm.at[pl.ds(0, CHUNK)], rows[b], gsem[b]).wait()

  def scatter(sl, half, b):
    pltpu.async_copy(rows[b], agg_sh.at[ib.at[sl, 1, half]], ssem[b], add=True)

  def wait_scatter(b):
    pltpu.make_async_copy(h_hbm.at[pl.ds(0, CHUNK)], rows[b], ssem[b]).wait()

  for sl in range(4):
    fetch_idx(sl, sl)
  wait_idx(0)
  wait_idx(1)
  for b in range(4):
    gather(b // 2, b % 2, b)

  def quad(q, sl0, do_next, do_fetch):
    sl1 = (sl0 + 1) % 4
    nl0, nl1 = (sl0 + 2) % 4, (sl0 + 3) % 4
    if do_next:
      wait_idx(nl0)
      wait_idx(nl1)
    for b in range(4):
      wait_gather(b)
      scatter((sl0, sl1)[b // 2], b % 2, b)
    if do_next:
      for b in range(4):
        wait_scatter(b)
        gather((nl0, nl1)[b // 2], b % 2, b)
    else:
      for b in range(4):
        wait_scatter(b)
    if do_fetch:
      fetch_idx(2 * q + 4, sl0)
      fetch_idx(2 * q + 5, sl1)

  NQ = NCH // 4
  @pl.loop(0, NQ - 2, step=2)
  def _(qq):
    quad(qq, 0, True, True)
    quad(qq + 1, 2, True, True)

  quad(NQ - 2, 0, True, False)
  quad(NQ - 1, 2, False, False)

  plsc.subcore_barrier()
  pltpu.sync_copy(agg_sh.at[pl.ds(base, RPT)], agg_out.at[cid, pl.ds(base, RPT)])


_sc_agg = pl.kernel(
    _sc_agg_body,
    out_type=[jax.ShapeDtypeStruct((NC, NPAD, D), jnp.float32)],
    mesh=_MESH,
    scratch_types=(
        [pltpu.VMEM((4, 2, 2, CHUNK), jnp.int32)]
        + [pltpu.VMEM((CHUNK, D), jnp.float32) for _ in range(4)]
        + [pltpu.VMEM_SHARED((NPAD, D), jnp.float32)]
        + [pltpu.SemaphoreType.DMA] * 12
    ),
)

NCHD = EPAD // (NW * 128)


def _sc_deg_body(dsts_hbm, z_hbm, ones_hbm, deg_out, didx, ones_v, deg_sh,
                 dsem):
  cid = lax.axis_index("c")
  sid = lax.axis_index("s")
  wid = sid * NC + cid
  base = sid * RPT

  pltpu.sync_copy(z_hbm, deg_sh.at[pl.ds(base, RPT)])
  pltpu.sync_copy(ones_hbm, ones_v)
  pltpu.sync_copy(dsts_hbm.at[wid], didx)
  plsc.subcore_barrier()

  @pl.loop(0, NCHD, step=4)
  def _(j):
    for k in range(4):
      pltpu.async_copy(ones_v, deg_sh.at[didx.at[j + k]], dsem, add=True)
    for k in range(4):
      pltpu.make_async_copy(ones_v, deg_sh.at[didx.at[j + k]], dsem).wait()

  plsc.subcore_barrier()
  pltpu.sync_copy(deg_sh.at[pl.ds(base, RPT)], deg_out.at[cid, pl.ds(base, RPT)])


_sc_deg = pl.kernel(
    _sc_deg_body,
    out_type=[jax.ShapeDtypeStruct((NC, NPAD, D), jnp.float32)],
    mesh=_MESH,
    scratch_types=[
        pltpu.VMEM((NCHD, 128), jnp.int32),
        pltpu.VMEM((128, D), jnp.float32),
        pltpu.VMEM_SHARED((NPAD, D), jnp.float32),
        pltpu.SemaphoreType.DMA,
    ],
)


def _make_tc_sage(relu: bool):
  BLK = 1280
  grid = NPAD // BLK

  def body(aggp, degp, h, wl, wr, b, o):
    a = aggp[0] + aggp[1]
    dp = degp[...]
    dcol = dp[0, :, 0:1] + dp[1, :, 0:1]
    mean = a / jnp.maximum(dcol, 1.0)
    acc = jnp.dot(mean, wl[...], preferred_element_type=jnp.float32)
    acc = acc + jnp.dot(h[...], wr[...], preferred_element_type=jnp.float32)
    acc = acc + b[...]
    if relu:
      acc = jnp.maximum(acc, 0.0)
    o[...] = acc

  return pl.pallas_call(
      body,
      grid=(grid,),
      in_specs=[
          pl.BlockSpec((NC, BLK, D), lambda j: (0, j, 0)),
          pl.BlockSpec((NC, BLK, D), lambda j: (0, j, 0)),
          pl.BlockSpec((BLK, D), lambda j: (j, 0)),
          pl.BlockSpec((D, D), lambda j: (0, 0)),
          pl.BlockSpec((D, D), lambda j: (0, 0)),
          pl.BlockSpec((1, D), lambda j: (0, 0)),
      ],
      out_specs=pl.BlockSpec((BLK, D), lambda j: (j, 0)),
      out_shape=jax.ShapeDtypeStruct((NPAD, D), jnp.float32),
  )


_tc_sage_relu = _make_tc_sage(True)
_tc_sage_lin = _make_tc_sage(False)


def kernel(x, edge_index, W_l1, b1, W_r1, W_l2, b2, W_r2):
  src = edge_index[0]
  dst = edge_index[1]
  pad_e = EPAD - E
  src_p = jnp.concatenate([src, jnp.zeros((pad_e,), jnp.int32)])
  dst_p = jnp.concatenate([dst, jnp.full((pad_e,), N, jnp.int32)])
  ei = jnp.stack([src_p.reshape(NW, NP, 2, CHUNK),
                  dst_p.reshape(NW, NP, 2, CHUNK)],
                 axis=2)
  dstsD = dst_p.reshape(NW, NCHD, 128)
  xpad = jnp.concatenate([x, jnp.zeros((NPAD - N, D), x.dtype)], axis=0)
  z = jnp.zeros((RPT, D), jnp.float32)
  ones_row = jnp.zeros((128, D), jnp.float32).at[:, 0].set(1.0)

  (degp,) = _sc_deg(dstsD, z, ones_row)
  (aggp1,) = _sc_agg(xpad, ei, z)
  h1 = _tc_sage_relu(aggp1, degp, xpad, W_l1, W_r1, b1.reshape(1, D))
  (aggp2,) = _sc_agg(h1, ei, z)
  out = _tc_sage_lin(aggp2, degp, h1, W_l2, W_r2, b2.reshape(1, D))
  return out[:N]

# --- scband reference (transcript-rebuilt; emitter-appended) ---
"""Pipeline reference for scband-sage-85203561218639 (READ-ONLY COPY).

The authoritative reference and input builder live on the scoring server;
editing this copy changes nothing except your own understanding.
"""

import jax, jax.numpy as jnp
import numpy as np

N = 10000
E = 320000
D_IN = 128
D_HID = 128
D_OUT = 128


def setup_inputs(seed: int = 0) -> dict:
    key = jax.random.key(seed)
    ks = jax.random.split(key, 10)
    x = jax.random.normal(ks[0], (N, D_IN), dtype=jnp.float32)
    edge_index = jax.random.randint(ks[1], (2, E), 0, N, dtype=jnp.int32)
    s1 = 1.0 / np.sqrt(D_IN)
    s2 = 1.0 / np.sqrt(D_HID)
    W_l1 = jax.random.uniform(ks[2], (D_IN, D_HID), jnp.float32, -s1, s1)
    W_r1 = jax.random.uniform(ks[3], (D_IN, D_HID), jnp.float32, -s1, s1)
    b1 = jax.random.uniform(ks[4], (D_HID,), jnp.float32, -s1, s1)
    W_l2 = jax.random.uniform(ks[5], (D_HID, D_OUT), jnp.float32, -s2, s2)
    W_r2 = jax.random.uniform(ks[6], (D_HID, D_OUT), jnp.float32, -s2, s2)
    b2 = jax.random.uniform(ks[7], (D_OUT,), jnp.float32, -s2, s2)
    return {"x": x, "edge_index": edge_index,
            "W_l1": W_l1, "b1": b1, "W_r1": W_r1,
            "W_l2": W_l2, "b2": b2, "W_r2": W_r2}


def _sage_conv(h, src, dst, W_l, W_r, b):
    # message: x_j from source nodes, mean-aggregated at destination nodes
    msgs = jnp.take(h, src, axis=0)
    agg = jax.ops.segment_sum(msgs, dst, num_segments=N)
    deg = jax.ops.segment_sum(jnp.ones((src.shape[0],), dtype=h.dtype), dst, num_segments=N)
    mean = agg / jnp.clip(deg, 1.0, None)[:, None]
    # PyG SAGEConv (normalize=False): lin_l(aggr) + lin_r(x); bias lives in lin_l
    return mean @ W_l + h @ W_r + b


def reference(x, edge_index, W_l1, b1, W_r1, W_l2, b2, W_r2):
    src = edge_index[0]
    dst = edge_index[1]
    h = _sage_conv(x, src, dst, W_l1, W_r1, b1)
    h = jax.nn.relu(h)
    # dropout p=0.0 -> identity
    h = _sage_conv(h, src, dst, W_l2, W_r2, b2)
    return h

if __name__ == "__main__":
    import jax
    _d = setup_inputs()
    print(jax.jit(kernel)(*tuple(_d.values())))

</pallas_src>

<mosaic_0001>
#map = affine_map<(d0, d1) -> (0, 0, 0)>
#map1 = affine_map<(d0, d1) -> (0, 0)>
module attributes {stable_mosaic.version = 14 : i64} {
  func.func @_sc_deg_body(%arg0: i32, %arg1: i32, %arg2: memref<32x80x128xi32, #tpu.memory_space<hbm>>, %arg3: memref<640x128xf32, #tpu.memory_space<hbm>>, %arg4: memref<128x128xf32, #tpu.memory_space<hbm>>, %arg5: memref<2x10240x128xf32, #tpu.memory_space<hbm>>, %arg6: memref<80x128xi32, #tpu.memory_space<vmem>>, %arg7: memref<128x128xf32, #tpu.memory_space<vmem>>, %arg8: memref<10240x128xf32, #tpu.memory_space<vmem_shared>>, %arg9: memref<!tpu.dma_semaphore, #tpu.memory_space<semaphore_mem>>) attributes {dimension_semantics = [#tpu.dimension_semantics<core_parallel>, #tpu.dimension_semantics<subcore_parallel>], iteration_bounds = array<i64: 2, 16>, scalar_prefetch = 0 : i64, scratch_operands = 4 : i64, tpu.core_type = #tpu.core_type<sc_vector_subcore>, window_params = [{transform_indices = #map}, {transform_indices = #map1}, {transform_indices = #map1}, {transform_indices = #map}]} {
    %mul3A = arith.constant 2 : i32
    %mul3A_0 = arith.muli %arg1, %mul3A : i32
    %add3A = arith.addi %mul3A_0, %arg0 : i32
    %mul3A_1 = arith.constant 640 : i32
    %mul3A_2 = arith.muli %arg1, %mul3A_1 : i32
    "tpu.region"() ({
      %run_scoped3A = tpu.sem_alloc : memref<!tpu.dma_semaphore, #tpu.memory_space<semaphore_mem>>
      %dma_start3A = arith.constant 0 : i32
      %dma_start3A_8 = tpu.memref_slice %arg8[%mul3A_2, %dma_start3A] : memref<10240x128xf32, #tpu.memory_space<vmem_shared>> -> memref<640x128xf32, #tpu.memory_space<vmem_shared>>
      tpu.enqueue_dma source(%arg3 : memref<640x128xf32, #tpu.memory_space<hbm>>) target(%dma_start3A_8 : memref<640x128xf32, #tpu.memory_space<vmem_shared>>) target_semaphore(%run_scoped3A : memref<!tpu.dma_semaphore, #tpu.memory_space<semaphore_mem>>)
      %dma_wait3A = arith.constant 0 : i32
      %dma_wait3A_9 = tpu.memref_slice %arg8[%mul3A_2, %dma_wait3A] : memref<10240x128xf32, #tpu.memory_space<vmem_shared>> -> memref<640x128xf32, #tpu.memory_space<vmem_shared>>
      tpu.wait_dma2 semaphore(%run_scoped3A : memref<!tpu.dma_semaphore, #tpu.memory_space<semaphore_mem>>) src(%arg3 : memref<640x128xf32, #tpu.memory_space<hbm>>) dst(%dma_wait3A_9 : memref<640x128xf32, #tpu.memory_space<vmem_shared>>)
      tpu.yield
    }) : () -> ()
    "tpu.region"() ({
      %run_scoped3A = tpu.sem_alloc : memref<!tpu.dma_semaphore, #tpu.memory_space<semaphore_mem>>
      tpu.enqueue_dma source(%arg4 : memref<128x128xf32, #tpu.memory_space<hbm>>) target(%arg7 : memref<128x128xf32, #tpu.memory_space<vmem>>) target_semaphore(%run_scoped3A : memref<!tpu.dma_semaphore, #tpu.memory_space<semaphore_mem>>)
      tpu.wait_dma2 semaphore(%run_scoped3A : memref<!tpu.dma_semaphore, #tpu.memory_space<semaphore_mem>>) src(%arg4 : memref<128x128xf32, #tpu.memory_space<hbm>>) dst(%arg7 : memref<128x128xf32, #tpu.memory_space<vmem>>)
      tpu.yield
    }) : () -> ()
    "tpu.region"() ({
      %run_scoped3A = tpu.sem_alloc : memref<!tpu.dma_semaphore, #tpu.memory_space<semaphore_mem>>
      %dma_start3A = arith.constant 0 : i32
      %dma_start3A_8 = arith.constant 0 : i32
      %dma_start3A_9 = tpu.memref_slice %arg2[%add3A, %dma_start3A, %dma_start3A_8] : memref<32x80x128xi32, #tpu.memory_space<hbm>> -> memref<1x80x128xi32, #tpu.memory_space<hbm>>
      %dma_start3A_10 = tpu.memref_squeeze %dma_start3A_9 : memref<1x80x128xi32, #tpu.memory_space<hbm>> -> memref<80x128xi32, #tpu.memory_space<hbm>>
      %dma_start3A_11 = arith.constant 0 : i32
      %dma_start3A_12 = arith.constant 0 : i32
      %dma_start3A_13 = tpu.memref_slice %arg2[%add3A, %dma_start3A_11, %dma_start3A_12] : memref<32x80x128xi32, #tpu.memory_space<hbm>> -> memref<1x80x128xi32, #tpu.memory_space<hbm>>
      %dma_start3A_14 = tpu.memref_squeeze %dma_start3A_13 : memref<1x80x128xi32, #tpu.memory_space<hbm>> -> memref<80x128xi32, #tpu.memory_space<hbm>>
      tpu.enqueue_dma source(%dma_start3A_14 : memref<80x128xi32, #tpu.memory_space<hbm>>) target(%arg6 : memref<80x128xi32, #tpu.memory_space<vmem>>) target_semaphore(%run_scoped3A : memref<!tpu.dma_semaphore, #tpu.memory_space<semaphore_mem>>)
      %dma_wait3A = arith.constant 0 : i32
      %dma_wait3A_15 = arith.constant 0 : i32
      %dma_wait3A_16 = tpu.memref_slice %arg2[%add3A, %dma_wait3A, %dma_wait3A_15] : memref<32x80x128xi32, #tpu.memory_space<hbm>> -> memref<1x80x128xi32, #tpu.memory_space<hbm>>
      %dma_wait3A_17 = tpu.memref_squeeze %dma_wait3A_16 : memref<1x80x128xi32, #tpu.memory_space<hbm>> -> memref<80x128xi32, #tpu.memory_space<hbm>>
      %dma_wait3A_18 = arith.constant 0 : i32
      %dma_wait3A_19 = arith.constant 0 : i32
      %dma_wait3A_20 = tpu.memref_slice %arg2[%add3A, %dma_wait3A_18, %dma_wait3A_19] : memref<32x80x128xi32, #tpu.memory_space<hbm>> -> memref<1x80x128xi32, #tpu.memory_space<hbm>>
      %dma_wait3A_21 = tpu.memref_squeeze %dma_wait3A_20 : memref<1x80x128xi32, #tpu.memory_space<hbm>> -> memref<80x128xi32, #tpu.memory_space<hbm>>
      tpu.wait_dma2 semaphore(%run_scoped3A : memref<!tpu.dma_semaphore, #tpu.memory_space<semaphore_mem>>) src(%dma_wait3A_21 : memref<80x128xi32, #tpu.memory_space<hbm>>) dst(%arg6 : memref<80x128xi32, #tpu.memory_space<vmem>>)
      tpu.yield
    }) : () -> ()
    %barrier3A = arith.constant 0 : index
    tpu.barrier barrier_id(%barrier3A)
    %scan3A = arith.constant 0 : i32
    %scan3A_3 = arith.constant 20 : i32
    %scan3A_4 = arith.addi %scan3A, %scan3A_3 : i32
    %scan3A_5 = arith.constant 1 : i32
    scf.for %scan3A_8 = %scan3A to %scan3A_4 step %scan3A_5  : i32 {
      %mul3A_9 = arith.constant 4 : i32
      %mul3A_10 = arith.muli %scan3A_8, %mul3A_9 : i32
      %add3A_11 = arith.constant 0 : i32
      %add3A_12 = arith.addi %add3A_11, %mul3A_10 : i32
      %add3A_13 = arith.constant 0 : i32
      %add3A_14 = arith.addi %add3A_12, %add3A_13 : i32
      %dma_start3A = arith.constant 0 : i32
      %dma_start3A_15 = tpu.memref_slice %arg6[%add3A_14, %dma_start3A] : memref<80x128xi32, #tpu.memory_space<vmem>> -> memref<1x128xi32, #tpu.memory_space<vmem>>
      %dma_start3A_16 = tpu.memref_squeeze %dma_start3A_15 : memref<1x128xi32, #tpu.memory_space<vmem>> -> memref<128xi32, #tpu.memory_space<vmem>>
      %dma_start3A_17 = arith.constant 0 : i32
      %dma_start3A_18 = arith.constant 0 : i32
      %dma_start3A_19 = tpu.memref_slice %arg8[%dma_start3A_17, %dma_start3A_18] : memref<10240x128xf32, #tpu.memory_space<vmem_shared>> -> memref<10240x128xf32, #tpu.memory_space<vmem_shared>>
      tpu.enqueue_indirect_dma source(%arg7 : memref<128x128xf32, #tpu.memory_space<vmem>>) target(%dma_start3A_19 : memref<10240x128xf32, #tpu.memory_space<vmem_shared>>) offsets(%dma_start3A_16 : memref<128xi32, #tpu.memory_space<vmem>>) semaphore(%arg9 : memref<!tpu.dma_semaphore, #tpu.memory_space<semaphore_mem>>) {add = true}
      %add3A_20 = arith.constant 1 : i32
      %add3A_21 = arith.addi %add3A_12, %add3A_20 : i32
      %dma_start3A_22 = arith.constant 0 : i32
      %dma_start3A_23 = tpu.memref_slice %arg6[%add3A_21, %dma_start3A_22] : memref<80x128xi32, #tpu.memory_space<vmem>> -> memref<1x128xi32, #tpu.memory_space<vmem>>
      %dma_start3A_24 = tpu.memref_squeeze %dma_start3A_23 : memref<1x128xi32, #tpu.memory_space<vmem>> -> memref<128xi32, #tpu.memory_space<vmem>>
      %dma_start3A_25 = arith.constant 0 : i32
      %dma_start3A_26 = arith.constant 0 : i32
      %dma_start3A_27 = tpu.memref_slice %arg8[%dma_start3A_25, %dma_start3A_26] : memref<10240x128xf32, #tpu.memory_space<vmem_shared>> -> memref<10240x128xf32, #tpu.memory_space<vmem_shared>>
      tpu.enqueue_indirect_dma source(%arg7 : memref<128x128xf32, #tpu.memory_space<vmem>>) target(%dma_start3A_27 : memref<10240x128xf32, #tpu.memory_space<vmem_shared>>) offsets(%dma_start3A_24 : memref<128xi32, #tpu.memory_space<vmem>>) semaphore(%arg9 : memref<!tpu.dma_semaphore, #tpu.memory_space<semaphore_mem>>) {add = true}
      %add3A_28 = arith.constant 2 : i32
      %add3A_29 = arith.addi %add3A_12, %add3A_28 : i32
      %dma_start3A_30 = arith.constant 0 : i32
      %dma_start3A_31 = tpu.memref_slice %arg6[%add3A_29, %dma_start3A_30] : memref<80x128xi32, #tpu.memory_space<vmem>> -> memref<1x128xi32, #tpu.memory_space<vmem>>
      %dma_start3A_32 = tpu.memref_squeeze %dma_start3A_31 : memref<1x128xi32, #tpu.memory_space<vmem>> -> memref<128xi32, #tpu.memory_space<vmem>>
      %dma_start3A_33 = arith.constant 0 : i32
      %dma_start3A_34 = arith.constant 0 : i32
      %dma_start3A_35 = tpu.memref_slice %arg8[%dma_start3A_33, %dma_start3A_34] : memref<10240x128xf32, #tpu.memory_space<vmem_shared>> -> memref<10240x128xf32, #tpu.memory_space<vmem_shared>>
      tpu.enqueue_indirect_dma source(%arg7 : memref<128x128xf32, #tpu.memory_space<vmem>>) target(%dma_start3A_35 : memref<10240x128xf32, #tpu.memory_space<vmem_shared>>) offsets(%dma_start3A_32 : memref<128xi32, #tpu.memory_space<vmem>>) semaphore(%arg9 : memref<!tpu.dma_semaphore, #tpu.memory_space<semaphore_mem>>) {add = true}
      %add3A_36 = arith.constant 3 : i32
      %add3A_37 = arith.addi %add3A_12, %add3A_36 : i32
      %dma_start3A_38 = arith.constant 0 : i32
      %dma_start3A_39 = tpu.memref_slice %arg6[%add3A_37, %dma_start3A_38] : memref<80x128xi32, #tpu.memory_space<vmem>> -> memref<1x128xi32, #tpu.memory_space<vmem>>
      %dma_start3A_40 = tpu.memref_squeeze %dma_start3A_39 : memref<1x128xi32, #tpu.memory_space<vmem>> -> memref<128xi32, #tpu.memory_space<vmem>>
      %dma_start3A_41 = arith.constant 0 : i32
      %dma_start3A_42 = arith.constant 0 : i32
      %dma_start3A_43 = tpu.memref_slice %arg8[%dma_start3A_41, %dma_start3A_42] : memref<10240x128xf32, #tpu.memory_space<vmem_shared>> -> memref<10240x128xf32, #tpu.memory_space<vmem_shared>>
      tpu.enqueue_indirect_dma source(%arg7 : memref<128x128xf32, #tpu.memory_space<vmem>>) target(%dma_start3A_43 : memref<10240x128xf32, #tpu.memory_space<vmem_shared>>) offsets(%dma_start3A_40 : memref<128xi32, #tpu.memory_space<vmem>>) semaphore(%arg9 : memref<!tpu.dma_semaphore, #tpu.memory_space<semaphore_mem>>) {add = true}
      %add3A_44 = arith.constant 0 : i32
      %add3A_45 = arith.addi %add3A_12, %add3A_44 : i32
      %dma_wait3A = arith.constant 0 : i32
      %dma_wait3A_46 = tpu.memref_slice %arg6[%add3A_45, %dma_wait3A] : memref<80x128xi32, #tpu.memory_space<vmem>> -> memref<1x128xi32, #tpu.memory_space<vmem>>
      %dma_wait3A_47 = tpu.memref_squeeze %dma_wait3A_46 : memref<1x128xi32, #tpu.memory_space<vmem>> -> memref<128xi32, #tpu.memory_space<vmem>>
      %dma_wait3A_48 = arith.constant 0 : i32
      %dma_wait3A_49 = arith.constant 0 : i32
      %dma_wait3A_50 = tpu.memref_slice %arg8[%dma_wait3A_48, %dma_wait3A_49] : memref<10240x128xf32, #tpu.memory_space<vmem_shared>> -> memref<10240x128xf32, #tpu.memory_space<vmem_shared>>
      tpu.wait_indirect_dma semaphore(%arg9 : memref<!tpu.dma_semaphore, #tpu.memory_space<semaphore_mem>>) src(%arg7 : memref<128x128xf32, #tpu.memory_space<vmem>>) dst(%dma_wait3A_50 : memref<10240x128xf32, #tpu.memory_space<vmem_shared>>)
      %add3A_51 = arith.constant 1 : i32
      %add3A_52 = arith.addi %add3A_12, %add3A_51 : i32
      %dma_wait3A_53 = arith.constant 0 : i32
      %dma_wait3A_54 = tpu.memref_slice %arg6[%add3A_52, %dma_wait3A_53] : memref<80x128xi32, #tpu.memory_space<vmem>> -> memref<1x128xi32, #tpu.memory_space<vmem>>
      %dma_wait3A_55 = tpu.memref_squeeze %dma_wait3A_54 : memref<1x128xi32, #tpu.memory_space<vmem>> -> memref<128xi32, #tpu.memory_space<vmem>>
      %dma_wait3A_56 = arith.constant 0 : i32
      %dma_wait3A_57 = arith.constant 0 : i32
      %dma_wait3A_58 = tpu.memref_slice %arg8[%dma_wait3A_56, %dma_wait3A_57] : memref<10240x128xf32, #tpu.memory_space<vmem_shared>> -> memref<10240x128xf32, #tpu.memory_space<vmem_shared>>
      tpu.wait_indirect_dma semaphore(%arg9 : memref<!tpu.dma_semaphore, #tpu.memory_space<semaphore_mem>>) src(%arg7 : memref<128x128xf32, #tpu.memory_space<vmem>>) dst(%dma_wait3A_58 : memref<10240x128xf32, #tpu.memory_space<vmem_shared>>)
      %add3A_59 = arith.constant 2 : i32
      %add3A_60 = arith.addi %add3A_12, %add3A_59 : i32
      %dma_wait3A_61 = arith.constant 0 : i32
      %dma_wait3A_62 = tpu.memref_slice %arg6[%add3A_60, %dma_wait3A_61] : memref<80x128xi32, #tpu.memory_space<vmem>> -> memref<1x128xi32, #tpu.memory_space<vmem>>
      %dma_wait3A_63 = tpu.memref_squeeze %dma_wait3A_62 : memref<1x128xi32, #tpu.memory_space<vmem>> -> memref<128xi32, #tpu.memory_space<vmem>>
      %dma_wait3A_64 = arith.constant 0 : i32
      %dma_wait3A_65 = arith.constant 0 : i32
      %dma_wait3A_66 = tpu.memref_slice %arg8[%dma_wait3A_64, %dma_wait3A_65] : memref<10240x128xf32, #tpu.memory_space<vmem_shared>> -> memref<10240x128xf32, #tpu.memory_space<vmem_shared>>
      tpu.wait_indirect_dma semaphore(%arg9 : memref<!tpu.dma_semaphore, #tpu.memory_space<semaphore_mem>>) src(%arg7 : memref<128x128xf32, #tpu.memory_space<vmem>>) dst(%dma_wait3A_66 : memref<10240x128xf32, #tpu.memory_space<vmem_shared>>)
      %add3A_67 = arith.constant 3 : i32
      %add3A_68 = arith.addi %add3A_12, %add3A_67 : i32
      %dma_wait3A_69 = arith.constant 0 : i32
      %dma_wait3A_70 = tpu.memref_slice %arg6[%add3A_68, %dma_wait3A_69] : memref<80x128xi32, #tpu.memory_space<vmem>> -> memref<1x128xi32, #tpu.memory_space<vmem>>
      %dma_wait3A_71 = tpu.memref_squeeze %dma_wait3A_70 : memref<1x128xi32, #tpu.memory_space<vmem>> -> memref<128xi32, #tpu.memory_space<vmem>>
      %dma_wait3A_72 = arith.constant 0 : i32
      %dma_wait3A_73 = arith.constant 0 : i32
      %dma_wait3A_74 = tpu.memref_slice %arg8[%dma_wait3A_72, %dma_wait3A_73] : memref<10240x128xf32, #tpu.memory_space<vmem_shared>> -> memref<10240x128xf32, #tpu.memory_space<vmem_shared>>
      tpu.wait_indirect_dma semaphore(%arg9 : memref<!tpu.dma_semaphore, #tpu.memory_space<semaphore_mem>>) src(%arg7 : memref<128x128xf32, #tpu.memory_space<vmem>>) dst(%dma_wait3A_74 : memref<10240x128xf32, #tpu.memory_space<vmem_shared>>)
    }
    %scan3A_6 = arith.constant 20 : i32
    %barrier3A_7 = arith.constant 0 : index
    tpu.barrier barrier_id(%barrier3A_7)
    "tpu.region"() ({
      %run_scoped3A = tpu.sem_alloc : memref<!tpu.dma_semaphore, #tpu.memory_space<semaphore_mem>>
      %dma_start3A = arith.constant 0 : i32
      %dma_start3A_8 = tpu.memref_slice %arg5[%arg0, %mul3A_2, %dma_start3A] : memref<2x10240x128xf32, #tpu.memory_space<hbm>> -> memref<1x640x128xf32, #tpu.memory_space<hbm>>
      %dma_start3A_9 = tpu.memref_squeeze %dma_start3A_8 : memref<1x640x128xf32, #tpu.memory_space<hbm>> -> memref<640x128xf32, #tpu.memory_space<hbm>>
      %dma_start3A_10 = arith.constant 0 : i32
      %dma_start3A_11 = tpu.memref_slice %arg8[%mul3A_2, %dma_start3A_10] : memref<10240x128xf32, #tpu.memory_space<vmem_shared>> -> memref<640x128xf32, #tpu.memory_space<vmem_shared>>
      tpu.enqueue_dma source(%dma_start3A_11 : memref<640x128xf32, #tpu.memory_space<vmem_shared>>) target(%dma_start3A_9 : memref<640x128xf32, #tpu.memory_space<hbm>>) target_semaphore(%run_scoped3A : memref<!tpu.dma_semaphore, #tpu.memory_space<semaphore_mem>>)
      %dma_wait3A = arith.constant 0 : i32
      %dma_wait3A_12 = tpu.memref_slice %arg5[%arg0, %mul3A_2, %dma_wait3A] : memref<2x10240x128xf32, #tpu.memory_space<hbm>> -> memref<1x640x128xf32, #tpu.memory_space<hbm>>
      %dma_wait3A_13 = tpu.memref_squeeze %dma_wait3A_12 : memref<1x640x128xf32, #tpu.memory_space<hbm>> -> memref<640x128xf32, #tpu.memory_space<hbm>>
      %dma_wait3A_14 = arith.constant 0 : i32
      %dma_wait3A_15 = tpu.memref_slice %arg8[%mul3A_2, %dma_wait3A_14] : memref<10240x128xf32, #tpu.memory_space<vmem_shared>> -> memref<640x128xf32, #tpu.memory_space<vmem_shared>>
      tpu.wait_dma2 semaphore(%run_scoped3A : memref<!tpu.dma_semaphore, #tpu.memory_space<semaphore_mem>>) src(%dma_wait3A_15 : memref<640x128xf32, #tpu.memory_space<vmem_shared>>) dst(%dma_wait3A_13 : memref<640x128xf32, #tpu.memory_space<hbm>>)
      tpu.yield
    }) : () -> ()
    return
  }
}

#map = affine_map<(d0, d1) -> (0, 0)>
#map1 = affine_map<(d0, d1) -> (0, 0, 0, 0, 0)>
#map2 = affine_map<(d0, d1) -> (0, 0, 0)>
module attributes {stable_mosaic.version = 14 : i64} {
  func.func @_sc_agg_body(%arg0: i32, %arg1: i32, %arg2: memref<10240x128xf32, #tpu.memory_space<hbm>>, %arg3: memref<32x80x2x2x64xi32, #tpu.memory_space<hbm>>, %arg4: memref<640x128xf32, #tpu.memory_space<hbm>>, %arg5: memref<2x10240x128xf32, #tpu.memory_space<hbm>>, %arg6: memref<4x2x2x64xi32, #tpu.memory_space<vmem>>, %arg7: memref<64x128xf32, #tpu.memory_space<vmem>>, %arg8: memref<64x128xf32, #tpu.memory_space<vmem>>, %arg9: memref<64x128xf32, #tpu.memory_space<vmem>>, %arg10: memref<64x128xf32, #tpu.memory_space<vmem>>, %arg11: memref<10240x128xf32, #tpu.memory_space<vmem_shared>>, %arg12: memref<!tpu.dma_semaphore, #tpu.memory_space<semaphore_mem>>, %arg13: memref<!tpu.dma_semaphore, #tpu.memory_space<semaphore_mem>>, %arg14: memref<!tpu.dma_semaphore, #tpu.memory_space<semaphore_mem>>, %arg15: memref<!tpu.dma_semaphore, #tpu.memory_space<semaphore_mem>>, %arg16: memref<!tpu.dma_semaphore, #tpu.memory_space<semaphore_mem>>, %arg17: memref<!tpu.dma_semaphore, #tpu.memory_space<semaphore_mem>>, %arg18: memref<!tpu.dma_semaphore, #tpu.memory_space<semaphore_mem>>, %arg19: memref<!tpu.dma_semaphore, #tpu.memory_space<semaphore_mem>>, %arg20: memref<!tpu.dma_semaphore, #tpu.memory_space<semaphore_mem>>, %arg21: memref<!tpu.dma_semaphore, #tpu.memory_space<semaphore_mem>>, %arg22: memref<!tpu.dma_semaphore, #tpu.memory_space<semaphore_mem>>, %arg23: memref<!tpu.dma_semaphore, #tpu.memory_space<semaphore_mem>>) attributes {dimension_semantics = [#tpu.dimension_semantics<core_parallel>, #tpu.dimension_semantics<subcore_parallel>], iteration_bounds = array<i64: 2, 16>, scalar_prefetch = 0 : i64, scratch_operands = 18 : i64, tpu.core_type = #tpu.core_type<sc_vector_subcore>, window_params = [{transform_indices = #map}, {transform_indices = #map1}, {transform_indices = #map}, {transform_indices = #map2}]} {
    %mul3A = arith.constant 2 : i32
    %mul3A_0 = arith.muli %arg1, %mul3A : i32
    %add3A = arith.addi %mul3A_0, %arg0 : i32
    %mul3A_1 = arith.constant 640 : i32
    %mul3A_2 = arith.muli %arg1, %mul3A_1 : i32
    "tpu.region"() ({
      %run_scoped3A = tpu.sem_alloc : memref<!tpu.dma_semaphore, #tpu.memory_space<semaphore_mem>>
      %dma_start3A_422 = arith.constant 0 : i32
      %dma_start3A_423 = tpu.memref_slice %arg11[%mul3A_2, %dma_start3A_422] : memref<10240x128xf32, #tpu.memory_space<vmem_shared>> -> memref<640x128xf32, #tpu.memory_space<vmem_shared>>
      tpu.enqueue_dma source(%arg4 : memref<640x128xf32, #tpu.memory_space<hbm>>) target(%dma_start3A_423 : memref<640x128xf32, #tpu.memory_space<vmem_shared>>) target_semaphore(%run_scoped3A : memref<!tpu.dma_semaphore, #tpu.memory_space<semaphore_mem>>)
      %dma_wait3A_424 = arith.constant 0 : i32
      %dma_wait3A_425 = tpu.memref_slice %arg11[%mul3A_2, %dma_wait3A_424] : memref<10240x128xf32, #tpu.memory_space<vmem_shared>> -> memref<640x128xf32, #tpu.memory_space<vmem_shared>>
      tpu.wait_dma2 semaphore(%run_scoped3A : memref<!tpu.dma_semaphore, #tpu.memory_space<semaphore_mem>>) src(%arg4 : memref<640x128xf32, #tpu.memory_space<hbm>>) dst(%dma_wait3A_425 : memref<640x128xf32, #tpu.memory_space<vmem_shared>>)
      tpu.yield
    }) : () -> ()
    %barrier3A = arith.constant 0 : index
    tpu.barrier barrier_id(%barrier3A)
    %dma_start3A = arith.constant 0 : i32
    %dma_start3A_3 = arith.constant 0 : i32
    %dma_start3A_4 = arith.constant 0 : i32
    %dma_start3A_5 = arith.constant 0 : i32
    %dma_start3A_6 = arith.constant 0 : i32
    %dma_start3A_7 = tpu.memref_slice %arg6[%dma_start3A_3, %dma_start3A_4, %dma_start3A_5, %dma_start3A_6] : memref<4x2x2x64xi32, #tpu.memory_space<vmem>> -> memref<1x2x2x64xi32, #tpu.memory_space<vmem>>
    %dma_start3A_8 = tpu.memref_squeeze %dma_start3A_7 : memref<1x2x2x64xi32, #tpu.memory_space<vmem>> -> memref<2x2x64xi32, #tpu.memory_space<vmem>>
    %dma_start3A_9 = arith.constant 0 : i32
    %dma_start3A_10 = arith.constant 0 : i32
    %dma_start3A_11 = arith.constant 0 : i32
    %dma_start3A_12 = tpu.memref_slice %arg3[%add3A, %dma_start3A, %dma_start3A_9, %dma_start3A_10, %dma_start3A_11] : memref<32x80x2x2x64xi32, #tpu.memory_space<hbm>> -> memref<1x1x2x2x64xi32, #tpu.memory_space<hbm>>
    %dma_start3A_13 = tpu.memref_squeeze %dma_start3A_12 : memref<1x1x2x2x64xi32, #tpu.memory_space<hbm>> -> memref<2x2x64xi32, #tpu.memory_space<hbm>>
    %dma_start3A_14 = arith.constant 0 : i32
    %dma_start3A_15 = arith.constant 0 : i32
    %dma_start3A_16 = arith.constant 0 : i32
    %dma_start3A_17 = tpu.memref_slice %arg6[%dma_start3A_3, %dma_start3A_14, %dma_start3A_15, %dma_start3A_16] : memref<4x2x2x64xi32, #tpu.memory_space<vmem>> -> memref<1x2x2x64xi32, #tpu.memory_space<vmem>>
    %dma_start3A_18 = tpu.memref_squeeze %dma_start3A_17 : memref<1x2x2x64xi32, #tpu.memory_space<vmem>> -> memref<2x2x64xi32, #tpu.memory_space<vmem>>
    %dma_start3A_19 = arith.constant 0 : i32
    %dma_start3A_20 = arith.constant 0 : i32
    %dma_start3A_21 = arith.constant 0 : i32
    %dma_start3A_22 = tpu.memref_slice %arg3[%add3A, %dma_start3A, %dma_start3A_19, %dma_start3A_20, %dma_start3A_21] : memref<32x80x2x2x64xi32, #tpu.memory_space<hbm>> -> memref<1x1x2x2x64xi32, #tpu.memory_space<hbm>>
    %dma_start3A_23 = tpu.memref_squeeze %dma_start3A_22 : memref<1x1x2x2x64xi32, #tpu.memory_space<hbm>> -> memref<2x2x64xi32, #tpu.memory_space<hbm>>
    tpu.enqueue_dma source(%dma_start3A_23 : memref<2x2x64xi32, #tpu.memory_space<hbm>>) target(%dma_start3A_18 : memref<2x2x64xi32, #tpu.memory_space<vmem>>) target_semaphore(%arg20 : memref<!tpu.dma_semaphore, #tpu.memory_space<semaphore_mem>>)
    %dma_start3A_24 = arith.constant 1 : i32
    %dma_start3A_25 = arith.constant 1 : i32
    %dma_start3A_26 = arith.constant 0 : i32
    %dma_start3A_27 = arith.constant 0 : i32
    %dma_start3A_28 = arith.constant 0 : i32
    %dma_start3A_29 = tpu.memref_slice %arg6[%dma_start3A_25, %dma_start3A_26, %dma_start3A_27, %dma_start3A_28] : memref<4x2x2x64xi32, #tpu.memory_space<vmem>> -> memref<1x2x2x64xi32, #tpu.memory_space<vmem>>
    %dma_start3A_30 = tpu.memref_squeeze %dma_start3A_29 : memref<1x2x2x64xi32, #tpu.memory_space<vmem>> -> memref<2x2x64xi32, #tpu.memory_space<vmem>>
    %dma_start3A_31 = arith.constant 0 : i32
    %dma_start3A_32 = arith.constant 0 : i32
    %dma_start3A_33 = arith.constant 0 : i32
    %dma_start3A_34 = tpu.memref_slice %arg3[%add3A, %dma_start3A_24, %dma_start3A_31, %dma_start3A_32, %dma_start3A_33] : memref<32x80x2x2x64xi32, #tpu.memory_space<hbm>> -> memref<1x1x2x2x64xi32, #tpu.memory_space<hbm>>
    %dma_start3A_35 = tpu.memref_squeeze %dma_start3A_34 : memref<1x1x2x2x64xi32, #tpu.memory_space<hbm>> -> memref<2x2x64xi32, #tpu.memory_space<hbm>>
    %dma_start3A_36 = arith.constant 0 : i32
    %dma_start3A_37 = arith.constant 0 : i32
    %dma_start3A_38 = arith.constant 0 : i32
    %dma_start3A_39 = tpu.memref_slice %arg6[%dma_start3A_25, %dma_start3A_36, %dma_start3A_37, %dma_start3A_38] : memref<4x2x2x64xi32, #tpu.memory_space<vmem>> -> memref<1x2x2x64xi32, #tpu.memory_space<vmem>>
    %dma_start3A_40 = tpu.memref_squeeze %dma_start3A_39 : memref<1x2x2x64xi32, #tpu.memory_space<vmem>> -> memref<2x2x64xi32, #tpu.memory_space<vmem>>
    %dma_start3A_41 = arith.constant 0 : i32
    %dma_start3A_42 = arith.constant 0 : i32
    %dma_start3A_43 = arith.constant 0 : i32
    %dma_start3A_44 = tpu.memref_slice %arg3[%add3A, %dma_start3A_24, %dma_start3A_41, %dma_start3A_42, %dma_start3A_43] : memref<32x80x2x2x64xi32, #tpu.memory_space<hbm>> -> memref<1x1x2x2x64xi32, #tpu.memory_space<hbm>>
    %dma_start3A_45 = tpu.memref_squeeze %dma_start3A_44 : memref<1x1x2x2x64xi32, #tpu.memory_space<hbm>> -> memref<2x2x64xi32, #tpu.memory_space<hbm>>
    tpu.enqueue_dma source(%dma_start3A_45 : memref<2x2x64xi32, #tpu.memory_space<hbm>>) target(%dma_start3A_40 : memref<2x2x64xi32, #tpu.memory_space<vmem>>) target_semaphore(%arg21 : memref<!tpu.dma_semaphore, #tpu.memory_space<semaphore_mem>>)
    %dma_start3A_46 = arith.constant 2 : i32
    %dma_start3A_47 = arith.constant 2 : i32
    %dma_start3A_48 = arith.constant 0 : i32
    %dma_start3A_49 = arith.constant 0 : i32
    %dma_start3A_50 = arith.constant 0 : i32
    %dma_start3A_51 = tpu.memref_slice %arg6[%dma_start3A_47, %dma_start3A_48, %dma_start3A_49, %dma_start3A_50] : memref<4x2x2x64xi32, #tpu.memory_space<vmem>> -> memref<1x2x2x64xi32, #tpu.memory_space<vmem>>
    %dma_start3A_52 = tpu.memref_squeeze %dma_start3A_51 : memref<1x2x2x64xi32, #tpu.memory_space<vmem>> -> memref<2x2x64xi32, #tpu.memory_space<vmem>>
    %dma_start3A_53 = arith.constant 0 : i32
    %dma_start3A_54 = arith.constant 0 : i32
    %dma_start3A_55 = arith.constant 0 : i32
    %dma_start3A_56 = tpu.memref_slice %arg3[%add3A, %dma_start3A_46, %dma_start3A_53, %dma_start3A_54, %dma_start3A_55] : memref<32x80x2x2x64xi32, #tpu.memory_space<hbm>> -> memref<1x1x2x2x64xi32, #tpu.memory_space<hbm>>
    %dma_start3A_57 = tpu.memref_squeeze %dma_start3A_56 : memref<1x1x2x2x64xi32, #tpu.memory_space<hbm>> -> memref<2x2x64xi32, #tpu.memory_space<hbm>>
    %dma_start3A_58 = arith.constant 0 : i32
    %dma_start3A_59 = arith.constant 0 : i32
    %dma_start3A_60 = arith.constant 0 : i32
    %dma_start3A_61 = tpu.memref_slice %arg6[%dma_start3A_47, %dma_start3A_58, %dma_start3A_59, %dma_start3A_60] : memref<4x2x2x64xi32, #tpu.memory_space<vmem>> -> memref<1x2x2x64xi32, #tpu.memory_space<vmem>>
    %dma_start3A_62 = tpu.memref_squeeze %dma_start3A_61 : memref<1x2x2x64xi32, #tpu.memory_space<vmem>> -> memref<2x2x64xi32, #tpu.memory_space<vmem>>
    %dma_start3A_63 = arith.constant 0 : i32
    %dma_start3A_64 = arith.constant 0 : i32
    %dma_start3A_65 = arith.constant 0 : i32
    %dma_start3A_66 = tpu.memref_slice %arg3[%add3A, %dma_start3A_46, %dma_start3A_63, %dma_start3A_64, %dma_start3A_65] : memref<32x80x2x2x64xi32, #tpu.memory_space<hbm>> -> memref<1x1x2x2x64xi32, #tpu.memory_space<hbm>>
    %dma_start3A_67 = tpu.memref_squeeze %dma_start3A_66 : memref<1x1x2x2x64xi32, #tpu.memory_space<hbm>> -> memref<2x2x64xi32, #tpu.memory_space<hbm>>
    tpu.enqueue_dma source(%dma_start3A_67 : memref<2x2x64xi32, #tpu.memory_space<hbm>>) target(%dma_start3A_62 : memref<2x2x64xi32, #tpu.memory_space<vmem>>) target_semaphore(%arg22 : memref<!tpu.dma_semaphore, #tpu.memory_space<semaphore_mem>>)
    %dma_start3A_68 = arith.constant 3 : i32
    %dma_start3A_69 = arith.constant 3 : i32
    %dma_start3A_70 = arith.constant 0 : i32
    %dma_start3A_71 = arith.constant 0 : i32
    %dma_start3A_72 = arith.constant 0 : i32
    %dma_start3A_73 = tpu.memref_slice %arg6[%dma_start3A_69, %dma_start3A_70, %dma_start3A_71, %dma_start3A_72] : memref<4x2x2x64xi32, #tpu.memory_space<vmem>> -> memref<1x2x2x64xi32, #tpu.memory_space<vmem>>
    %dma_start3A_74 = tpu.memref_squeeze %dma_start3A_73 : memref<1x2x2x64xi32, #tpu.memory_space<vmem>> -> memref<2x2x64xi32, #tpu.memory_space<vmem>>
    %dma_start3A_75 = arith.constant 0 : i32
    %dma_start3A_76 = arith.constant 0 : i32
    %dma_start3A_77 = arith.constant 0 : i32
    %dma_start3A_78 = tpu.memref_slice %arg3[%add3A, %dma_start3A_68, %dma_start3A_75, %dma_start3A_76, %dma_start3A_77] : memref<32x80x2x2x64xi32, #tpu.memory_space<hbm>> -> memref<1x1x2x2x64xi32, #tpu.memory_space<hbm>>
    %dma_start3A_79 = tpu.memref_squeeze %dma_start3A_78 : memref<1x1x2x2x64xi32, #tpu.memory_space<hbm>> -> memref<2x2x64xi32, #tpu.memory_space<hbm>>
    %dma_start3A_80 = arith.constant 0 : i32
    %dma_start3A_81 = arith.constant 0 : i32
    %dma_start3A_82 = arith.constant 0 : i32
    %dma_start3A_83 = tpu.memref_slice %arg6[%dma_start3A_69, %dma_start3A_80, %dma_start3A_81, %dma_start3A_82] : memref<4x2x2x64xi32, #tpu.memory_space<vmem>> -> memref<1x2x2x64xi32, #tpu.memory_space<vmem>>
    %dma_start3A_84 = tpu.memref_squeeze %dma_start3A_83 : memref<1x2x2x64xi32, #tpu.memory_space<vmem>> -> memref<2x2x64xi32, #tpu.memory_space<vmem>>
    %dma_start3A_85 = arith.constant 0 : i32
    %dma_start3A_86 = arith.constant 0 : i32
    %dma_start3A_87 = arith.constant 0 : i32
    %dma_start3A_88 = tpu.memref_slice %arg3[%add3A, %dma_start3A_68, %dma_start3A_85, %dma_start3A_86, %dma_start3A_87] : memref<32x80x2x2x64xi32, #tpu.memory_space<hbm>> -> memref<1x1x2x2x64xi32, #tpu.memory_space<hbm>>
    %dma_start3A_89 = tpu.memref_squeeze %dma_start3A_88 : memref<1x1x2x2x64xi32, #tpu.memory_space<hbm>> -> memref<2x2x64xi32, #tpu.memory_space<hbm>>
    tpu.enqueue_dma source(%dma_start3A_89 : memref<2x2x64xi32, #tpu.memory_space<hbm>>) target(%dma_start3A_84 : memref<2x2x64xi32, #tpu.memory_space<vmem>>) target_semaphore(%arg23 : memref<!tpu.dma_semaphore, #tpu.memory_space<semaphore_mem>>)
    %dma_wait3A = arith.constant 0 : i32
    %dma_wait3A_90 = arith.constant 0 : i32
    %dma_wait3A_91 = arith.constant 0 : i32
    %dma_wait3A_92 = arith.constant 0 : i32
    %dma_wait3A_93 = arith.constant 0 : i32
    %dma_wait3A_94 = tpu.memref_slice %arg6[%dma_wait3A_90, %dma_wait3A_91, %dma_wait3A_92, %dma_wait3A_93] : memref<4x2x2x64xi32, #tpu.memory_space<vmem>> -> memref<1x2x2x64xi32, #tpu.memory_space<vmem>>
    %dma_wait3A_95 = tpu.memref_squeeze %dma_wait3A_94 : memref<1x2x2x64xi32, #tpu.memory_space<vmem>> -> memref<2x2x64xi32, #tpu.memory_space<vmem>>
    %dma_wait3A_96 = arith.constant 0 : i32
    %dma_wait3A_97 = arith.constant 0 : i32
    %dma_wait3A_98 = arith.constant 0 : i32
    %dma_wait3A_99 = tpu.memref_slice %arg3[%add3A, %dma_wait3A, %dma_wait3A_96, %dma_wait3A_97, %dma_wait3A_98] : memref<32x80x2x2x64xi32, #tpu.memory_space<hbm>> -> memref<1x1x2x2x64xi32, #tpu.memory_space<hbm>>
    %dma_wait3A_100 = tpu.memref_squeeze %dma_wait3A_99 : memref<1x1x2x2x64xi32, #tpu.memory_space<hbm>> -> memref<2x2x64xi32, #tpu.memory_space<hbm>>
    %dma_wait3A_101 = arith.constant 0 : i32
    %dma_wait3A_102 = arith.constant 0 : i32
    %dma_wait3A_103 = arith.constant 0 : i32
    %dma_wait3A_104 = tpu.memref_slice %arg6[%dma_wait3A_90, %dma_wait3A_101, %dma_wait3A_102, %dma_wait3A_103] : memref<4x2x2x64xi32, #tpu.memory_space<vmem>> -> memref<1x2x2x64xi32, #tpu.memory_space<vmem>>
    %dma_wait3A_105 = tpu.memref_squeeze %dma_wait3A_104 : memref<1x2x2x64xi32, #tpu.memory_space<vmem>> -> memref<2x2x64xi32, #tpu.memory_space<vmem>>
    %dma_wait3A_106 = arith.constant 0 : i32
    %dma_wait3A_107 = arith.constant 0 : i32
    %dma_wait3A_108 = arith.constant 0 : i32
    %dma_wait3A_109 = tpu.memref_slice %arg3[%add3A, %dma_wait3A, %dma_wait3A_106, %dma_wait3A_107, %dma_wait3A_108] : memref<32x80x2x2x64xi32, #tpu.memory_space<hbm>> -> memref<1x1x2x2x64xi32, #tpu.memory_space<hbm>>
    %dma_wait3A_110 = tpu.memref_squeeze %dma_wait3A_109 : memref<1x1x2x2x64xi32, #tpu.memory_space<hbm>> -> memref<2x2x64xi32, #tpu.memory_space<hbm>>
    tpu.wait_dma2 semaphore(%arg20 : memref<!tpu.dma_semaphore, #tpu.memory_space<semaphore_mem>>) src(%dma_wait3A_110 : memref<2x2x64xi32, #tpu.memory_space<hbm>>) dst(%dma_wait3A_105 : memref<2x2x64xi32, #tpu.memory_space<vmem>>)
    %dma_wait3A_111 = arith.constant 0 : i32
    %dma_wait3A_112 = arith.constant 1 : i32
    %dma_wait3A_113 = arith.constant 0 : i32
    %dma_wait3A_114 = arith.constant 0 : i32
    %dma_wait3A_115 = arith.constant 0 : i32
    %dma_wait3A_116 = tpu.memref_slice %arg6[%dma_wait3A_112, %dma_wait3A_113, %dma_wait3A_114, %dma_wait3A_115] : memref<4x2x2x64xi32, #tpu.memory_space<vmem>> -> memref<1x2x2x64xi32, #tpu.memory_space<vmem>>
    %dma_wait3A_117 = tpu.memref_squeeze %dma_wait3A_116 : memref<1x2x2x64xi32, #tpu.memory_space<vmem>> -> memref<2x2x64xi32, #tpu.memory_space<vmem>>
    %dma_wait3A_118 = arith.constant 0 : i32
    %dma_wait3A_119 = arith.constant 0 : i32
    %dma_wait3A_120 = arith.constant 0 : i32
    %dma_wait3A_121 = tpu.memref_slice %arg3[%add3A, %dma_wait3A_111, %dma_wait3A_118, %dma_wait3A_119, %dma_wait3A_120] : memref<32x80x2x2x64xi32, #tpu.memory_space<hbm>> -> memref<1x1x2x2x64xi32, #tpu.memory_space<hbm>>
    %dma_wait3A_122 = tpu.memref_squeeze %dma_wait3A_121 : memref<1x1x2x2x64xi32, #tpu.memory_space<hbm>> -> memref<2x2x64xi32, #tpu.memory_space<hbm>>
    %dma_wait3A_123 = arith.constant 0 : i32
    %dma_wait3A_124 = arith.constant 0 : i32
    %dma_wait3A_125 = arith.constant 0 : i32
    %dma_wait3A_126 = tpu.memref_slice %arg6[%dma_wait3A_112, %dma_wait3A_123, %dma_wait3A_124, %dma_wait3A_125] : memref<4x2x2x64xi32, #tpu.memory_space<vmem>> -> memref<1x2x2x64xi32, #tpu.memory_space<vmem>>
    %dma_wait3A_127 = tpu.memref_squeeze %dma_wait3A_126 : memref<1x2x2x64xi32, #tpu.memory_space<vmem>> -> memref<2x2x64xi32, #tpu.memory_space<vmem>>
    %dma_wait3A_128 = arith.constant 0 : i32
    %dma_wait3A_129 = arith.constant 0 : i32
    %dma_wait3A_130 = arith.constant 0 : i32
    %dma_wait3A_131 = tpu.memref_slice %arg3[%add3A, %dma_wait3A_111, %dma_wait3A_128, %dma_wait3A_129, %dma_wait3A_130] : memref<32x80x2x2x64xi32, #tpu.memory_space<hbm>> -> memref<1x1x2x2x64xi32, #tpu.memory_space<hbm>>
    %dma_wait3A_132 = tpu.memref_squeeze %dma_wait3A_131 : memref<1x1x2x2x64xi32, #tpu.memory_space<hbm>> -> memref<2x2x64xi32, #tpu.memory_space<hbm>>
    tpu.wait_dma2 semaphore(%arg21 : memref<!tpu.dma_semaphore, #tpu.memory_space<semaphore_mem>>) src(%dma_wait3A_132 : memref<2x2x64xi32, #tpu.memory_space<hbm>>) dst(%dma_wait3A_127 : memref<2x2x64xi32, #tpu.memory_space<vmem>>)
    %dma_start3A_133 = arith.constant 0 : i32
    %dma_start3A_134 = arith.constant 0 : i32
    %dma_start3A_135 = arith.constant 0 : i32
    %dma_start3A_136 = arith.constant 0 : i32
    %dma_start3A_137 = tpu.memref_slice %arg6[%dma_start3A_133, %dma_start3A_134, %dma_start3A_135, %dma_start3A_136] : memref<4x2x2x64xi32, #tpu.memory_space<vmem>> -> memref<1x1x1x64xi32, #tpu.memory_space<vmem>>
    %dma_start3A_138 = tpu.memref_squeeze %dma_start3A_137 : memref<1x1x1x64xi32, #tpu.memory_space<vmem>> -> memref<64xi32, #tpu.memory_space<vmem>>
    %dma_start3A_139 = arith.constant 0 : i32
    %dma_start3A_140 = arith.constant 0 : i32
    %dma_start3A_141 = tpu.memref_slice %arg2[%dma_start3A_139, %dma_start3A_140] : memref<10240x128xf32, #tpu.memory_space<hbm>> -> memref<10240x128xf32, #tpu.memory_space<hbm>>
    tpu.enqueue_indirect_dma source(%dma_start3A_141 : memref<10240x128xf32, #tpu.memory_space<hbm>>) target(%arg7 : memref<64x128xf32, #tpu.memory_space<vmem>>) offsets(%dma_start3A_138 : memref<64xi32, #tpu.memory_space<vmem>>) semaphore(%arg12 : memref<!tpu.dma_semaphore, #tpu.memory_space<semaphore_mem>>)
    %dma_start3A_142 = arith.constant 0 : i32
    %dma_start3A_143 = arith.constant 0 : i32
    %dma_start3A_144 = arith.constant 1 : i32
    %dma_start3A_145 = arith.constant 0 : i32
    %dma_start3A_146 = tpu.memref_slice %arg6[%dma_start3A_142, %dma_start3A_143, %dma_start3A_144, %dma_start3A_145] : memref<4x2x2x64xi32, #tpu.memory_space<vmem>> -> memref<1x1x1x64xi32, #tpu.memory_space<vmem>>
    %dma_start3A_147 = tpu.memref_squeeze %dma_start3A_146 : memref<1x1x1x64xi32, #tpu.memory_space<vmem>> -> memref<64xi32, #tpu.memory_space<vmem>>
    %dma_start3A_148 = arith.constant 0 : i32
    %dma_start3A_149 = arith.constant 0 : i32
    %dma_start3A_150 = tpu.memref_slice %arg2[%dma_start3A_148, %dma_start3A_149] : memref<10240x128xf32, #tpu.memory_space<hbm>> -> memref<10240x128xf32, #tpu.memory_space<hbm>>
    tpu.enqueue_indirect_dma source(%dma_start3A_150 : memref<10240x128xf32, #tpu.memory_space<hbm>>) target(%arg8 : memref<64x128xf32, #tpu.memory_space<vmem>>) offsets(%dma_start3A_147 : memref<64xi32, #tpu.memory_space<vmem>>) semaphore(%arg13 : memref<!tpu.dma_semaphore, #tpu.memory_space<semaphore_mem>>)
    %dma_start3A_151 = arith.constant 1 : i32
    %dma_start3A_152 = arith.constant 0 : i32
    %dma_start3A_153 = arith.constant 0 : i32
    %dma_start3A_154 = arith.constant 0 : i32
    %dma_start3A_155 = tpu.memref_slice %arg6[%dma_start3A_151, %dma_start3A_152, %dma_start3A_153, %dma_start3A_154] : memref<4x2x2x64xi32, #tpu.memory_space<vmem>> -> memref<1x1x1x64xi32, #tpu.memory_space<vmem>>
    %dma_start3A_156 = tpu.memref_squeeze %dma_start3A_155 : memref<1x1x1x64xi32, #tpu.memory_space<vmem>> -> memref<64xi32, #tpu.memory_space<vmem>>
    %dma_start3A_157 = arith.constant 0 : i32
    %dma_start3A_158 = arith.constant 0 : i32
    %dma_start3A_159 = tpu.memref_slice %arg2[%dma_start3A_157, %dma_start3A_158] : memref<10240x128xf32, #tpu.memory_space<hbm>> -> memref<10240x128xf32, #tpu.memory_space<hbm>>
    tpu.enqueue_indirect_dma source(%dma_start3A_159 : memref<10240x128xf32, #tpu.memory_space<hbm>>) target(%arg9 : memref<64x128xf32, #tpu.memory_space<vmem>>) offsets(%dma_start3A_156 : memref<64xi32, #tpu.memory_space<vmem>>) semaphore(%arg14 : memref<!tpu.dma_semaphore, #tpu.memory_space<semaphore_mem>>)
    %dma_start3A_160 = arith.constant 1 : i32
    %dma_start3A_161 = arith.constant 0 : i32
    %dma_start3A_162 = arith.constant 1 : i32
    %dma_start3A_163 = arith.constant 0 : i32
    %dma_start3A_164 = tpu.memref_slice %arg6[%dma_start3A_160, %dma_start3A_161, %dma_start3A_162, %dma_start3A_163] : memref<4x2x2x64xi32, #tpu.memory_space<vmem>> -> memref<1x1x1x64xi32, #tpu.memory_space<vmem>>
    %dma_start3A_165 = tpu.memref_squeeze %dma_start3A_164 : memref<1x1x1x64xi32, #tpu.memory_space<vmem>> -> memref<64xi32, #tpu.memory_space<vmem>>
    %dma_start3A_166 = arith.constant 0 : i32
    %dma_start3A_167 = arith.constant 0 : i32
    %dma_start3A_168 = tpu.memref_slice %arg2[%dma_start3A_166, %dma_start3A_167] : memref<10240x128xf32, #tpu.memory_space<hbm>> -> memref<10240x128xf32, #tpu.memory_space<hbm>>
    tpu.enqueue_indirect_dma source(%dma_start3A_168 : memref<10240x128xf32, #tpu.memory_space<hbm>>) target(%arg10 : memref<64x128xf32, #tpu.memory_space<vmem>>) offsets(%dma_start3A_165 : memref<64xi32, #tpu.memory_space<vmem>>) semaphore(%arg15 : memref<!tpu.dma_semaphore, #tpu.memory_space<semaphore_mem>>)
    %scan3A = arith.constant 0 : i32
    %scan3A_169 = arith.constant 19 : i32
    %scan3A_170 = arith.addi %scan3A, %scan3A_169 : i32
    %scan3A_171 = arith.constant 1 : i32
    scf.for %scan3A_422 = %scan3A to %scan3A_170 step %scan3A_171  : i32 {
      %mul3A_423 = arith.constant 2 : i32
      %mul3A_424 = arith.muli %scan3A_422, %mul3A_423 : i32
      %add3A_425 = arith.constant 0 : i32
      %add3A_426 = arith.addi %add3A_425, %mul3A_424 : i32
      %dma_wait3A_427 = arith.constant 0 : i32
      %dma_wait3A_428 = arith.constant 2 : i32
      %dma_wait3A_429 = arith.constant 0 : i32
      %dma_wait3A_430 = arith.constant 0 : i32
      %dma_wait3A_431 = arith.constant 0 : i32
      %dma_wait3A_432 = tpu.memref_slice %arg6[%dma_wait3A_428, %dma_wait3A_429, %dma_wait3A_430, %dma_wait3A_431] : memref<4x2x2x64xi32, #tpu.memory_space<vmem>> -> memref<1x2x2x64xi32, #tpu.memory_space<vmem>>
      %dma_wait3A_433 = tpu.memref_squeeze %dma_wait3A_432 : memref<1x2x2x64xi32, #tpu.memory_space<vmem>> -> memref<2x2x64xi32, #tpu.memory_space<vmem>>
      %dma_wait3A_434 = arith.constant 0 : i32
      %dma_wait3A_435 = arith.constant 0 : i32
      %dma_wait3A_436 = arith.constant 0 : i32
      %dma_wait3A_437 = tpu.memref_slice %arg3[%add3A, %dma_wait3A_427, %dma_wait3A_434, %dma_wait3A_435, %dma_wait3A_436] : memref<32x80x2x2x64xi32, #tpu.memory_space<hbm>> -> memref<1x1x2x2x64xi32, #tpu.memory_space<hbm>>
      %dma_wait3A_438 = tpu.memref_squeeze %dma_wait3A_437 : memref<1x1x2x2x64xi32, #tpu.memory_space<hbm>> -> memref<2x2x64xi32, #tpu.memory_space<hbm>>
      %dma_wait3A_439 = arith.constant 0 : i32
      %dma_wait3A_440 = arith.constant 0 : i32
      %dma_wait3A_441 = arith.constant 0 : i32
      %dma_wait3A_442 = tpu.memref_slice %arg6[%dma_wait3A_428, %dma_wait3A_439, %dma_wait3A_440, %dma_wait3A_441] : memref<4x2x2x64xi32, #tpu.memory_space<vmem>> -> memref<1x2x2x64xi32, #tpu.memory_space<vmem>>
      %dma_wait3A_443 = tpu.memref_squeeze %dma_wait3A_442 : memref<1x2x2x64xi32, #tpu.memory_space<vmem>> -> memref<2x2x64xi32, #tpu.memory_space<vmem>>
      %dma_wait3A_444 = arith.constant 0 : i32
      %dma_wait3A_445 = arith.constant 0 : i32
      %dma_wait3A_446 = arith.constant 0 : i32
      %dma_wait3A_447 = tpu.memref_slice %arg3[%add3A, %dma_wait3A_427, %dma_wait3A_444, %dma_wait3A_445, %dma_wait3A_446] : memref<32x80x2x2x64xi32, #tpu.memory_space<hbm>> -> memref<1x1x2x2x64xi32, #tpu.memory_space<hbm>>
      %dma_wait3A_448 = tpu.memref_squeeze %dma_wait3A_447 : memref<1x1x2x2x64xi32, #tpu.memory_space<hbm>> -> memref<2x2x64xi32, #tpu.memory_space<hbm>>
      tpu.wait_dma2 semaphore(%arg22 : memref<!tpu.dma_semaphore, #tpu.memory_space<semaphore_mem>>) src(%dma_wait3A_448 : memref<2x2x64xi32, #tpu.memory_space<hbm>>) dst(%dma_wait3A_443 : memref<2x2x64xi32, #tpu.memory_space<vmem>>)
      %dma_wait3A_449 = arith.constant 0 : i32
      %dma_wait3A_450 = arith.constant 3 : i32
      %dma_wait3A_451 = arith.constant 0 : i32
      %dma_wait3A_452 = arith.constant 0 : i32
      %dma_wait3A_453 = arith.constant 0 : i32
      %dma_wait3A_454 = tpu.memref_slice %arg6[%dma_wait3A_450, %dma_wait3A_451, %dma_wait3A_452, %dma_wait3A_453] : memref<4x2x2x64xi32, #tpu.memory_space<vmem>> -> memref<1x2x2x64xi32, #tpu.memory_space<vmem>>
      %dma_wait3A_455 = tpu.memref_squeeze %dma_wait3A_454 : memref<1x2x2x64xi32, #tpu.memory_space<vmem>> -> memref<2x2x64xi32, #tpu.memory_space<vmem>>
      %dma_wait3A_456 = arith.constant 0 : i32
      %dma_wait3A_457 = arith.constant 0 : i32
      %dma_wait3A_458 = arith.constant 0 : i32
      %dma_wait3A_459 = tpu.memref_slice %arg3[%add3A, %dma_wait3A_449, %dma_wait3A_456, %dma_wait3A_457, %dma_wait3A_458] : memref<32x80x2x2x64xi32, #tpu.memory_space<hbm>> -> memref<1x1x2x2x64xi32, #tpu.memory_space<hbm>>
      %dma_wait3A_460 = tpu.memref_squeeze %dma_wait3A_459 : memref<1x1x2x2x64xi32, #tpu.memory_space<hbm>> -> memref<2x2x64xi32, #tpu.memory_space<hbm>>
      %dma_wait3A_461 = arith.constant 0 : i32
      %dma_wait3A_462 = arith.constant 0 : i32
      %dma_wait3A_463 = arith.constant 0 : i32
      %dma_wait3A_464 = tpu.memref_slice %arg6[%dma_wait3A_450, %dma_wait3A_461, %dma_wait3A_462, %dma_wait3A_463] : memref<4x2x2x64xi32, #tpu.memory_space<vmem>> -> memref<1x2x2x64xi32, #tpu.memory_space<vmem>>
      %dma_wait3A_465 = tpu.memref_squeeze %dma_wait3A_464 : memref<1x2x2x64xi32, #tpu.memory_space<vmem>> -> memref<2x2x64xi32, #tpu.memory_space<vmem>>
      %dma_wait3A_466 = arith.constant 0 : i32
      %dma_wait3A_467 = arith.constant 0 : i32
      %dma_wait3A_468 = arith.constant 0 : i32
      %dma_wait3A_469 = tpu.memref_slice %arg3[%add3A, %dma_wait3A_449, %dma_wait3A_466, %dma_wait3A_467, %dma_wait3A_468] : memref<32x80x2x2x64xi32, #tpu.memory_space<hbm>> -> memref<1x1x2x2x64xi32, #tpu.memory_space<hbm>>
      %dma_wait3A_470 = tpu.memref_squeeze %dma_wait3A_469 : memref<1x1x2x2x64xi32, #tpu.memory_space<hbm>> -> memref<2x2x64xi32, #tpu.memory_space<hbm>>
      tpu.wait_dma2 semaphore(%arg23 : memref<!tpu.dma_semaphore, #tpu.memory_space<semaphore_mem>>) src(%dma_wait3A_470 : memref<2x2x64xi32, #tpu.memory_space<hbm>>) dst(%dma_wait3A_465 : memref<2x2x64xi32, #tpu.memory_space<vmem>>)
      %dma_wait3A_471 = arith.constant 0 : i32
      %dma_wait3A_472 = arith.constant 0 : i32
      %dma_wait3A_473 = tpu.memref_slice %arg2[%dma_wait3A_471, %dma_wait3A_472] : memref<10240x128xf32, #tpu.memory_space<hbm>> -> memref<64x128xf32, #tpu.memory_space<hbm>>
      %dma_wait3A_474 = arith.constant 0 : i32
      %dma_wait3A_475 = arith.constant 0 : i32
      %dma_wait3A_476 = tpu.memref_slice %arg2[%dma_wait3A_474, %dma_wait3A_475] : memref<10240x128xf32, #tpu.memory_space<hbm>> -> memref<64x128xf32, #tpu.memory_space<hbm>>
      tpu.wait_dma2 semaphore(%arg12 : memref<!tpu.dma_semaphore, #tpu.memory_space<semaphore_mem>>) src(%dma_wait3A_476 : memref<64x128xf32, #tpu.memory_space<hbm>>) dst(%arg7 : memref<64x128xf32, #tpu.memory_space<vmem>>)
      %dma_start3A_477 = arith.constant 0 : i32
      %dma_start3A_478 = arith.constant 1 : i32
      %dma_start3A_479 = arith.constant 0 : i32
      %dma_start3A_480 = arith.constant 0 : i32
      %dma_start3A_481 = tpu.memref_slice %arg6[%dma_start3A_477, %dma_start3A_478, %dma_start3A_479, %dma_start3A_480] : memref<4x2x2x64xi32, #tpu.memory_space<vmem>> -> memref<1x1x1x64xi32, #tpu.memory_space<vmem>>
      %dma_start3A_482 = tpu.memref_squeeze %dma_start3A_481 : memref<1x1x1x64xi32, #tpu.memory_space<vmem>> -> memref<64xi32, #tpu.memory_space<vmem>>
      %dma_start3A_483 = arith.constant 0 : i32
      %dma_start3A_484 = arith.constant 0 : i32
      %dma_start3A_485 = tpu.memref_slice %arg11[%dma_start3A_483, %dma_start3A_484] : memref<10240x128xf32, #tpu.memory_space<vmem_shared>> -> memref<10240x128xf32, #tpu.memory_space<vmem_shared>>
      tpu.enqueue_indirect_dma source(%arg7 : memref<64x128xf32, #tpu.memory_space<vmem>>) target(%dma_start3A_485 : memref<10240x128xf32, #tpu.memory_space<vmem_shared>>) offsets(%dma_start3A_482 : memref<64xi32, #tpu.memory_space<vmem>>) semaphore(%arg16 : memref<!tpu.dma_semaphore, #tpu.memory_space<semaphore_mem>>) {add = true}
      %dma_wait3A_486 = arith.constant 0 : i32
      %dma_wait3A_487 = arith.constant 0 : i32
      %dma_wait3A_488 = tpu.memref_slice %arg2[%dma_wait3A_486, %dma_wait3A_487] : memref<10240x128xf32, #tpu.memory_space<hbm>> -> memref<64x128xf32, #tpu.memory_space<hbm>>
      %dma_wait3A_489 = arith.constant 0 : i32
      %dma_wait3A_490 = arith.constant 0 : i32
      %dma_wait3A_491 = tpu.memref_slice %arg2[%dma_wait3A_489, %dma_wait3A_490] : memref<10240x128xf32, #tpu.memory_space<hbm>> -> memref<64x128xf32, #tpu.memory_space<hbm>>
      tpu.wait_dma2 semaphore(%arg13 : memref<!tpu.dma_semaphore, #tpu.memory_space<semaphore_mem>>) src(%dma_wait3A_491 : memref<64x128xf32, #tpu.memory_space<hbm>>) dst(%arg8 : memref<64x128xf32, #tpu.memory_space<vmem>>)
      %dma_start3A_492 = arith.constant 0 : i32
      %dma_start3A_493 = arith.constant 1 : i32
      %dma_start3A_494 = arith.constant 1 : i32
      %dma_start3A_495 = arith.constant 0 : i32
      %dma_start3A_496 = tpu.memref_slice %arg6[%dma_start3A_492, %dma_start3A_493, %dma_start3A_494, %dma_start3A_495] : memref<4x2x2x64xi32, #tpu.memory_space<vmem>> -> memref<1x1x1x64xi32, #tpu.memory_space<vmem>>
      %dma_start3A_497 = tpu.memref_squeeze %dma_start3A_496 : memref<1x1x1x64xi32, #tpu.memory_space<vmem>> -> memref<64xi32, #tpu.memory_space<vmem>>
      %dma_start3A_498 = arith.constant 0 : i32
      %dma_start3A_499 = arith.constant 0 : i32
      %dma_start3A_500 = tpu.memref_slice %arg11[%dma_start3A_498, %dma_start3A_499] : memref<10240x128xf32, #tpu.memory_space<vmem_shared>> -> memref<10240x128xf32, #tpu.memory_space<vmem_shared>>
      tpu.enqueue_indirect_dma source(%arg8 : memref<64x128xf32, #tpu.memory_space<vmem>>) target(%dma_start3A_500 : memref<10240x128xf32, #tpu.memory_space<vmem_shared>>) offsets(%dma_start3A_497 : memref<64xi32, #tpu.memory_space<vmem>>) semaphore(%arg17 : memref<!tpu.dma_semaphore, #tpu.memory_space<semaphore_mem>>) {add = true}
      %dma_wait3A_501 = arith.constant 0 : i32
      %dma_wait3A_502 = arith.constant 0 : i32
      %dma_wait3A_503 = tpu.memref_slice %arg2[%dma_wait3A_501, %dma_wait3A_502] : memref<10240x128xf32, #tpu.memory_space<hbm>> -> memref<64x128xf32, #tpu.memory_space<hbm>>
      %dma_wait3A_504 = arith.constant 0 : i32
      %dma_wait3A_505 = arith.constant 0 : i32
      %dma_wait3A_506 = tpu.memref_slice %arg2[%dma_wait3A_504, %dma_wait3A_505] : memref<10240x128xf32, #tpu.memory_space<hbm>> -> memref<64x128xf32, #tpu.memory_space<hbm>>
      tpu.wait_dma2 semaphore(%arg14 : memref<!tpu.dma_semaphore, #tpu.memory_space<semaphore_mem>>) src(%dma_wait3A_506 : memref<64x128xf32, #tpu.memory_space<hbm>>) dst(%arg9 : memref<64x128xf32, #tpu.memory_space<vmem>>)
      %dma_start3A_507 = arith.constant 1 : i32
      %dma_start3A_508 = arith.constant 1 : i32
      %dma_start3A_509 = arith.constant 0 : i32
      %dma_start3A_510 = arith.constant 0 : i32
      %dma_start3A_511 = tpu.memref_slice %arg6[%dma_start3A_507, %dma_start3A_508, %dma_start3A_509, %dma_start3A_510] : memref<4x2x2x64xi32, #tpu.memory_space<vmem>> -> memref<1x1x1x64xi32, #tpu.memory_space<vmem>>
      %dma_start3A_512 = tpu.memref_squeeze %dma_start3A_511 : memref<1x1x1x64xi32, #tpu.memory_space<vmem>> -> memref<64xi32, #tpu.memory_space<vmem>>
      %dma_start3A_513 = arith.constant 0 : i32
      %dma_start3A_514 = arith.constant 0 : i32
      %dma_start3A_515 = tpu.memref_slice %arg11[%dma_start3A_513, %dma_start3A_514] : memref<10240x128xf32, #tpu.memory_space<vmem_shared>> -> memref<10240x128xf32, #tpu.memory_space<vmem_shared>>
      tpu.enqueue_indirect_dma source(%arg9 : memref<64x128xf32, #tpu.memory_space<vmem>>) target(%dma_start3A_515 : memref<10240x128xf32, #tpu.memory_space<vmem_shared>>) offsets(%dma_start3A_512 : memref<64xi32, #tpu.memory_space<vmem>>) semaphore(%arg18 : memref<!tpu.dma_semaphore, #tpu.memory_space<semaphore_mem>>) {add = true}
      %dma_wait3A_516 = arith.constant 0 : i32
      %dma_wait3A_517 = arith.constant 0 : i32
      %dma_wait3A_518 = tpu.memref_slice %arg2[%dma_wait3A_516, %dma_wait3A_517] : memref<10240x128xf32, #tpu.memory_space<hbm>> -> memref<64x128xf32, #tpu.memory_space<hbm>>
      %dma_wait3A_519 = arith.constant 0 : i32
      %dma_wait3A_520 = arith.constant 0 : i32
      %dma_wait3A_521 = tpu.memref_slice %arg2[%dma_wait3A_519, %dma_wait3A_520] : memref<10240x128xf32, #tpu.memory_space<hbm>> -> memref<64x128xf32, #tpu.memory_space<hbm>>
      tpu.wait_dma2 semaphore(%arg15 : memref<!tpu.dma_semaphore, #tpu.memory_space<semaphore_mem>>) src(%dma_wait3A_521 : memref<64x128xf32, #tpu.memory_space<hbm>>) dst(%arg10 : memref<64x128xf32, #tpu.memory_space<vmem>>)
      %dma_start3A_522 = arith.constant 1 : i32
      %dma_start3A_523 = arith.constant 1 : i32
      %dma_start3A_524 = arith.constant 1 : i32
      %dma_start3A_525 = arith.constant 0 : i32
      %dma_start3A_526 = tpu.memref_slice %arg6[%dma_start3A_522, %dma_start3A_523, %dma_start3A_524, %dma_start3A_525] : memref<4x2x2x64xi32, #tpu.memory_space<vmem>> -> memref<1x1x1x64xi32, #tpu.memory_space<vmem>>
      %dma_start3A_527 = tpu.memref_squeeze %dma_start3A_526 : memref<1x1x1x64xi32, #tpu.memory_space<vmem>> -> memref<64xi32, #tpu.memory_space<vmem>>
      %dma_start3A_528 = arith.constant 0 : i32
      %dma_start3A_529 = arith.constant 0 : i32
      %dma_start3A_530 = tpu.memref_slice %arg11[%dma_start3A_528, %dma_start3A_529] : memref<10240x128xf32, #tpu.memory_space<vmem_shared>> -> memref<10240x128xf32, #tpu.memory_space<vmem_shared>>
      tpu.enqueue_indirect_dma source(%arg10 : memref<64x128xf32, #tpu.memory_space<vmem>>) target(%dma_start3A_530 : memref<10240x128xf32, #tpu.memory_space<vmem_shared>>) offsets(%dma_start3A_527 : memref<64xi32, #tpu.memory_space<vmem>>) semaphore(%arg19 : memref<!tpu.dma_semaphore, #tpu.memory_space<semaphore_mem>>) {add = true}
      %dma_wait3A_531 = arith.constant 0 : i32
      %dma_wait3A_532 = arith.constant 0 : i32
      %dma_wait3A_533 = tpu.memref_slice %arg2[%dma_wait3A_531, %dma_wait3A_532] : memref<10240x128xf32, #tpu.memory_space<hbm>> -> memref<64x128xf32, #tpu.memory_space<hbm>>
      %dma_wait3A_534 = arith.constant 0 : i32
      %dma_wait3A_535 = arith.constant 0 : i32
      %dma_wait3A_536 = tpu.memref_slice %arg2[%dma_wait3A_534, %dma_wait3A_535] : memref<10240x128xf32, #tpu.memory_space<hbm>> -> memref<64x128xf32, #tpu.memory_space<hbm>>
      tpu.wait_dma2 semaphore(%arg16 : memref<!tpu.dma_semaphore, #tpu.memory_space<semaphore_mem>>) src(%dma_wait3A_536 : memref<64x128xf32, #tpu.memory_space<hbm>>) dst(%arg7 : memref<64x128xf32, #tpu.memory_space<vmem>>)
      %dma_start3A_537 = arith.constant 2 : i32
      %dma_start3A_538 = arith.constant 0 : i32
      %dma_start3A_539 = arith.constant 0 : i32
      %dma_start3A_540 = arith.constant 0 : i32
      %dma_start3A_541 = tpu.memref_slice %arg6[%dma_start3A_537, %dma_start3A_538, %dma_start3A_539, %dma_start3A_540] : memref<4x2x2x64xi32, #tpu.memory_space<vmem>> -> memref<1x1x1x64xi32, #tpu.memory_space<vmem>>
      %dma_start3A_542 = tpu.memref_squeeze %dma_start3A_541 : memref<1x1x1x64xi32, #tpu.memory_space<vmem>> -> memref<64xi32, #tpu.memory_space<vmem>>
      %dma_start3A_543 = arith.constant 0 : i32
      %dma_start3A_544 = arith.constant 0 : i32
      %dma_start3A_545 = tpu.memref_slice %arg2[%dma_start3A_543, %dma_start3A_544] : memref<10240x128xf32, #tpu.memory_space<hbm>> -> memref<10240x128xf32, #tpu.memory_space<hbm>>
      tpu.enqueue_indirect_dma source(%dma_start3A_545 : memref<10240x128xf32, #tpu.memory_space<hbm>>) target(%arg7 : memref<64x128xf32, #tpu.memory_space<vmem>>) offsets(%dma_start3A_542 : memref<64xi32, #tpu.memory_space<vmem>>) semaphore(%arg12 : memref<!tpu.dma_semaphore, #tpu.memory_space<semaphore_mem>>)
      %dma_wait3A_546 = arith.constant 0 : i32
      %dma_wait3A_547 = arith.constant 0 : i32
      %dma_wait3A_548 = tpu.memref_slice %arg2[%dma_wait3A_546, %dma_wait3A_547] : memref<10240x128xf32, #tpu.memory_space<hbm>> -> memref<64x128xf32, #tpu.memory_space<hbm>>
      %dma_wait3A_549 = arith.constant 0 : i32
      %dma_wait3A_550 = arith.constant 0 : i32
      %dma_wait3A_551 = tpu.memref_slice %arg2[%dma_wait3A_549, %dma_wait3A_550] : memref<10240x128xf32, #tpu.memory_space<hbm>> -> memref<64x128xf32, #tpu.memory_space<hbm>>
      tpu.wait_dma2 semaphore(%arg17 : memref<!tpu.dma_semaphore, #tpu.memory_space<semaphore_mem>>) src(%dma_wait3A_551 : memref<64x128xf32, #tpu.memory_space<hbm>>) dst(%arg8 : memref<64x128xf32, #tpu.memory_space<vmem>>)
      %dma_start3A_552 = arith.constant 2 : i32
      %dma_start3A_553 = arith.constant 0 : i32
      %dma_start3A_554 = arith.constant 1 : i32
      %dma_start3A_555 = arith.constant 0 : i32
      %dma_start3A_556 = tpu.memref_slice %arg6[%dma_start3A_552, %dma_start3A_553, %dma_start3A_554, %dma_start3A_555] : memref<4x2x2x64xi32, #tpu.memory_space<vmem>> -> memref<1x1x1x64xi32, #tpu.memory_space<vmem>>
      %dma_start3A_557 = tpu.memref_squeeze %dma_start3A_556 : memref<1x1x1x64xi32, #tpu.memory_space<vmem>> -> memref<64xi32, #tpu.memory_space<vmem>>
      %dma_start3A_558 = arith.constant 0 : i32
      %dma_start3A_559 = arith.constant 0 : i32
      %dma_start3A_560 = tpu.memref_slice %arg2[%dma_start3A_558, %dma_start3A_559] : memref<10240x128xf32, #tpu.memory_space<hbm>> -> memref<10240x128xf32, #tpu.memory_space<hbm>>
      tpu.enqueue_indirect_dma source(%dma_start3A_560 : memref<10240x128xf32, #tpu.memory_space<hbm>>) target(%arg8 : memref<64x128xf32, #tpu.memory_space<vmem>>) offsets(%dma_start3A_557 : memref<64xi32, #tpu.memory_space<vmem>>) semaphore(%arg13 : memref<!tpu.dma_semaphore, #tpu.memory_space<semaphore_mem>>)
      %dma_wait3A_561 = arith.constant 0 : i32
      %dma_wait3A_562 = arith.constant 0 : i32
      %dma_wait3A_563 = tpu.memref_slice %arg2[%dma_wait3A_561, %dma_wait3A_562] : memref<10240x128xf32, #tpu.memory_space<hbm>> -> memref<64x128xf32, #tpu.memory_space<hbm>>
      %dma_wait3A_564 = arith.constant 0 : i32
      %dma_wait3A_565 = arith.constant 0 : i32
      %dma_wait3A_566 = tpu.memref_slice %arg2[%dma_wait3A_564, %dma_wait3A_565] : memref<10240x128xf32, #tpu.memory_space<hbm>> -> memref<64x128xf32, #tpu.memory_space<hbm>>
      tpu.wait_dma2 semaphore(%arg18 : memref<!tpu.dma_semaphore, #tpu.memory_space<semaphore_mem>>) src(%dma_wait3A_566 : memref<64x128xf32, #tpu.memory_space<hbm>>) dst(%arg9 : memref<64x128xf32, #tpu.memory_space<vmem>>)
      %dma_start3A_567 = arith.constant 3 : i32
      %dma_start3A_568 = arith.constant 0 : i32
      %dma_start3A_569 = arith.constant 0 : i32
      %dma_start3A_570 = arith.constant 0 : i32
      %dma_start3A_571 = tpu.memref_slice %arg6[%dma_start3A_567, %dma_start3A_568, %dma_start3A_569, %dma_start3A_570] : memref<4x2x2x64xi32, #tpu.memory_space<vmem>> -> memref<1x1x1x64xi32, #tpu.memory_space<vmem>>
      %dma_start3A_572 = tpu.memref_squeeze %dma_start3A_571 : memref<1x1x1x64xi32, #tpu.memory_space<vmem>> -> memref<64xi32, #tpu.memory_space<vmem>>
      %dma_start3A_573 = arith.constant 0 : i32
      %dma_start3A_574 = arith.constant 0 : i32
      %dma_start3A_575 = tpu.memref_slice %arg2[%dma_start3A_573, %dma_start3A_574] : memref<10240x128xf32, #tpu.memory_space<hbm>> -> memref<10240x128xf32, #tpu.memory_space<hbm>>
      tpu.enqueue_indirect_dma source(%dma_start3A_575 : memref<10240x128xf32, #tpu.memory_space<hbm>>) target(%arg9 : memref<64x128xf32, #tpu.memory_space<vmem>>) offsets(%dma_start3A_572 : memref<64xi32, #tpu.memory_space<vmem>>) semaphore(%arg14 : memref<!tpu.dma_semaphore, #tpu.memory_space<semaphore_mem>>)
      %dma_wait3A_576 = arith.constant 0 : i32
      %dma_wait3A_577 = arith.constant 0 : i32
      %dma_wait3A_578 = tpu.memref_slice %arg2[%dma_wait3A_576, %dma_wait3A_577] : memref<10240x128xf32, #tpu.memory_space<hbm>> -> memref<64x128xf32, #tpu.memory_space<hbm>>
      %dma_wait3A_579 = arith.constant 0 : i32
      %dma_wait3A_580 = arith.constant 0 : i32
      %dma_wait3A_581 = tpu.memref_slice %arg2[%dma_wait3A_579, %dma_wait3A_580] : memref<10240x128xf32, #tpu.memory_space<hbm>> -> memref<64x128xf32, #tpu.memory_space<hbm>>
      tpu.wait_dma2 semaphore(%arg19 : memref<!tpu.dma_semaphore, #tpu.memory_space<semaphore_mem>>) src(%dma_wait3A_581 : memref<64x128xf32, #tpu.memory_space<hbm>>) dst(%arg10 : memref<64x128xf32, #tpu.memory_space<vmem>>)
      %dma_start3A_582 = arith.constant 3 : i32
      %dma_start3A_583 = arith.constant 0 : i32
      %dma_start3A_584 = arith.constant 1 : i32
      %dma_start3A_585 = arith.constant 0 : i32
      %dma_start3A_586 = tpu.memref_slice %arg6[%dma_start3A_582, %dma_start3A_583, %dma_start3A_584, %dma_start3A_585] : memref<4x2x2x64xi32, #tpu.memory_space<vmem>> -> memref<1x1x1x64xi32, #tpu.memory_space<vmem>>
      %dma_start3A_587 = tpu.memref_squeeze %dma_start3A_586 : memref<1x1x1x64xi32, #tpu.memory_space<vmem>> -> memref<64xi32, #tpu.memory_space<vmem>>
      %dma_start3A_588 = arith.constant 0 : i32
      %dma_start3A_589 = arith.constant 0 : i32
      %dma_start3A_590 = tpu.memref_slice %arg2[%dma_start3A_588, %dma_start3A_589] : memref<10240x128xf32, #tpu.memory_space<hbm>> -> memref<10240x128xf32, #tpu.memory_space<hbm>>
      tpu.enqueue_indirect_dma source(%dma_start3A_590 : memref<10240x128xf32, #tpu.memory_space<hbm>>) target(%arg10 : memref<64x128xf32, #tpu.memory_space<vmem>>) offsets(%dma_start3A_587 : memref<64xi32, #tpu.memory_space<vmem>>) semaphore(%arg15 : memref<!tpu.dma_semaphore, #tpu.memory_space<semaphore_mem>>)
      %mul3A_591 = arith.constant 2 : i32
      %mul3A_592 = arith.muli %mul3A_591, %add3A_426 : i32
      %add3A_593 = arith.constant 4 : i32
      %add3A_594 = arith.addi %mul3A_592, %add3A_593 : i32
      %dma_start3A_595 = arith.constant 0 : i32
      %dma_start3A_596 = arith.constant 0 : i32
      %dma_start3A_597 = arith.constant 0 : i32
      %dma_start3A_598 = arith.constant 0 : i32
      %dma_start3A_599 = tpu.memref_slice %arg6[%dma_start3A_595, %dma_start3A_596, %dma_start3A_597, %dma_start3A_598] : memref<4x2x2x64xi32, #tpu.memory_space<vmem>> -> memref<1x2x2x64xi32, #tpu.memory_space<vmem>>
      %dma_start3A_600 = tpu.memref_squeeze %dma_start3A_599 : memref<1x2x2x64xi32, #tpu.memory_space<vmem>> -> memref<2x2x64xi32, #tpu.memory_space<vmem>>
      %dma_start3A_601 = arith.constant 0 : i32
      %dma_start3A_602 = arith.constant 0 : i32
      %dma_start3A_603 = arith.constant 0 : i32
      %dma_start3A_604 = tpu.memref_slice %arg3[%add3A, %add3A_594, %dma_start3A_601, %dma_start3A_602, %dma_start3A_603] : memref<32x80x2x2x64xi32, #tpu.memory_space<hbm>> -> memref<1x1x2x2x64xi32, #tpu.memory_space<hbm>>
      %dma_start3A_605 = tpu.memref_squeeze %dma_start3A_604 : memref<1x1x2x2x64xi32, #tpu.memory_space<hbm>> -> memref<2x2x64xi32, #tpu.memory_space<hbm>>
      %dma_start3A_606 = arith.constant 0 : i32
      %dma_start3A_607 = arith.constant 0 : i32
      %dma_start3A_608 = arith.constant 0 : i32
      %dma_start3A_609 = tpu.memref_slice %arg6[%dma_start3A_595, %dma_start3A_606, %dma_start3A_607, %dma_start3A_608] : memref<4x2x2x64xi32, #tpu.memory_space<vmem>> -> memref<1x2x2x64xi32, #tpu.memory_space<vmem>>
      %dma_start3A_610 = tpu.memref_squeeze %dma_start3A_609 : memref<1x2x2x64xi32, #tpu.memory_space<vmem>> -> memref<2x2x64xi32, #tpu.memory_space<vmem>>
      %dma_start3A_611 = arith.constant 0 : i32
      %dma_start3A_612 = arith.constant 0 : i32
      %dma_start3A_613 = arith.constant 0 : i32
      %dma_start3A_614 = tpu.memref_slice %arg3[%add3A, %add3A_594, %dma_start3A_611, %dma_start3A_612, %dma_start3A_613] : memref<32x80x2x2x64xi32, #tpu.memory_space<hbm>> -> memref<1x1x2x2x64xi32, #tpu.memory_space<hbm>>
      %dma_start3A_615 = tpu.memref_squeeze %dma_start3A_614 : memref<1x1x2x2x64xi32, #tpu.memory_space<hbm>> -> memref<2x2x64xi32, #tpu.memory_space<hbm>>
      tpu.enqueue_dma source(%dma_start3A_615 : memref<2x2x64xi32, #tpu.memory_space<hbm>>) target(%dma_start3A_610 : memref<2x2x64xi32, #tpu.memory_space<vmem>>) target_semaphore(%arg20 : memref<!tpu.dma_semaphore, #tpu.memory_space<semaphore_mem>>)
      %mul3A_616 = arith.constant 2 : i32
      %mul3A_617 = arith.muli %mul3A_616, %add3A_426 : i32
      %add3A_618 = arith.constant 5 : i32
      %add3A_619 = arith.addi %mul3A_617, %add3A_618 : i32
      %dma_start3A_620 = arith.constant 1 : i32
      %dma_start3A_621 = arith.constant 0 : i32
      %dma_start3A_622 = arith.constant 0 : i32
      %dma_start3A_623 = arith.constant 0 : i32
      %dma_start3A_624 = tpu.memref_slice %arg6[%dma_start3A_620, %dma_start3A_621, %dma_start3A_622, %dma_start3A_623] : memref<4x2x2x64xi32, #tpu.memory_space<vmem>> -> memref<1x2x2x64xi32, #tpu.memory_space<vmem>>
      %dma_start3A_625 = tpu.memref_squeeze %dma_start3A_624 : memref<1x2x2x64xi32, #tpu.memory_space<vmem>> -> memref<2x2x64xi32, #tpu.memory_space<vmem>>
      %dma_start3A_626 = arith.constant 0 : i32
      %dma_start3A_627 = arith.constant 0 : i32
      %dma_start3A_628 = arith.constant 0 : i32
      %dma_start3A_629 = tpu.memref_slice %arg3[%add3A, %add3A_619, %dma_start3A_626, %dma_start3A_627, %dma_start3A_628] : memref<32x80x2x2x64xi32, #tpu.memory_space<hbm>> -> memref<1x1x2x2x64xi32, #tpu.memory_space<hbm>>
      %dma_start3A_630 = tpu.memref_squeeze %dma_start3A_629 : memref<1x1x2x2x64xi32, #tpu.memory_space<hbm>> -> memref<2x2x64xi32, #tpu.memory_space<hbm>>
      %dma_start3A_631 = arith.constant 0 : i32
      %dma_start3A_632 = arith.constant 0 : i32
      %dma_start3A_633 = arith.constant 0 : i32
      %dma_start3A_634 = tpu.memref_slice %arg6[%dma_start3A_620, %dma_start3A_631, %dma_start3A_632, %dma_start3A_633] : memref<4x2x2x64xi32, #tpu.memory_space<vmem>> -> memref<1x2x2x64xi32, #tpu.memory_space<vmem>>
      %dma_start3A_635 = tpu.memref_squeeze %dma_start3A_634 : memref<1x2x2x64xi32, #tpu.memory_space<vmem>> -> memref<2x2x64xi32, #tpu.memory_space<vmem>>
      %dma_start3A_636 = arith.constant 0 : i32
      %dma_start3A_637 = arith.constant 0 : i32
      %dma_start3A_638 = arith.constant 0 : i32
      %dma_start3A_639 = tpu.memref_slice %arg3[%add3A, %add3A_619, %dma_start3A_636, %dma_start3A_637, %dma_start3A_638] : memref<32x80x2x2x64xi32, #tpu.memory_space<hbm>> -> memref<1x1x2x2x64xi32, #tpu.memory_space<hbm>>
      %dma_start3A_640 = tpu.memref_squeeze %dma_start3A_639 : memref<1x1x2x2x64xi32, #tpu.memory_space<hbm>> -> memref<2x2x64xi32, #tpu.memory_space<hbm>>
      tpu.enqueue_dma source(%dma_start3A_640 : memref<2x2x64xi32, #tpu.memory_space<hbm>>) target(%dma_start3A_635 : memref<2x2x64xi32, #tpu.memory_space<vmem>>) target_semaphore(%arg21 : memref<!tpu.dma_semaphore, #tpu.memory_space<semaphore_mem>>)
      %add3A_641 = arith.constant 1 : i32
      %add3A_642 = arith.addi %add3A_426, %add3A_641 : i32
      %dma_wait3A_643 = arith.constant 0 : i32
      %dma_wait3A_644 = arith.constant 0 : i32
      %dma_wait3A_645 = arith.constant 0 : i32
      %dma_wait3A_646 = arith.constant 0 : i32
      %dma_wait3A_647 = arith.constant 0 : i32
      %dma_wait3A_648 = tpu.memref_slice %arg6[%dma_wait3A_644, %dma_wait3A_645, %dma_wait3A_646, %dma_wait3A_647] : memref<4x2x2x64xi32, #tpu.memory_space<vmem>> -> memref<1x2x2x64xi32, #tpu.memory_space<vmem>>
      %dma_wait3A_649 = tpu.memref_squeeze %dma_wait3A_648 : memref<1x2x2x64xi32, #tpu.memory_space<vmem>> -> memref<2x2x64xi32, #tpu.memory_space<vmem>>
      %dma_wait3A_650 = arith.constant 0 : i32
      %dma_wait3A_651 = arith.constant 0 : i32
      %dma_wait3A_652 = arith.constant 0 : i32
      %dma_wait3A_653 = tpu.memref_slice %arg3[%add3A, %dma_wait3A_643, %dma_wait3A_650, %dma_wait3A_651, %dma_wait3A_652] : memref<32x80x2x2x64xi32, #tpu.memory_space<hbm>> -> memref<1x1x2x2x64xi32, #tpu.memory_space<hbm>>
      %dma_wait3A_654 = tpu.memref_squeeze %dma_wait3A_653 : memref<1x1x2x2x64xi32, #tpu.memory_space<hbm>> -> memref<2x2x64xi32, #tpu.memory_space<hbm>>
      %dma_wait3A_655 = arith.constant 0 : i32
      %dma_wait3A_656 = arith.constant 0 : i32
      %dma_wait3A_657 = arith.constant 0 : i32
      %dma_wait3A_658 = tpu.memref_slice %arg6[%dma_wait3A_644, %dma_wait3A_655, %dma_wait3A_656, %dma_wait3A_657] : memref<4x2x2x64xi32, #tpu.memory_space<vmem>> -> memref<1x2x2x64xi32, #tpu.memory_space<vmem>>
      %dma_wait3A_659 = tpu.memref_squeeze %dma_wait3A_658 : memref<1x2x2x64xi32, #tpu.memory_space<vmem>> -> memref<2x2x64xi32, #tpu.memory_space<vmem>>
      %dma_wait3A_660 = arith.constant 0 : i32
      %dma_wait3A_661 = arith.constant 0 : i32
      %dma_wait3A_662 = arith.constant 0 : i32
      %dma_wait3A_663 = tpu.memref_slice %arg3[%add3A, %dma_wait3A_643, %dma_wait3A_660, %dma_wait3A_661, %dma_wait3A_662] : memref<32x80x2x2x64xi32, #tpu.memory_space<hbm>> -> memref<1x1x2x2x64xi32, #tpu.memory_space<hbm>>
      %dma_wait3A_664 = tpu.memref_squeeze %dma_wait3A_663 : memref<1x1x2x2x64xi32, #tpu.memory_space<hbm>> -> memref<2x2x64xi32, #tpu.memory_space<hbm>>
      tpu.wait_dma2 semaphore(%arg20 : memref<!tpu.dma_semaphore, #tpu.memory_space<semaphore_mem>>) src(%dma_wait3A_664 : memref<2x2x64xi32, #tpu.memory_space<hbm>>) dst(%dma_wait3A_659 : memref<2x2x64xi32, #tpu.memory_space<vmem>>)
      %dma_wait3A_665 = arith.constant 0 : i32
      %dma_wait3A_666 = arith.constant 1 : i32
      %dma_wait3A_667 = arith.constant 0 : i32
      %dma_wait3A_668 = arith.constant 0 : i32
      %dma_wait3A_669 = arith.constant 0 : i32
      %dma_wait3A_670 = tpu.memref_slice %arg6[%dma_wait3A_666, %dma_wait3A_667, %dma_wait3A_668, %dma_wait3A_669] : memref<4x2x2x64xi32, #tpu.memory_space<vmem>> -> memref<1x2x2x64xi32, #tpu.memory_space<vmem>>
      %dma_wait3A_671 = tpu.memref_squeeze %dma_wait3A_670 : memref<1x2x2x64xi32, #tpu.memory_space<vmem>> -> memref<2x2x64xi32, #tpu.memory_space<vmem>>
      %dma_wait3A_672 = arith.constant 0 : i32
      %dma_wait3A_673 = arith.constant 0 : i32
      %dma_wait3A_674 = arith.constant 0 : i32
      %dma_wait3A_675 = tpu.memref_slice %arg3[%add3A, %dma_wait3A_665, %dma_wait3A_672, %dma_wait3A_673, %dma_wait3A_674] : memref<32x80x2x2x64xi32, #tpu.memory_space<hbm>> -> memref<1x1x2x2x64xi32, #tpu.memory_space<hbm>>
      %dma_wait3A_676 = tpu.memref_squeeze %dma_wait3A_675 : memref<1x1x2x2x64xi32, #tpu.memory_space<hbm>> -> memref<2x2x64xi32, #tpu.memory_space<hbm>>
      %dma_wait3A_677 = arith.constant 0 : i32
      %dma_wait3A_678 = arith.constant 0 : i32
      %dma_wait3A_679 = arith.constant 0 : i32
      %dma_wait3A_680 = tpu.memref_slice %arg6[%dma_wait3A_666, %dma_wait3A_677, %dma_wait3A_678, %dma_wait3A_679] : memref<4x2x2x64xi32, #tpu.memory_space<vmem>> -> memref<1x2x2x64xi32, #tpu.memory_space<vmem>>
      %dma_wait3A_681 = tpu.memref_squeeze %dma_wait3A_680 : memref<1x2x2x64xi32, #tpu.memory_space<vmem>> -> memref<2x2x64xi32, #tpu.memory_space<vmem>>
      %dma_wait3A_682 = arith.constant 0 : i32
      %dma_wait3A_683 = arith.constant 0 : i32
      %dma_wait3A_684 = arith.constant 0 : i32
      %dma_wait3A_685 = tpu.memref_slice %arg3[%add3A, %dma_wait3A_665, %dma_wait3A_682, %dma_wait3A_683, %dma_wait3A_684] : memref<32x80x2x2x64xi32, #tpu.memory_space<hbm>> -> memref<1x1x2x2x64xi32, #tpu.memory_space<hbm>>
      %dma_wait3A_686 = tpu.memref_squeeze %dma_wait3A_685 : memref<1x1x2x2x64xi32, #tpu.memory_space<hbm>> -> memref<2x2x64xi32, #tpu.memory_space<hbm>>
      tpu.wait_dma2 semaphore(%arg21 : memref<!tpu.dma_semaphore, #tpu.memory_space<semaphore_mem>>) src(%dma_wait3A_686 : memref<2x2x64xi32, #tpu.memory_space<hbm>>) dst(%dma_wait3A_681 : memref<2x2x64xi32, #tpu.memory_space<vmem>>)
      %dma_wait3A_687 = arith.constant 0 : i32
      %dma_wait3A_688 = arith.constant 0 : i32
      %dma_wait3A_689 = tpu.memref_slice %arg2[%dma_wait3A_687, %dma_wait3A_688] : memref<10240x128xf32, #tpu.memory_space<hbm>> -> memref<64x128xf32, #tpu.memory_space<hbm>>
      %dma_wait3A_690 = arith.constant 0 : i32
      %dma_wait3A_691 = arith.constant 0 : i32
      %dma_wait3A_692 = tpu.memref_slice %arg2[%dma_wait3A_690, %dma_wait3A_691] : memref<10240x128xf32, #tpu.memory_space<hbm>> -> memref<64x128xf32, #tpu.memory_space<hbm>>
      tpu.wait_dma2 semaphore(%arg12 : memref<!tpu.dma_semaphore, #tpu.memory_space<semaphore_mem>>) src(%dma_wait3A_692 : memref<64x128xf32, #tpu.memory_space<hbm>>) dst(%arg7 : memref<64x128xf32, #tpu.memory_space<vmem>>)
      %dma_start3A_693 = arith.constant 2 : i32
      %dma_start3A_694 = arith.constant 1 : i32
      %dma_start3A_695 = arith.constant 0 : i32
      %dma_start3A_696 = arith.constant 0 : i32
      %dma_start3A_697 = tpu.memref_slice %arg6[%dma_start3A_693, %dma_start3A_694, %dma_start3A_695, %dma_start3A_696] : memref<4x2x2x64xi32, #tpu.memory_space<vmem>> -> memref<1x1x1x64xi32, #tpu.memory_space<vmem>>
      %dma_start3A_698 = tpu.memref_squeeze %dma_start3A_697 : memref<1x1x1x64xi32, #tpu.memory_space<vmem>> -> memref<64xi32, #tpu.memory_space<vmem>>
      %dma_start3A_699 = arith.constant 0 : i32
      %dma_start3A_700 = arith.constant 0 : i32
      %dma_start3A_701 = tpu.memref_slice %arg11[%dma_start3A_699, %dma_start3A_700] : memref<10240x128xf32, #tpu.memory_space<vmem_shared>> -> memref<10240x128xf32, #tpu.memory_space<vmem_shared>>
      tpu.enqueue_indirect_dma source(%arg7 : memref<64x128xf32, #tpu.memory_space<vmem>>) target(%dma_start3A_701 : memref<10240x128xf32, #tpu.memory_space<vmem_shared>>) offsets(%dma_start3A_698 : memref<64xi32, #tpu.memory_space<vmem>>) semaphore(%arg16 : memref<!tpu.dma_semaphore, #tpu.memory_space<semaphore_mem>>) {add = true}
      %dma_wait3A_702 = arith.constant 0 : i32
      %dma_wait3A_703 = arith.constant 0 : i32
      %dma_wait3A_704 = tpu.memref_slice %arg2[%dma_wait3A_702, %dma_wait3A_703] : memref<10240x128xf32, #tpu.memory_space<hbm>> -> memref<64x128xf32, #tpu.memory_space<hbm>>
      %dma_wait3A_705 = arith.constant 0 : i32
      %dma_wait3A_706 = arith.constant 0 : i32
      %dma_wait3A_707 = tpu.memref_slice %arg2[%dma_wait3A_705, %dma_wait3A_706] : memref<10240x128xf32, #tpu.memory_space<hbm>> -> memref<64x128xf32, #tpu.memory_space<hbm>>
      tpu.wait_dma2 semaphore(%arg13 : memref<!tpu.dma_semaphore, #tpu.memory_space<semaphore_mem>>) src(%dma_wait3A_707 : memref<64x128xf32, #tpu.memory_space<hbm>>) dst(%arg8 : memref<64x128xf32, #tpu.memory_space<vmem>>)
      %dma_start3A_708 = arith.constant 2 : i32
      %dma_start3A_709 = arith.constant 1 : i32
      %dma_start3A_710 = arith.constant 1 : i32
      %dma_start3A_711 = arith.constant 0 : i32
      %dma_start3A_712 = tpu.memref_slice %arg6[%dma_start3A_708, %dma_start3A_709, %dma_start3A_710, %dma_start3A_711] : memref<4x2x2x64xi32, #tpu.memory_space<vmem>> -> memref<1x1x1x64xi32, #tpu.memory_space<vmem>>
      %dma_start3A_713 = tpu.memref_squeeze %dma_start3A_712 : memref<1x1x1x64xi32, #tpu.memory_space<vmem>> -> memref<64xi32, #tpu.memory_space<vmem>>
      %dma_start3A_714 = arith.constant 0 : i32
      %dma_start3A_715 = arith.constant 0 : i32
      %dma_start3A_716 = tpu.memref_slice %arg11[%dma_start3A_714, %dma_start3A_715] : memref<10240x128xf32, #tpu.memory_space<vmem_shared>> -> memref<10240x128xf32, #tpu.memory_space<vmem_shared>>
      tpu.enqueue_indirect_dma source(%arg8 : memref<64x128xf32, #tpu.memory_space<vmem>>) target(%dma_start3A_716 : memref<10240x128xf32, #tpu.memory_space<vmem_shared>>) offsets(%dma_start3A_713 : memref<64xi32, #tpu.memory_space<vmem>>) semaphore(%arg17 : memref<!tpu.dma_semaphore, #tpu.memory_space<semaphore_mem>>) {add = true}
      %dma_wait3A_717 = arith.constant 0 : i32
      %dma_wait3A_718 = arith.constant 0 : i32
      %dma_wait3A_719 = tpu.memref_slice %arg2[%dma_wait3A_717, %dma_wait3A_718] : memref<10240x128xf32, #tpu.memory_space<hbm>> -> memref<64x128xf32, #tpu.memory_space<hbm>>
      %dma_wait3A_720 = arith.constant 0 : i32
      %dma_wait3A_721 = arith.constant 0 : i32
      %dma_wait3A_722 = tpu.memref_slice %arg2[%dma_wait3A_720, %dma_wait3A_721] : memref<10240x128xf32, #tpu.memory_space<hbm>> -> memref<64x128xf32, #tpu.memory_space<hbm>>
      tpu.wait_dma2 semaphore(%arg14 : memref<!tpu.dma_semaphore, #tpu.memory_space<semaphore_mem>>) src(%dma_wait3A_722 : memref<64x128xf32, #tpu.memory_space<hbm>>) dst(%arg9 : memref<64x128xf32, #tpu.memory_space<vmem>>)
      %dma_start3A_723 = arith.constant 3 : i32
      %dma_start3A_724 = arith.constant 1 : i32
      %dma_start3A_725 = arith.constant 0 : i32
      %dma_start3A_726 = arith.constant 0 : i32
      %dma_start3A_727 = tpu.memref_slice %arg6[%dma_start3A_723, %dma_start3A_724, %dma_start3A_725, %dma_start3A_726] : memref<4x2x2x64xi32, #tpu.memory_space<vmem>> -> memref<1x1x1x64xi32, #tpu.memory_space<vmem>>
      %dma_start3A_728 = tpu.memref_squeeze %dma_start3A_727 : memref<1x1x1x64xi32, #tpu.memory_space<vmem>> -> memref<64xi32, #tpu.memory_space<vmem>>
      %dma_start3A_729 = arith.constant 0 : i32
      %dma_start3A_730 = arith.constant 0 : i32
      %dma_start3A_731 = tpu.memref_slice %arg11[%dma_start3A_729, %dma_start3A_730] : memref<10240x128xf32, #tpu.memory_space<vmem_shared>> -> memref<10240x128xf32, #tpu.memory_space<vmem_shared>>
      tpu.enqueue_indirect_dma source(%arg9 : memref<64x128xf32, #tpu.memory_space<vmem>>) target(%dma_start3A_731 : memref<10240x128xf32, #tpu.memory_space<vmem_shared>>) offsets(%dma_start3A_728 : memref<64xi32, #tpu.memory_space<vmem>>) semaphore(%arg18 : memref<!tpu.dma_semaphore, #tpu.memory_space<semaphore_mem>>) {add = true}
      %dma_wait3A_732 = arith.constant 0 : i32
      %dma_wait3A_733 = arith.constant 0 : i32
      %dma_wait3A_734 = tpu.memref_slice %arg2[%dma_wait3A_732, %dma_wait3A_733] : memref<10240x128xf32, #tpu.memory_space<hbm>> -> memref<64x128xf32, #tpu.memory_space<hbm>>
      %dma_wait3A_735 = arith.constant 0 : i32
      %dma_wait3A_736 = arith.constant 0 : i32
      %dma_wait3A_737 = tpu.memref_slice %arg2[%dma_wait3A_735, %dma_wait3A_736] : memref<10240x128xf32, #tpu.memory_space<hbm>> -> memref<64x128xf32, #tpu.memory_space<hbm>>
      tpu.wait_dma2 semaphore(%arg15 : memref<!tpu.dma_semaphore, #tpu.memory_space<semaphore_mem>>) src(%dma_wait3A_737 : memref<64x128xf32, #tpu.memory_space<hbm>>) dst(%arg10 : memref<64x128xf32, #tpu.memory_space<vmem>>)
      %dma_start3A_738 = arith.constant 3 : i32
      %dma_start3A_739 = arith.constant 1 : i32
      %dma_start3A_740 = arith.constant 1 : i32
      %dma_start3A_741 = arith.constant 0 : i32
      %dma_start3A_742 = tpu.memref_slice %arg6[%dma_start3A_738, %dma_start3A_739, %dma_start3A_740, %dma_start3A_741] : memref<4x2x2x64xi32, #tpu.memory_space<vmem>> -> memref<1x1x1x64xi32, #tpu.memory_space<vmem>>
      %dma_start3A_743 = tpu.memref_squeeze %dma_start3A_742 : memref<1x1x1x64xi32, #tpu.memory_space<vmem>> -> memref<64xi32, #tpu.memory_space<vmem>>
      %dma_start3A_744 = arith.constant 0 : i32
      %dma_start3A_745 = arith.constant 0 : i32
      %dma_start3A_746 = tpu.memref_slice %arg11[%dma_start3A_744, %dma_start3A_745] : memref<10240x128xf32, #tpu.memory_space<vmem_shared>> -> memref<10240x128xf32, #tpu.memory_space<vmem_shared>>
      tpu.enqueue_indirect_dma source(%arg10 : memref<64x128xf32, #tpu.memory_space<vmem>>) target(%dma_start3A_746 : memref<10240x128xf32, #tpu.memory_space<vmem_shared>>) offsets(%dma_start3A_743 : memref<64xi32, #tpu.memory_space<vmem>>) semaphore(%arg19 : memref<!tpu.dma_semaphore, #tpu.memory_space<semaphore_mem>>) {add = true}
      %dma_wait3A_747 = arith.constant 0 : i32
      %dma_wait3A_748 = arith.constant 0 : i32
      %dma_wait3A_749 = tpu.memref_slice %arg2[%dma_wait3A_747, %dma_wait3A_748] : memref<10240x128xf32, #tpu.memory_space<hbm>> -> memref<64x128xf32, #tpu.memory_space<hbm>>
      %dma_wait3A_750 = arith.constant 0 : i32
      %dma_wait3A_751 = arith.constant 0 : i32
      %dma_wait3A_752 = tpu.memref_slice %arg2[%dma_wait3A_750, %dma_wait3A_751] : memref<10240x128xf32, #tpu.memory_space<hbm>> -> memref<64x128xf32, #tpu.memory_space<hbm>>
      tpu.wait_dma2 semaphore(%arg16 : memref<!tpu.dma_semaphore, #tpu.memory_space<semaphore_mem>>) src(%dma_wait3A_752 : memref<64x128xf32, #tpu.memory_space<hbm>>) dst(%arg7 : memref<64x128xf32, #tpu.memory_space<vmem>>)
      %dma_start3A_753 = arith.constant 0 : i32
      %dma_start3A_754 = arith.constant 0 : i32
      %dma_start3A_755 = arith.constant 0 : i32
      %dma_start3A_756 = arith.constant 0 : i32
      %dma_start3A_757 = tpu.memref_slice %arg6[%dma_start3A_753, %dma_start3A_754, %dma_start3A_755, %dma_start3A_756] : memref<4x2x2x64xi32, #tpu.memory_space<vmem>> -> memref<1x1x1x64xi32, #tpu.memory_space<vmem>>
      %dma_start3A_758 = tpu.memref_squeeze %dma_start3A_757 : memref<1x1x1x64xi32, #tpu.memory_space<vmem>> -> memref<64xi32, #tpu.memory_space<vmem>>
      %dma_start3A_759 = arith.constant 0 : i32
      %dma_start3A_760 = arith.constant 0 : i32
      %dma_start3A_761 = tpu.memref_slice %arg2[%dma_start3A_759, %dma_start3A_760] : memref<10240x128xf32, #tpu.memory_space<hbm>> -> memref<10240x128xf32, #tpu.memory_space<hbm>>
      tpu.enqueue_indirect_dma source(%dma_start3A_761 : memref<10240x128xf32, #tpu.memory_space<hbm>>) target(%arg7 : memref<64x128xf32, #tpu.memory_space<vmem>>) offsets(%dma_start3A_758 : memref<64xi32, #tpu.memory_space<vmem>>) semaphore(%arg12 : memref<!tpu.dma_semaphore, #tpu.memory_space<semaphore_mem>>)
      %dma_wait3A_762 = arith.constant 0 : i32
      %dma_wait3A_763 = arith.constant 0 : i32
      %dma_wait3A_764 = tpu.memref_slice %arg2[%dma_wait3A_762, %dma_wait3A_763] : memref<10240x128xf32, #tpu.memory_space<hbm>> -> memref<64x128xf32, #tpu.memory_space<hbm>>
      %dma_wait3A_765 = arith.constant 0 : i32
      %dma_wait3A_766 = arith.constant 0 : i32
      %dma_wait3A_767 = tpu.memref_slice %arg2[%dma_wait3A_765, %dma_wait3A_766] : memref<10240x128xf32, #tpu.memory_space<hbm>> -> memref<64x128xf32, #tpu.memory_space<hbm>>
      tpu.wait_dma2 semaphore(%arg17 : memref<!tpu.dma_semaphore, #tpu.memory_space<semaphore_mem>>) src(%dma_wait3A_767 : memref<64x128xf32, #tpu.memory_space<hbm>>) dst(%arg8 : memref<64x128xf32, #tpu.memory_space<vmem>>)
      %dma_start3A_768 = arith.constant 0 : i32
      %dma_start3A_769 = arith.constant 0 : i32
      %dma_start3A_770 = arith.constant 1 : i32
      %dma_start3A_771 = arith.constant 0 : i32
      %dma_start3A_772 = tpu.memref_slice %arg6[%dma_start3A_768, %dma_start3A_769, %dma_start3A_770, %dma_start3A_771] : memref<4x2x2x64xi32, #tpu.memory_space<vmem>> -> memref<1x1x1x64xi32, #tpu.memory_space<vmem>>
      %dma_start3A_773 = tpu.memref_squeeze %dma_start3A_772 : memref<1x1x1x64xi32, #tpu.memory_space<vmem>> -> memref<64xi32, #tpu.memory_space<vmem>>
      %dma_start3A_774 = arith.constant 0 : i32
      %dma_start3A_775 = arith.constant 0 : i32
      %dma_start3A_776 = tpu.memref_slice %arg2[%dma_start3A_774, %dma_start3A_775] : memref<10240x128xf32, #tpu.memory_space<hbm>> -> memref<10240x128xf32, #tpu.memory_space<hbm>>
      tpu.enqueue_indirect_dma source(%dma_start3A_776 : memref<10240x128xf32, #tpu.memory_space<hbm>>) target(%arg8 : memref<64x128xf32, #tpu.memory_space<vmem>>) offsets(%dma_start3A_773 : memref<64xi32, #tpu.memory_space<vmem>>) semaphore(%arg13 : memref<!tpu.dma_semaphore, #tpu.memory_space<semaphore_mem>>)
      %dma_wait3A_777 = arith.constant 0 : i32
      %dma_wait3A_778 = arith.constant 0 : i32
      %dma_wait3A_779 = tpu.memref_slice %arg2[%dma_wait3A_777, %dma_wait3A_778] : memref<10240x128xf32, #tpu.memory_space<hbm>> -> memref<64x128xf32, #tpu.memory_space<hbm>>
      %dma_wait3A_780 = arith.constant 0 : i32
      %dma_wait3A_781 = arith.constant 0 : i32
      %dma_wait3A_782 = tpu.memref_slice %arg2[%dma_wait3A_780, %dma_wait3A_781] : memref<10240x128xf32, #tpu.memory_space<hbm>> -> memref<64x128xf32, #tpu.memory_space<hbm>>
      tpu.wait_dma2 semaphore(%arg18 : memref<!tpu.dma_semaphore, #tpu.memory_space<semaphore_mem>>) src(%dma_wait3A_782 : memref<64x128xf32, #tpu.memory_space<hbm>>) dst(%arg9 : memref<64x128xf32, #tpu.memory_space<vmem>>)
      %dma_start3A_783 = arith.constant 1 : i32
      %dma_start3A_784 = arith.constant 0 : i32
      %dma_start3A_785 = arith.constant 0 : i32
      %dma_start3A_786 = arith.constant 0 : i32
      %dma_start3A_787 = tpu.memref_slice %arg6[%dma_start3A_783, %dma_start3A_784, %dma_start3A_785, %dma_start3A_786] : memref<4x2x2x64xi32, #tpu.memory_space<vmem>> -> memref<1x1x1x64xi32, #tpu.memory_space<vmem>>
      %dma_start3A_788 = tpu.memref_squeeze %dma_start3A_787 : memref<1x1x1x64xi32, #tpu.memory_space<vmem>> -> memref<64xi32, #tpu.memory_space<vmem>>
      %dma_start3A_789 = arith.constant 0 : i32
      %dma_start3A_790 = arith.constant 0 : i32
      %dma_start3A_791 = tpu.memref_slice %arg2[%dma_start3A_789, %dma_start3A_790] : memref<10240x128xf32, #tpu.memory_space<hbm>> -> memref<10240x128xf32, #tpu.memory_space<hbm>>
      tpu.enqueue_indirect_dma source(%dma_start3A_791 : memref<10240x128xf32, #tpu.memory_space<hbm>>) target(%arg9 : memref<64x128xf32, #tpu.memory_space<vmem>>) offsets(%dma_start3A_788 : memref<64xi32, #tpu.memory_space<vmem>>) semaphore(%arg14 : memref<!tpu.dma_semaphore, #tpu.memory_space<semaphore_mem>>)
      %dma_wait3A_792 = arith.constant 0 : i32
      %dma_wait3A_793 = arith.constant 0 : i32
      %dma_wait3A_794 = tpu.memref_slice %arg2[%dma_wait3A_792, %dma_wait3A_793] : memref<10240x128xf32, #tpu.memory_space<hbm>> -> memref<64x128xf32, #tpu.memory_space<hbm>>
      %dma_wait3A_795 = arith.constant 0 : i32
      %dma_wait3A_796 = arith.constant 0 : i32
      %dma_wait3A_797 = tpu.memref_slice %arg2[%dma_wait3A_795, %dma_wait3A_796] : memref<10240x128xf32, #tpu.memory_space<hbm>> -> memref<64x128xf32, #tpu.memory_space<hbm>>
      tpu.wait_dma2 semaphore(%arg19 : memref<!tpu.dma_semaphore, #tpu.memory_space<semaphore_mem>>) src(%dma_wait3A_797 : memref<64x128xf32, #tpu.memory_space<hbm>>) dst(%arg10 : memref<64x128xf32, #tpu.memory_space<vmem>>)
      %dma_start3A_798 = arith.constant 1 : i32
      %dma_start3A_799 = arith.constant 0 : i32
      %dma_start3A_800 = arith.constant 1 : i32
      %dma_start3A_801 = arith.constant 0 : i32
      %dma_start3A_802 = tpu.memref_slice %arg6[%dma_start3A_798, %dma_start3A_799, %dma_start3A_800, %dma_start3A_801] : memref<4x2x2x64xi32, #tpu.memory_space<vmem>> -> memref<1x1x1x64xi32, #tpu.memory_space<vmem>>
      %dma_start3A_803 = tpu.memref_squeeze %dma_start3A_802 : memref<1x1x1x64xi32, #tpu.memory_space<vmem>> -> memref<64xi32, #tpu.memory_space<vmem>>
      %dma_start3A_804 = arith.constant 0 : i32
      %dma_start3A_805 = arith.constant 0 : i32
      %dma_start3A_806 = tpu.memref_slice %arg2[%dma_start3A_804, %dma_start3A_805] : memref<10240x128xf32, #tpu.memory_space<hbm>> -> memref<10240x128xf32, #tpu.memory_space<hbm>>
      tpu.enqueue_indirect_dma source(%dma_start3A_806 : memref<10240x128xf32, #tpu.memory_space<hbm>>) target(%arg10 : memref<64x128xf32, #tpu.memory_space<vmem>>) offsets(%dma_start3A_803 : memref<64xi32, #tpu.memory_space<vmem>>) semaphore(%arg15 : memref<!tpu.dma_semaphore, #tpu.memory_space<semaphore_mem>>)
      %mul3A_807 = arith.constant 2 : i32
      %mul3A_808 = arith.muli %mul3A_807, %add3A_642 : i32
      %add3A_809 = arith.constant 4 : i32
      %add3A_810 = arith.addi %mul3A_808, %add3A_809 : i32
      %dma_start3A_811 = arith.constant 2 : i32
      %dma_start3A_812 = arith.constant 0 : i32
      %dma_start3A_813 = arith.constant 0 : i32
      %dma_start3A_814 = arith.constant 0 : i32
      %dma_start3A_815 = tpu.memref_slice %arg6[%dma_start3A_811, %dma_start3A_812, %dma_start3A_813, %dma_start3A_814] : memref<4x2x2x64xi32, #tpu.memory_space<vmem>> -> memref<1x2x2x64xi32, #tpu.memory_space<vmem>>
      %dma_start3A_816 = tpu.memref_squeeze %dma_start3A_815 : memref<1x2x2x64xi32, #tpu.memory_space<vmem>> -> memref<2x2x64xi32, #tpu.memory_space<vmem>>
      %dma_start3A_817 = arith.constant 0 : i32
      %dma_start3A_818 = arith.constant 0 : i32
      %dma_start3A_819 = arith.constant 0 : i32
      %dma_start3A_820 = tpu.memref_slice %arg3[%add3A, %add3A_810, %dma_start3A_817, %dma_start3A_818, %dma_start3A_819] : memref<32x80x2x2x64xi32, #tpu.memory_space<hbm>> -> memref<1x1x2x2x64xi32, #tpu.memory_space<hbm>>
      %dma_start3A_821 = tpu.memref_squeeze %dma_start3A_820 : memref<1x1x2x2x64xi32, #tpu.memory_space<hbm>> -> memref<2x2x64xi32, #tpu.memory_space<hbm>>
      %dma_start3A_822 = arith.constant 0 : i32
      %dma_start3A_823 = arith.constant 0 : i32
      %dma_start3A_824 = arith.constant 0 : i32
      %dma_start3A_825 = tpu.memref_slice %arg6[%dma_start3A_811, %dma_start3A_822, %dma_start3A_823, %dma_start3A_824] : memref<4x2x2x64xi32, #tpu.memory_space<vmem>> -> memref<1x2x2x64xi32, #tpu.memory_space<vmem>>
      %dma_start3A_826 = tpu.memref_squeeze %dma_start3A_825 : memref<1x2x2x64xi32, #tpu.memory_space<vmem>> -> memref<2x2x64xi32, #tpu.memory_space<vmem>>
      %dma_start3A_827 = arith.constant 0 : i32
      %dma_start3A_828 = arith.constant 0 : i32
      %dma_start3A_829 = arith.constant 0 : i32
      %dma_start3A_830 = tpu.memref_slice %arg3[%add3A, %add3A_810, %dma_start3A_827, %dma_start3A_828, %dma_start3A_829] : memref<32x80x2x2x64xi32, #tpu.memory_space<hbm>> -> memref<1x1x2x2x64xi32, #tpu.memory_space<hbm>>
      %dma_start3A_831 = tpu.memref_squeeze %dma_start3A_830 : memref<1x1x2x2x64xi32, #tpu.memory_space<hbm>> -> memref<2x2x64xi32, #tpu.memory_space<hbm>>
      tpu.enqueue_dma source(%dma_start3A_831 : memref<2x2x64xi32, #tpu.memory_space<hbm>>) target(%dma_start3A_826 : memref<2x2x64xi32, #tpu.memory_space<vmem>>) target_semaphore(%arg22 : memref<!tpu.dma_semaphore, #tpu.memory_space<semaphore_mem>>)
      %mul3A_832 = arith.constant 2 : i32
      %mul3A_833 = arith.muli %mul3A_832, %add3A_642 : i32
      %add3A_834 = arith.constant 5 : i32
      %add3A_835 = arith.addi %mul3A_833, %add3A_834 : i32
      %dma_start3A_836 = arith.constant 3 : i32
      %dma_start3A_837 = arith.constant 0 : i32
      %dma_start3A_838 = arith.constant 0 : i32
      %dma_start3A_839 = arith.constant 0 : i32
      %dma_start3A_840 = tpu.memref_slice %arg6[%dma_start3A_836, %dma_start3A_837, %dma_start3A_838, %dma_start3A_839] : memref<4x2x2x64xi32, #tpu.memory_space<vmem>> -> memref<1x2x2x64xi32, #tpu.memory_space<vmem>>
      %dma_start3A_841 = tpu.memref_squeeze %dma_start3A_840 : memref<1x2x2x64xi32, #tpu.memory_space<vmem>> -> memref<2x2x64xi32, #tpu.memory_space<vmem>>
      %dma_start3A_842 = arith.constant 0 : i32
      %dma_start3A_843 = arith.constant 0 : i32
      %dma_start3A_844 = arith.constant 0 : i32
      %dma_start3A_845 = tpu.memref_slice %arg3[%add3A, %add3A_835, %dma_start3A_842, %dma_start3A_843, %dma_start3A_844] : memref<32x80x2x2x64xi32, #tpu.memory_space<hbm>> -> memref<1x1x2x2x64xi32, #tpu.memory_space<hbm>>
      %dma_start3A_846 = tpu.memref_squeeze %dma_start3A_845 : memref<1x1x2x2x64xi32, #tpu.memory_space<hbm>> -> memref<2x2x64xi32, #tpu.memory_space<hbm>>
      %dma_start3A_847 = arith.constant 0 : i32
      %dma_start3A_848 = arith.constant 0 : i32
      %dma_start3A_849 = arith.constant 0 : i32
      %dma_start3A_850 = tpu.memref_slice %arg6[%dma_start3A_836, %dma_start3A_847, %dma_start3A_848, %dma_start3A_849] : memref<4x2x2x64xi32, #tpu.memory_space<vmem>> -> memref<1x2x2x64xi32, #tpu.memory_space<vmem>>
      %dma_start3A_851 = tpu.memref_squeeze %dma_start3A_850 : memref<1x2x2x64xi32, #tpu.memory_space<vmem>> -> memref<2x2x64xi32, #tpu.memory_space<vmem>>
      %dma_start3A_852 = arith.constant 0 : i32
      %dma_start3A_853 = arith.constant 0 : i32
      %dma_start3A_854 = arith.constant 0 : i32
      %dma_start3A_855 = tpu.memref_slice %arg3[%add3A, %add3A_835, %dma_start3A_852, %dma_start3A_853, %dma_start3A_854] : memref<32x80x2x2x64xi32, #tpu.memory_space<hbm>> -> memref<1x1x2x2x64xi32, #tpu.memory_space<hbm>>
      %dma_start3A_856 = tpu.memref_squeeze %dma_start3A_855 : memref<1x1x2x2x64xi32, #tpu.memory_space<hbm>> -> memref<2x2x64xi32, #tpu.memory_space<hbm>>
      tpu.enqueue_dma source(%dma_start3A_856 : memref<2x2x64xi32, #tpu.memory_space<hbm>>) target(%dma_start3A_851 : memref<2x2x64xi32, #tpu.memory_space<vmem>>) target_semaphore(%arg23 : memref<!tpu.dma_semaphore, #tpu.memory_space<semaphore_mem>>)
    }
    %scan3A_172 = arith.constant 19 : i32
    %dma_wait3A_173 = arith.constant 0 : i32
    %dma_wait3A_174 = arith.constant 2 : i32
    %dma_wait3A_175 = arith.constant 0 : i32
    %dma_wait3A_176 = arith.constant 0 : i32
    %dma_wait3A_177 = arith.constant 0 : i32
    %dma_wait3A_178 = tpu.memref_slice %arg6[%dma_wait3A_174, %dma_wait3A_175, %dma_wait3A_176, %dma_wait3A_177] : memref<4x2x2x64xi32, #tpu.memory_space<vmem>> -> memref<1x2x2x64xi32, #tpu.memory_space<vmem>>
    %dma_wait3A_179 = tpu.memref_squeeze %dma_wait3A_178 : memref<1x2x2x64xi32, #tpu.memory_space<vmem>> -> memref<2x2x64xi32, #tpu.memory_space<vmem>>
    %dma_wait3A_180 = arith.constant 0 : i32
    %dma_wait3A_181 = arith.constant 0 : i32
    %dma_wait3A_182 = arith.constant 0 : i32
    %dma_wait3A_183 = tpu.memref_slice %arg3[%add3A, %dma_wait3A_173, %dma_wait3A_180, %dma_wait3A_181, %dma_wait3A_182] : memref<32x80x2x2x64xi32, #tpu.memory_space<hbm>> -> memref<1x1x2x2x64xi32, #tpu.memory_space<hbm>>
    %dma_wait3A_184 = tpu.memref_squeeze %dma_wait3A_183 : memref<1x1x2x2x64xi32, #tpu.memory_space<hbm>> -> memref<2x2x64xi32, #tpu.memory_space<hbm>>
    %dma_wait3A_185 = arith.constant 0 : i32
    %dma_wait3A_186 = arith.constant 0 : i32
    %dma_wait3A_187 = arith.constant 0 : i32
    %dma_wait3A_188 = tpu.memref_slice %arg6[%dma_wait3A_174, %dma_wait3A_185, %dma_wait3A_186, %dma_wait3A_187] : memref<4x2x2x64xi32, #tpu.memory_space<vmem>> -> memref<1x2x2x64xi32, #tpu.memory_space<vmem>>
    %dma_wait3A_189 = tpu.memref_squeeze %dma_wait3A_188 : memref<1x2x2x64xi32, #tpu.memory_space<vmem>> -> memref<2x2x64xi32, #tpu.memory_space<vmem>>
    %dma_wait3A_190 = arith.constant 0 : i32
    %dma_wait3A_191 = arith.constant 0 : i32
    %dma_wait3A_192 = arith.constant 0 : i32
    %dma_wait3A_193 = tpu.memref_slice %arg3[%add3A, %dma_wait3A_173, %dma_wait3A_190, %dma_wait3A_191, %dma_wait3A_192] : memref<32x80x2x2x64xi32, #tpu.memory_space<hbm>> -> memref<1x1x2x2x64xi32, #tpu.memory_space<hbm>>
    %dma_wait3A_194 = tpu.memref_squeeze %dma_wait3A_193 : memref<1x1x2x2x64xi32, #tpu.memory_space<hbm>> -> memref<2x2x64xi32, #tpu.memory_space<hbm>>
    tpu.wait_dma2 semaphore(%arg22 : memref<!tpu.dma_semaphore, #tpu.memory_space<semaphore_mem>>) src(%dma_wait3A_194 : memref<2x2x64xi32, #tpu.memory_space<hbm>>) dst(%dma_wait3A_189 : memref<2x2x64xi32, #tpu.memory_space<vmem>>)
    %dma_wait3A_195 = arith.constant 0 : i32
    %dma_wait3A_196 = arith.constant 3 : i32
    %dma_wait3A_197 = arith.constant 0 : i32
    %dma_wait3A_198 = arith.constant 0 : i32
    %dma_wait3A_199 = arith.constant 0 : i32
    %dma_wait3A_200 = tpu.memref_slice %arg6[%dma_wait3A_196, %dma_wait3A_197, %dma_wait3A_198, %dma_wait3A_199] : memref<4x2x2x64xi32, #tpu.memory_space<vmem>> -> memref<1x2x2x64xi32, #tpu.memory_space<vmem>>
    %dma_wait3A_201 = tpu.memref_squeeze %dma_wait3A_200 : memref<1x2x2x64xi32, #tpu.memory_space<vmem>> -> memref<2x2x64xi32, #tpu.memory_space<vmem>>
    %dma_wait3A_202 = arith.constant 0 : i32
    %dma_wait3A_203 = arith.constant 0 : i32
    %dma_wait3A_204 = arith.constant 0 : i32
    %dma_wait3A_205 = tpu.memref_slice %arg3[%add3A, %dma_wait3A_195, %dma_wait3A_202, %dma_wait3A_203, %dma_wait3A_204] : memref<32x80x2x2x64xi32, #tpu.memory_space<hbm>> -> memref<1x1x2x2x64xi32, #tpu.memory_space<hbm>>
    %dma_wait3A_206 = tpu.memref_squeeze %dma_wait3A_205 : memref<1x1x2x2x64xi32, #tpu.memory_space<hbm>> -> memref<2x2x64xi32, #tpu.memory_space<hbm>>
    %dma_wait3A_207 = arith.constant 0 : i32
    %dma_wait3A_208 = arith.constant 0 : i32
    %dma_wait3A_209 = arith.constant 0 : i32
    %dma_wait3A_210 = tpu.memref_slice %arg6[%dma_wait3A_196, %dma_wait3A_207, %dma_wait3A_208, %dma_wait3A_209] : memref<4x2x2x64xi32, #tpu.memory_space<vmem>> -> memref<1x2x2x64xi32, #tpu.memory_space<vmem>>
    %dma_wait3A_211 = tpu.memref_squeeze %dma_wait3A_210 : memref<1x2x2x64xi32, #tpu.memory_space<vmem>> -> memref<2x2x64xi32, #tpu.memory_space<vmem>>
    %dma_wait3A_212 = arith.constant 0 : i32
    %dma_wait3A_213 = arith.constant 0 : i32
    %dma_wait3A_214 = arith.constant 0 : i32
    %dma_wait3A_215 = tpu.memref_slice %arg3[%add3A, %dma_wait3A_195, %dma_wait3A_212, %dma_wait3A_213, %dma_wait3A_214] : memref<32x80x2x2x64xi32, #tpu.memory_space<hbm>> -> memref<1x1x2x2x64xi32, #tpu.memory_space<hbm>>
    %dma_wait3A_216 = tpu.memref_squeeze %dma_wait3A_215 : memref<1x1x2x2x64xi32, #tpu.memory_space<hbm>> -> memref<2x2x64xi32, #tpu.memory_space<hbm>>
    tpu.wait_dma2 semaphore(%arg23 : memref<!tpu.dma_semaphore, #tpu.memory_space<semaphore_mem>>) src(%dma_wait3A_216 : memref<2x2x64xi32, #tpu.memory_space<hbm>>) dst(%dma_wait3A_211 : memref<2x2x64xi32, #tpu.memory_space<vmem>>)
    %dma_wait3A_217 = arith.constant 0 : i32
    %dma_wait3A_218 = arith.constant 0 : i32
    %dma_wait3A_219 = tpu.memref_slice %arg2[%dma_wait3A_217, %dma_wait3A_218] : memref<10240x128xf32, #tpu.memory_space<hbm>> -> memref<64x128xf32, #tpu.memory_space<hbm>>
    %dma_wait3A_220 = arith.constant 0 : i32
    %dma_wait3A_221 = arith.constant 0 : i32
    %dma_wait3A_222 = tpu.memref_slice %arg2[%dma_wait3A_220, %dma_wait3A_221] : memref<10240x128xf32, #tpu.memory_space<hbm>> -> memref<64x128xf32, #tpu.memory_space<hbm>>
    tpu.wait_dma2 semaphore(%arg12 : memref<!tpu.dma_semaphore, #tpu.memory_space<semaphore_mem>>) src(%dma_wait3A_222 : memref<64x128xf32, #tpu.memory_space<hbm>>) dst(%arg7 : memref<64x128xf32, #tpu.memory_space<vmem>>)
    %dma_start3A_223 = arith.constant 0 : i32
    %dma_start3A_224 = arith.constant 1 : i32
    %dma_start3A_225 = arith.constant 0 : i32
    %dma_start3A_226 = arith.constant 0 : i32
    %dma_start3A_227 = tpu.memref_slice %arg6[%dma_start3A_223, %dma_start3A_224, %dma_start3A_225, %dma_start3A_226] : memref<4x2x2x64xi32, #tpu.memory_space<vmem>> -> memref<1x1x1x64xi32, #tpu.memory_space<vmem>>
    %dma_start3A_228 = tpu.memref_squeeze %dma_start3A_227 : memref<1x1x1x64xi32, #tpu.memory_space<vmem>> -> memref<64xi32, #tpu.memory_space<vmem>>
    %dma_start3A_229 = arith.constant 0 : i32
    %dma_start3A_230 = arith.constant 0 : i32
    %dma_start3A_231 = tpu.memref_slice %arg11[%dma_start3A_229, %dma_start3A_230] : memref<10240x128xf32, #tpu.memory_space<vmem_shared>> -> memref<10240x128xf32, #tpu.memory_space<vmem_shared>>
    tpu.enqueue_indirect_dma source(%arg7 : memref<64x128xf32, #tpu.memory_space<vmem>>) target(%dma_start3A_231 : memref<10240x128xf32, #tpu.memory_space<vmem_shared>>) offsets(%dma_start3A_228 : memref<64xi32, #tpu.memory_space<vmem>>) semaphore(%arg16 : memref<!tpu.dma_semaphore, #tpu.memory_space<semaphore_mem>>) {add = true}
    %dma_wait3A_232 = arith.constant 0 : i32
    %dma_wait3A_233 = arith.constant 0 : i32
    %dma_wait3A_234 = tpu.memref_slice %arg2[%dma_wait3A_232, %dma_wait3A_233] : memref<10240x128xf32, #tpu.memory_space<hbm>> -> memref<64x128xf32, #tpu.memory_space<hbm>>
    %dma_wait3A_235 = arith.constant 0 : i32
    %dma_wait3A_236 = arith.constant 0 : i32
    %dma_wait3A_237 = tpu.memref_slice %arg2[%dma_wait3A_235, %dma_wait3A_236] : memref<10240x128xf32, #tpu.memory_space<hbm>> -> memref<64x128xf32, #tpu.memory_space<hbm>>
    tpu.wait_dma2 semaphore(%arg13 : memref<!tpu.dma_semaphore, #tpu.memory_space<semaphore_mem>>) src(%dma_wait3A_237 : memref<64x128xf32, #tpu.memory_space<hbm>>) dst(%arg8 : memref<64x128xf32, #tpu.memory_space<vmem>>)
    %dma_start3A_238 = arith.constant 0 : i32
    %dma_start3A_239 = arith.constant 1 : i32
    %dma_start3A_240 = arith.constant 1 : i32
    %dma_start3A_241 = arith.constant 0 : i32
    %dma_start3A_242 = tpu.memref_slice %arg6[%dma_start3A_238, %dma_start3A_239, %dma_start3A_240, %dma_start3A_241] : memref<4x2x2x64xi32, #tpu.memory_space<vmem>> -> memref<1x1x1x64xi32, #tpu.memory_space<vmem>>
    %dma_start3A_243 = tpu.memref_squeeze %dma_start3A_242 : memref<1x1x1x64xi32, #tpu.memory_space<vmem>> -> memref<64xi32, #tpu.memory_space<vmem>>
    %dma_start3A_244 = arith.constant 0 : i32
    %dma_start3A_245 = arith.constant 0 : i32
    %dma_start3A_246 = tpu.memref_slice %arg11[%dma_start3A_244, %dma_start3A_245] : memref<10240x128xf32, #tpu.memory_space<vmem_shared>> -> memref<10240x128xf32, #tpu.memory_space<vmem_shared>>
    tpu.enqueue_indirect_dma source(%arg8 : memref<64x128xf32, #tpu.memory_space<vmem>>) target(%dma_start3A_246 : memref<10240x128xf32, #tpu.memory_space<vmem_shared>>) offsets(%dma_start3A_243 : memref<64xi32, #tpu.memory_space<vmem>>) semaphore(%arg17 : memref<!tpu.dma_semaphore, #tpu.memory_space<semaphore_mem>>) {add = true}
    %dma_wait3A_247 = arith.constant 0 : i32
    %dma_wait3A_248 = arith.constant 0 : i32
    %dma_wait3A_249 = tpu.memref_slice %arg2[%dma_wait3A_247, %dma_wait3A_248] : memref<10240x128xf32, #tpu.memory_space<hbm>> -> memref<64x128xf32, #tpu.memory_space<hbm>>
    %dma_wait3A_250 = arith.constant 0 : i32
    %dma_wait3A_251 = arith.constant 0 : i32
    %dma_wait3A_252 = tpu.memref_slice %arg2[%dma_wait3A_250, %dma_wait3A_251] : memref<10240x128xf32, #tpu.memory_space<hbm>> -> memref<64x128xf32, #tpu.memory_space<hbm>>
    tpu.wait_dma2 semaphore(%arg14 : memref<!tpu.dma_semaphore, #tpu.memory_space<semaphore_mem>>) src(%dma_wait3A_252 : memref<64x128xf32, #tpu.memory_space<hbm>>) dst(%arg9 : memref<64x128xf32, #tpu.memory_space<vmem>>)
    %dma_start3A_253 = arith.constant 1 : i32
    %dma_start3A_254 = arith.constant 1 : i32
    %dma_start3A_255 = arith.constant 0 : i32
    %dma_start3A_256 = arith.constant 0 : i32
    %dma_start3A_257 = tpu.memref_slice %arg6[%dma_start3A_253, %dma_start3A_254, %dma_start3A_255, %dma_start3A_256] : memref<4x2x2x64xi32, #tpu.memory_space<vmem>> -> memref<1x1x1x64xi32, #tpu.memory_space<vmem>>
    %dma_start3A_258 = tpu.memref_squeeze %dma_start3A_257 : memref<1x1x1x64xi32, #tpu.memory_space<vmem>> -> memref<64xi32, #tpu.memory_space<vmem>>
    %dma_start3A_259 = arith.constant 0 : i32
    %dma_start3A_260 = arith.constant 0 : i32
    %dma_start3A_261 = tpu.memref_slice %arg11[%dma_start3A_259, %dma_start3A_260] : memref<10240x128xf32, #tpu.memory_space<vmem_shared>> -> memref<10240x128xf32, #tpu.memory_space<vmem_shared>>
    tpu.enqueue_indirect_dma source(%arg9 : memref<64x128xf32, #tpu.memory_space<vmem>>) target(%dma_start3A_261 : memref<10240x128xf32, #tpu.memory_space<vmem_shared>>) offsets(%dma_start3A_258 : memref<64xi32, #tpu.memory_space<vmem>>) semaphore(%arg18 : memref<!tpu.dma_semaphore, #tpu.memory_space<semaphore_mem>>) {add = true}
    %dma_wait3A_262 = arith.constant 0 : i32
    %dma_wait3A_263 = arith.constant 0 : i32
    %dma_wait3A_264 = tpu.memref_slice %arg2[%dma_wait3A_262, %dma_wait3A_263] : memref<10240x128xf32, #tpu.memory_space<hbm>> -> memref<64x128xf32, #tpu.memory_space<hbm>>
    %dma_wait3A_265 = arith.constant 0 : i32
    %dma_wait3A_266 = arith.constant 0 : i32
    %dma_wait3A_267 = tpu.memref_slice %arg2[%dma_wait3A_265, %dma_wait3A_266] : memref<10240x128xf32, #tpu.memory_space<hbm>> -> memref<64x128xf32, #tpu.memory_space<hbm>>
    tpu.wait_dma2 semaphore(%arg15 : memref<!tpu.dma_semaphore, #tpu.memory_space<semaphore_mem>>) src(%dma_wait3A_267 : memref<64x128xf32, #tpu.memory_space<hbm>>) dst(%arg10 : memref<64x128xf32, #tpu.memory_space<vmem>>)
    %dma_start3A_268 = arith.constant 1 : i32
    %dma_start3A_269 = arith.constant 1 : i32
    %dma_start3A_270 = arith.constant 1 : i32
    %dma_start3A_271 = arith.constant 0 : i32
    %dma_start3A_272 = tpu.memref_slice %arg6[%dma_start3A_268, %dma_start3A_269, %dma_start3A_270, %dma_start3A_271] : memref<4x2x2x64xi32, #tpu.memory_space<vmem>> -> memref<1x1x1x64xi32, #tpu.memory_space<vmem>>
    %dma_start3A_273 = tpu.memref_squeeze %dma_start3A_272 : memref<1x1x1x64xi32, #tpu.memory_space<vmem>> -> memref<64xi32, #tpu.memory_space<vmem>>
    %dma_start3A_274 = arith.constant 0 : i32
    %dma_start3A_275 = arith.constant 0 : i32
    %dma_start3A_276 = tpu.memref_slice %arg11[%dma_start3A_274, %dma_start3A_275] : memref<10240x128xf32, #tpu.memory_space<vmem_shared>> -> memref<10240x128xf32, #tpu.memory_space<vmem_shared>>
    tpu.enqueue_indirect_dma source(%arg10 : memref<64x128xf32, #tpu.memory_space<vmem>>) target(%dma_start3A_276 : memref<10240x128xf32, #tpu.memory_space<vmem_shared>>) offsets(%dma_start3A_273 : memref<64xi32, #tpu.memory_space<vmem>>) semaphore(%arg19 : memref<!tpu.dma_semaphore, #tpu.memory_space<semaphore_mem>>) {add = true}
    %dma_wait3A_277 = arith.constant 0 : i32
    %dma_wait3A_278 = arith.constant 0 : i32
    %dma_wait3A_279 = tpu.memref_slice %arg2[%dma_wait3A_277, %dma_wait3A_278] : memref<10240x128xf32, #tpu.memory_space<hbm>> -> memref<64x128xf32, #tpu.memory_space<hbm>>
    %dma_wait3A_280 = arith.constant 0 : i32
    %dma_wait3A_281 = arith.constant 0 : i32
    %dma_wait3A_282 = tpu.memref_slice %arg2[%dma_wait3A_280, %dma_wait3A_281] : memref<10240x128xf32, #tpu.memory_space<hbm>> -> memref<64x128xf32, #tpu.memory_space<hbm>>
    tpu.wait_dma2 semaphore(%arg16 : memref<!tpu.dma_semaphore, #tpu.memory_space<semaphore_mem>>) src(%dma_wait3A_282 : memref<64x128xf32, #tpu.memory_space<hbm>>) dst(%arg7 : memref<64x128xf32, #tpu.memory_space<vmem>>)
    %dma_start3A_283 = arith.constant 2 : i32
    %dma_start3A_284 = arith.constant 0 : i32
    %dma_start3A_285 = arith.constant 0 : i32
    %dma_start3A_286 = arith.constant 0 : i32
    %dma_start3A_287 = tpu.memref_slice %arg6[%dma_start3A_283, %dma_start3A_284, %dma_start3A_285, %dma_start3A_286] : memref<4x2x2x64xi32, #tpu.memory_space<vmem>> -> memref<1x1x1x64xi32, #tpu.memory_space<vmem>>
    %dma_start3A_288 = tpu.memref_squeeze %dma_start3A_287 : memref<1x1x1x64xi32, #tpu.memory_space<vmem>> -> memref<64xi32, #tpu.memory_space<vmem>>
    %dma_start3A_289 = arith.constant 0 : i32
    %dma_start3A_290 = arith.constant 0 : i32
    %dma_start3A_291 = tpu.memref_slice %arg2[%dma_start3A_289, %dma_start3A_290] : memref<10240x128xf32, #tpu.memory_space<hbm>> -> memref<10240x128xf32, #tpu.memory_space<hbm>>
    tpu.enqueue_indirect_dma source(%dma_start3A_291 : memref<10240x128xf32, #tpu.memory_space<hbm>>) target(%arg7 : memref<64x128xf32, #tpu.memory_space<vmem>>) offsets(%dma_start3A_288 : memref<64xi32, #tpu.memory_space<vmem>>) semaphore(%arg12 : memref<!tpu.dma_semaphore, #tpu.memory_space<semaphore_mem>>)
    %dma_wait3A_292 = arith.constant 0 : i32
    %dma_wait3A_293 = arith.constant 0 : i32
    %dma_wait3A_294 = tpu.memref_slice %arg2[%dma_wait3A_292, %dma_wait3A_293] : memref<10240x128xf32, #tpu.memory_space<hbm>> -> memref<64x128xf32, #tpu.memory_space<hbm>>
    %dma_wait3A_295 = arith.constant 0 : i32
    %dma_wait3A_296 = arith.constant 0 : i32
    %dma_wait3A_297 = tpu.memref_slice %arg2[%dma_wait3A_295, %dma_wait3A_296] : memref<10240x128xf32, #tpu.memory_space<hbm>> -> memref<64x128xf32, #tpu.memory_space<hbm>>
    tpu.wait_dma2 semaphore(%arg17 : memref<!tpu.dma_semaphore, #tpu.memory_space<semaphore_mem>>) src(%dma_wait3A_297 : memref<64x128xf32, #tpu.memory_space<hbm>>) dst(%arg8 : memref<64x128xf32, #tpu.memory_space<vmem>>)
    %dma_start3A_298 = arith.constant 2 : i32
    %dma_start3A_299 = arith.constant 0 : i32
    %dma_start3A_300 = arith.constant 1 : i32
    %dma_start3A_301 = arith.constant 0 : i32
    %dma_start3A_302 = tpu.memref_slice %arg6[%dma_start3A_298, %dma_start3A_299, %dma_start3A_300, %dma_start3A_301] : memref<4x2x2x64xi32, #tpu.memory_space<vmem>> -> memref<1x1x1x64xi32, #tpu.memory_space<vmem>>
    %dma_start3A_303 = tpu.memref_squeeze %dma_start3A_302 : memref<1x1x1x64xi32, #tpu.memory_space<vmem>> -> memref<64xi32, #tpu.memory_space<vmem>>
    %dma_start3A_304 = arith.constant 0 : i32
    %dma_start3A_305 = arith.constant 0 : i32
    %dma_start3A_306 = tpu.memref_slice %arg2[%dma_start3A_304, %dma_start3A_305] : memref<10240x128xf32, #tpu.memory_space<hbm>> -> memref<10240x128xf32, #tpu.memory_space<hbm>>
    tpu.enqueue_indirect_dma source(%dma_start3A_306 : memref<10240x128xf32, #tpu.memory_space<hbm>>) target(%arg8 : memref<64x128xf32, #tpu.memory_space<vmem>>) offsets(%dma_start3A_303 : memref<64xi32, #tpu.memory_space<vmem>>) semaphore(%arg13 : memref<!tpu.dma_semaphore, #tpu.memory_space<semaphore_mem>>)
    %dma_wait3A_307 = arith.constant 0 : i32
    %dma_wait3A_308 = arith.constant 0 : i32
    %dma_wait3A_309 = tpu.memref_slice %arg2[%dma_wait3A_307, %dma_wait3A_308] : memref<10240x128xf32, #tpu.memory_space<hbm>> -> memref<64x128xf32, #tpu.memory_space<hbm>>
    %dma_wait3A_310 = arith.constant 0 : i32
    %dma_wait3A_311 = arith.constant 0 : i32
    %dma_wait3A_312 = tpu.memref_slice %arg2[%dma_wait3A_310, %dma_wait3A_311] : memref<10240x128xf32, #tpu.memory_space<hbm>> -> memref<64x128xf32, #tpu.memory_space<hbm>>
    tpu.wait_dma2 semaphore(%arg18 : memref<!tpu.dma_semaphore, #tpu.memory_space<semaphore_mem>>) src(%dma_wait3A_312 : memref<64x128xf32, #tpu.memory_space<hbm>>) dst(%arg9 : memref<64x128xf32, #tpu.memory_space<vmem>>)
    %dma_start3A_313 = arith.constant 3 : i32
    %dma_start3A_314 = arith.constant 0 : i32
    %dma_start3A_315 = arith.constant 0 : i32
    %dma_start3A_316 = arith.constant 0 : i32
    %dma_start3A_317 = tpu.memref_slice %arg6[%dma_start3A_313, %dma_start3A_314, %dma_start3A_315, %dma_start3A_316] : memref<4x2x2x64xi32, #tpu.memory_space<vmem>> -> memref<1x1x1x64xi32, #tpu.memory_space<vmem>>
    %dma_start3A_318 = tpu.memref_squeeze %dma_start3A_317 : memref<1x1x1x64xi32, #tpu.memory_space<vmem>> -> memref<64xi32, #tpu.memory_space<vmem>>
    %dma_start3A_319 = arith.constant 0 : i32
    %dma_start3A_320 = arith.constant 0 : i32
    %dma_start3A_321 = tpu.memref_slice %arg2[%dma_start3A_319, %dma_start3A_320] : memref<10240x128xf32, #tpu.memory_space<hbm>> -> memref<10240x128xf32, #tpu.memory_space<hbm>>
    tpu.enqueue_indirect_dma source(%dma_start3A_321 : memref<10240x128xf32, #tpu.memory_space<hbm>>) target(%arg9 : memref<64x128xf32, #tpu.memory_space<vmem>>) offsets(%dma_start3A_318 : memref<64xi32, #tpu.memory_space<vmem>>) semaphore(%arg14 : memref<!tpu.dma_semaphore, #tpu.memory_space<semaphore_mem>>)
    %dma_wait3A_322 = arith.constant 0 : i32
    %dma_wait3A_323 = arith.constant 0 : i32
    %dma_wait3A_324 = tpu.memref_slice %arg2[%dma_wait3A_322, %dma_wait3A_323] : memref<10240x128xf32, #tpu.memory_space<hbm>> -> memref<64x128xf32, #tpu.memory_space<hbm>>
    %dma_wait3A_325 = arith.constant 0 : i32
    %dma_wait3A_326 = arith.constant 0 : i32
    %dma_wait3A_327 = tpu.memref_slice %arg2[%dma_wait3A_325, %dma_wait3A_326] : memref<10240x128xf32, #tpu.memory_space<hbm>> -> memref<64x128xf32, #tpu.memory_space<hbm>>
    tpu.wait_dma2 semaphore(%arg19 : memref<!tpu.dma_semaphore, #tpu.memory_space<semaphore_mem>>) src(%dma_wait3A_327 : memref<64x128xf32, #tpu.memory_space<hbm>>) dst(%arg10 : memref<64x128xf32, #tpu.memory_space<vmem>>)
    %dma_start3A_328 = arith.constant 3 : i32
    %dma_start3A_329 = arith.constant 0 : i32
    %dma_start3A_330 = arith.constant 1 : i32
    %dma_start3A_331 = arith.constant 0 : i32
    %dma_start3A_332 = tpu.memref_slice %arg6[%dma_start3A_328, %dma_start3A_329, %dma_start3A_330, %dma_start3A_331] : memref<4x2x2x64xi32, #tpu.memory_space<vmem>> -> memref<1x1x1x64xi32, #tpu.memory_space<vmem>>
    %dma_start3A_333 = tpu.memref_squeeze %dma_start3A_332 : memref<1x1x1x64xi32, #tpu.memory_space<vmem>> -> memref<64xi32, #tpu.memory_space<vmem>>
    %dma_start3A_334 = arith.constant 0 : i32
    %dma_start3A_335 = arith.constant 0 : i32
    %dma_start3A_336 = tpu.memref_slice %arg2[%dma_start3A_334, %dma_start3A_335] : memref<10240x128xf32, #tpu.memory_space<hbm>> -> memref<10240x128xf32, #tpu.memory_space<hbm>>
    tpu.enqueue_indirect_dma source(%dma_start3A_336 : memref<10240x128xf32, #tpu.memory_space<hbm>>) target(%arg10 : memref<64x128xf32, #tpu.memory_space<vmem>>) offsets(%dma_start3A_333 : memref<64xi32, #tpu.memory_space<vmem>>) semaphore(%arg15 : memref<!tpu.dma_semaphore, #tpu.memory_space<semaphore_mem>>)
    %dma_wait3A_337 = arith.constant 0 : i32
    %dma_wait3A_338 = arith.constant 0 : i32
    %dma_wait3A_339 = tpu.memref_slice %arg2[%dma_wait3A_337, %dma_wait3A_338] : memref<10240x128xf32, #tpu.memory_space<hbm>> -> memref<64x128xf32, #tpu.memory_space<hbm>>
    %dma_wait3A_340 = arith.constant 0 : i32
    %dma_wait3A_341 = arith.constant 0 : i32
    %dma_wait3A_342 = tpu.memref_slice %arg2[%dma_wait3A_340, %dma_wait3A_341] : memref<10240x128xf32, #tpu.memory_space<hbm>> -> memref<64x128xf32, #tpu.memory_space<hbm>>
    tpu.wait_dma2 semaphore(%arg12 : memref<!tpu.dma_semaphore, #tpu.memory_space<semaphore_mem>>) src(%dma_wait3A_342 : memref<64x128xf32, #tpu.memory_space<hbm>>) dst(%arg7 : memref<64x128xf32, #tpu.memory_space<vmem>>)
    %dma_start3A_343 = arith.constant 2 : i32
    %dma_start3A_344 = arith.constant 1 : i32
    %dma_start3A_345 = arith.constant 0 : i32
    %dma_start3A_346 = arith.constant 0 : i32
    %dma_start3A_347 = tpu.memref_slice %arg6[%dma_start3A_343, %dma_start3A_344, %dma_start3A_345, %dma_start3A_346] : memref<4x2x2x64xi32, #tpu.memory_space<vmem>> -> memref<1x1x1x64xi32, #tpu.memory_space<vmem>>
    %dma_start3A_348 = tpu.memref_squeeze %dma_start3A_347 : memref<1x1x1x64xi32, #tpu.memory_space<vmem>> -> memref<64xi32, #tpu.memory_space<vmem>>
    %dma_start3A_349 = arith.constant 0 : i32
    %dma_start3A_350 = arith.constant 0 : i32
    %dma_start3A_351 = tpu.memref_slice %arg11[%dma_start3A_349, %dma_start3A_350] : memref<10240x128xf32, #tpu.memory_space<vmem_shared>> -> memref<10240x128xf32, #tpu.memory_space<vmem_shared>>
    tpu.enqueue_indirect_dma source(%arg7 : memref<64x128xf32, #tpu.memory_space<vmem>>) target(%dma_start3A_351 : memref<10240x128xf32, #tpu.memory_space<vmem_shared>>) offsets(%dma_start3A_348 : memref<64xi32, #tpu.memory_space<vmem>>) semaphore(%arg16 : memref<!tpu.dma_semaphore, #tpu.memory_space<semaphore_mem>>) {add = true}
    %dma_wait3A_352 = arith.constant 0 : i32
    %dma_wait3A_353 = arith.constant 0 : i32
    %dma_wait3A_354 = tpu.memref_slice %arg2[%dma_wait3A_352, %dma_wait3A_353] : memref<10240x128xf32, #tpu.memory_space<hbm>> -> memref<64x128xf32, #tpu.memory_space<hbm>>
    %dma_wait3A_355 = arith.constant 0 : i32
    %dma_wait3A_356 = arith.constant 0 : i32
    %dma_wait3A_357 = tpu.memref_slice %arg2[%dma_wait3A_355, %dma_wait3A_356] : memref<10240x128xf32, #tpu.memory_space<hbm>> -> memref<64x128xf32, #tpu.memory_space<hbm>>
    tpu.wait_dma2 semaphore(%arg13 : memref<!tpu.dma_semaphore, #tpu.memory_space<semaphore_mem>>) src(%dma_wait3A_357 : memref<64x128xf32, #tpu.memory_space<hbm>>) dst(%arg8 : memref<64x128xf32, #tpu.memory_space<vmem>>)
    %dma_start3A_358 = arith.constant 2 : i32
    %dma_start3A_359 = arith.constant 1 : i32
    %dma_start3A_360 = arith.constant 1 : i32
    %dma_start3A_361 = arith.constant 0 : i32
    %dma_start3A_362 = tpu.memref_slice %arg6[%dma_start3A_358, %dma_start3A_359, %dma_start3A_360, %dma_start3A_361] : memref<4x2x2x64xi32, #tpu.memory_space<vmem>> -> memref<1x1x1x64xi32, #tpu.memory_space<vmem>>
    %dma_start3A_363 = tpu.memref_squeeze %dma_start3A_362 : memref<1x1x1x64xi32, #tpu.memory_space<vmem>> -> memref<64xi32, #tpu.memory_space<vmem>>
    %dma_start3A_364 = arith.constant 0 : i32
    %dma_start3A_365 = arith.constant 0 : i32
    %dma_start3A_366 = tpu.memref_slice %arg11[%dma_start3A_364, %dma_start3A_365] : memref<10240x128xf32, #tpu.memory_space<vmem_shared>> -> memref<10240x128xf32, #tpu.memory_space<vmem_shared>>
    tpu.enqueue_indirect_dma source(%arg8 : memref<64x128xf32, #tpu.memory_space<vmem>>) target(%dma_start3A_366 : memref<10240x128xf32, #tpu.memory_space<vmem_shared>>) offsets(%dma_start3A_363 : memref<64xi32, #tpu.memory_space<vmem>>) semaphore(%arg17 : memref<!tpu.dma_semaphore, #tpu.memory_space<semaphore_mem>>) {add = true}
    %dma_wait3A_367 = arith.constant 0 : i32
    %dma_wait3A_368 = arith.constant 0 : i32
    %dma_wait3A_369 = tpu.memref_slice %arg2[%dma_wait3A_367, %dma_wait3A_368] : memref<10240x128xf32, #tpu.memory_space<hbm>> -> memref<64x128xf32, #tpu.memory_space<hbm>>
    %dma_wait3A_370 = arith.constant 0 : i32
    %dma_wait3A_371 = arith.constant 0 : i32
    %dma_wait3A_372 = tpu.memref_slice %arg2[%dma_wait3A_370, %dma_wait3A_371] : memref<10240x128xf32, #tpu.memory_space<hbm>> -> memref<64x128xf32, #tpu.memory_space<hbm>>
    tpu.wait_dma2 semaphore(%arg14 : memref<!tpu.dma_semaphore, #tpu.memory_space<semaphore_mem>>) src(%dma_wait3A_372 : memref<64x128xf32, #tpu.memory_space<hbm>>) dst(%arg9 : memref<64x128xf32, #tpu.memory_space<vmem>>)
    %dma_start3A_373 = arith.constant 3 : i32
    %dma_start3A_374 = arith.constant 1 : i32
    %dma_start3A_375 = arith.constant 0 : i32
    %dma_start3A_376 = arith.constant 0 : i32
    %dma_start3A_377 = tpu.memref_slice %arg6[%dma_start3A_373, %dma_start3A_374, %dma_start3A_375, %dma_start3A_376] : memref<4x2x2x64xi32, #tpu.memory_space<vmem>> -> memref<1x1x1x64xi32, #tpu.memory_space<vmem>>
    %dma_start3A_378 = tpu.memref_squeeze %dma_start3A_377 : memref<1x1x1x64xi32, #tpu.memory_space<vmem>> -> memref<64xi32, #tpu.memory_space<vmem>>
    %dma_start3A_379 = arith.constant 0 : i32
    %dma_start3A_380 = arith.constant 0 : i32
    %dma_start3A_381 = tpu.memref_slice %arg11[%dma_start3A_379, %dma_start3A_380] : memref<10240x128xf32, #tpu.memory_space<vmem_shared>> -> memref<10240x128xf32, #tpu.memory_space<vmem_shared>>
    tpu.enqueue_indirect_dma source(%arg9 : memref<64x128xf32, #tpu.memory_space<vmem>>) target(%dma_start3A_381 : memref<10240x128xf32, #tpu.memory_space<vmem_shared>>) offsets(%dma_start3A_378 : memref<64xi32, #tpu.memory_space<vmem>>) semaphore(%arg18 : memref<!tpu.dma_semaphore, #tpu.memory_space<semaphore_mem>>) {add = true}
    %dma_wait3A_382 = arith.constant 0 : i32
    %dma_wait3A_383 = arith.constant 0 : i32
    %dma_wait3A_384 = tpu.memref_slice %arg2[%dma_wait3A_382, %dma_wait3A_383] : memref<10240x128xf32, #tpu.memory_space<hbm>> -> memref<64x128xf32, #tpu.memory_space<hbm>>
    %dma_wait3A_385 = arith.constant 0 : i32
    %dma_wait3A_386 = arith.constant 0 : i32
    %dma_wait3A_387 = tpu.memref_slice %arg2[%dma_wait3A_385, %dma_wait3A_386] : memref<10240x128xf32, #tpu.memory_space<hbm>> -> memref<64x128xf32, #tpu.memory_space<hbm>>
    tpu.wait_dma2 semaphore(%arg15 : memref<!tpu.dma_semaphore, #tpu.memory_space<semaphore_mem>>) src(%dma_wait3A_387 : memref<64x128xf32, #tpu.memory_space<hbm>>) dst(%arg10 : memref<64x128xf32, #tpu.memory_space<vmem>>)
    %dma_start3A_388 = arith.constant 3 : i32
    %dma_start3A_389 = arith.constant 1 : i32
    %dma_start3A_390 = arith.constant 1 : i32
    %dma_start3A_391 = arith.constant 0 : i32
    %dma_start3A_392 = tpu.memref_slice %arg6[%dma_start3A_388, %dma_start3A_389, %dma_start3A_390, %dma_start3A_391] : memref<4x2x2x64xi32, #tpu.memory_space<vmem>> -> memref<1x1x1x64xi32, #tpu.memory_space<vmem>>
    %dma_start3A_393 = tpu.memref_squeeze %dma_start3A_392 : memref<1x1x1x64xi32, #tpu.memory_space<vmem>> -> memref<64xi32, #tpu.memory_space<vmem>>
    %dma_start3A_394 = arith.constant 0 : i32
    %dma_start3A_395 = arith.constant 0 : i32
    %dma_start3A_396 = tpu.memref_slice %arg11[%dma_start3A_394, %dma_start3A_395] : memref<10240x128xf32, #tpu.memory_space<vmem_shared>> -> memref<10240x128xf32, #tpu.memory_space<vmem_shared>>
    tpu.enqueue_indirect_dma source(%arg10 : memref<64x128xf32, #tpu.memory_space<vmem>>) target(%dma_start3A_396 : memref<10240x128xf32, #tpu.memory_space<vmem_shared>>) offsets(%dma_start3A_393 : memref<64xi32, #tpu.memory_space<vmem>>) semaphore(%arg19 : memref<!tpu.dma_semaphore, #tpu.memory_space<semaphore_mem>>) {add = true}
    %dma_wait3A_397 = arith.constant 0 : i32
    %dma_wait3A_398 = arith.constant 0 : i32
    %dma_wait3A_399 = tpu.memref_slice %arg2[%dma_wait3A_397, %dma_wait3A_398] : memref<10240x128xf32, #tpu.memory_space<hbm>> -> memref<64x128xf32, #tpu.memory_space<hbm>>
    %dma_wait3A_400 = arith.constant 0 : i32
    %dma_wait3A_401 = arith.constant 0 : i32
    %dma_wait3A_402 = tpu.memref_slice %arg2[%dma_wait3A_400, %dma_wait3A_401] : memref<10240x128xf32, #tpu.memory_space<hbm>> -> memref<64x128xf32, #tpu.memory_space<hbm>>
    tpu.wait_dma2 semaphore(%arg16 : memref<!tpu.dma_semaphore, #tpu.memory_space<semaphore_mem>>) src(%dma_wait3A_402 : memref<64x128xf32, #tpu.memory_space<hbm>>) dst(%arg7 : memref<64x128xf32, #tpu.memory_space<vmem>>)
    %dma_wait3A_403 = arith.constant 0 : i32
    %dma_wait3A_404 = arith.constant 0 : i32
    %dma_wait3A_405 = tpu.memref_slice %arg2[%dma_wait3A_403, %dma_wait3A_404] : memref<10240x128xf32, #tpu.memory_space<hbm>> -> memref<64x128xf32, #tpu.memory_space<hbm>>
    %dma_wait3A_406 = arith.constant 0 : i32
    %dma_wait3A_407 = arith.constant 0 : i32
    %dma_wait3A_408 = tpu.memref_slice %arg2[%dma_wait3A_406, %dma_wait3A_407] : memref<10240x128xf32, #tpu.memory_space<hbm>> -> memref<64x128xf32, #tpu.memory_space<hbm>>
    tpu.wait_dma2 semaphore(%arg17 : memref<!tpu.dma_semaphore, #tpu.memory_space<semaphore_mem>>) src(%dma_wait3A_408 : memref<64x128xf32, #tpu.memory_space<hbm>>) dst(%arg8 : memref<64x128xf32, #tpu.memory_space<vmem>>)
    %dma_wait3A_409 = arith.constant 0 : i32
    %dma_wait3A_410 = arith.constant 0 : i32
    %dma_wait3A_411 = tpu.memref_slice %arg2[%dma_wait3A_409, %dma_wait3A_410] : memref<10240x128xf32, #tpu.memory_space<hbm>> -> memref<64x128xf32, #tpu.memory_space<hbm>>
    %dma_wait3A_412 = arith.constant 0 : i32
    %dma_wait3A_413 = arith.constant 0 : i32
    %dma_wait3A_414 = tpu.memref_slice %arg2[%dma_wait3A_412, %dma_wait3A_413] : memref<10240x128xf32, #tpu.memory_space<hbm>> -> memref<64x128xf32, #tpu.memory_space<hbm>>
    tpu.wait_dma2 semaphore(%arg18 : memref<!tpu.dma_semaphore, #tpu.memory_space<semaphore_mem>>) src(%dma_wait3A_414 : memref<64x128xf32, #tpu.memory_space<hbm>>) dst(%arg9 : memref<64x128xf32, #tpu.memory_space<vmem>>)
    %dma_wait3A_415 = arith.constant 0 : i32
    %dma_wait3A_416 = arith.constant 0 : i32
    %dma_wait3A_417 = tpu.memref_slice %arg2[%dma_wait3A_415, %dma_wait3A_416] : memref<10240x128xf32, #tpu.memory_space<hbm>> -> memref<64x128xf32, #tpu.memory_space<hbm>>
    %dma_wait3A_418 = arith.constant 0 : i32
    %dma_wait3A_419 = arith.constant 0 : i32
    %dma_wait3A_420 = tpu.memref_slice %arg2[%dma_wait3A_418, %dma_wait3A_419] : memref<10240x128xf32, #tpu.memory_space<hbm>> -> memref<64x128xf32, #tpu.memory_space<hbm>>
    tpu.wait_dma2 semaphore(%arg19 : memref<!tpu.dma_semaphore, #tpu.memory_space<semaphore_mem>>) src(%dma_wait3A_420 : memref<64x128xf32, #tpu.memory_space<hbm>>) dst(%arg10 : memref<64x128xf32, #tpu.memory_space<vmem>>)
    %barrier3A_421 = arith.constant 0 : index
    tpu.barrier barrier_id(%barrier3A_421)
    "tpu.region"() ({
      %run_scoped3A = tpu.sem_alloc : memref<!tpu.dma_semaphore, #tpu.memory_space<semaphore_mem>>
      %dma_start3A_422 = arith.constant 0 : i32
      %dma_start3A_423 = tpu.memref_slice %arg5[%arg0, %mul3A_2, %dma_start3A_422] : memref<2x10240x128xf32, #tpu.memory_space<hbm>> -> memref<1x640x128xf32, #tpu.memory_space<hbm>>
      %dma_start3A_424 = tpu.memref_squeeze %dma_start3A_423 : memref<1x640x128xf32, #tpu.memory_space<hbm>> -> memref<640x128xf32, #tpu.memory_space<hbm>>
      %dma_start3A_425 = arith.constant 0 : i32
      %dma_start3A_426 = tpu.memref_slice %arg11[%mul3A_2, %dma_start3A_425] : memref<10240x128xf32, #tpu.memory_space<vmem_shared>> -> memref<640x128xf32, #tpu.memory_space<vmem_shared>>
      tpu.enqueue_dma source(%dma_start3A_426 : memref<640x128xf32, #tpu.memory_space<vmem_shared>>) target(%dma_start3A_424 : memref<640x128xf32, #tpu.memory_space<hbm>>) target_semaphore(%run_scoped3A : memref<!tpu.dma_semaphore, #tpu.memory_space<semaphore_mem>>)
      %dma_wait3A_427 = arith.constant 0 : i32
      %dma_wait3A_428 = tpu.memref_slice %arg5[%arg0, %mul3A_2, %dma_wait3A_427] : memref<2x10240x128xf32, #tpu.memory_space<hbm>> -> memref<1x640x128xf32, #tpu.memory_space<hbm>>
      %dma_wait3A_429 = tpu.memref_squeeze %dma_wait3A_428 : memref<1x640x128xf32, #tpu.memory_space<hbm>> -> memref<640x128xf32, #tpu.memory_space<hbm>>
      %dma_wait3A_430 = arith.constant 0 : i32
      %dma_wait3A_431 = tpu.memref_slice %arg11[%mul3A_2, %dma_wait3A_430] : memref<10240x128xf32, #tpu.memory_space<vmem_shared>> -> memref<640x128xf32, #tpu.memory_space<vmem_shared>>
      tpu.wait_dma2 semaphore(%run_scoped3A : memref<!tpu.dma_semaphore, #tpu.memory_space<semaphore_mem>>) src(%dma_wait3A_431 : memref<640x128xf32, #tpu.memory_space<vmem_shared>>) dst(%dma_wait3A_429 : memref<640x128xf32, #tpu.memory_space<hbm>>)
      tpu.yield
    }) : () -> ()
    return
  }
}

#map = affine_map<(d0, d1) -> (0, 0)>
#map1 = affine_map<(d0, d1) -> (0, 0, 0, 0, 0)>
#map2 = affine_map<(d0, d1) -> (0, 0, 0)>
module attributes {stable_mosaic.version = 14 : i64} {
  func.func @_sc_agg_body(%arg0: i32, %arg1: i32, %arg2: memref<10240x128xf32, #tpu.memory_space<hbm>>, %arg3: memref<32x80x2x2x64xi32, #tpu.memory_space<hbm>>, %arg4: memref<640x128xf32, #tpu.memory_space<hbm>>, %arg5: memref<2x10240x128xf32, #tpu.memory_space<hbm>>, %arg6: memref<4x2x2x64xi32, #tpu.memory_space<vmem>>, %arg7: memref<64x128xf32, #tpu.memory_space<vmem>>, %arg8: memref<64x128xf32, #tpu.memory_space<vmem>>, %arg9: memref<64x128xf32, #tpu.memory_space<vmem>>, %arg10: memref<64x128xf32, #tpu.memory_space<vmem>>, %arg11: memref<10240x128xf32, #tpu.memory_space<vmem_shared>>, %arg12: memref<!tpu.dma_semaphore, #tpu.memory_space<semaphore_mem>>, %arg13: memref<!tpu.dma_semaphore, #tpu.memory_space<semaphore_mem>>, %arg14: memref<!tpu.dma_semaphore, #tpu.memory_space<semaphore_mem>>, %arg15: memref<!tpu.dma_semaphore, #tpu.memory_space<semaphore_mem>>, %arg16: memref<!tpu.dma_semaphore, #tpu.memory_space<semaphore_mem>>, %arg17: memref<!tpu.dma_semaphore, #tpu.memory_space<semaphore_mem>>, %arg18: memref<!tpu.dma_semaphore, #tpu.memory_space<semaphore_mem>>, %arg19: memref<!tpu.dma_semaphore, #tpu.memory_space<semaphore_mem>>, %arg20: memref<!tpu.dma_semaphore, #tpu.memory_space<semaphore_mem>>, %arg21: memref<!tpu.dma_semaphore, #tpu.memory_space<semaphore_mem>>, %arg22: memref<!tpu.dma_semaphore, #tpu.memory_space<semaphore_mem>>, %arg23: memref<!tpu.dma_semaphore, #tpu.memory_space<semaphore_mem>>) attributes {dimension_semantics = [#tpu.dimension_semantics<core_parallel>, #tpu.dimension_semantics<subcore_parallel>], iteration_bounds = array<i64: 2, 16>, scalar_prefetch = 0 : i64, scratch_operands = 18 : i64, tpu.core_type = #tpu.core_type<sc_vector_subcore>, window_params = [{transform_indices = #map}, {transform_indices = #map1}, {transform_indices = #map}, {transform_indices = #map2}]} {
    %mul3A = arith.constant 2 : i32
    %mul3A_0 = arith.muli %arg1, %mul3A : i32
    %add3A = arith.addi %mul3A_0, %arg0 : i32
    %mul3A_1 = arith.constant 640 : i32
    %mul3A_2 = arith.muli %arg1, %mul3A_1 : i32
    "tpu.region"() ({
      %run_scoped3A = tpu.sem_alloc : memref<!tpu.dma_semaphore, #tpu.memory_space<semaphore_mem>>
      %dma_start3A_422 = arith.constant 0 : i32
      %dma_start3A_423 = tpu.memref_slice %arg11[%mul3A_2, %dma_start3A_422] : memref<10240x128xf32, #tpu.memory_space<vmem_shared>> -> memref<640x128xf32, #tpu.memory_space<vmem_shared>>
      tpu.enqueue_dma source(%arg4 : memref<640x128xf32, #tpu.memory_space<hbm>>) target(%dma_start3A_423 : memref<640x128xf32, #tpu.memory_space<vmem_shared>>) target_semaphore(%run_scoped3A : memref<!tpu.dma_semaphore, #tpu.memory_space<semaphore_mem>>)
      %dma_wait3A_424 = arith.constant 0 : i32
      %dma_wait3A_425 = tpu.memref_slice %arg11[%mul3A_2, %dma_wait3A_424] : memref<10240x128xf32, #tpu.memory_space<vmem_shared>> -> memref<640x128xf32, #tpu.memory_space<vmem_shared>>
      tpu.wait_dma2 semaphore(%run_scoped3A : memref<!tpu.dma_semaphore, #tpu.memory_space<semaphore_mem>>) src(%arg4 : memref<640x128xf32, #tpu.memory_space<hbm>>) dst(%dma_wait3A_425 : memref<640x128xf32, #tpu.memory_space<vmem_shared>>)
      tpu.yield
    }) : () -> ()
    %barrier3A = arith.constant 0 : index
    tpu.barrier barrier_id(%barrier3A)
    %dma_start3A = arith.constant 0 : i32
    %dma_start3A_3 = arith.constant 0 : i32
    %dma_start3A_4 = arith.constant 0 : i32
    %dma_start3A_5 = arith.constant 0 : i32
    %dma_start3A_6 = arith.constant 0 : i32
    %dma_start3A_7 = tpu.memref_slice %arg6[%dma_start3A_3, %dma_start3A_4, %dma_start3A_5, %dma_start3A_6] : memref<4x2x2x64xi32, #tpu.memory_space<vmem>> -> memref<1x2x2x64xi32, #tpu.memory_space<vmem>>
    %dma_start3A_8 = tpu.memref_squeeze %dma_start3A_7 : memref<1x2x2x64xi32, #tpu.memory_space<vmem>> -> memref<2x2x64xi32, #tpu.memory_space<vmem>>
    %dma_start3A_9 = arith.constant 0 : i32
    %dma_start3A_10 = arith.constant 0 : i32
    %dma_start3A_11 = arith.constant 0 : i32
    %dma_start3A_12 = tpu.memref_slice %arg3[%add3A, %dma_start3A, %dma_start3A_9, %dma_start3A_10, %dma_start3A_11] : memref<32x80x2x2x64xi32, #tpu.memory_space<hbm>> -> memref<1x1x2x2x64xi32, #tpu.memory_space<hbm>>
    %dma_start3A_13 = tpu.memref_squeeze %dma_start3A_12 : memref<1x1x2x2x64xi32, #tpu.memory_space<hbm>> -> memref<2x2x64xi32, #tpu.memory_space<hbm>>
    %dma_start3A_14 = arith.constant 0 : i32
    %dma_start3A_15 = arith.constant 0 : i32
    %dma_start3A_16 = arith.constant 0 : i32
    %dma_start3A_17 = tpu.memref_slice %arg6[%dma_start3A_3, %dma_start3A_14, %dma_start3A_15, %dma_start3A_16] : memref<4x2x2x64xi32, #tpu.memory_space<vmem>> -> memref<1x2x2x64xi32, #tpu.memory_space<vmem>>
    %dma_start3A_18 = tpu.memref_squeeze %dma_start3A_17 : memref<1x2x2x64xi32, #tpu.memory_space<vmem>> -> memref<2x2x64xi32, #tpu.memory_space<vmem>>
    %dma_start3A_19 = arith.constant 0 : i32
    %dma_start3A_20 = arith.constant 0 : i32
    %dma_start3A_21 = arith.constant 0 : i32
    %dma_start3A_22 = tpu.memref_slice %arg3[%add3A, %dma_start3A, %dma_start3A_19, %dma_start3A_20, %dma_start3A_21] : memref<32x80x2x2x64xi32, #tpu.memory_space<hbm>> -> memref<1x1x2x2x64xi32, #tpu.memory_space<hbm>>
    %dma_start3A_23 = tpu.memref_squeeze %dma_start3A_22 : memref<1x1x2x2x64xi32, #tpu.memory_space<hbm>> -> memref<2x2x64xi32, #tpu.memory_space<hbm>>
    tpu.enqueue_dma source(%dma_start3A_23 : memref<2x2x64xi32, #tpu.memory_space<hbm>>) target(%dma_start3A_18 : memref<2x2x64xi32, #tpu.memory_space<vmem>>) target_semaphore(%arg20 : memref<!tpu.dma_semaphore, #tpu.memory_space<semaphore_mem>>)
    %dma_start3A_24 = arith.constant 1 : i32
    %dma_start3A_25 = arith.constant 1 : i32
    %dma_start3A_26 = arith.constant 0 : i32
    %dma_start3A_27 = arith.constant 0 : i32
    %dma_start3A_28 = arith.constant 0 : i32
    %dma_start3A_29 = tpu.memref_slice %arg6[%dma_start3A_25, %dma_start3A_26, %dma_start3A_27, %dma_start3A_28] : memref<4x2x2x64xi32, #tpu.memory_space<vmem>> -> memref<1x2x2x64xi32, #tpu.memory_space<vmem>>
    %dma_start3A_30 = tpu.memref_squeeze %dma_start3A_29 : memref<1x2x2x64xi32, #tpu.memory_space<vmem>> -> memref<2x2x64xi32, #tpu.memory_space<vmem>>
    %dma_start3A_31 = arith.constant 0 : i32
    %dma_start3A_32 = arith.constant 0 : i32
    %dma_start3A_33 = arith.constant 0 : i32
    %dma_start3A_34 = tpu.memref_slice %arg3[%add3A, %dma_start3A_24, %dma_start3A_31, %dma_start3A_32, %dma_start3A_33] : memref<32x80x2x2x64xi32, #tpu.memory_space<hbm>> -> memref<1x1x2x2x64xi32, #tpu.memory_space<hbm>>
    %dma_start3A_35 = tpu.memref_squeeze %dma_start3A_34 : memref<1x1x2x2x64xi32, #tpu.memory_space<hbm>> -> memref<2x2x64xi32, #tpu.memory_space<hbm>>
    %dma_start3A_36 = arith.constant 0 : i32
    %dma_start3A_37 = arith.constant 0 : i32
    %dma_start3A_38 = arith.constant 0 : i32
    %dma_start3A_39 = tpu.memref_slice %arg6[%dma_start3A_25, %dma_start3A_36, %dma_start3A_37, %dma_start3A_38] : memref<4x2x2x64xi32, #tpu.memory_space<vmem>> -> memref<1x2x2x64xi32, #tpu.memory_space<vmem>>
    %dma_start3A_40 = tpu.memref_squeeze %dma_start3A_39 : memref<1x2x2x64xi32, #tpu.memory_space<vmem>> -> memref<2x2x64xi32, #tpu.memory_space<vmem>>
    %dma_start3A_41 = arith.constant 0 : i32
    %dma_start3A_42 = arith.constant 0 : i32
    %dma_start3A_43 = arith.constant 0 : i32
    %dma_start3A_44 = tpu.memref_slice %arg3[%add3A, %dma_start3A_24, %dma_start3A_41, %dma_start3A_42, %dma_start3A_43] : memref<32x80x2x2x64xi32, #tpu.memory_space<hbm>> -> memref<1x1x2x2x64xi32, #tpu.memory_space<hbm>>
    %dma_start3A_45 = tpu.memref_squeeze %dma_start3A_44 : memref<1x1x2x2x64xi32, #tpu.memory_space<hbm>> -> memref<2x2x64xi32, #tpu.memory_space<hbm>>
    tpu.enqueue_dma source(%dma_start3A_45 : memref<2x2x64xi32, #tpu.memory_space<hbm>>) target(%dma_start3A_40 : memref<2x2x64xi32, #tpu.memory_space<vmem>>) target_semaphore(%arg21 : memref<!tpu.dma_semaphore, #tpu.memory_space<semaphore_mem>>)
    %dma_start3A_46 = arith.constant 2 : i32
    %dma_start3A_47 = arith.constant 2 : i32
    %dma_start3A_48 = arith.constant 0 : i32
    %dma_start3A_49 = arith.constant 0 : i32
    %dma_start3A_50 = arith.constant 0 : i32
    %dma_start3A_51 = tpu.memref_slice %arg6[%dma_start3A_47, %dma_start3A_48, %dma_start3A_49, %dma_start3A_50] : memref<4x2x2x64xi32, #tpu.memory_space<vmem>> -> memref<1x2x2x64xi32, #tpu.memory_space<vmem>>
    %dma_start3A_52 = tpu.memref_squeeze %dma_start3A_51 : memref<1x2x2x64xi32, #tpu.memory_space<vmem>> -> memref<2x2x64xi32, #tpu.memory_space<vmem>>
    %dma_start3A_53 = arith.constant 0 : i32
    %dma_start3A_54 = arith.constant 0 : i32
    %dma_start3A_55 = arith.constant 0 : i32
    %dma_start3A_56 = tpu.memref_slice %arg3[%add3A, %dma_start3A_46, %dma_start3A_53, %dma_start3A_54, %dma_start3A_55] : memref<32x80x2x2x64xi32, #tpu.memory_space<hbm>> -> memref<1x1x2x2x64xi32, #tpu.memory_space<hbm>>
    %dma_start3A_57 = tpu.memref_squeeze %dma_start3A_56 : memref<1x1x2x2x64xi32, #tpu.memory_space<hbm>> -> memref<2x2x64xi32, #tpu.memory_space<hbm>>
    %dma_start3A_58 = arith.constant 0 : i32
    %dma_start3A_59 = arith.constant 0 : i32
    %dma_start3A_60 = arith.constant 0 : i32
    %dma_start3A_61 = tpu.memref_slice %arg6[%dma_start3A_47, %dma_start3A_58, %dma_start3A_59, %dma_start3A_60] : memref<4x2x2x64xi32, #tpu.memory_space<vmem>> -> memref<1x2x2x64xi32, #tpu.memory_space<vmem>>
    %dma_start3A_62 = tpu.memref_squeeze %dma_start3A_61 : memref<1x2x2x64xi32, #tpu.memory_space<vmem>> -> memref<2x2x64xi32, #tpu.memory_space<vmem>>
    %dma_start3A_63 = arith.constant 0 : i32
    %dma_start3A_64 = arith.constant 0 : i32
    %dma_start3A_65 = arith.constant 0 : i32
    %dma_start3A_66 = tpu.memref_slice %arg3[%add3A, %dma_start3A_46, %dma_start3A_63, %dma_start3A_64, %dma_start3A_65] : memref<32x80x2x2x64xi32, #tpu.memory_space<hbm>> -> memref<1x1x2x2x64xi32, #tpu.memory_space<hbm>>
    %dma_start3A_67 = tpu.memref_squeeze %dma_start3A_66 : memref<1x1x2x2x64xi32, #tpu.memory_space<hbm>> -> memref<2x2x64xi32, #tpu.memory_space<hbm>>
    tpu.enqueue_dma source(%dma_start3A_67 : memref<2x2x64xi32, #tpu.memory_space<hbm>>) target(%dma_start3A_62 : memref<2x2x64xi32, #tpu.memory_space<vmem>>) target_semaphore(%arg22 : memref<!tpu.dma_semaphore, #tpu.memory_space<semaphore_mem>>)
    %dma_start3A_68 = arith.constant 3 : i32
    %dma_start3A_69 = arith.constant 3 : i32
    %dma_start3A_70 = arith.constant 0 : i32
    %dma_start3A_71 = arith.constant 0 : i32
    %dma_start3A_72 = arith.constant 0 : i32
    %dma_start3A_73 = tpu.memref_slice %arg6[%dma_start3A_69, %dma_start3A_70, %dma_start3A_71, %dma_start3A_72] : memref<4x2x2x64xi32, #tpu.memory_space<vmem>> -> memref<1x2x2x64xi32, #tpu.memory_space<vmem>>
    %dma_start3A_74 = tpu.memref_squeeze %dma_start3A_73 : memref<1x2x2x64xi32, #tpu.memory_space<vmem>> -> memref<2x2x64xi32, #tpu.memory_space<vmem>>
    %dma_start3A_75 = arith.constant 0 : i32
    %dma_start3A_76 = arith.constant 0 : i32
    %dma_start3A_77 = arith.constant 0 : i32
    %dma_start3A_78 = tpu.memref_slice %arg3[%add3A, %dma_start3A_68, %dma_start3A_75, %dma_start3A_76, %dma_start3A_77] : memref<32x80x2x2x64xi32, #tpu.memory_space<hbm>> -> memref<1x1x2x2x64xi32, #tpu.memory_space<hbm>>
    %dma_start3A_79 = tpu.memref_squeeze %dma_start3A_78 : memref<1x1x2x2x64xi32, #tpu.memory_space<hbm>> -> memref<2x2x64xi32, #tpu.memory_space<hbm>>
    %dma_start3A_80 = arith.constant 0 : i32
    %dma_start3A_81 = arith.constant 0 : i32
    %dma_start3A_82 = arith.constant 0 : i32
    %dma_start3A_83 = tpu.memref_slice %arg6[%dma_start3A_69, %dma_start3A_80, %dma_start3A_81, %dma_start3A_82] : memref<4x2x2x64xi32, #tpu.memory_space<vmem>> -> memref<1x2x2x64xi32, #tpu.memory_space<vmem>>
    %dma_start3A_84 = tpu.memref_squeeze %dma_start3A_83 : memref<1x2x2x64xi32, #tpu.memory_space<vmem>> -> memref<2x2x64xi32, #tpu.memory_space<vmem>>
    %dma_start3A_85 = arith.constant 0 : i32
    %dma_start3A_86 = arith.constant 0 : i32
    %dma_start3A_87 = arith.constant 0 : i32
    %dma_start3A_88 = tpu.memref_slice %arg3[%add3A, %dma_start3A_68, %dma_start3A_85, %dma_start3A_86, %dma_start3A_87] : memref<32x80x2x2x64xi32, #tpu.memory_space<hbm>> -> memref<1x1x2x2x64xi32, #tpu.memory_space<hbm>>
    %dma_start3A_89 = tpu.memref_squeeze %dma_start3A_88 : memref<1x1x2x2x64xi32, #tpu.memory_space<hbm>> -> memref<2x2x64xi32, #tpu.memory_space<hbm>>
    tpu.enqueue_dma source(%dma_start3A_89 : memref<2x2x64xi32, #tpu.memory_space<hbm>>) target(%dma_start3A_84 : memref<2x2x64xi32, #tpu.memory_space<vmem>>) target_semaphore(%arg23 : memref<!tpu.dma_semaphore, #tpu.memory_space<semaphore_mem>>)
    %dma_wait3A = arith.constant 0 : i32
    %dma_wait3A_90 = arith.constant 0 : i32
    %dma_wait3A_91 = arith.constant 0 : i32
    %dma_wait3A_92 = arith.constant 0 : i32
    %dma_wait3A_93 = arith.constant 0 : i32
    %dma_wait3A_94 = tpu.memref_slice %arg6[%dma_wait3A_90, %dma_wait3A_91, %dma_wait3A_92, %dma_wait3A_93] : memref<4x2x2x64xi32, #tpu.memory_space<vmem>> -> memref<1x2x2x64xi32, #tpu.memory_space<vmem>>
    %dma_wait3A_95 = tpu.memref_squeeze %dma_wait3A_94 : memref<1x2x2x64xi32, #tpu.memory_space<vmem>> -> memref<2x2x64xi32, #tpu.memory_space<vmem>>
    %dma_wait3A_96 = arith.constant 0 : i32
    %dma_wait3A_97 = arith.constant 0 : i32
    %dma_wait3A_98 = arith.constant 0 : i32
    %dma_wait3A_99 = tpu.memref_slice %arg3[%add3A, %dma_wait3A, %dma_wait3A_96, %dma_wait3A_97, %dma_wait3A_98] : memref<32x80x2x2x64xi32, #tpu.memory_space<hbm>> -> memref<1x1x2x2x64xi32, #tpu.memory_space<hbm>>
    %dma_wait3A_100 = tpu.memref_squeeze %dma_wait3A_99 : memref<1x1x2x2x64xi32, #tpu.memory_space<hbm>> -> memref<2x2x64xi32, #tpu.memory_space<hbm>>
    %dma_wait3A_101 = arith.constant 0 : i32
    %dma_wait3A_102 = arith.constant 0 : i32
    %dma_wait3A_103 = arith.constant 0 : i32
    %dma_wait3A_104 = tpu.memref_slice %arg6[%dma_wait3A_90, %dma_wait3A_101, %dma_wait3A_102, %dma_wait3A_103] : memref<4x2x2x64xi32, #tpu.memory_space<vmem>> -> memref<1x2x2x64xi32, #tpu.memory_space<vmem>>
    %dma_wait3A_105 = tpu.memref_squeeze %dma_wait3A_104 : memref<1x2x2x64xi32, #tpu.memory_space<vmem>> -> memref<2x2x64xi32, #tpu.memory_space<vmem>>
    %dma_wait3A_106 = arith.constant 0 : i32
    %dma_wait3A_107 = arith.constant 0 : i32
    %dma_wait3A_108 = arith.constant 0 : i32
    %dma_wait3A_109 = tpu.memref_slice %arg3[%add3A, %dma_wait3A, %dma_wait3A_106, %dma_wait3A_107, %dma_wait3A_108] : memref<32x80x2x2x64xi32, #tpu.memory_space<hbm>> -> memref<1x1x2x2x64xi32, #tpu.memory_space<hbm>>
    %dma_wait3A_110 = tpu.memref_squeeze %dma_wait3A_109 : memref<1x1x2x2x64xi32, #tpu.memory_space<hbm>> -> memref<2x2x64xi32, #tpu.memory_space<hbm>>
    tpu.wait_dma2 semaphore(%arg20 : memref<!tpu.dma_semaphore, #tpu.memory_space<semaphore_mem>>) src(%dma_wait3A_110 : memref<2x2x64xi32, #tpu.memory_space<hbm>>) dst(%dma_wait3A_105 : memref<2x2x64xi32, #tpu.memory_space<vmem>>)
    %dma_wait3A_111 = arith.constant 0 : i32
    %dma_wait3A_112 = arith.constant 1 : i32
    %dma_wait3A_113 = arith.constant 0 : i32
    %dma_wait3A_114 = arith.constant 0 : i32
    %dma_wait3A_115 = arith.constant 0 : i32
    %dma_wait3A_116 = tpu.memref_slice %arg6[%dma_wait3A_112, %dma_wait3A_113, %dma_wait3A_114, %dma_wait3A_115] : memref<4x2x2x64xi32, #tpu.memory_space<vmem>> -> memref<1x2x2x64xi32, #tpu.memory_space<vmem>>
    %dma_wait3A_117 = tpu.memref_squeeze %dma_wait3A_116 : memref<1x2x2x64xi32, #tpu.memory_space<vmem>> -> memref<2x2x64xi32, #tpu.memory_space<vmem>>
    %dma_wait3A_118 = arith.constant 0 : i32
    %dma_wait3A_119 = arith.constant 0 : i32
    %dma_wait3A_120 = arith.constant 0 : i32
    %dma_wait3A_121 = tpu.memref_slice %arg3[%add3A, %dma_wait3A_111, %dma_wait3A_118, %dma_wait3A_119, %dma_wait3A_120] : memref<32x80x2x2x64xi32, #tpu.memory_space<hbm>> -> memref<1x1x2x2x64xi32, #tpu.memory_space<hbm>>
    %dma_wait3A_122 = tpu.memref_squeeze %dma_wait3A_121 : memref<1x1x2x2x64xi32, #tpu.memory_space<hbm>> -> memref<2x2x64xi32, #tpu.memory_space<hbm>>
    %dma_wait3A_123 = arith.constant 0 : i32
    %dma_wait3A_124 = arith.constant 0 : i32
    %dma_wait3A_125 = arith.constant 0 : i32
    %dma_wait3A_126 = tpu.memref_slice %arg6[%dma_wait3A_112, %dma_wait3A_123, %dma_wait3A_124, %dma_wait3A_125] : memref<4x2x2x64xi32, #tpu.memory_space<vmem>> -> memref<1x2x2x64xi32, #tpu.memory_space<vmem>>
    %dma_wait3A_127 = tpu.memref_squeeze %dma_wait3A_126 : memref<1x2x2x64xi32, #tpu.memory_space<vmem>> -> memref<2x2x64xi32, #tpu.memory_space<vmem>>
    %dma_wait3A_128 = arith.constant 0 : i32
    %dma_wait3A_129 = arith.constant 0 : i32
    %dma_wait3A_130 = arith.constant 0 : i32
    %dma_wait3A_131 = tpu.memref_slice %arg3[%add3A, %dma_wait3A_111, %dma_wait3A_128, %dma_wait3A_129, %dma_wait3A_130] : memref<32x80x2x2x64xi32, #tpu.memory_space<hbm>> -> memref<1x1x2x2x64xi32, #tpu.memory_space<hbm>>
    %dma_wait3A_132 = tpu.memref_squeeze %dma_wait3A_131 : memref<1x1x2x2x64xi32, #tpu.memory_space<hbm>> -> memref<2x2x64xi32, #tpu.memory_space<hbm>>
    tpu.wait_dma2 semaphore(%arg21 : memref<!tpu.dma_semaphore, #tpu.memory_space<semaphore_mem>>) src(%dma_wait3A_132 : memref<2x2x64xi32, #tpu.memory_space<hbm>>) dst(%dma_wait3A_127 : memref<2x2x64xi32, #tpu.memory_space<vmem>>)
    %dma_start3A_133 = arith.constant 0 : i32
    %dma_start3A_134 = arith.constant 0 : i32
    %dma_start3A_135 = arith.constant 0 : i32
    %dma_start3A_136 = arith.constant 0 : i32
    %dma_start3A_137 = tpu.memref_slice %arg6[%dma_start3A_133, %dma_start3A_134, %dma_start3A_135, %dma_start3A_136] : memref<4x2x2x64xi32, #tpu.memory_space<vmem>> -> memref<1x1x1x64xi32, #tpu.memory_space<vmem>>
    %dma_start3A_138 = tpu.memref_squeeze %dma_start3A_137 : memref<1x1x1x64xi32, #tpu.memory_space<vmem>> -> memref<64xi32, #tpu.memory_space<vmem>>
    %dma_start3A_139 = arith.constant 0 : i32
    %dma_start3A_140 = arith.constant 0 : i32
    %dma_start3A_141 = tpu.memref_slice %arg2[%dma_start3A_139, %dma_start3A_140] : memref<10240x128xf32, #tpu.memory_space<hbm>> -> memref<10240x128xf32, #tpu.memory_space<hbm>>
    tpu.enqueue_indirect_dma source(%dma_start3A_141 : memref<10240x128xf32, #tpu.memory_space<hbm>>) target(%arg7 : memref<64x128xf32, #tpu.memory_space<vmem>>) offsets(%dma_start3A_138 : memref<64xi32, #tpu.memory_space<vmem>>) semaphore(%arg12 : memref<!tpu.dma_semaphore, #tpu.memory_space<semaphore_mem>>)
    %dma_start3A_142 = arith.constant 0 : i32
    %dma_start3A_143 = arith.constant 0 : i32
    %dma_start3A_144 = arith.constant 1 : i32
    %dma_start3A_145 = arith.constant 0 : i32
    %dma_start3A_146 = tpu.memref_slice %arg6[%dma_start3A_142, %dma_start3A_143, %dma_start3A_144, %dma_start3A_145] : memref<4x2x2x64xi32, #tpu.memory_space<vmem>> -> memref<1x1x1x64xi32, #tpu.memory_space<vmem>>
    %dma_start3A_147 = tpu.memref_squeeze %dma_start3A_146 : memref<1x1x1x64xi32, #tpu.memory_space<vmem>> -> memref<64xi32, #tpu.memory_space<vmem>>
    %dma_start3A_148 = arith.constant 0 : i32
    %dma_start3A_149 = arith.constant 0 : i32
    %dma_start3A_150 = tpu.memref_slice %arg2[%dma_start3A_148, %dma_start3A_149] : memref<10240x128xf32, #tpu.memory_space<hbm>> -> memref<10240x128xf32, #tpu.memory_space<hbm>>
    tpu.enqueue_indirect_dma source(%dma_start3A_150 : memref<10240x128xf32, #tpu.memory_space<hbm>>) target(%arg8 : memref<64x128xf32, #tpu.memory_space<vmem>>) offsets(%dma_start3A_147 : memref<64xi32, #tpu.memory_space<vmem>>) semaphore(%arg13 : memref<!tpu.dma_semaphore, #tpu.memory_space<semaphore_mem>>)
    %dma_start3A_151 = arith.constant 1 : i32
    %dma_start3A_152 = arith.constant 0 : i32
    %dma_start3A_153 = arith.constant 0 : i32
    %dma_start3A_154 = arith.constant 0 : i32
    %dma_start3A_155 = tpu.memref_slice %arg6[%dma_start3A_151, %dma_start3A_152, %dma_start3A_153, %dma_start3A_154] : memref<4x2x2x64xi32, #tpu.memory_space<vmem>> -> memref<1x1x1x64xi32, #tpu.memory_space<vmem>>
    %dma_start3A_156 = tpu.memref_squeeze %dma_start3A_155 : memref<1x1x1x64xi32, #tpu.memory_space<vmem>> -> memref<64xi32, #tpu.memory_space<vmem>>
    %dma_start3A_157 = arith.constant 0 : i32
    %dma_start3A_158 = arith.constant 0 : i32
    %dma_start3A_159 = tpu.memref_slice %arg2[%dma_start3A_157, %dma_start3A_158] : memref<10240x128xf32, #tpu.memory_space<hbm>> -> memref<10240x128xf32, #tpu.memory_space<hbm>>
    tpu.enqueue_indirect_dma source(%dma_start3A_159 : memref<10240x128xf32, #tpu.memory_space<hbm>>) target(%arg9 : memref<64x128xf32, #tpu.memory_space<vmem>>) offsets(%dma_start3A_156 : memref<64xi32, #tpu.memory_space<vmem>>) semaphore(%arg14 : memref<!tpu.dma_semaphore, #tpu.memory_space<semaphore_mem>>)
    %dma_start3A_160 = arith.constant 1 : i32
    %dma_start3A_161 = arith.constant 0 : i32
    %dma_start3A_162 = arith.constant 1 : i32
    %dma_start3A_163 = arith.constant 0 : i32
    %dma_start3A_164 = tpu.memref_slice %arg6[%dma_start3A_160, %dma_start3A_161, %dma_start3A_162, %dma_start3A_163] : memref<4x2x2x64xi32, #tpu.memory_space<vmem>> -> memref<1x1x1x64xi32, #tpu.memory_space<vmem>>
    %dma_start3A_165 = tpu.memref_squeeze %dma_start3A_164 : memref<1x1x1x64xi32, #tpu.memory_space<vmem>> -> memref<64xi32, #tpu.memory_space<vmem>>
    %dma_start3A_166 = arith.constant 0 : i32
    %dma_start3A_167 = arith.constant 0 : i32
    %dma_start3A_168 = tpu.memref_slice %arg2[%dma_start3A_166, %dma_start3A_167] : memref<10240x128xf32, #tpu.memory_space<hbm>> -> memref<10240x128xf32, #tpu.memory_space<hbm>>
    tpu.enqueue_indirect_dma source(%dma_start3A_168 : memref<10240x128xf32, #tpu.memory_space<hbm>>) target(%arg10 : memref<64x128xf32, #tpu.memory_space<vmem>>) offsets(%dma_start3A_165 : memref<64xi32, #tpu.memory_space<vmem>>) semaphore(%arg15 : memref<!tpu.dma_semaphore, #tpu.memory_space<semaphore_mem>>)
    %scan3A = arith.constant 0 : i32
    %scan3A_169 = arith.constant 19 : i32
    %scan3A_170 = arith.addi %scan3A, %scan3A_169 : i32
    %scan3A_171 = arith.constant 1 : i32
    scf.for %scan3A_422 = %scan3A to %scan3A_170 step %scan3A_171  : i32 {
      %mul3A_423 = arith.constant 2 : i32
      %mul3A_424 = arith.muli %scan3A_422, %mul3A_423 : i32
      %add3A_425 = arith.constant 0 : i32
      %add3A_426 = arith.addi %add3A_425, %mul3A_424 : i32
      %dma_wait3A_427 = arith.constant 0 : i32
      %dma_wait3A_428 = arith.constant 2 : i32
      %dma_wait3A_429 = arith.constant 0 : i32
      %dma_wait3A_430 = arith.constant 0 : i32
      %dma_wait3A_431 = arith.constant 0 : i32
      %dma_wait3A_432 = tpu.memref_slice %arg6[%dma_wait3A_428, %dma_wait3A_429, %dma_wait3A_430, %dma_wait3A_431] : memref<4x2x2x64xi32, #tpu.memory_space<vmem>> -> memref<1x2x2x64xi32, #tpu.memory_space<vmem>>
      %dma_wait3A_433 = tpu.memref_squeeze %dma_wait3A_432 : memref<1x2x2x64xi32, #tpu.memory_space<vmem>> -> memref<2x2x64xi32, #tpu.memory_space<vmem>>
      %dma_wait3A_434 = arith.constant 0 : i32
      %dma_wait3A_435 = arith.constant 0 : i32
      %dma_wait3A_436 = arith.constant 0 : i32
      %dma_wait3A_437 = tpu.memref_slice %arg3[%add3A, %dma_wait3A_427, %dma_wait3A_434, %dma_wait3A_435, %dma_wait3A_436] : memref<32x80x2x2x64xi32, #tpu.memory_space<hbm>> -> memref<1x1x2x2x64xi32, #tpu.memory_space<hbm>>
      %dma_wait3A_438 = tpu.memref_squeeze %dma_wait3A_437 : memref<1x1x2x2x64xi32, #tpu.memory_space<hbm>> -> memref<2x2x64xi32, #tpu.memory_space<hbm>>
      %dma_wait3A_439 = arith.constant 0 : i32
      %dma_wait3A_440 = arith.constant 0 : i32
      %dma_wait3A_441 = arith.constant 0 : i32
      %dma_wait3A_442 = tpu.memref_slice %arg6[%dma_wait3A_428, %dma_wait3A_439, %dma_wait3A_440, %dma_wait3A_441] : memref<4x2x2x64xi32, #tpu.memory_space<vmem>> -> memref<1x2x2x64xi32, #tpu.memory_space<vmem>>
      %dma_wait3A_443 = tpu.memref_squeeze %dma_wait3A_442 : memref<1x2x2x64xi32, #tpu.memory_space<vmem>> -> memref<2x2x64xi32, #tpu.memory_space<vmem>>
      %dma_wait3A_444 = arith.constant 0 : i32
      %dma_wait3A_445 = arith.constant 0 : i32
      %dma_wait3A_446 = arith.constant 0 : i32
      %dma_wait3A_447 = tpu.memref_slice %arg3[%add3A, %dma_wait3A_427, %dma_wait3A_444, %dma_wait3A_445, %dma_wait3A_446] : memref<32x80x2x2x64xi32, #tpu.memory_space<hbm>> -> memref<1x1x2x2x64xi32, #tpu.memory_space<hbm>>
      %dma_wait3A_448 = tpu.memref_squeeze %dma_wait3A_447 : memref<1x1x2x2x64xi32, #tpu.memory_space<hbm>> -> memref<2x2x64xi32, #tpu.memory_space<hbm>>
      tpu.wait_dma2 semaphore(%arg22 : memref<!tpu.dma_semaphore, #tpu.memory_space<semaphore_mem>>) src(%dma_wait3A_448 : memref<2x2x64xi32, #tpu.memory_space<hbm>>) dst(%dma_wait3A_443 : memref<2x2x64xi32, #tpu.memory_space<vmem>>)
      %dma_wait3A_449 = arith.constant 0 : i32
      %dma_wait3A_450 = arith.constant 3 : i32
      %dma_wait3A_451 = arith.constant 0 : i32
      %dma_wait3A_452 = arith.constant 0 : i32
      %dma_wait3A_453 = arith.constant 0 : i32
      %dma_wait3A_454 = tpu.memref_slice %arg6[%dma_wait3A_450, %dma_wait3A_451, %dma_wait3A_452, %dma_wait3A_453] : memref<4x2x2x64xi32, #tpu.memory_space<vmem>> -> memref<1x2x2x64xi32, #tpu.memory_space<vmem>>
      %dma_wait3A_455 = tpu.memref_squeeze %dma_wait3A_454 : memref<1x2x2x64xi32, #tpu.memory_space<vmem>> -> memref<2x2x64xi32, #tpu.memory_space<vmem>>
      %dma_wait3A_456 = arith.constant 0 : i32
      %dma_wait3A_457 = arith.constant 0 : i32
      %dma_wait3A_458 = arith.constant 0 : i32
      %dma_wait3A_459 = tpu.memref_slice %arg3[%add3A, %dma_wait3A_449, %dma_wait3A_456, %dma_wait3A_457, %dma_wait3A_458] : memref<32x80x2x2x64xi32, #tpu.memory_space<hbm>> -> memref<1x1x2x2x64xi32, #tpu.memory_space<hbm>>
      %dma_wait3A_460 = tpu.memref_squeeze %dma_wait3A_459 : memref<1x1x2x2x64xi32, #tpu.memory_space<hbm>> -> memref<2x2x64xi32, #tpu.memory_space<hbm>>
      %dma_wait3A_461 = arith.constant 0 : i32
      %dma_wait3A_462 = arith.constant 0 : i32
      %dma_wait3A_463 = arith.constant 0 : i32
      %dma_wait3A_464 = tpu.memref_slice %arg6[%dma_wait3A_450, %dma_wait3A_461, %dma_wait3A_462, %dma_wait3A_463] : memref<4x2x2x64xi32, #tpu.memory_space<vmem>> -> memref<1x2x2x64xi32, #tpu.memory_space<vmem>>
      %dma_wait3A_465 = tpu.memref_squeeze %dma_wait3A_464 : memref<1x2x2x64xi32, #tpu.memory_space<vmem>> -> memref<2x2x64xi32, #tpu.memory_space<vmem>>
      %dma_wait3A_466 = arith.constant 0 : i32
      %dma_wait3A_467 = arith.constant 0 : i32
      %dma_wait3A_468 = arith.constant 0 : i32
      %dma_wait3A_469 = tpu.memref_slice %arg3[%add3A, %dma_wait3A_449, %dma_wait3A_466, %dma_wait3A_467, %dma_wait3A_468] : memref<32x80x2x2x64xi32, #tpu.memory_space<hbm>> -> memref<1x1x2x2x64xi32, #tpu.memory_space<hbm>>
      %dma_wait3A_470 = tpu.memref_squeeze %dma_wait3A_469 : memref<1x1x2x2x64xi32, #tpu.memory_space<hbm>> -> memref<2x2x64xi32, #tpu.memory_space<hbm>>
      tpu.wait_dma2 semaphore(%arg23 : memref<!tpu.dma_semaphore, #tpu.memory_space<semaphore_mem>>) src(%dma_wait3A_470 : memref<2x2x64xi32, #tpu.memory_space<hbm>>) dst(%dma_wait3A_465 : memref<2x2x64xi32, #tpu.memory_space<vmem>>)
      %dma_wait3A_471 = arith.constant 0 : i32
      %dma_wait3A_472 = arith.constant 0 : i32
      %dma_wait3A_473 = tpu.memref_slice %arg2[%dma_wait3A_471, %dma_wait3A_472] : memref<10240x128xf32, #tpu.memory_space<hbm>> -> memref<64x128xf32, #tpu.memory_space<hbm>>
      %dma_wait3A_474 = arith.constant 0 : i32
      %dma_wait3A_475 = arith.constant 0 : i32
      %dma_wait3A_476 = tpu.memref_slice %arg2[%dma_wait3A_474, %dma_wait3A_475] : memref<10240x128xf32, #tpu.memory_space<hbm>> -> memref<64x128xf32, #tpu.memory_space<hbm>>
      tpu.wait_dma2 semaphore(%arg12 : memref<!tpu.dma_semaphore, #tpu.memory_space<semaphore_mem>>) src(%dma_wait3A_476 : memref<64x128xf32, #tpu.memory_space<hbm>>) dst(%arg7 : memref<64x128xf32, #tpu.memory_space<vmem>>)
      %dma_start3A_477 = arith.constant 0 : i32
      %dma_start3A_478 = arith.constant 1 : i32
      %dma_start3A_479 = arith.constant 0 : i32
      %dma_start3A_480 = arith.constant 0 : i32
      %dma_start3A_481 = tpu.memref_slice %arg6[%dma_start3A_477, %dma_start3A_478, %dma_start3A_479, %dma_start3A_480] : memref<4x2x2x64xi32, #tpu.memory_space<vmem>> -> memref<1x1x1x64xi32, #tpu.memory_space<vmem>>
      %dma_start3A_482 = tpu.memref_squeeze %dma_start3A_481 : memref<1x1x1x64xi32, #tpu.memory_space<vmem>> -> memref<64xi32, #tpu.memory_space<vmem>>
      %dma_start3A_483 = arith.constant 0 : i32
      %dma_start3A_484 = arith.constant 0 : i32
      %dma_start3A_485 = tpu.memref_slice %arg11[%dma_start3A_483, %dma_start3A_484] : memref<10240x128xf32, #tpu.memory_space<vmem_shared>> -> memref<10240x128xf32, #tpu.memory_space<vmem_shared>>
      tpu.enqueue_indirect_dma source(%arg7 : memref<64x128xf32, #tpu.memory_space<vmem>>) target(%dma_start3A_485 : memref<10240x128xf32, #tpu.memory_space<vmem_shared>>) offsets(%dma_start3A_482 : memref<64xi32, #tpu.memory_space<vmem>>) semaphore(%arg16 : memref<!tpu.dma_semaphore, #tpu.memory_space<semaphore_mem>>) {add = true}
      %dma_wait3A_486 = arith.constant 0 : i32
      %dma_wait3A_487 = arith.constant 0 : i32
      %dma_wait3A_488 = tpu.memref_slice %arg2[%dma_wait3A_486, %dma_wait3A_487] : memref<10240x128xf32, #tpu.memory_space<hbm>> -> memref<64x128xf32, #tpu.memory_space<hbm>>
      %dma_wait3A_489 = arith.constant 0 : i32
      %dma_wait3A_490 = arith.constant 0 : i32
      %dma_wait3A_491 = tpu.memref_slice %arg2[%dma_wait3A_489, %dma_wait3A_490] : memref<10240x128xf32, #tpu.memory_space<hbm>> -> memref<64x128xf32, #tpu.memory_space<hbm>>
      tpu.wait_dma2 semaphore(%arg13 : memref<!tpu.dma_semaphore, #tpu.memory_space<semaphore_mem>>) src(%dma_wait3A_491 : memref<64x128xf32, #tpu.memory_space<hbm>>) dst(%arg8 : memref<64x128xf32, #tpu.memory_space<vmem>>)
      %dma_start3A_492 = arith.constant 0 : i32
      %dma_start3A_493 = arith.constant 1 : i32
      %dma_start3A_494 = arith.constant 1 : i32
      %dma_start3A_495 = arith.constant 0 : i32
      %dma_start3A_496 = tpu.memref_slice %arg6[%dma_start3A_492, %dma_start3A_493, %dma_start3A_494, %dma_start3A_495] : memref<4x2x2x64xi32, #tpu.memory_space<vmem>> -> memref<1x1x1x64xi32, #tpu.memory_space<vmem>>
      %dma_start3A_497 = tpu.memref_squeeze %dma_start3A_496 : memref<1x1x1x64xi32, #tpu.memory_space<vmem>> -> memref<64xi32, #tpu.memory_space<vmem>>
      %dma_start3A_498 = arith.constant 0 : i32
      %dma_start3A_499 = arith.constant 0 : i32
      %dma_start3A_500 = tpu.memref_slice %arg11[%dma_start3A_498, %dma_start3A_499] : memref<10240x128xf32, #tpu.memory_space<vmem_shared>> -> memref<10240x128xf32, #tpu.memory_space<vmem_shared>>
      tpu.enqueue_indirect_dma source(%arg8 : memref<64x128xf32, #tpu.memory_space<vmem>>) target(%dma_start3A_500 : memref<10240x128xf32, #tpu.memory_space<vmem_shared>>) offsets(%dma_start3A_497 : memref<64xi32, #tpu.memory_space<vmem>>) semaphore(%arg17 : memref<!tpu.dma_semaphore, #tpu.memory_space<semaphore_mem>>) {add = true}
      %dma_wait3A_501 = arith.constant 0 : i32
      %dma_wait3A_502 = arith.constant 0 : i32
      %dma_wait3A_503 = tpu.memref_slice %arg2[%dma_wait3A_501, %dma_wait3A_502] : memref<10240x128xf32, #tpu.memory_space<hbm>> -> memref<64x128xf32, #tpu.memory_space<hbm>>
      %dma_wait3A_504 = arith.constant 0 : i32
      %dma_wait3A_505 = arith.constant 0 : i32
      %dma_wait3A_506 = tpu.memref_slice %arg2[%dma_wait3A_504, %dma_wait3A_505] : memref<10240x128xf32, #tpu.memory_space<hbm>> -> memref<64x128xf32, #tpu.memory_space<hbm>>
      tpu.wait_dma2 semaphore(%arg14 : memref<!tpu.dma_semaphore, #tpu.memory_space<semaphore_mem>>) src(%dma_wait3A_506 : memref<64x128xf32, #tpu.memory_space<hbm>>) dst(%arg9 : memref<64x128xf32, #tpu.memory_space<vmem>>)
      %dma_start3A_507 = arith.constant 1 : i32
      %dma_start3A_508 = arith.constant 1 : i32
      %dma_start3A_509 = arith.constant 0 : i32
      %dma_start3A_510 = arith.constant 0 : i32
      %dma_start3A_511 = tpu.memref_slice %arg6[%dma_start3A_507, %dma_start3A_508, %dma_start3A_509, %dma_start3A_510] : memref<4x2x2x64xi32, #tpu.memory_space<vmem>> -> memref<1x1x1x64xi32, #tpu.memory_space<vmem>>
      %dma_start3A_512 = tpu.memref_squeeze %dma_start3A_511 : memref<1x1x1x64xi32, #tpu.memory_space<vmem>> -> memref<64xi32, #tpu.memory_space<vmem>>
      %dma_start3A_513 = arith.constant 0 : i32
      %dma_start3A_514 = arith.constant 0 : i32
      %dma_start3A_515 = tpu.memref_slice %arg11[%dma_start3A_513, %dma_start3A_514] : memref<10240x128xf32, #tpu.memory_space<vmem_shared>> -> memref<10240x128xf32, #tpu.memory_space<vmem_shared>>
      tpu.enqueue_indirect_dma source(%arg9 : memref<64x128xf32, #tpu.memory_space<vmem>>) target(%dma_start3A_515 : memref<10240x128xf32, #tpu.memory_space<vmem_shared>>) offsets(%dma_start3A_512 : memref<64xi32, #tpu.memory_space<vmem>>) semaphore(%arg18 : memref<!tpu.dma_semaphore, #tpu.memory_space<semaphore_mem>>) {add = true}
      %dma_wait3A_516 = arith.constant 0 : i32
      %dma_wait3A_517 = arith.constant 0 : i32
      %dma_wait3A_518 = tpu.memref_slice %arg2[%dma_wait3A_516, %dma_wait3A_517] : memref<10240x128xf32, #tpu.memory_space<hbm>> -> memref<64x128xf32, #tpu.memory_space<hbm>>
      %dma_wait3A_519 = arith.constant 0 : i32
      %dma_wait3A_520 = arith.constant 0 : i32
      %dma_wait3A_521 = tpu.memref_slice %arg2[%dma_wait3A_519, %dma_wait3A_520] : memref<10240x128xf32, #tpu.memory_space<hbm>> -> memref<64x128xf32, #tpu.memory_space<hbm>>
      tpu.wait_dma2 semaphore(%arg15 : memref<!tpu.dma_semaphore, #tpu.memory_space<semaphore_mem>>) src(%dma_wait3A_521 : memref<64x128xf32, #tpu.memory_space<hbm>>) dst(%arg10 : memref<64x128xf32, #tpu.memory_space<vmem>>)
      %dma_start3A_522 = arith.constant 1 : i32
      %dma_start3A_523 = arith.constant 1 : i32
      %dma_start3A_524 = arith.constant 1 : i32
      %dma_start3A_525 = arith.constant 0 : i32
      %dma_start3A_526 = tpu.memref_slice %arg6[%dma_start3A_522, %dma_start3A_523, %dma_start3A_524, %dma_start3A_525] : memref<4x2x2x64xi32, #tpu.memory_space<vmem>> -> memref<1x1x1x64xi32, #tpu.memory_space<vmem>>
      %dma_start3A_527 = tpu.memref_squeeze %dma_start3A_526 : memref<1x1x1x64xi32, #tpu.memory_space<vmem>> -> memref<64xi32, #tpu.memory_space<vmem>>
      %dma_start3A_528 = arith.constant 0 : i32
      %dma_start3A_529 = arith.constant 0 : i32
      %dma_start3A_530 = tpu.memref_slice %arg11[%dma_start3A_528, %dma_start3A_529] : memref<10240x128xf32, #tpu.memory_space<vmem_shared>> -> memref<10240x128xf32, #tpu.memory_space<vmem_shared>>
      tpu.enqueue_indirect_dma source(%arg10 : memref<64x128xf32, #tpu.memory_space<vmem>>) target(%dma_start3A_530 : memref<10240x128xf32, #tpu.memory_space<vmem_shared>>) offsets(%dma_start3A_527 : memref<64xi32, #tpu.memory_space<vmem>>) semaphore(%arg19 : memref<!tpu.dma_semaphore, #tpu.memory_space<semaphore_mem>>) {add = true}
      %dma_wait3A_531 = arith.constant 0 : i32
      %dma_wait3A_532 = arith.constant 0 : i32
      %dma_wait3A_533 = tpu.memref_slice %arg2[%dma_wait3A_531, %dma_wait3A_532] : memref<10240x128xf32, #tpu.memory_space<hbm>> -> memref<64x128xf32, #tpu.memory_space<hbm>>
      %dma_wait3A_534 = arith.constant 0 : i32
      %dma_wait3A_535 = arith.constant 0 : i32
      %dma_wait3A_536 = tpu.memref_slice %arg2[%dma_wait3A_534, %dma_wait3A_535] : memref<10240x128xf32, #tpu.memory_space<hbm>> -> memref<64x128xf32, #tpu.memory_space<hbm>>
      tpu.wait_dma2 semaphore(%arg16 : memref<!tpu.dma_semaphore, #tpu.memory_space<semaphore_mem>>) src(%dma_wait3A_536 : memref<64x128xf32, #tpu.memory_space<hbm>>) dst(%arg7 : memref<64x128xf32, #tpu.memory_space<vmem>>)
      %dma_start3A_537 = arith.constant 2 : i32
      %dma_start3A_538 = arith.constant 0 : i32
      %dma_start3A_539 = arith.constant 0 : i32
      %dma_start3A_540 = arith.constant 0 : i32
      %dma_start3A_541 = tpu.memref_slice %arg6[%dma_start3A_537, %dma_start3A_538, %dma_start3A_539, %dma_start3A_540] : memref<4x2x2x64xi32, #tpu.memory_space<vmem>> -> memref<1x1x1x64xi32, #tpu.memory_space<vmem>>
      %dma_start3A_542 = tpu.memref_squeeze %dma_start3A_541 : memref<1x1x1x64xi32, #tpu.memory_space<vmem>> -> memref<64xi32, #tpu.memory_space<vmem>>
      %dma_start3A_543 = arith.constant 0 : i32
      %dma_start3A_544 = arith.constant 0 : i32
      %dma_start3A_545 = tpu.memref_slice %arg2[%dma_start3A_543, %dma_start3A_544] : memref<10240x128xf32, #tpu.memory_space<hbm>> -> memref<10240x128xf32, #tpu.memory_space<hbm>>
      tpu.enqueue_indirect_dma source(%dma_start3A_545 : memref<10240x128xf32, #tpu.memory_space<hbm>>) target(%arg7 : memref<64x128xf32, #tpu.memory_space<vmem>>) offsets(%dma_start3A_542 : memref<64xi32, #tpu.memory_space<vmem>>) semaphore(%arg12 : memref<!tpu.dma_semaphore, #tpu.memory_space<semaphore_mem>>)
      %dma_wait3A_546 = arith.constant 0 : i32
      %dma_wait3A_547 = arith.constant 0 : i32
      %dma_wait3A_548 = tpu.memref_slice %arg2[%dma_wait3A_546, %dma_wait3A_547] : memref<10240x128xf32, #tpu.memory_space<hbm>> -> memref<64x128xf32, #tpu.memory_space<hbm>>
      %dma_wait3A_549 = arith.constant 0 : i32
      %dma_wait3A_550 = arith.constant 0 : i32
      %dma_wait3A_551 = tpu.memref_slice %arg2[%dma_wait3A_549, %dma_wait3A_550] : memref<10240x128xf32, #tpu.memory_space<hbm>> -> memref<64x128xf32, #tpu.memory_space<hbm>>
      tpu.wait_dma2 semaphore(%arg17 : memref<!tpu.dma_semaphore, #tpu.memory_space<semaphore_mem>>) src(%dma_wait3A_551 : memref<64x128xf32, #tpu.memory_space<hbm>>) dst(%arg8 : memref<64x128xf32, #tpu.memory_space<vmem>>)
      %dma_start3A_552 = arith.constant 2 : i32
      %dma_start3A_553 = arith.constant 0 : i32
      %dma_start3A_554 = arith.constant 1 : i32
      %dma_start3A_555 = arith.constant 0 : i32
      %dma_start3A_556 = tpu.memref_slice %arg6[%dma_start3A_552, %dma_start3A_553, %dma_start3A_554, %dma_start3A_555] : memref<4x2x2x64xi32, #tpu.memory_space<vmem>> -> memref<1x1x1x64xi32, #tpu.memory_space<vmem>>
      %dma_start3A_557 = tpu.memref_squeeze %dma_start3A_556 : memref<1x1x1x64xi32, #tpu.memory_space<vmem>> -> memref<64xi32, #tpu.memory_space<vmem>>
      %dma_start3A_558 = arith.constant 0 : i32
      %dma_start3A_559 = arith.constant 0 : i32
      %dma_start3A_560 = tpu.memref_slice %arg2[%dma_start3A_558, %dma_start3A_559] : memref<10240x128xf32, #tpu.memory_space<hbm>> -> memref<10240x128xf32, #tpu.memory_space<hbm>>
      tpu.enqueue_indirect_dma source(%dma_start3A_560 : memref<10240x128xf32, #tpu.memory_space<hbm>>) target(%arg8 : memref<64x128xf32, #tpu.memory_space<vmem>>) offsets(%dma_start3A_557 : memref<64xi32, #tpu.memory_space<vmem>>) semaphore(%arg13 : memref<!tpu.dma_semaphore, #tpu.memory_space<semaphore_mem>>)
      %dma_wait3A_561 = arith.constant 0 : i32
      %dma_wait3A_562 = arith.constant 0 : i32
      %dma_wait3A_563 = tpu.memref_slice %arg2[%dma_wait3A_561, %dma_wait3A_562] : memref<10240x128xf32, #tpu.memory_space<hbm>> -> memref<64x128xf32, #tpu.memory_space<hbm>>
      %dma_wait3A_564 = arith.constant 0 : i32
      %dma_wait3A_565 = arith.constant 0 : i32
      %dma_wait3A_566 = tpu.memref_slice %arg2[%dma_wait3A_564, %dma_wait3A_565] : memref<10240x128xf32, #tpu.memory_space<hbm>> -> memref<64x128xf32, #tpu.memory_space<hbm>>
      tpu.wait_dma2 semaphore(%arg18 : memref<!tpu.dma_semaphore, #tpu.memory_space<semaphore_mem>>) src(%dma_wait3A_566 : memref<64x128xf32, #tpu.memory_space<hbm>>) dst(%arg9 : memref<64x128xf32, #tpu.memory_space<vmem>>)
      %dma_start3A_567 = arith.constant 3 : i32
      %dma_start3A_568 = arith.constant 0 : i32
      %dma_start3A_569 = arith.constant 0 : i32
      %dma_start3A_570 = arith.constant 0 : i32
      %dma_start3A_571 = tpu.memref_slice %arg6[%dma_start3A_567, %dma_start3A_568, %dma_start3A_569, %dma_start3A_570] : memref<4x2x2x64xi32, #tpu.memory_space<vmem>> -> memref<1x1x1x64xi32, #tpu.memory_space<vmem>>
      %dma_start3A_572 = tpu.memref_squeeze %dma_start3A_571 : memref<1x1x1x64xi32, #tpu.memory_space<vmem>> -> memref<64xi32, #tpu.memory_space<vmem>>
      %dma_start3A_573 = arith.constant 0 : i32
      %dma_start3A_574 = arith.constant 0 : i32
      %dma_start3A_575 = tpu.memref_slice %arg2[%dma_start3A_573, %dma_start3A_574] : memref<10240x128xf32, #tpu.memory_space<hbm>> -> memref<10240x128xf32, #tpu.memory_space<hbm>>
      tpu.enqueue_indirect_dma source(%dma_start3A_575 : memref<10240x128xf32, #tpu.memory_space<hbm>>) target(%arg9 : memref<64x128xf32, #tpu.memory_space<vmem>>) offsets(%dma_start3A_572 : memref<64xi32, #tpu.memory_space<vmem>>) semaphore(%arg14 : memref<!tpu.dma_semaphore, #tpu.memory_space<semaphore_mem>>)
      %dma_wait3A_576 = arith.constant 0 : i32
      %dma_wait3A_577 = arith.constant 0 : i32
      %dma_wait3A_578 = tpu.memref_slice %arg2[%dma_wait3A_576, %dma_wait3A_577] : memref<10240x128xf32, #tpu.memory_space<hbm>> -> memref<64x128xf32, #tpu.memory_space<hbm>>
      %dma_wait3A_579 = arith.constant 0 : i32
      %dma_wait3A_580 = arith.constant 0 : i32
      %dma_wait3A_581 = tpu.memref_slice %arg2[%dma_wait3A_579, %dma_wait3A_580] : memref<10240x128xf32, #tpu.memory_space<hbm>> -> memref<64x128xf32, #tpu.memory_space<hbm>>
      tpu.wait_dma2 semaphore(%arg19 : memref<!tpu.dma_semaphore, #tpu.memory_space<semaphore_mem>>) src(%dma_wait3A_581 : memref<64x128xf32, #tpu.memory_space<hbm>>) dst(%arg10 : memref<64x128xf32, #tpu.memory_space<vmem>>)
      %dma_start3A_582 = arith.constant 3 : i32
      %dma_start3A_583 = arith.constant 0 : i32
      %dma_start3A_584 = arith.constant 1 : i32
      %dma_start3A_585 = arith.constant 0 : i32
      %dma_start3A_586 = tpu.memref_slice %arg6[%dma_start3A_582, %dma_start3A_583, %dma_start3A_584, %dma_start3A_585] : memref<4x2x2x64xi32, #tpu.memory_space<vmem>> -> memref<1x1x1x64xi32, #tpu.memory_space<vmem>>
      %dma_start3A_587 = tpu.memref_squeeze %dma_start3A_586 : memref<1x1x1x64xi32, #tpu.memory_space<vmem>> -> memref<64xi32, #tpu.memory_space<vmem>>
      %dma_start3A_588 = arith.constant 0 : i32
      %dma_start3A_589 = arith.constant 0 : i32
      %dma_start3A_590 = tpu.memref_slice %arg2[%dma_start3A_588, %dma_start3A_589] : memref<10240x128xf32, #tpu.memory_space<hbm>> -> memref<10240x128xf32, #tpu.memory_space<hbm>>
      tpu.enqueue_indirect_dma source(%dma_start3A_590 : memref<10240x128xf32, #tpu.memory_space<hbm>>) target(%arg10 : memref<64x128xf32, #tpu.memory_space<vmem>>) offsets(%dma_start3A_587 : memref<64xi32, #tpu.memory_space<vmem>>) semaphore(%arg15 : memref<!tpu.dma_semaphore, #tpu.memory_space<semaphore_mem>>)
      %mul3A_591 = arith.constant 2 : i32
      %mul3A_592 = arith.muli %mul3A_591, %add3A_426 : i32
      %add3A_593 = arith.constant 4 : i32
      %add3A_594 = arith.addi %mul3A_592, %add3A_593 : i32
      %dma_start3A_595 = arith.constant 0 : i32
      %dma_start3A_596 = arith.constant 0 : i32
      %dma_start3A_597 = arith.constant 0 : i32
      %dma_start3A_598 = arith.constant 0 : i32
      %dma_start3A_599 = tpu.memref_slice %arg6[%dma_start3A_595, %dma_start3A_596, %dma_start3A_597, %dma_start3A_598] : memref<4x2x2x64xi32, #tpu.memory_space<vmem>> -> memref<1x2x2x64xi32, #tpu.memory_space<vmem>>
      %dma_start3A_600 = tpu.memref_squeeze %dma_start3A_599 : memref<1x2x2x64xi32, #tpu.memory_space<vmem>> -> memref<2x2x64xi32, #tpu.memory_space<vmem>>
      %dma_start3A_601 = arith.constant 0 : i32
      %dma_start3A_602 = arith.constant 0 : i32
      %dma_start3A_603 = arith.constant 0 : i32
      %dma_start3A_604 = tpu.memref_slice %arg3[%add3A, %add3A_594, %dma_start3A_601, %dma_start3A_602, %dma_start3A_603] : memref<32x80x2x2x64xi32, #tpu.memory_space<hbm>> -> memref<1x1x2x2x64xi32, #tpu.memory_space<hbm>>
      %dma_start3A_605 = tpu.memref_squeeze %dma_start3A_604 : memref<1x1x2x2x64xi32, #tpu.memory_space<hbm>> -> memref<2x2x64xi32, #tpu.memory_space<hbm>>
      %dma_start3A_606 = arith.constant 0 : i32
      %dma_start3A_607 = arith.constant 0 : i32
      %dma_start3A_608 = arith.constant 0 : i32
      %dma_start3A_609 = tpu.memref_slice %arg6[%dma_start3A_595, %dma_start3A_606, %dma_start3A_607, %dma_start3A_608] : memref<4x2x2x64xi32, #tpu.memory_space<vmem>> -> memref<1x2x2x64xi32, #tpu.memory_space<vmem>>
      %dma_start3A_610 = tpu.memref_squeeze %dma_start3A_609 : memref<1x2x2x64xi32, #tpu.memory_space<vmem>> -> memref<2x2x64xi32, #tpu.memory_space<vmem>>
      %dma_start3A_611 = arith.constant 0 : i32
      %dma_start3A_612 = arith.constant 0 : i32
      %dma_start3A_613 = arith.constant 0 : i32
      %dma_start3A_614 = tpu.memref_slice %arg3[%add3A, %add3A_594, %dma_start3A_611, %dma_start3A_612, %dma_start3A_613] : memref<32x80x2x2x64xi32, #tpu.memory_space<hbm>> -> memref<1x1x2x2x64xi32, #tpu.memory_space<hbm>>
      %dma_start3A_615 = tpu.memref_squeeze %dma_start3A_614 : memref<1x1x2x2x64xi32, #tpu.memory_space<hbm>> -> memref<2x2x64xi32, #tpu.memory_space<hbm>>
      tpu.enqueue_dma source(%dma_start3A_615 : memref<2x2x64xi32, #tpu.memory_space<hbm>>) target(%dma_start3A_610 : memref<2x2x64xi32, #tpu.memory_space<vmem>>) target_semaphore(%arg20 : memref<!tpu.dma_semaphore, #tpu.memory_space<semaphore_mem>>)
      %mul3A_616 = arith.constant 2 : i32
      %mul3A_617 = arith.muli %mul3A_616, %add3A_426 : i32
      %add3A_618 = arith.constant 5 : i32
      %add3A_619 = arith.addi %mul3A_617, %add3A_618 : i32
      %dma_start3A_620 = arith.constant 1 : i32
      %dma_start3A_621 = arith.constant 0 : i32
      %dma_start3A_622 = arith.constant 0 : i32
      %dma_start3A_623 = arith.constant 0 : i32
      %dma_start3A_624 = tpu.memref_slice %arg6[%dma_start3A_620, %dma_start3A_621, %dma_start3A_622, %dma_start3A_623] : memref<4x2x2x64xi32, #tpu.memory_space<vmem>> -> memref<1x2x2x64xi32, #tpu.memory_space<vmem>>
      %dma_start3A_625 = tpu.memref_squeeze %dma_start3A_624 : memref<1x2x2x64xi32, #tpu.memory_space<vmem>> -> memref<2x2x64xi32, #tpu.memory_space<vmem>>
      %dma_start3A_626 = arith.constant 0 : i32
      %dma_start3A_627 = arith.constant 0 : i32
      %dma_start3A_628 = arith.constant 0 : i32
      %dma_start3A_629 = tpu.memref_slice %arg3[%add3A, %add3A_619, %dma_start3A_626, %dma_start3A_627, %dma_start3A_628] : memref<32x80x2x2x64xi32, #tpu.memory_space<hbm>> -> memref<1x1x2x2x64xi32, #tpu.memory_space<hbm>>
      %dma_start3A_630 = tpu.memref_squeeze %dma_start3A_629 : memref<1x1x2x2x64xi32, #tpu.memory_space<hbm>> -> memref<2x2x64xi32, #tpu.memory_space<hbm>>
      %dma_start3A_631 = arith.constant 0 : i32
      %dma_start3A_632 = arith.constant 0 : i32
      %dma_start3A_633 = arith.constant 0 : i32
      %dma_start3A_634 = tpu.memref_slice %arg6[%dma_start3A_620, %dma_start3A_631, %dma_start3A_632, %dma_start3A_633] : memref<4x2x2x64xi32, #tpu.memory_space<vmem>> -> memref<1x2x2x64xi32, #tpu.memory_space<vmem>>
      %dma_start3A_635 = tpu.memref_squeeze %dma_start3A_634 : memref<1x2x2x64xi32, #tpu.memory_space<vmem>> -> memref<2x2x64xi32, #tpu.memory_space<vmem>>
      %dma_start3A_636 = arith.constant 0 : i32
      %dma_start3A_637 = arith.constant 0 : i32
      %dma_start3A_638 = arith.constant 0 : i32
      %dma_start3A_639 = tpu.memref_slice %arg3[%add3A, %add3A_619, %dma_start3A_636, %dma_start3A_637, %dma_start3A_638] : memref<32x80x2x2x64xi32, #tpu.memory_space<hbm>> -> memref<1x1x2x2x64xi32, #tpu.memory_space<hbm>>
      %dma_start3A_640 = tpu.memref_squeeze %dma_start3A_639 : memref<1x1x2x2x64xi32, #tpu.memory_space<hbm>> -> memref<2x2x64xi32, #tpu.memory_space<hbm>>
      tpu.enqueue_dma source(%dma_start3A_640 : memref<2x2x64xi32, #tpu.memory_space<hbm>>) target(%dma_start3A_635 : memref<2x2x64xi32, #tpu.memory_space<vmem>>) target_semaphore(%arg21 : memref<!tpu.dma_semaphore, #tpu.memory_space<semaphore_mem>>)
      %add3A_641 = arith.constant 1 : i32
      %add3A_642 = arith.addi %add3A_426, %add3A_641 : i32
      %dma_wait3A_643 = arith.constant 0 : i32
      %dma_wait3A_644 = arith.constant 0 : i32
      %dma_wait3A_645 = arith.constant 0 : i32
      %dma_wait3A_646 = arith.constant 0 : i32
      %dma_wait3A_647 = arith.constant 0 : i32
      %dma_wait3A_648 = tpu.memref_slice %arg6[%dma_wait3A_644, %dma_wait3A_645, %dma_wait3A_646, %dma_wait3A_647] : memref<4x2x2x64xi32, #tpu.memory_space<vmem>> -> memref<1x2x2x64xi32, #tpu.memory_space<vmem>>
      %dma_wait3A_649 = tpu.memref_squeeze %dma_wait3A_648 : memref<1x2x2x64xi32, #tpu.memory_space<vmem>> -> memref<2x2x64xi32, #tpu.memory_space<vmem>>
      %dma_wait3A_650 = arith.constant 0 : i32
      %dma_wait3A_651 = arith.constant 0 : i32
      %dma_wait3A_652 = arith.constant 0 : i32
      %dma_wait3A_653 = tpu.memref_slice %arg3[%add3A, %dma_wait3A_643, %dma_wait3A_650, %dma_wait3A_651, %dma_wait3A_652] : memref<32x80x2x2x64xi32, #tpu.memory_space<hbm>> -> memref<1x1x2x2x64xi32, #tpu.memory_space<hbm>>
      %dma_wait3A_654 = tpu.memref_squeeze %dma_wait3A_653 : memref<1x1x2x2x64xi32, #tpu.memory_space<hbm>> -> memref<2x2x64xi32, #tpu.memory_space<hbm>>
      %dma_wait3A_655 = arith.constant 0 : i32
      %dma_wait3A_656 = arith.constant 0 : i32
      %dma_wait3A_657 = arith.constant 0 : i32
      %dma_wait3A_658 = tpu.memref_slice %arg6[%dma_wait3A_644, %dma_wait3A_655, %dma_wait3A_656, %dma_wait3A_657] : memref<4x2x2x64xi32, #tpu.memory_space<vmem>> -> memref<1x2x2x64xi32, #tpu.memory_space<vmem>>
      %dma_wait3A_659 = tpu.memref_squeeze %dma_wait3A_658 : memref<1x2x2x64xi32, #tpu.memory_space<vmem>> -> memref<2x2x64xi32, #tpu.memory_space<vmem>>
      %dma_wait3A_660 = arith.constant 0 : i32
      %dma_wait3A_661 = arith.constant 0 : i32
      %dma_wait3A_662 = arith.constant 0 : i32
      %dma_wait3A_663 = tpu.memref_slice %arg3[%add3A, %dma_wait3A_643, %dma_wait3A_660, %dma_wait3A_661, %dma_wait3A_662] : memref<32x80x2x2x64xi32, #tpu.memory_space<hbm>> -> memref<1x1x2x2x64xi32, #tpu.memory_space<hbm>>
      %dma_wait3A_664 = tpu.memref_squeeze %dma_wait3A_663 : memref<1x1x2x2x64xi32, #tpu.memory_space<hbm>> -> memref<2x2x64xi32, #tpu.memory_space<hbm>>
      tpu.wait_dma2 semaphore(%arg20 : memref<!tpu.dma_semaphore, #tpu.memory_space<semaphore_mem>>) src(%dma_wait3A_664 : memref<2x2x64xi32, #tpu.memory_space<hbm>>) dst(%dma_wait3A_659 : memref<2x2x64xi32, #tpu.memory_space<vmem>>)
      %dma_wait3A_665 = arith.constant 0 : i32
      %dma_wait3A_666 = arith.constant 1 : i32
      %dma_wait3A_667 = arith.constant 0 : i32
      %dma_wait3A_668 = arith.constant 0 : i32
      %dma_wait3A_669 = arith.constant 0 : i32
      %dma_wait3A_670 = tpu.memref_slice %arg6[%dma_wait3A_666, %dma_wait3A_667, %dma_wait3A_668, %dma_wait3A_669] : memref<4x2x2x64xi32, #tpu.memory_space<vmem>> -> memref<1x2x2x64xi32, #tpu.memory_space<vmem>>
      %dma_wait3A_671 = tpu.memref_squeeze %dma_wait3A_670 : memref<1x2x2x64xi32, #tpu.memory_space<vmem>> -> memref<2x2x64xi32, #tpu.memory_space<vmem>>
      %dma_wait3A_672 = arith.constant 0 : i32
      %dma_wait3A_673 = arith.constant 0 : i32
      %dma_wait3A_674 = arith.constant 0 : i32
      %dma_wait3A_675 = tpu.memref_slice %arg3[%add3A, %dma_wait3A_665, %dma_wait3A_672, %dma_wait3A_673, %dma_wait3A_674] : memref<32x80x2x2x64xi32, #tpu.memory_space<hbm>> -> memref<1x1x2x2x64xi32, #tpu.memory_space<hbm>>
      %dma_wait3A_676 = tpu.memref_squeeze %dma_wait3A_675 : memref<1x1x2x2x64xi32, #tpu.memory_space<hbm>> -> memref<2x2x64xi32, #tpu.memory_space<hbm>>
      %dma_wait3A_677 = arith.constant 0 : i32
      %dma_wait3A_678 = arith.constant 0 : i32
      %dma_wait3A_679 = arith.constant 0 : i32
      %dma_wait3A_680 = tpu.memref_slice %arg6[%dma_wait3A_666, %dma_wait3A_677, %dma_wait3A_678, %dma_wait3A_679] : memref<4x2x2x64xi32, #tpu.memory_space<vmem>> -> memref<1x2x2x64xi32, #tpu.memory_space<vmem>>
      %dma_wait3A_681 = tpu.memref_squeeze %dma_wait3A_680 : memref<1x2x2x64xi32, #tpu.memory_space<vmem>> -> memref<2x2x64xi32, #tpu.memory_space<vmem>>
      %dma_wait3A_682 = arith.constant 0 : i32
      %dma_wait3A_683 = arith.constant 0 : i32
      %dma_wait3A_684 = arith.constant 0 : i32
      %dma_wait3A_685 = tpu.memref_slice %arg3[%add3A, %dma_wait3A_665, %dma_wait3A_682, %dma_wait3A_683, %dma_wait3A_684] : memref<32x80x2x2x64xi32, #tpu.memory_space<hbm>> -> memref<1x1x2x2x64xi32, #tpu.memory_space<hbm>>
      %dma_wait3A_686 = tpu.memref_squeeze %dma_wait3A_685 : memref<1x1x2x2x64xi32, #tpu.memory_space<hbm>> -> memref<2x2x64xi32, #tpu.memory_space<hbm>>
      tpu.wait_dma2 semaphore(%arg21 : memref<!tpu.dma_semaphore, #tpu.memory_space<semaphore_mem>>) src(%dma_wait3A_686 : memref<2x2x64xi32, #tpu.memory_space<hbm>>) dst(%dma_wait3A_681 : memref<2x2x64xi32, #tpu.memory_space<vmem>>)
      %dma_wait3A_687 = arith.constant 0 : i32
      %dma_wait3A_688 = arith.constant 0 : i32
      %dma_wait3A_689 = tpu.memref_slice %arg2[%dma_wait3A_687, %dma_wait3A_688] : memref<10240x128xf32, #tpu.memory_space<hbm>> -> memref<64x128xf32, #tpu.memory_space<hbm>>
      %dma_wait3A_690 = arith.constant 0 : i32
      %dma_wait3A_691 = arith.constant 0 : i32
      %dma_wait3A_692 = tpu.memref_slice %arg2[%dma_wait3A_690, %dma_wait3A_691] : memref<10240x128xf32, #tpu.memory_space<hbm>> -> memref<64x128xf32, #tpu.memory_space<hbm>>
      tpu.wait_dma2 semaphore(%arg12 : memref<!tpu.dma_semaphore, #tpu.memory_space<semaphore_mem>>) src(%dma_wait3A_692 : memref<64x128xf32, #tpu.memory_space<hbm>>) dst(%arg7 : memref<64x128xf32, #tpu.memory_space<vmem>>)
      %dma_start3A_693 = arith.constant 2 : i32
      %dma_start3A_694 = arith.constant 1 : i32
      %dma_start3A_695 = arith.constant 0 : i32
      %dma_start3A_696 = arith.constant 0 : i32
      %dma_start3A_697 = tpu.memref_slice %arg6[%dma_start3A_693, %dma_start3A_694, %dma_start3A_695, %dma_start3A_696] : memref<4x2x2x64xi32, #tpu.memory_space<vmem>> -> memref<1x1x1x64xi32, #tpu.memory_space<vmem>>
      %dma_start3A_698 = tpu.memref_squeeze %dma_start3A_697 : memref<1x1x1x64xi32, #tpu.memory_space<vmem>> -> memref<64xi32, #tpu.memory_space<vmem>>
      %dma_start3A_699 = arith.constant 0 : i32
      %dma_start3A_700 = arith.constant 0 : i32
      %dma_start3A_701 = tpu.memref_slice %arg11[%dma_start3A_699, %dma_start3A_700] : memref<10240x128xf32, #tpu.memory_space<vmem_shared>> -> memref<10240x128xf32, #tpu.memory_space<vmem_shared>>
      tpu.enqueue_indirect_dma source(%arg7 : memref<64x128xf32, #tpu.memory_space<vmem>>) target(%dma_start3A_701 : memref<10240x128xf32, #tpu.memory_space<vmem_shared>>) offsets(%dma_start3A_698 : memref<64xi32, #tpu.memory_space<vmem>>) semaphore(%arg16 : memref<!tpu.dma_semaphore, #tpu.memory_space<semaphore_mem>>) {add = true}
      %dma_wait3A_702 = arith.constant 0 : i32
      %dma_wait3A_703 = arith.constant 0 : i32
      %dma_wait3A_704 = tpu.memref_slice %arg2[%dma_wait3A_702, %dma_wait3A_703] : memref<10240x128xf32, #tpu.memory_space<hbm>> -> memref<64x128xf32, #tpu.memory_space<hbm>>
      %dma_wait3A_705 = arith.constant 0 : i32
      %dma_wait3A_706 = arith.constant 0 : i32
      %dma_wait3A_707 = tpu.memref_slice %arg2[%dma_wait3A_705, %dma_wait3A_706] : memref<10240x128xf32, #tpu.memory_space<hbm>> -> memref<64x128xf32, #tpu.memory_space<hbm>>
      tpu.wait_dma2 semaphore(%arg13 : memref<!tpu.dma_semaphore, #tpu.memory_space<semaphore_mem>>) src(%dma_wait3A_707 : memref<64x128xf32, #tpu.memory_space<hbm>>) dst(%arg8 : memref<64x128xf32, #tpu.memory_space<vmem>>)
      %dma_start3A_708 = arith.constant 2 : i32
      %dma_start3A_709 = arith.constant 1 : i32
      %dma_start3A_710 = arith.constant 1 : i32
      %dma_start3A_711 = arith.constant 0 : i32
      %dma_start3A_712 = tpu.memref_slice %arg6[%dma_start3A_708, %dma_start3A_709, %dma_start3A_710, %dma_start3A_711] : memref<4x2x2x64xi32, #tpu.memory_space<vmem>> -> memref<1x1x1x64xi32, #tpu.memory_space<vmem>>
      %dma_start3A_713 = tpu.memref_squeeze %dma_start3A_712 : memref<1x1x1x64xi32, #tpu.memory_space<vmem>> -> memref<64xi32, #tpu.memory_space<vmem>>
      %dma_start3A_714 = arith.constant 0 : i32
      %dma_start3A_715 = arith.constant 0 : i32
      %dma_start3A_716 = tpu.memref_slice %arg11[%dma_start3A_714, %dma_start3A_715] : memref<10240x128xf32, #tpu.memory_space<vmem_shared>> -> memref<10240x128xf32, #tpu.memory_space<vmem_shared>>
      tpu.enqueue_indirect_dma source(%arg8 : memref<64x128xf32, #tpu.memory_space<vmem>>) target(%dma_start3A_716 : memref<10240x128xf32, #tpu.memory_space<vmem_shared>>) offsets(%dma_start3A_713 : memref<64xi32, #tpu.memory_space<vmem>>) semaphore(%arg17 : memref<!tpu.dma_semaphore, #tpu.memory_space<semaphore_mem>>) {add = true}
      %dma_wait3A_717 = arith.constant 0 : i32
      %dma_wait3A_718 = arith.constant 0 : i32
      %dma_wait3A_719 = tpu.memref_slice %arg2[%dma_wait3A_717, %dma_wait3A_718] : memref<10240x128xf32, #tpu.memory_space<hbm>> -> memref<64x128xf32, #tpu.memory_space<hbm>>
      %dma_wait3A_720 = arith.constant 0 : i32
      %dma_wait3A_721 = arith.constant 0 : i32
      %dma_wait3A_722 = tpu.memref_slice %arg2[%dma_wait3A_720, %dma_wait3A_721] : memref<10240x128xf32, #tpu.memory_space<hbm>> -> memref<64x128xf32, #tpu.memory_space<hbm>>
      tpu.wait_dma2 semaphore(%arg14 : memref<!tpu.dma_semaphore, #tpu.memory_space<semaphore_mem>>) src(%dma_wait3A_722 : memref<64x128xf32, #tpu.memory_space<hbm>>) dst(%arg9 : memref<64x128xf32, #tpu.memory_space<vmem>>)
      %dma_start3A_723 = arith.constant 3 : i32
      %dma_start3A_724 = arith.constant 1 : i32
      %dma_start3A_725 = arith.constant 0 : i32
      %dma_start3A_726 = arith.constant 0 : i32
      %dma_start3A_727 = tpu.memref_slice %arg6[%dma_start3A_723, %dma_start3A_724, %dma_start3A_725, %dma_start3A_726] : memref<4x2x2x64xi32, #tpu.memory_space<vmem>> -> memref<1x1x1x64xi32, #tpu.memory_space<vmem>>
      %dma_start3A_728 = tpu.memref_squeeze %dma_start3A_727 : memref<1x1x1x64xi32, #tpu.memory_space<vmem>> -> memref<64xi32, #tpu.memory_space<vmem>>
      %dma_start3A_729 = arith.constant 0 : i32
      %dma_start3A_730 = arith.constant 0 : i32
      %dma_start3A_731 = tpu.memref_slice %arg11[%dma_start3A_729, %dma_start3A_730] : memref<10240x128xf32, #tpu.memory_space<vmem_shared>> -> memref<10240x128xf32, #tpu.memory_space<vmem_shared>>
      tpu.enqueue_indirect_dma source(%arg9 : memref<64x128xf32, #tpu.memory_space<vmem>>) target(%dma_start3A_731 : memref<10240x128xf32, #tpu.memory_space<vmem_shared>>) offsets(%dma_start3A_728 : memref<64xi32, #tpu.memory_space<vmem>>) semaphore(%arg18 : memref<!tpu.dma_semaphore, #tpu.memory_space<semaphore_mem>>) {add = true}
      %dma_wait3A_732 = arith.constant 0 : i32
      %dma_wait3A_733 = arith.constant 0 : i32
      %dma_wait3A_734 = tpu.memref_slice %arg2[%dma_wait3A_732, %dma_wait3A_733] : memref<10240x128xf32, #tpu.memory_space<hbm>> -> memref<64x128xf32, #tpu.memory_space<hbm>>
      %dma_wait3A_735 = arith.constant 0 : i32
      %dma_wait3A_736 = arith.constant 0 : i32
      %dma_wait3A_737 = tpu.memref_slice %arg2[%dma_wait3A_735, %dma_wait3A_736] : memref<10240x128xf32, #tpu.memory_space<hbm>> -> memref<64x128xf32, #tpu.memory_space<hbm>>
      tpu.wait_dma2 semaphore(%arg15 : memref<!tpu.dma_semaphore, #tpu.memory_space<semaphore_mem>>) src(%dma_wait3A_737 : memref<64x128xf32, #tpu.memory_space<hbm>>) dst(%arg10 : memref<64x128xf32, #tpu.memory_space<vmem>>)
      %dma_start3A_738 = arith.constant 3 : i32
      %dma_start3A_739 = arith.constant 1 : i32
      %dma_start3A_740 = arith.constant 1 : i32
      %dma_start3A_741 = arith.constant 0 : i32
      %dma_start3A_742 = tpu.memref_slice %arg6[%dma_start3A_738, %dma_start3A_739, %dma_start3A_740, %dma_start3A_741] : memref<4x2x2x64xi32, #tpu.memory_space<vmem>> -> memref<1x1x1x64xi32, #tpu.memory_space<vmem>>
      %dma_start3A_743 = tpu.memref_squeeze %dma_start3A_742 : memref<1x1x1x64xi32, #tpu.memory_space<vmem>> -> memref<64xi32, #tpu.memory_space<vmem>>
      %dma_start3A_744 = arith.constant 0 : i32
      %dma_start3A_745 = arith.constant 0 : i32
      %dma_start3A_746 = tpu.memref_slice %arg11[%dma_start3A_744, %dma_start3A_745] : memref<10240x128xf32, #tpu.memory_space<vmem_shared>> -> memref<10240x128xf32, #tpu.memory_space<vmem_shared>>
      tpu.enqueue_indirect_dma source(%arg10 : memref<64x128xf32, #tpu.memory_space<vmem>>) target(%dma_start3A_746 : memref<10240x128xf32, #tpu.memory_space<vmem_shared>>) offsets(%dma_start3A_743 : memref<64xi32, #tpu.memory_space<vmem>>) semaphore(%arg19 : memref<!tpu.dma_semaphore, #tpu.memory_space<semaphore_mem>>) {add = true}
      %dma_wait3A_747 = arith.constant 0 : i32
      %dma_wait3A_748 = arith.constant 0 : i32
      %dma_wait3A_749 = tpu.memref_slice %arg2[%dma_wait3A_747, %dma_wait3A_748] : memref<10240x128xf32, #tpu.memory_space<hbm>> -> memref<64x128xf32, #tpu.memory_space<hbm>>
      %dma_wait3A_750 = arith.constant 0 : i32
      %dma_wait3A_751 = arith.constant 0 : i32
      %dma_wait3A_752 = tpu.memref_slice %arg2[%dma_wait3A_750, %dma_wait3A_751] : memref<10240x128xf32, #tpu.memory_space<hbm>> -> memref<64x128xf32, #tpu.memory_space<hbm>>
      tpu.wait_dma2 semaphore(%arg16 : memref<!tpu.dma_semaphore, #tpu.memory_space<semaphore_mem>>) src(%dma_wait3A_752 : memref<64x128xf32, #tpu.memory_space<hbm>>) dst(%arg7 : memref<64x128xf32, #tpu.memory_space<vmem>>)
      %dma_start3A_753 = arith.constant 0 : i32
      %dma_start3A_754 = arith.constant 0 : i32
      %dma_start3A_755 = arith.constant 0 : i32
      %dma_start3A_756 = arith.constant 0 : i32
      %dma_start3A_757 = tpu.memref_slice %arg6[%dma_start3A_753, %dma_start3A_754, %dma_start3A_755, %dma_start3A_756] : memref<4x2x2x64xi32, #tpu.memory_space<vmem>> -> memref<1x1x1x64xi32, #tpu.memory_space<vmem>>
      %dma_start3A_758 = tpu.memref_squeeze %dma_start3A_757 : memref<1x1x1x64xi32, #tpu.memory_space<vmem>> -> memref<64xi32, #tpu.memory_space<vmem>>
      %dma_start3A_759 = arith.constant 0 : i32
      %dma_start3A_760 = arith.constant 0 : i32
      %dma_start3A_761 = tpu.memref_slice %arg2[%dma_start3A_759, %dma_start3A_760] : memref<10240x128xf32, #tpu.memory_space<hbm>> -> memref<10240x128xf32, #tpu.memory_space<hbm>>
      tpu.enqueue_indirect_dma source(%dma_start3A_761 : memref<10240x128xf32, #tpu.memory_space<hbm>>) target(%arg7 : memref<64x128xf32, #tpu.memory_space<vmem>>) offsets(%dma_start3A_758 : memref<64xi32, #tpu.memory_space<vmem>>) semaphore(%arg12 : memref<!tpu.dma_semaphore, #tpu.memory_space<semaphore_mem>>)
      %dma_wait3A_762 = arith.constant 0 : i32
      %dma_wait3A_763 = arith.constant 0 : i32
      %dma_wait3A_764 = tpu.memref_slice %arg2[%dma_wait3A_762, %dma_wait3A_763] : memref<10240x128xf32, #tpu.memory_space<hbm>> -> memref<64x128xf32, #tpu.memory_space<hbm>>
      %dma_wait3A_765 = arith.constant 0 : i32
      %dma_wait3A_766 = arith.constant 0 : i32
      %dma_wait3A_767 = tpu.memref_slice %arg2[%dma_wait3A_765, %dma_wait3A_766] : memref<10240x128xf32, #tpu.memory_space<hbm>> -> memref<64x128xf32, #tpu.memory_space<hbm>>
      tpu.wait_dma2 semaphore(%arg17 : memref<!tpu.dma_semaphore, #tpu.memory_space<semaphore_mem>>) src(%dma_wait3A_767 : memref<64x128xf32, #tpu.memory_space<hbm>>) dst(%arg8 : memref<64x128xf32, #tpu.memory_space<vmem>>)
      %dma_start3A_768 = arith.constant 0 : i32
      %dma_start3A_769 = arith.constant 0 : i32
      %dma_start3A_770 = arith.constant 1 : i32
      %dma_start3A_771 = arith.constant 0 : i32
      %dma_start3A_772 = tpu.memref_slice %arg6[%dma_start3A_768, %dma_start3A_769, %dma_start3A_770, %dma_start3A_771] : memref<4x2x2x64xi32, #tpu.memory_space<vmem>> -> memref<1x1x1x64xi32, #tpu.memory_space<vmem>>
      %dma_start3A_773 = tpu.memref_squeeze %dma_start3A_772 : memref<1x1x1x64xi32, #tpu.memory_space<vmem>> -> memref<64xi32, #tpu.memory_space<vmem>>
      %dma_start3A_774 = arith.constant 0 : i32
      %dma_start3A_775 = arith.constant 0 : i32
      %dma_start3A_776 = tpu.memref_slice %arg2[%dma_start3A_774, %dma_start3A_775] : memref<10240x128xf32, #tpu.memory_space<hbm>> -> memref<10240x128xf32, #tpu.memory_space<hbm>>
      tpu.enqueue_indirect_dma source(%dma_start3A_776 : memref<10240x128xf32, #tpu.memory_space<hbm>>) target(%arg8 : memref<64x128xf32, #tpu.memory_space<vmem>>) offsets(%dma_start3A_773 : memref<64xi32, #tpu.memory_space<vmem>>) semaphore(%arg13 : memref<!tpu.dma_semaphore, #tpu.memory_space<semaphore_mem>>)
      %dma_wait3A_777 = arith.constant 0 : i32
      %dma_wait3A_778 = arith.constant 0 : i32
      %dma_wait3A_779 = tpu.memref_slice %arg2[%dma_wait3A_777, %dma_wait3A_778] : memref<10240x128xf32, #tpu.memory_space<hbm>> -> memref<64x128xf32, #tpu.memory_space<hbm>>
      %dma_wait3A_780 = arith.constant 0 : i32
      %dma_wait3A_781 = arith.constant 0 : i32
      %dma_wait3A_782 = tpu.memref_slice %arg2[%dma_wait3A_780, %dma_wait3A_781] : memref<10240x128xf32, #tpu.memory_space<hbm>> -> memref<64x128xf32, #tpu.memory_space<hbm>>
      tpu.wait_dma2 semaphore(%arg18 : memref<!tpu.dma_semaphore, #tpu.memory_space<semaphore_mem>>) src(%dma_wait3A_782 : memref<64x128xf32, #tpu.memory_space<hbm>>) dst(%arg9 : memref<64x128xf32, #tpu.memory_space<vmem>>)
      %dma_start3A_783 = arith.constant 1 : i32
      %dma_start3A_784 = arith.constant 0 : i32
      %dma_start3A_785 = arith.constant 0 : i32
      %dma_start3A_786 = arith.constant 0 : i32
      %dma_start3A_787 = tpu.memref_slice %arg6[%dma_start3A_783, %dma_start3A_784, %dma_start3A_785, %dma_start3A_786] : memref<4x2x2x64xi32, #tpu.memory_space<vmem>> -> memref<1x1x1x64xi32, #tpu.memory_space<vmem>>
      %dma_start3A_788 = tpu.memref_squeeze %dma_start3A_787 : memref<1x1x1x64xi32, #tpu.memory_space<vmem>> -> memref<64xi32, #tpu.memory_space<vmem>>
      %dma_start3A_789 = arith.constant 0 : i32
      %dma_start3A_790 = arith.constant 0 : i32
      %dma_start3A_791 = tpu.memref_slice %arg2[%dma_start3A_789, %dma_start3A_790] : memref<10240x128xf32, #tpu.memory_space<hbm>> -> memref<10240x128xf32, #tpu.memory_space<hbm>>
      tpu.enqueue_indirect_dma source(%dma_start3A_791 : memref<10240x128xf32, #tpu.memory_space<hbm>>) target(%arg9 : memref<64x128xf32, #tpu.memory_space<vmem>>) offsets(%dma_start3A_788 : memref<64xi32, #tpu.memory_space<vmem>>) semaphore(%arg14 : memref<!tpu.dma_semaphore, #tpu.memory_space<semaphore_mem>>)
      %dma_wait3A_792 = arith.constant 0 : i32
      %dma_wait3A_793 = arith.constant 0 : i32
      %dma_wait3A_794 = tpu.memref_slice %arg2[%dma_wait3A_792, %dma_wait3A_793] : memref<10240x128xf32, #tpu.memory_space<hbm>> -> memref<64x128xf32, #tpu.memory_space<hbm>>
      %dma_wait3A_795 = arith.constant 0 : i32
      %dma_wait3A_796 = arith.constant 0 : i32
      %dma_wait3A_797 = tpu.memref_slice %arg2[%dma_wait3A_795, %dma_wait3A_796] : memref<10240x128xf32, #tpu.memory_space<hbm>> -> memref<64x128xf32, #tpu.memory_space<hbm>>
      tpu.wait_dma2 semaphore(%arg19 : memref<!tpu.dma_semaphore, #tpu.memory_space<semaphore_mem>>) src(%dma_wait3A_797 : memref<64x128xf32, #tpu.memory_space<hbm>>) dst(%arg10 : memref<64x128xf32, #tpu.memory_space<vmem>>)
      %dma_start3A_798 = arith.constant 1 : i32
      %dma_start3A_799 = arith.constant 0 : i32
      %dma_start3A_800 = arith.constant 1 : i32
      %dma_start3A_801 = arith.constant 0 : i32
      %dma_start3A_802 = tpu.memref_slice %arg6[%dma_start3A_798, %dma_start3A_799, %dma_start3A_800, %dma_start3A_801] : memref<4x2x2x64xi32, #tpu.memory_space<vmem>> -> memref<1x1x1x64xi32, #tpu.memory_space<vmem>>
      %dma_start3A_803 = tpu.memref_squeeze %dma_start3A_802 : memref<1x1x1x64xi32, #tpu.memory_space<vmem>> -> memref<64xi32, #tpu.memory_space<vmem>>
      %dma_start3A_804 = arith.constant 0 : i32
      %dma_start3A_805 = arith.constant 0 : i32
      %dma_start3A_806 = tpu.memref_slice %arg2[%dma_start3A_804, %dma_start3A_805] : memref<10240x128xf32, #tpu.memory_space<hbm>> -> memref<10240x128xf32, #tpu.memory_space<hbm>>
      tpu.enqueue_indirect_dma source(%dma_start3A_806 : memref<10240x128xf32, #tpu.memory_space<hbm>>) target(%arg10 : memref<64x128xf32, #tpu.memory_space<vmem>>) offsets(%dma_start3A_803 : memref<64xi32, #tpu.memory_space<vmem>>) semaphore(%arg15 : memref<!tpu.dma_semaphore, #tpu.memory_space<semaphore_mem>>)
      %mul3A_807 = arith.constant 2 : i32
      %mul3A_808 = arith.muli %mul3A_807, %add3A_642 : i32
      %add3A_809 = arith.constant 4 : i32
      %add3A_810 = arith.addi %mul3A_808, %add3A_809 : i32
      %dma_start3A_811 = arith.constant 2 : i32
      %dma_start3A_812 = arith.constant 0 : i32
      %dma_start3A_813 = arith.constant 0 : i32
      %dma_start3A_814 = arith.constant 0 : i32
      %dma_start3A_815 = tpu.memref_slice %arg6[%dma_start3A_811, %dma_start3A_812, %dma_start3A_813, %dma_start3A_814] : memref<4x2x2x64xi32, #tpu.memory_space<vmem>> -> memref<1x2x2x64xi32, #tpu.memory_space<vmem>>
      %dma_start3A_816 = tpu.memref_squeeze %dma_start3A_815 : memref<1x2x2x64xi32, #tpu.memory_space<vmem>> -> memref<2x2x64xi32, #tpu.memory_space<vmem>>
      %dma_start3A_817 = arith.constant 0 : i32
      %dma_start3A_818 = arith.constant 0 : i32
      %dma_start3A_819 = arith.constant 0 : i32
      %dma_start3A_820 = tpu.memref_slice %arg3[%add3A, %add3A_810, %dma_start3A_817, %dma_start3A_818, %dma_start3A_819] : memref<32x80x2x2x64xi32, #tpu.memory_space<hbm>> -> memref<1x1x2x2x64xi32, #tpu.memory_space<hbm>>
      %dma_start3A_821 = tpu.memref_squeeze %dma_start3A_820 : memref<1x1x2x2x64xi32, #tpu.memory_space<hbm>> -> memref<2x2x64xi32, #tpu.memory_space<hbm>>
      %dma_start3A_822 = arith.constant 0 : i32
      %dma_start3A_823 = arith.constant 0 : i32
      %dma_start3A_824 = arith.constant 0 : i32
      %dma_start3A_825 = tpu.memref_slice %arg6[%dma_start3A_811, %dma_start3A_822, %dma_start3A_823, %dma_start3A_824] : memref<4x2x2x64xi32, #tpu.memory_space<vmem>> -> memref<1x2x2x64xi32, #tpu.memory_space<vmem>>
      %dma_start3A_826 = tpu.memref_squeeze %dma_start3A_825 : memref<1x2x2x64xi32, #tpu.memory_space<vmem>> -> memref<2x2x64xi32, #tpu.memory_space<vmem>>
      %dma_start3A_827 = arith.constant 0 : i32
      %dma_start3A_828 = arith.constant 0 : i32
      %dma_start3A_829 = arith.constant 0 : i32
      %dma_start3A_830 = tpu.memref_slice %arg3[%add3A, %add3A_810, %dma_start3A_827, %dma_start3A_828, %dma_start3A_829] : memref<32x80x2x2x64xi32, #tpu.memory_space<hbm>> -> memref<1x1x2x2x64xi32, #tpu.memory_space<hbm>>
      %dma_start3A_831 = tpu.memref_squeeze %dma_start3A_830 : memref<1x1x2x2x64xi32, #tpu.memory_space<hbm>> -> memref<2x2x64xi32, #tpu.memory_space<hbm>>
      tpu.enqueue_dma source(%dma_start3A_831 : memref<2x2x64xi32, #tpu.memory_space<hbm>>) target(%dma_start3A_826 : memref<2x2x64xi32, #tpu.memory_space<vmem>>) target_semaphore(%arg22 : memref<!tpu.dma_semaphore, #tpu.memory_space<semaphore_mem>>)
      %mul3A_832 = arith.constant 2 : i32
      %mul3A_833 = arith.muli %mul3A_832, %add3A_642 : i32
      %add3A_834 = arith.constant 5 : i32
      %add3A_835 = arith.addi %mul3A_833, %add3A_834 : i32
      %dma_start3A_836 = arith.constant 3 : i32
      %dma_start3A_837 = arith.constant 0 : i32
      %dma_start3A_838 = arith.constant 0 : i32
      %dma_start3A_839 = arith.constant 0 : i32
      %dma_start3A_840 = tpu.memref_slice %arg6[%dma_start3A_836, %dma_start3A_837, %dma_start3A_838, %dma_start3A_839] : memref<4x2x2x64xi32, #tpu.memory_space<vmem>> -> memref<1x2x2x64xi32, #tpu.memory_space<vmem>>
      %dma_start3A_841 = tpu.memref_squeeze %dma_start3A_840 : memref<1x2x2x64xi32, #tpu.memory_space<vmem>> -> memref<2x2x64xi32, #tpu.memory_space<vmem>>
      %dma_start3A_842 = arith.constant 0 : i32
      %dma_start3A_843 = arith.constant 0 : i32
      %dma_start3A_844 = arith.constant 0 : i32
      %dma_start3A_845 = tpu.memref_slice %arg3[%add3A, %add3A_835, %dma_start3A_842, %dma_start3A_843, %dma_start3A_844] : memref<32x80x2x2x64xi32, #tpu.memory_space<hbm>> -> memref<1x1x2x2x64xi32, #tpu.memory_space<hbm>>
      %dma_start3A_846 = tpu.memref_squeeze %dma_start3A_845 : memref<1x1x2x2x64xi32, #tpu.memory_space<hbm>> -> memref<2x2x64xi32, #tpu.memory_space<hbm>>
      %dma_start3A_847 = arith.constant 0 : i32
      %dma_start3A_848 = arith.constant 0 : i32
      %dma_start3A_849 = arith.constant 0 : i32
      %dma_start3A_850 = tpu.memref_slice %arg6[%dma_start3A_836, %dma_start3A_847, %dma_start3A_848, %dma_start3A_849] : memref<4x2x2x64xi32, #tpu.memory_space<vmem>> -> memref<1x2x2x64xi32, #tpu.memory_space<vmem>>
      %dma_start3A_851 = tpu.memref_squeeze %dma_start3A_850 : memref<1x2x2x64xi32, #tpu.memory_space<vmem>> -> memref<2x2x64xi32, #tpu.memory_space<vmem>>
      %dma_start3A_852 = arith.constant 0 : i32
      %dma_start3A_853 = arith.constant 0 : i32
      %dma_start3A_854 = arith.constant 0 : i32
      %dma_start3A_855 = tpu.memref_slice %arg3[%add3A, %add3A_835, %dma_start3A_852, %dma_start3A_853, %dma_start3A_854] : memref<32x80x2x2x64xi32, #tpu.memory_space<hbm>> -> memref<1x1x2x2x64xi32, #tpu.memory_space<hbm>>
      %dma_start3A_856 = tpu.memref_squeeze %dma_start3A_855 : memref<1x1x2x2x64xi32, #tpu.memory_space<hbm>> -> memref<2x2x64xi32, #tpu.memory_space<hbm>>
      tpu.enqueue_dma source(%dma_start3A_856 : memref<2x2x64xi32, #tpu.memory_space<hbm>>) target(%dma_start3A_851 : memref<2x2x64xi32, #tpu.memory_space<vmem>>) target_semaphore(%arg23 : memref<!tpu.dma_semaphore, #tpu.memory_space<semaphore_mem>>)
    }
    %scan3A_172 = arith.constant 19 : i32
    %dma_wait3A_173 = arith.constant 0 : i32
    %dma_wait3A_174 = arith.constant 2 : i32
    %dma_wait3A_175 = arith.constant 0 : i32
    %dma_wait3A_176 = arith.constant 0 : i32
    %dma_wait3A_177 = arith.constant 0 : i32
    %dma_wait3A_178 = tpu.memref_slice %arg6[%dma_wait3A_174, %dma_wait3A_175, %dma_wait3A_176, %dma_wait3A_177] : memref<4x2x2x64xi32, #tpu.memory_space<vmem>> -> memref<1x2x2x64xi32, #tpu.memory_space<vmem>>
    %dma_wait3A_179 = tpu.memref_squeeze %dma_wait3A_178 : memref<1x2x2x64xi32, #tpu.memory_space<vmem>> -> memref<2x2x64xi32, #tpu.memory_space<vmem>>
    %dma_wait3A_180 = arith.constant 0 : i32
    %dma_wait3A_181 = arith.constant 0 : i32
    %dma_wait3A_182 = arith.constant 0 : i32
    %dma_wait3A_183 = tpu.memref_slice %arg3[%add3A, %dma_wait3A_173, %dma_wait3A_180, %dma_wait3A_181, %dma_wait3A_182] : memref<32x80x2x2x64xi32, #tpu.memory_space<hbm>> -> memref<1x1x2x2x64xi32, #tpu.memory_space<hbm>>
    %dma_wait3A_184 = tpu.memref_squeeze %dma_wait3A_183 : memref<1x1x2x2x64xi32, #tpu.memory_space<hbm>> -> memref<2x2x64xi32, #tpu.memory_space<hbm>>
    %dma_wait3A_185 = arith.constant 0 : i32
    %dma_wait3A_186 = arith.constant 0 : i32
    %dma_wait3A_187 = arith.constant 0 : i32
    %dma_wait3A_188 = tpu.memref_slice %arg6[%dma_wait3A_174, %dma_wait3A_185, %dma_wait3A_186, %dma_wait3A_187] : memref<4x2x2x64xi32, #tpu.memory_space<vmem>> -> memref<1x2x2x64xi32, #tpu.memory_space<vmem>>
    %dma_wait3A_189 = tpu.memref_squeeze %dma_wait3A_188 : memref<1x2x2x64xi32, #tpu.memory_space<vmem>> -> memref<2x2x64xi32, #tpu.memory_space<vmem>>
    %dma_wait3A_190 = arith.constant 0 : i32
    %dma_wait3A_191 = arith.constant 0 : i32
    %dma_wait3A_192 = arith.constant 0 : i32
    %dma_wait3A_193 = tpu.memref_slice %arg3[%add3A, %dma_wait3A_173, %dma_wait3A_190, %dma_wait3A_191, %dma_wait3A_192] : memref<32x80x2x2x64xi32, #tpu.memory_space<hbm>> -> memref<1x1x2x2x64xi32, #tpu.memory_space<hbm>>
    %dma_wait3A_194 = tpu.memref_squeeze %dma_wait3A_193 : memref<1x1x2x2x64xi32, #tpu.memory_space<hbm>> -> memref<2x2x64xi32, #tpu.memory_space<hbm>>
    tpu.wait_dma2 semaphore(%arg22 : memref<!tpu.dma_semaphore, #tpu.memory_space<semaphore_mem>>) src(%dma_wait3A_194 : memref<2x2x64xi32, #tpu.memory_space<hbm>>) dst(%dma_wait3A_189 : memref<2x2x64xi32, #tpu.memory_space<vmem>>)
    %dma_wait3A_195 = arith.constant 0 : i32
    %dma_wait3A_196 = arith.constant 3 : i32
    %dma_wait3A_197 = arith.constant 0 : i32
    %dma_wait3A_198 = arith.constant 0 : i32
    %dma_wait3A_199 = arith.constant 0 : i32
    %dma_wait3A_200 = tpu.memref_slice %arg6[%dma_wait3A_196, %dma_wait3A_197, %dma_wait3A_198, %dma_wait3A_199] : memref<4x2x2x64xi32, #tpu.memory_space<vmem>> -> memref<1x2x2x64xi32, #tpu.memory_space<vmem>>
    %dma_wait3A_201 = tpu.memref_squeeze %dma_wait3A_200 : memref<1x2x2x64xi32, #tpu.memory_space<vmem>> -> memref<2x2x64xi32, #tpu.memory_space<vmem>>
    %dma_wait3A_202 = arith.constant 0 : i32
    %dma_wait3A_203 = arith.constant 0 : i32
    %dma_wait3A_204 = arith.constant 0 : i32
    %dma_wait3A_205 = tpu.memref_slice %arg3[%add3A, %dma_wait3A_195, %dma_wait3A_202, %dma_wait3A_203, %dma_wait3A_204] : memref<32x80x2x2x64xi32, #tpu.memory_space<hbm>> -> memref<1x1x2x2x64xi32, #tpu.memory_space<hbm>>
    %dma_wait3A_206 = tpu.memref_squeeze %dma_wait3A_205 : memref<1x1x2x2x64xi32, #tpu.memory_space<hbm>> -> memref<2x2x64xi32, #tpu.memory_space<hbm>>
    %dma_wait3A_207 = arith.constant 0 : i32
    %dma_wait3A_208 = arith.constant 0 : i32
    %dma_wait3A_209 = arith.constant 0 : i32
    %dma_wait3A_210 = tpu.memref_slice %arg6[%dma_wait3A_196, %dma_wait3A_207, %dma_wait3A_208, %dma_wait3A_209] : memref<4x2x2x64xi32, #tpu.memory_space<vmem>> -> memref<1x2x2x64xi32, #tpu.memory_space<vmem>>
    %dma_wait3A_211 = tpu.memref_squeeze %dma_wait3A_210 : memref<1x2x2x64xi32, #tpu.memory_space<vmem>> -> memref<2x2x64xi32, #tpu.memory_space<vmem>>
    %dma_wait3A_212 = arith.constant 0 : i32
    %dma_wait3A_213 = arith.constant 0 : i32
    %dma_wait3A_214 = arith.constant 0 : i32
    %dma_wait3A_215 = tpu.memref_slice %arg3[%add3A, %dma_wait3A_195, %dma_wait3A_212, %dma_wait3A_213, %dma_wait3A_214] : memref<32x80x2x2x64xi32, #tpu.memory_space<hbm>> -> memref<1x1x2x2x64xi32, #tpu.memory_space<hbm>>
    %dma_wait3A_216 = tpu.memref_squeeze %dma_wait3A_215 : memref<1x1x2x2x64xi32, #tpu.memory_space<hbm>> -> memref<2x2x64xi32, #tpu.memory_space<hbm>>
    tpu.wait_dma2 semaphore(%arg23 : memref<!tpu.dma_semaphore, #tpu.memory_space<semaphore_mem>>) src(%dma_wait3A_216 : memref<2x2x64xi32, #tpu.memory_space<hbm>>) dst(%dma_wait3A_211 : memref<2x2x64xi32, #tpu.memory_space<vmem>>)
    %dma_wait3A_217 = arith.constant 0 : i32
    %dma_wait3A_218 = arith.constant 0 : i32
    %dma_wait3A_219 = tpu.memref_slice %arg2[%dma_wait3A_217, %dma_wait3A_218] : memref<10240x128xf32, #tpu.memory_space<hbm>> -> memref<64x128xf32, #tpu.memory_space<hbm>>
    %dma_wait3A_220 = arith.constant 0 : i32
    %dma_wait3A_221 = arith.constant 0 : i32
    %dma_wait3A_222 = tpu.memref_slice %arg2[%dma_wait3A_220, %dma_wait3A_221] : memref<10240x128xf32, #tpu.memory_space<hbm>> -> memref<64x128xf32, #tpu.memory_space<hbm>>
    tpu.wait_dma2 semaphore(%arg12 : memref<!tpu.dma_semaphore, #tpu.memory_space<semaphore_mem>>) src(%dma_wait3A_222 : memref<64x128xf32, #tpu.memory_space<hbm>>) dst(%arg7 : memref<64x128xf32, #tpu.memory_space<vmem>>)
    %dma_start3A_223 = arith.constant 0 : i32
    %dma_start3A_224 = arith.constant 1 : i32
    %dma_start3A_225 = arith.constant 0 : i32
    %dma_start3A_226 = arith.constant 0 : i32
    %dma_start3A_227 = tpu.memref_slice %arg6[%dma_start3A_223, %dma_start3A_224, %dma_start3A_225, %dma_start3A_226] : memref<4x2x2x64xi32, #tpu.memory_space<vmem>> -> memref<1x1x1x64xi32, #tpu.memory_space<vmem>>
    %dma_start3A_228 = tpu.memref_squeeze %dma_start3A_227 : memref<1x1x1x64xi32, #tpu.memory_space<vmem>> -> memref<64xi32, #tpu.memory_space<vmem>>
    %dma_start3A_229 = arith.constant 0 : i32
    %dma_start3A_230 = arith.constant 0 : i32
    %dma_start3A_231 = tpu.memref_slice %arg11[%dma_start3A_229, %dma_start3A_230] : memref<10240x128xf32, #tpu.memory_space<vmem_shared>> -> memref<10240x128xf32, #tpu.memory_space<vmem_shared>>
    tpu.enqueue_indirect_dma source(%arg7 : memref<64x128xf32, #tpu.memory_space<vmem>>) target(%dma_start3A_231 : memref<10240x128xf32, #tpu.memory_space<vmem_shared>>) offsets(%dma_start3A_228 : memref<64xi32, #tpu.memory_space<vmem>>) semaphore(%arg16 : memref<!tpu.dma_semaphore, #tpu.memory_space<semaphore_mem>>) {add = true}
    %dma_wait3A_232 = arith.constant 0 : i32
    %dma_wait3A_233 = arith.constant 0 : i32
    %dma_wait3A_234 = tpu.memref_slice %arg2[%dma_wait3A_232, %dma_wait3A_233] : memref<10240x128xf32, #tpu.memory_space<hbm>> -> memref<64x128xf32, #tpu.memory_space<hbm>>
    %dma_wait3A_235 = arith.constant 0 : i32
    %dma_wait3A_236 = arith.constant 0 : i32
    %dma_wait3A_237 = tpu.memref_slice %arg2[%dma_wait3A_235, %dma_wait3A_236] : memref<10240x128xf32, #tpu.memory_space<hbm>> -> memref<64x128xf32, #tpu.memory_space<hbm>>
    tpu.wait_dma2 semaphore(%arg13 : memref<!tpu.dma_semaphore, #tpu.memory_space<semaphore_mem>>) src(%dma_wait3A_237 : memref<64x128xf32, #tpu.memory_space<hbm>>) dst(%arg8 : memref<64x128xf32, #tpu.memory_space<vmem>>)
    %dma_start3A_238 = arith.constant 0 : i32
    %dma_start3A_239 = arith.constant 1 : i32
    %dma_start3A_240 = arith.constant 1 : i32
    %dma_start3A_241 = arith.constant 0 : i32
    %dma_start3A_242 = tpu.memref_slice %arg6[%dma_start3A_238, %dma_start3A_239, %dma_start3A_240, %dma_start3A_241] : memref<4x2x2x64xi32, #tpu.memory_space<vmem>> -> memref<1x1x1x64xi32, #tpu.memory_space<vmem>>
    %dma_start3A_243 = tpu.memref_squeeze %dma_start3A_242 : memref<1x1x1x64xi32, #tpu.memory_space<vmem>> -> memref<64xi32, #tpu.memory_space<vmem>>
    %dma_start3A_244 = arith.constant 0 : i32
    %dma_start3A_245 = arith.constant 0 : i32
    %dma_start3A_246 = tpu.memref_slice %arg11[%dma_start3A_244, %dma_start3A_245] : memref<10240x128xf32, #tpu.memory_space<vmem_shared>> -> memref<10240x128xf32, #tpu.memory_space<vmem_shared>>
    tpu.enqueue_indirect_dma source(%arg8 : memref<64x128xf32, #tpu.memory_space<vmem>>) target(%dma_start3A_246 : memref<10240x128xf32, #tpu.memory_space<vmem_shared>>) offsets(%dma_start3A_243 : memref<64xi32, #tpu.memory_space<vmem>>) semaphore(%arg17 : memref<!tpu.dma_semaphore, #tpu.memory_space<semaphore_mem>>) {add = true}
    %dma_wait3A_247 = arith.constant 0 : i32
    %dma_wait3A_248 = arith.constant 0 : i32
    %dma_wait3A_249 = tpu.memref_slice %arg2[%dma_wait3A_247, %dma_wait3A_248] : memref<10240x128xf32, #tpu.memory_space<hbm>> -> memref<64x128xf32, #tpu.memory_space<hbm>>
    %dma_wait3A_250 = arith.constant 0 : i32
    %dma_wait3A_251 = arith.constant 0 : i32
    %dma_wait3A_252 = tpu.memref_slice %arg2[%dma_wait3A_250, %dma_wait3A_251] : memref<10240x128xf32, #tpu.memory_space<hbm>> -> memref<64x128xf32, #tpu.memory_space<hbm>>
    tpu.wait_dma2 semaphore(%arg14 : memref<!tpu.dma_semaphore, #tpu.memory_space<semaphore_mem>>) src(%dma_wait3A_252 : memref<64x128xf32, #tpu.memory_space<hbm>>) dst(%arg9 : memref<64x128xf32, #tpu.memory_space<vmem>>)
    %dma_start3A_253 = arith.constant 1 : i32
    %dma_start3A_254 = arith.constant 1 : i32
    %dma_start3A_255 = arith.constant 0 : i32
    %dma_start3A_256 = arith.constant 0 : i32
    %dma_start3A_257 = tpu.memref_slice %arg6[%dma_start3A_253, %dma_start3A_254, %dma_start3A_255, %dma_start3A_256] : memref<4x2x2x64xi32, #tpu.memory_space<vmem>> -> memref<1x1x1x64xi32, #tpu.memory_space<vmem>>
    %dma_start3A_258 = tpu.memref_squeeze %dma_start3A_257 : memref<1x1x1x64xi32, #tpu.memory_space<vmem>> -> memref<64xi32, #tpu.memory_space<vmem>>
    %dma_start3A_259 = arith.constant 0 : i32
    %dma_start3A_260 = arith.constant 0 : i32
    %dma_start3A_261 = tpu.memref_slice %arg11[%dma_start3A_259, %dma_start3A_260] : memref<10240x128xf32, #tpu.memory_space<vmem_shared>> -> memref<10240x128xf32, #tpu.memory_space<vmem_shared>>
    tpu.enqueue_indirect_dma source(%arg9 : memref<64x128xf32, #tpu.memory_space<vmem>>) target(%dma_start3A_261 : memref<10240x128xf32, #tpu.memory_space<vmem_shared>>) offsets(%dma_start3A_258 : memref<64xi32, #tpu.memory_space<vmem>>) semaphore(%arg18 : memref<!tpu.dma_semaphore, #tpu.memory_space<semaphore_mem>>) {add = true}
    %dma_wait3A_262 = arith.constant 0 : i32
    %dma_wait3A_263 = arith.constant 0 : i32
    %dma_wait3A_264 = tpu.memref_slice %arg2[%dma_wait3A_262, %dma_wait3A_263] : memref<10240x128xf32, #tpu.memory_space<hbm>> -> memref<64x128xf32, #tpu.memory_space<hbm>>
    %dma_wait3A_265 = arith.constant 0 : i32
    %dma_wait3A_266 = arith.constant 0 : i32
    %dma_wait3A_267 = tpu.memref_slice %arg2[%dma_wait3A_265, %dma_wait3A_266] : memref<10240x128xf32, #tpu.memory_space<hbm>> -> memref<64x128xf32, #tpu.memory_space<hbm>>
    tpu.wait_dma2 semaphore(%arg15 : memref<!tpu.dma_semaphore, #tpu.memory_space<semaphore_mem>>) src(%dma_wait3A_267 : memref<64x128xf32, #tpu.memory_space<hbm>>) dst(%arg10 : memref<64x128xf32, #tpu.memory_space<vmem>>)
    %dma_start3A_268 = arith.constant 1 : i32
    %dma_start3A_269 = arith.constant 1 : i32
    %dma_start3A_270 = arith.constant 1 : i32
    %dma_start3A_271 = arith.constant 0 : i32
    %dma_start3A_272 = tpu.memref_slice %arg6[%dma_start3A_268, %dma_start3A_269, %dma_start3A_270, %dma_start3A_271] : memref<4x2x2x64xi32, #tpu.memory_space<vmem>> -> memref<1x1x1x64xi32, #tpu.memory_space<vmem>>
    %dma_start3A_273 = tpu.memref_squeeze %dma_start3A_272 : memref<1x1x1x64xi32, #tpu.memory_space<vmem>> -> memref<64xi32, #tpu.memory_space<vmem>>
    %dma_start3A_274 = arith.constant 0 : i32
    %dma_start3A_275 = arith.constant 0 : i32
    %dma_start3A_276 = tpu.memref_slice %arg11[%dma_start3A_274, %dma_start3A_275] : memref<10240x128xf32, #tpu.memory_space<vmem_shared>> -> memref<10240x128xf32, #tpu.memory_space<vmem_shared>>
    tpu.enqueue_indirect_dma source(%arg10 : memref<64x128xf32, #tpu.memory_space<vmem>>) target(%dma_start3A_276 : memref<10240x128xf32, #tpu.memory_space<vmem_shared>>) offsets(%dma_start3A_273 : memref<64xi32, #tpu.memory_space<vmem>>) semaphore(%arg19 : memref<!tpu.dma_semaphore, #tpu.memory_space<semaphore_mem>>) {add = true}
    %dma_wait3A_277 = arith.constant 0 : i32
    %dma_wait3A_278 = arith.constant 0 : i32
    %dma_wait3A_279 = tpu.memref_slice %arg2[%dma_wait3A_277, %dma_wait3A_278] : memref<10240x128xf32, #tpu.memory_space<hbm>> -> memref<64x128xf32, #tpu.memory_space<hbm>>
    %dma_wait3A_280 = arith.constant 0 : i32
    %dma_wait3A_281 = arith.constant 0 : i32
    %dma_wait3A_282 = tpu.memref_slice %arg2[%dma_wait3A_280, %dma_wait3A_281] : memref<10240x128xf32, #tpu.memory_space<hbm>> -> memref<64x128xf32, #tpu.memory_space<hbm>>
    tpu.wait_dma2 semaphore(%arg16 : memref<!tpu.dma_semaphore, #tpu.memory_space<semaphore_mem>>) src(%dma_wait3A_282 : memref<64x128xf32, #tpu.memory_space<hbm>>) dst(%arg7 : memref<64x128xf32, #tpu.memory_space<vmem>>)
    %dma_start3A_283 = arith.constant 2 : i32
    %dma_start3A_284 = arith.constant 0 : i32
    %dma_start3A_285 = arith.constant 0 : i32
    %dma_start3A_286 = arith.constant 0 : i32
    %dma_start3A_287 = tpu.memref_slice %arg6[%dma_start3A_283, %dma_start3A_284, %dma_start3A_285, %dma_start3A_286] : memref<4x2x2x64xi32, #tpu.memory_space<vmem>> -> memref<1x1x1x64xi32, #tpu.memory_space<vmem>>
    %dma_start3A_288 = tpu.memref_squeeze %dma_start3A_287 : memref<1x1x1x64xi32, #tpu.memory_space<vmem>> -> memref<64xi32, #tpu.memory_space<vmem>>
    %dma_start3A_289 = arith.constant 0 : i32
    %dma_start3A_290 = arith.constant 0 : i32
    %dma_start3A_291 = tpu.memref_slice %arg2[%dma_start3A_289, %dma_start3A_290] : memref<10240x128xf32, #tpu.memory_space<hbm>> -> memref<10240x128xf32, #tpu.memory_space<hbm>>
    tpu.enqueue_indirect_dma source(%dma_start3A_291 : memref<10240x128xf32, #tpu.memory_space<hbm>>) target(%arg7 : memref<64x128xf32, #tpu.memory_space<vmem>>) offsets(%dma_start3A_288 : memref<64xi32, #tpu.memory_space<vmem>>) semaphore(%arg12 : memref<!tpu.dma_semaphore, #tpu.memory_space<semaphore_mem>>)
    %dma_wait3A_292 = arith.constant 0 : i32
    %dma_wait3A_293 = arith.constant 0 : i32
    %dma_wait3A_294 = tpu.memref_slice %arg2[%dma_wait3A_292, %dma_wait3A_293] : memref<10240x128xf32, #tpu.memory_space<hbm>> -> memref<64x128xf32, #tpu.memory_space<hbm>>
    %dma_wait3A_295 = arith.constant 0 : i32
    %dma_wait3A_296 = arith.constant 0 : i32
    %dma_wait3A_297 = tpu.memref_slice %arg2[%dma_wait3A_295, %dma_wait3A_296] : memref<10240x128xf32, #tpu.memory_space<hbm>> -> memref<64x128xf32, #tpu.memory_space<hbm>>
    tpu.wait_dma2 semaphore(%arg17 : memref<!tpu.dma_semaphore, #tpu.memory_space<semaphore_mem>>) src(%dma_wait3A_297 : memref<64x128xf32, #tpu.memory_space<hbm>>) dst(%arg8 : memref<64x128xf32, #tpu.memory_space<vmem>>)
    %dma_start3A_298 = arith.constant 2 : i32
    %dma_start3A_299 = arith.constant 0 : i32
    %dma_start3A_300 = arith.constant 1 : i32
    %dma_start3A_301 = arith.constant 0 : i32
    %dma_start3A_302 = tpu.memref_slice %arg6[%dma_start3A_298, %dma_start3A_299, %dma_start3A_300, %dma_start3A_301] : memref<4x2x2x64xi32, #tpu.memory_space<vmem>> -> memref<1x1x1x64xi32, #tpu.memory_space<vmem>>
    %dma_start3A_303 = tpu.memref_squeeze %dma_start3A_302 : memref<1x1x1x64xi32, #tpu.memory_space<vmem>> -> memref<64xi32, #tpu.memory_space<vmem>>
    %dma_start3A_304 = arith.constant 0 : i32
    %dma_start3A_305 = arith.constant 0 : i32
    %dma_start3A_306 = tpu.memref_slice %arg2[%dma_start3A_304, %dma_start3A_305] : memref<10240x128xf32, #tpu.memory_space<hbm>> -> memref<10240x128xf32, #tpu.memory_space<hbm>>
    tpu.enqueue_indirect_dma source(%dma_start3A_306 : memref<10240x128xf32, #tpu.memory_space<hbm>>) target(%arg8 : memref<64x128xf32, #tpu.memory_space<vmem>>) offsets(%dma_start3A_303 : memref<64xi32, #tpu.memory_space<vmem>>) semaphore(%arg13 : memref<!tpu.dma_semaphore, #tpu.memory_space<semaphore_mem>>)
    %dma_wait3A_307 = arith.constant 0 : i32
    %dma_wait3A_308 = arith.constant 0 : i32
    %dma_wait3A_309 = tpu.memref_slice %arg2[%dma_wait3A_307, %dma_wait3A_308] : memref<10240x128xf32, #tpu.memory_space<hbm>> -> memref<64x128xf32, #tpu.memory_space<hbm>>
    %dma_wait3A_310 = arith.constant 0 : i32
    %dma_wait3A_311 = arith.constant 0 : i32
    %dma_wait3A_312 = tpu.memref_slice %arg2[%dma_wait3A_310, %dma_wait3A_311] : memref<10240x128xf32, #tpu.memory_space<hbm>> -> memref<64x128xf32, #tpu.memory_space<hbm>>
    tpu.wait_dma2 semaphore(%arg18 : memref<!tpu.dma_semaphore, #tpu.memory_space<semaphore_mem>>) src(%dma_wait3A_312 : memref<64x128xf32, #tpu.memory_space<hbm>>) dst(%arg9 : memref<64x128xf32, #tpu.memory_space<vmem>>)
    %dma_start3A_313 = arith.constant 3 : i32
    %dma_start3A_314 = arith.constant 0 : i32
    %dma_start3A_315 = arith.constant 0 : i32
    %dma_start3A_316 = arith.constant 0 : i32
    %dma_start3A_317 = tpu.memref_slice %arg6[%dma_start3A_313, %dma_start3A_314, %dma_start3A_315, %dma_start3A_316] : memref<4x2x2x64xi32, #tpu.memory_space<vmem>> -> memref<1x1x1x64xi32, #tpu.memory_space<vmem>>
    %dma_start3A_318 = tpu.memref_squeeze %dma_start3A_317 : memref<1x1x1x64xi32, #tpu.memory_space<vmem>> -> memref<64xi32, #tpu.memory_space<vmem>>
    %dma_start3A_319 = arith.constant 0 : i32
    %dma_start3A_320 = arith.constant 0 : i32
    %dma_start3A_321 = tpu.memref_slice %arg2[%dma_start3A_319, %dma_start3A_320] : memref<10240x128xf32, #tpu.memory_space<hbm>> -> memref<10240x128xf32, #tpu.memory_space<hbm>>
    tpu.enqueue_indirect_dma source(%dma_start3A_321 : memref<10240x128xf32, #tpu.memory_space<hbm>>) target(%arg9 : memref<64x128xf32, #tpu.memory_space<vmem>>) offsets(%dma_start3A_318 : memref<64xi32, #tpu.memory_space<vmem>>) semaphore(%arg14 : memref<!tpu.dma_semaphore, #tpu.memory_space<semaphore_mem>>)
    %dma_wait3A_322 = arith.constant 0 : i32
    %dma_wait3A_323 = arith.constant 0 : i32
    %dma_wait3A_324 = tpu.memref_slice %arg2[%dma_wait3A_322, %dma_wait3A_323] : memref<10240x128xf32, #tpu.memory_space<hbm>> -> memref<64x128xf32, #tpu.memory_space<hbm>>
    %dma_wait3A_325 = arith.constant 0 : i32
    %dma_wait3A_326 = arith.constant 0 : i32
    %dma_wait3A_327 = tpu.memref_slice %arg2[%dma_wait3A_325, %dma_wait3A_326] : memref<10240x128xf32, #tpu.memory_space<hbm>> -> memref<64x128xf32, #tpu.memory_space<hbm>>
    tpu.wait_dma2 semaphore(%arg19 : memref<!tpu.dma_semaphore, #tpu.memory_space<semaphore_mem>>) src(%dma_wait3A_327 : memref<64x128xf32, #tpu.memory_space<hbm>>) dst(%arg10 : memref<64x128xf32, #tpu.memory_space<vmem>>)
    %dma_start3A_328 = arith.constant 3 : i32
    %dma_start3A_329 = arith.constant 0 : i32
    %dma_start3A_330 = arith.constant 1 : i32
    %dma_start3A_331 = arith.constant 0 : i32
    %dma_start3A_332 = tpu.memref_slice %arg6[%dma_start3A_328, %dma_start3A_329, %dma_start3A_330, %dma_start3A_331] : memref<4x2x2x64xi32, #tpu.memory_space<vmem>> -> memref<1x1x1x64xi32, #tpu.memory_space<vmem>>
    %dma_start3A_333 = tpu.memref_squeeze %dma_start3A_332 : memref<1x1x1x64xi32, #tpu.memory_space<vmem>> -> memref<64xi32, #tpu.memory_space<vmem>>
    %dma_start3A_334 = arith.constant 0 : i32
    %dma_start3A_335 = arith.constant 0 : i32
    %dma_start3A_336 = tpu.memref_slice %arg2[%dma_start3A_334, %dma_start3A_335] : memref<10240x128xf32, #tpu.memory_space<hbm>> -> memref<10240x128xf32, #tpu.memory_space<hbm>>
    tpu.enqueue_indirect_dma source(%dma_start3A_336 : memref<10240x128xf32, #tpu.memory_space<hbm>>) target(%arg10 : memref<64x128xf32, #tpu.memory_space<vmem>>) offsets(%dma_start3A_333 : memref<64xi32, #tpu.memory_space<vmem>>) semaphore(%arg15 : memref<!tpu.dma_semaphore, #tpu.memory_space<semaphore_mem>>)
    %dma_wait3A_337 = arith.constant 0 : i32
    %dma_wait3A_338 = arith.constant 0 : i32
    %dma_wait3A_339 = tpu.memref_slice %arg2[%dma_wait3A_337, %dma_wait3A_338] : memref<10240x128xf32, #tpu.memory_space<hbm>> -> memref<64x128xf32, #tpu.memory_space<hbm>>
    %dma_wait3A_340 = arith.constant 0 : i32
    %dma_wait3A_341 = arith.constant 0 : i32
    %dma_wait3A_342 = tpu.memref_slice %arg2[%dma_wait3A_340, %dma_wait3A_341] : memref<10240x128xf32, #tpu.memory_space<hbm>> -> memref<64x128xf32, #tpu.memory_space<hbm>>
    tpu.wait_dma2 semaphore(%arg12 : memref<!tpu.dma_semaphore, #tpu.memory_space<semaphore_mem>>) src(%dma_wait3A_342 : memref<64x128xf32, #tpu.memory_space<hbm>>) dst(%arg7 : memref<64x128xf32, #tpu.memory_space<vmem>>)
    %dma_start3A_343 = arith.constant 2 : i32
    %dma_start3A_344 = arith.constant 1 : i32
    %dma_start3A_345 = arith.constant 0 : i32
    %dma_start3A_346 = arith.constant 0 : i32
    %dma_start3A_347 = tpu.memref_slice %arg6[%dma_start3A_343, %dma_start3A_344, %dma_start3A_345, %dma_start3A_346] : memref<4x2x2x64xi32, #tpu.memory_space<vmem>> -> memref<1x1x1x64xi32, #tpu.memory_space<vmem>>
    %dma_start3A_348 = tpu.memref_squeeze %dma_start3A_347 : memref<1x1x1x64xi32, #tpu.memory_space<vmem>> -> memref<64xi32, #tpu.memory_space<vmem>>
    %dma_start3A_349 = arith.constant 0 : i32
    %dma_start3A_350 = arith.constant 0 : i32
    %dma_start3A_351 = tpu.memref_slice %arg11[%dma_start3A_349, %dma_start3A_350] : memref<10240x128xf32, #tpu.memory_space<vmem_shared>> -> memref<10240x128xf32, #tpu.memory_space<vmem_shared>>
    tpu.enqueue_indirect_dma source(%arg7 : memref<64x128xf32, #tpu.memory_space<vmem>>) target(%dma_start3A_351 : memref<10240x128xf32, #tpu.memory_space<vmem_shared>>) offsets(%dma_start3A_348 : memref<64xi32, #tpu.memory_space<vmem>>) semaphore(%arg16 : memref<!tpu.dma_semaphore, #tpu.memory_space<semaphore_mem>>) {add = true}
    %dma_wait3A_352 = arith.constant 0 : i32
    %dma_wait3A_353 = arith.constant 0 : i32
    %dma_wait3A_354 = tpu.memref_slice %arg2[%dma_wait3A_352, %dma_wait3A_353] : memref<10240x128xf32, #tpu.memory_space<hbm>> -> memref<64x128xf32, #tpu.memory_space<hbm>>
    %dma_wait3A_355 = arith.constant 0 : i32
    %dma_wait3A_356 = arith.constant 0 : i32
    %dma_wait3A_357 = tpu.memref_slice %arg2[%dma_wait3A_355, %dma_wait3A_356] : memref<10240x128xf32, #tpu.memory_space<hbm>> -> memref<64x128xf32, #tpu.memory_space<hbm>>
    tpu.wait_dma2 semaphore(%arg13 : memref<!tpu.dma_semaphore, #tpu.memory_space<semaphore_mem>>) src(%dma_wait3A_357 : memref<64x128xf32, #tpu.memory_space<hbm>>) dst(%arg8 : memref<64x128xf32, #tpu.memory_space<vmem>>)
    %dma_start3A_358 = arith.constant 2 : i32
    %dma_start3A_359 = arith.constant 1 : i32
    %dma_start3A_360 = arith.constant 1 : i32
    %dma_start3A_361 = arith.constant 0 : i32
    %dma_start3A_362 = tpu.memref_slice %arg6[%dma_start3A_358, %dma_start3A_359, %dma_start3A_360, %dma_start3A_361] : memref<4x2x2x64xi32, #tpu.memory_space<vmem>> -> memref<1x1x1x64xi32, #tpu.memory_space<vmem>>
    %dma_start3A_363 = tpu.memref_squeeze %dma_start3A_362 : memref<1x1x1x64xi32, #tpu.memory_space<vmem>> -> memref<64xi32, #tpu.memory_space<vmem>>
    %dma_start3A_364 = arith.constant 0 : i32
    %dma_start3A_365 = arith.constant 0 : i32
    %dma_start3A_366 = tpu.memref_slice %arg11[%dma_start3A_364, %dma_start3A_365] : memref<10240x128xf32, #tpu.memory_space<vmem_shared>> -> memref<10240x128xf32, #tpu.memory_space<vmem_shared>>
    tpu.enqueue_indirect_dma source(%arg8 : memref<64x128xf32, #tpu.memory_space<vmem>>) target(%dma_start3A_366 : memref<10240x128xf32, #tpu.memory_space<vmem_shared>>) offsets(%dma_start3A_363 : memref<64xi32, #tpu.memory_space<vmem>>) semaphore(%arg17 : memref<!tpu.dma_semaphore, #tpu.memory_space<semaphore_mem>>) {add = true}
    %dma_wait3A_367 = arith.constant 0 : i32
    %dma_wait3A_368 = arith.constant 0 : i32
    %dma_wait3A_369 = tpu.memref_slice %arg2[%dma_wait3A_367, %dma_wait3A_368] : memref<10240x128xf32, #tpu.memory_space<hbm>> -> memref<64x128xf32, #tpu.memory_space<hbm>>
    %dma_wait3A_370 = arith.constant 0 : i32
    %dma_wait3A_371 = arith.constant 0 : i32
    %dma_wait3A_372 = tpu.memref_slice %arg2[%dma_wait3A_370, %dma_wait3A_371] : memref<10240x128xf32, #tpu.memory_space<hbm>> -> memref<64x128xf32, #tpu.memory_space<hbm>>
    tpu.wait_dma2 semaphore(%arg14 : memref<!tpu.dma_semaphore, #tpu.memory_space<semaphore_mem>>) src(%dma_wait3A_372 : memref<64x128xf32, #tpu.memory_space<hbm>>) dst(%arg9 : memref<64x128xf32, #tpu.memory_space<vmem>>)
    %dma_start3A_373 = arith.constant 3 : i32
    %dma_start3A_374 = arith.constant 1 : i32
    %dma_start3A_375 = arith.constant 0 : i32
    %dma_start3A_376 = arith.constant 0 : i32
    %dma_start3A_377 = tpu.memref_slice %arg6[%dma_start3A_373, %dma_start3A_374, %dma_start3A_375, %dma_start3A_376] : memref<4x2x2x64xi32, #tpu.memory_space<vmem>> -> memref<1x1x1x64xi32, #tpu.memory_space<vmem>>
    %dma_start3A_378 = tpu.memref_squeeze %dma_start3A_377 : memref<1x1x1x64xi32, #tpu.memory_space<vmem>> -> memref<64xi32, #tpu.memory_space<vmem>>
    %dma_start3A_379 = arith.constant 0 : i32
    %dma_start3A_380 = arith.constant 0 : i32
    %dma_start3A_381 = tpu.memref_slice %arg11[%dma_start3A_379, %dma_start3A_380] : memref<10240x128xf32, #tpu.memory_space<vmem_shared>> -> memref<10240x128xf32, #tpu.memory_space<vmem_shared>>
    tpu.enqueue_indirect_dma source(%arg9 : memref<64x128xf32, #tpu.memory_space<vmem>>) target(%dma_start3A_381 : memref<10240x128xf32, #tpu.memory_space<vmem_shared>>) offsets(%dma_start3A_378 : memref<64xi32, #tpu.memory_space<vmem>>) semaphore(%arg18 : memref<!tpu.dma_semaphore, #tpu.memory_space<semaphore_mem>>) {add = true}
    %dma_wait3A_382 = arith.constant 0 : i32
    %dma_wait3A_383 = arith.constant 0 : i32
    %dma_wait3A_384 = tpu.memref_slice %arg2[%dma_wait3A_382, %dma_wait3A_383] : memref<10240x128xf32, #tpu.memory_space<hbm>> -> memref<64x128xf32, #tpu.memory_space<hbm>>
    %dma_wait3A_385 = arith.constant 0 : i32
    %dma_wait3A_386 = arith.constant 0 : i32
    %dma_wait3A_387 = tpu.memref_slice %arg2[%dma_wait3A_385, %dma_wait3A_386] : memref<10240x128xf32, #tpu.memory_space<hbm>> -> memref<64x128xf32, #tpu.memory_space<hbm>>
    tpu.wait_dma2 semaphore(%arg15 : memref<!tpu.dma_semaphore, #tpu.memory_space<semaphore_mem>>) src(%dma_wait3A_387 : memref<64x128xf32, #tpu.memory_space<hbm>>) dst(%arg10 : memref<64x128xf32, #tpu.memory_space<vmem>>)
    %dma_start3A_388 = arith.constant 3 : i32
    %dma_start3A_389 = arith.constant 1 : i32
    %dma_start3A_390 = arith.constant 1 : i32
    %dma_start3A_391 = arith.constant 0 : i32
    %dma_start3A_392 = tpu.memref_slice %arg6[%dma_start3A_388, %dma_start3A_389, %dma_start3A_390, %dma_start3A_391] : memref<4x2x2x64xi32, #tpu.memory_space<vmem>> -> memref<1x1x1x64xi32, #tpu.memory_space<vmem>>
    %dma_start3A_393 = tpu.memref_squeeze %dma_start3A_392 : memref<1x1x1x64xi32, #tpu.memory_space<vmem>> -> memref<64xi32, #tpu.memory_space<vmem>>
    %dma_start3A_394 = arith.constant 0 : i32
    %dma_start3A_395 = arith.constant 0 : i32
    %dma_start3A_396 = tpu.memref_slice %arg11[%dma_start3A_394, %dma_start3A_395] : memref<10240x128xf32, #tpu.memory_space<vmem_shared>> -> memref<10240x128xf32, #tpu.memory_space<vmem_shared>>
    tpu.enqueue_indirect_dma source(%arg10 : memref<64x128xf32, #tpu.memory_space<vmem>>) target(%dma_start3A_396 : memref<10240x128xf32, #tpu.memory_space<vmem_shared>>) offsets(%dma_start3A_393 : memref<64xi32, #tpu.memory_space<vmem>>) semaphore(%arg19 : memref<!tpu.dma_semaphore, #tpu.memory_space<semaphore_mem>>) {add = true}
    %dma_wait3A_397 = arith.constant 0 : i32
    %dma_wait3A_398 = arith.constant 0 : i32
    %dma_wait3A_399 = tpu.memref_slice %arg2[%dma_wait3A_397, %dma_wait3A_398] : memref<10240x128xf32, #tpu.memory_space<hbm>> -> memref<64x128xf32, #tpu.memory_space<hbm>>
    %dma_wait3A_400 = arith.constant 0 : i32
    %dma_wait3A_401 = arith.constant 0 : i32
    %dma_wait3A_402 = tpu.memref_slice %arg2[%dma_wait3A_400, %dma_wait3A_401] : memref<10240x128xf32, #tpu.memory_space<hbm>> -> memref<64x128xf32, #tpu.memory_space<hbm>>
    tpu.wait_dma2 semaphore(%arg16 : memref<!tpu.dma_semaphore, #tpu.memory_space<semaphore_mem>>) src(%dma_wait3A_402 : memref<64x128xf32, #tpu.memory_space<hbm>>) dst(%arg7 : memref<64x128xf32, #tpu.memory_space<vmem>>)
    %dma_wait3A_403 = arith.constant 0 : i32
    %dma_wait3A_404 = arith.constant 0 : i32
    %dma_wait3A_405 = tpu.memref_slice %arg2[%dma_wait3A_403, %dma_wait3A_404] : memref<10240x128xf32, #tpu.memory_space<hbm>> -> memref<64x128xf32, #tpu.memory_space<hbm>>
    %dma_wait3A_406 = arith.constant 0 : i32
    %dma_wait3A_407 = arith.constant 0 : i32
    %dma_wait3A_408 = tpu.memref_slice %arg2[%dma_wait3A_406, %dma_wait3A_407] : memref<10240x128xf32, #tpu.memory_space<hbm>> -> memref<64x128xf32, #tpu.memory_space<hbm>>
    tpu.wait_dma2 semaphore(%arg17 : memref<!tpu.dma_semaphore, #tpu.memory_space<semaphore_mem>>) src(%dma_wait3A_408 : memref<64x128xf32, #tpu.memory_space<hbm>>) dst(%arg8 : memref<64x128xf32, #tpu.memory_space<vmem>>)
    %dma_wait3A_409 = arith.constant 0 : i32
    %dma_wait3A_410 = arith.constant 0 : i32
    %dma_wait3A_411 = tpu.memref_slice %arg2[%dma_wait3A_409, %dma_wait3A_410] : memref<10240x128xf32, #tpu.memory_space<hbm>> -> memref<64x128xf32, #tpu.memory_space<hbm>>
    %dma_wait3A_412 = arith.constant 0 : i32
    %dma_wait3A_413 = arith.constant 0 : i32
    %dma_wait3A_414 = tpu.memref_slice %arg2[%dma_wait3A_412, %dma_wait3A_413] : memref<10240x128xf32, #tpu.memory_space<hbm>> -> memref<64x128xf32, #tpu.memory_space<hbm>>
    tpu.wait_dma2 semaphore(%arg18 : memref<!tpu.dma_semaphore, #tpu.memory_space<semaphore_mem>>) src(%dma_wait3A_414 : memref<64x128xf32, #tpu.memory_space<hbm>>) dst(%arg9 : memref<64x128xf32, #tpu.memory_space<vmem>>)
    %dma_wait3A_415 = arith.constant 0 : i32
    %dma_wait3A_416 = arith.constant 0 : i32
    %dma_wait3A_417 = tpu.memref_slice %arg2[%dma_wait3A_415, %dma_wait3A_416] : memref<10240x128xf32, #tpu.memory_space<hbm>> -> memref<64x128xf32, #tpu.memory_space<hbm>>
    %dma_wait3A_418 = arith.constant 0 : i32
    %dma_wait3A_419 = arith.constant 0 : i32
    %dma_wait3A_420 = tpu.memref_slice %arg2[%dma_wait3A_418, %dma_wait3A_419] : memref<10240x128xf32, #tpu.memory_space<hbm>> -> memref<64x128xf32, #tpu.memory_space<hbm>>
    tpu.wait_dma2 semaphore(%arg19 : memref<!tpu.dma_semaphore, #tpu.memory_space<semaphore_mem>>) src(%dma_wait3A_420 : memref<64x128xf32, #tpu.memory_space<hbm>>) dst(%arg10 : memref<64x128xf32, #tpu.memory_space<vmem>>)
    %barrier3A_421 = arith.constant 0 : index
    tpu.barrier barrier_id(%barrier3A_421)
    "tpu.region"() ({
      %run_scoped3A = tpu.sem_alloc : memref<!tpu.dma_semaphore, #tpu.memory_space<semaphore_mem>>
      %dma_start3A_422 = arith.constant 0 : i32
      %dma_start3A_423 = tpu.memref_slice %arg5[%arg0, %mul3A_2, %dma_start3A_422] : memref<2x10240x128xf32, #tpu.memory_space<hbm>> -> memref<1x640x128xf32, #tpu.memory_space<hbm>>
      %dma_start3A_424 = tpu.memref_squeeze %dma_start3A_423 : memref<1x640x128xf32, #tpu.memory_space<hbm>> -> memref<640x128xf32, #tpu.memory_space<hbm>>
      %dma_start3A_425 = arith.constant 0 : i32
      %dma_start3A_426 = tpu.memref_slice %arg11[%mul3A_2, %dma_start3A_425] : memref<10240x128xf32, #tpu.memory_space<vmem_shared>> -> memref<640x128xf32, #tpu.memory_space<vmem_shared>>
      tpu.enqueue_dma source(%dma_start3A_426 : memref<640x128xf32, #tpu.memory_space<vmem_shared>>) target(%dma_start3A_424 : memref<640x128xf32, #tpu.memory_space<hbm>>) target_semaphore(%run_scoped3A : memref<!tpu.dma_semaphore, #tpu.memory_space<semaphore_mem>>)
      %dma_wait3A_427 = arith.constant 0 : i32
      %dma_wait3A_428 = tpu.memref_slice %arg5[%arg0, %mul3A_2, %dma_wait3A_427] : memref<2x10240x128xf32, #tpu.memory_space<hbm>> -> memref<1x640x128xf32, #tpu.memory_space<hbm>>
      %dma_wait3A_429 = tpu.memref_squeeze %dma_wait3A_428 : memref<1x640x128xf32, #tpu.memory_space<hbm>> -> memref<640x128xf32, #tpu.memory_space<hbm>>
      %dma_wait3A_430 = arith.constant 0 : i32
      %dma_wait3A_431 = tpu.memref_slice %arg11[%mul3A_2, %dma_wait3A_430] : memref<10240x128xf32, #tpu.memory_space<vmem_shared>> -> memref<640x128xf32, #tpu.memory_space<vmem_shared>>
      tpu.wait_dma2 semaphore(%run_scoped3A : memref<!tpu.dma_semaphore, #tpu.memory_space<semaphore_mem>>) src(%dma_wait3A_431 : memref<640x128xf32, #tpu.memory_space<vmem_shared>>) dst(%dma_wait3A_429 : memref<640x128xf32, #tpu.memory_space<hbm>>)
      tpu.yield
    }) : () -> ()
    return
  }
}

module attributes {stable_mosaic.version = 14 : i64} {
  func.func @body(%arg0: i32, %arg1: memref<2x1280x128xf32, #tpu.memory_space<vmem>>, %arg2: memref<2x1280x128xf32, #tpu.memory_space<vmem>>, %arg3: memref<1280x128xf32, #tpu.memory_space<vmem>>, %arg4: memref<128x128xf32, #tpu.memory_space<vmem>>, %arg5: memref<128x128xf32, #tpu.memory_space<vmem>>, %arg6: memref<1x128xf32, #tpu.memory_space<vmem>>, %arg7: memref<1280x128xf32, #tpu.memory_space<vmem>>) attributes {dimension_semantics = [#tpu.dimension_semantics<arbitrary>], iteration_bounds = array<i64: 8>, scalar_prefetch = 0 : i64, scratch_operands = 0 : i64, tpu.core_type = #tpu.core_type<tc>, window_params = [{transform_indices = @transform_0, window_bounds = array<i64: 2, 1280, 128>}, {transform_indices = @transform_1, window_bounds = array<i64: 2, 1280, 128>}, {transform_indices = @transform_2, window_bounds = array<i64: 1280, 128>}, {pipeline_mode = #tpu.pipeline_mode<synchronous>, transform_indices = @transform_3, window_bounds = array<i64: 128, 128>}, {pipeline_mode = #tpu.pipeline_mode<synchronous>, transform_indices = @transform_4, window_bounds = array<i64: 128, 128>}, {pipeline_mode = #tpu.pipeline_mode<synchronous>, transform_indices = @transform_5, window_bounds = array<i64: 1, 128>}, {transform_indices = @transform_6, window_bounds = array<i64: 1280, 128>}]} {
    %get3A = arith.constant 0 : index
    %get3A_0 = arith.constant 0 : index
    %get3A_1 = arith.constant 0 : index
    %get3A_2 = vector.load %arg1[%get3A, %get3A_0, %get3A_1] : memref<2x1280x128xf32, #tpu.memory_space<vmem>>, vector<1x1280x128xf32>
    %get3A_3 = vector.shape_cast %get3A_2 : vector<1x1280x128xf32> to vector<1280x128xf32>
    %get3A_4 = arith.constant 1 : index
    %get3A_5 = arith.constant 0 : index
    %get3A_6 = arith.constant 0 : index
    %get3A_7 = vector.load %arg1[%get3A_4, %get3A_5, %get3A_6] : memref<2x1280x128xf32, #tpu.memory_space<vmem>>, vector<1x1280x128xf32>
    %get3A_8 = vector.shape_cast %get3A_7 : vector<1x1280x128xf32> to vector<1280x128xf32>
    %add3A = arith.addf %get3A_3, %get3A_8 : vector<1280x128xf32>
    %get3A_9 = arith.constant 0 : index
    %get3A_10 = arith.constant 0 : index
    %get3A_11 = arith.constant 0 : index
    %get3A_12 = vector.load %arg2[%get3A_9, %get3A_10, %get3A_11] : memref<2x1280x128xf32, #tpu.memory_space<vmem>>, vector<2x1280x128xf32>
    %slice3A = vector.extract_strided_slice %get3A_12 {offsets = [0, 0, 0], sizes = [1, 1280, 1], strides = [1, 1, 1]} : vector<2x1280x128xf32> to vector<1x1280x1xf32>
    %squeeze3A = vector.shape_cast %slice3A : vector<1x1280x1xf32> to vector<1280x1xf32>
    %slice3A_13 = vector.extract_strided_slice %get3A_12 {offsets = [1, 0, 0], sizes = [1, 1280, 1], strides = [1, 1, 1]} : vector<2x1280x128xf32> to vector<1x1280x1xf32>
    %squeeze3A_14 = vector.shape_cast %slice3A_13 : vector<1x1280x1xf32> to vector<1280x1xf32>
    %add3A_15 = arith.addf %squeeze3A, %squeeze3A_14 : vector<1280x1xf32>
    %max3A = arith.constant 1.000000e+00 : f32
    %max3A_16 = vector.broadcast %max3A : f32 to vector<1280x1xf32>
    %max3A_17 = arith.maximumf %add3A_15, %max3A_16 : vector<1280x1xf32>
    %div3A = vector.broadcast %max3A_17 : vector<1280x1xf32> to vector<1280x128xf32>
    %div3A_18 = arith.divf %add3A, %div3A : vector<1280x128xf32>
    %get3A_19 = arith.constant 0 : index
    %get3A_20 = arith.constant 0 : index
    %get3A_21 = vector.load %arg4[%get3A_19, %get3A_20] : memref<128x128xf32, #tpu.memory_space<vmem>>, vector<128x128xf32>
    %dot_general3A = arith.constant dense<0.000000e+00> : vector<1280x128xf32>
    %dot_general3A_22 = tpu.matmul %div3A_18, %get3A_21, %dot_general3A {dimension_numbers = #tpu.dot_dimension_numbers<[1], [0], [0], [1], [0, 0, 1, 1], [], []>, transpose_lhs_hint = false} : vector<1280x128xf32>, vector<128x128xf32>, vector<1280x128xf32> -> vector<1280x128xf32>
    %get3A_23 = arith.constant 0 : index
    %get3A_24 = arith.constant 0 : index
    %get3A_25 = vector.load %arg3[%get3A_23, %get3A_24] : memref<1280x128xf32, #tpu.memory_space<vmem>>, vector<1280x128xf32>
    %get3A_26 = arith.constant 0 : index
    %get3A_27 = arith.constant 0 : index
    %get3A_28 = vector.load %arg5[%get3A_26, %get3A_27] : memref<128x128xf32, #tpu.memory_space<vmem>>, vector<128x128xf32>
    %dot_general3A_29 = arith.constant dense<0.000000e+00> : vector<1280x128xf32>
    %dot_general3A_30 = tpu.matmul %get3A_25, %get3A_28, %dot_general3A_29 {dimension_numbers = #tpu.dot_dimension_numbers<[1], [0], [0], [1], [0, 0, 1, 1], [], []>, transpose_lhs_hint = false} : vector<1280x128xf32>, vector<128x128xf32>, vector<1280x128xf32> -> vector<1280x128xf32>
    %add3A_31 = arith.addf %dot_general3A_22, %dot_general3A_30 : vector<1280x128xf32>
    %get3A_32 = arith.constant 0 : index
    %get3A_33 = arith.constant 0 : index
    %get3A_34 = vector.load %arg6[%get3A_32, %get3A_33] : memref<1x128xf32, #tpu.memory_space<vmem>>, vector<1x128xf32>
    %add3A_35 = vector.broadcast %get3A_34 : vector<1x128xf32> to vector<1280x128xf32>
    %add3A_36 = arith.addf %add3A_31, %add3A_35 : vector<1280x128xf32>
    %max3A_37 = arith.constant 0.000000e+00 : f32
    %max3A_38 = vector.broadcast %max3A_37 : f32 to vector<1280x128xf32>
    %max3A_39 = arith.maximumf %add3A_36, %max3A_38 : vector<1280x128xf32>
    %swap3A = arith.constant 0 : index
    %swap3A_40 = arith.constant 0 : index
    %swap3A_41 = vector.load %arg7[%swap3A, %swap3A_40] : memref<1280x128xf32, #tpu.memory_space<vmem>>, vector<1280x128xf32>
    tpu.vector_store %arg7[%swap3A, %swap3A_40], %max3A_39 {strides = array<i32>} : memref<1280x128xf32, #tpu.memory_space<vmem>>, vector<1280x128xf32>,
    return
  }
  func.func @transform_0(%arg0: i32) -> (i32, i32, i32) {
    %c0_i32 = arith.constant 0 : i32
    %c0_i32_0 = arith.constant 0 : i32
    %c0_i32_1 = arith.constant 0 : i32
    return %c0_i32, %arg0, %c0_i32_0 : i32, i32, i32
  }
  func.func @transform_1(%arg0: i32) -> (i32, i32, i32) {
    %c0_i32 = arith.constant 0 : i32
    %c0_i32_0 = arith.constant 0 : i32
    %c0_i32_1 = arith.constant 0 : i32
    return %c0_i32, %arg0, %c0_i32_0 : i32, i32, i32
  }
  func.func @transform_2(%arg0: i32) -> (i32, i32) {
    %c0_i32 = arith.constant 0 : i32
    %c0_i32_0 = arith.constant 0 : i32
    return %arg0, %c0_i32 : i32, i32
  }
  func.func @transform_3(%arg0: i32) -> (i32, i32) {
    %c0_i32 = arith.constant 0 : i32
    %c0_i32_0 = arith.constant 0 : i32
    %c0_i32_1 = arith.constant 0 : i32
    return %c0_i32, %c0_i32_0 : i32, i32
  }
  func.func @transform_4(%arg0: i32) -> (i32, i32) {
    %c0_i32 = arith.constant 0 : i32
    %c0_i32_0 = arith.constant 0 : i32
    %c0_i32_1 = arith.constant 0 : i32
    return %c0_i32, %c0_i32_0 : i32, i32
  }
  func.func @transform_5(%arg0: i32) -> (i32, i32) {
    %c0_i32 = arith.constant 0 : i32
    %c0_i32_0 = arith.constant 0 : i32
    %c0_i32_1 = arith.constant 0 : i32
    return %c0_i32, %c0_i32_0 : i32, i32
  }
  func.func @transform_6(%arg0: i32) -> (i32, i32) {
    %c0_i32 = arith.constant 0 : i32
    %c0_i32_0 = arith.constant 0 : i32
    return %arg0, %c0_i32 : i32, i32
  }
}

module attributes {stable_mosaic.version = 14 : i64} {
  func.func @body(%arg0: i32, %arg1: memref<2x1280x128xf32, #tpu.memory_space<vmem>>, %arg2: memref<2x1280x128xf32, #tpu.memory_space<vmem>>, %arg3: memref<1280x128xf32, #tpu.memory_space<vmem>>, %arg4: memref<128x128xf32, #tpu.memory_space<vmem>>, %arg5: memref<128x128xf32, #tpu.memory_space<vmem>>, %arg6: memref<1x128xf32, #tpu.memory_space<vmem>>, %arg7: memref<1280x128xf32, #tpu.memory_space<vmem>>) attributes {dimension_semantics = [#tpu.dimension_semantics<arbitrary>], iteration_bounds = array<i64: 8>, scalar_prefetch = 0 : i64, scratch_operands = 0 : i64, tpu.core_type = #tpu.core_type<tc>, window_params = [{transform_indices = @transform_0, window_bounds = array<i64: 2, 1280, 128>}, {transform_indices = @transform_1, window_bounds = array<i64: 2, 1280, 128>}, {transform_indices = @transform_2, window_bounds = array<i64: 1280, 128>}, {pipeline_mode = #tpu.pipeline_mode<synchronous>, transform_indices = @transform_3, window_bounds = array<i64: 128, 128>}, {pipeline_mode = #tpu.pipeline_mode<synchronous>, transform_indices = @transform_4, window_bounds = array<i64: 128, 128>}, {pipeline_mode = #tpu.pipeline_mode<synchronous>, transform_indices = @transform_5, window_bounds = array<i64: 1, 128>}, {transform_indices = @transform_6, window_bounds = array<i64: 1280, 128>}]} {
    %get3A = arith.constant 0 : index
    %get3A_0 = arith.constant 0 : index
    %get3A_1 = arith.constant 0 : index
    %get3A_2 = vector.load %arg1[%get3A, %get3A_0, %get3A_1] : memref<2x1280x128xf32, #tpu.memory_space<vmem>>, vector<1x1280x128xf32>
    %get3A_3 = vector.shape_cast %get3A_2 : vector<1x1280x128xf32> to vector<1280x128xf32>
    %get3A_4 = arith.constant 1 : index
    %get3A_5 = arith.constant 0 : index
    %get3A_6 = arith.constant 0 : index
    %get3A_7 = vector.load %arg1[%get3A_4, %get3A_5, %get3A_6] : memref<2x1280x128xf32, #tpu.memory_space<vmem>>, vector<1x1280x128xf32>
    %get3A_8 = vector.shape_cast %get3A_7 : vector<1x1280x128xf32> to vector<1280x128xf32>
    %add3A = arith.addf %get3A_3, %get3A_8 : vector<1280x128xf32>
    %get3A_9 = arith.constant 0 : index
    %get3A_10 = arith.constant 0 : index
    %get3A_11 = arith.constant 0 : index
    %get3A_12 = vector.load %arg2[%get3A_9, %get3A_10, %get3A_11] : memref<2x1280x128xf32, #tpu.memory_space<vmem>>, vector<2x1280x128xf32>
    %slice3A = vector.extract_strided_slice %get3A_12 {offsets = [0, 0, 0], sizes = [1, 1280, 1], strides = [1, 1, 1]} : vector<2x1280x128xf32> to vector<1x1280x1xf32>
    %squeeze3A = vector.shape_cast %slice3A : vector<1x1280x1xf32> to vector<1280x1xf32>
    %slice3A_13 = vector.extract_strided_slice %get3A_12 {offsets = [1, 0, 0], sizes = [1, 1280, 1], strides = [1, 1, 1]} : vector<2x1280x128xf32> to vector<1x1280x1xf32>
    %squeeze3A_14 = vector.shape_cast %slice3A_13 : vector<1x1280x1xf32> to vector<1280x1xf32>
    %add3A_15 = arith.addf %squeeze3A, %squeeze3A_14 : vector<1280x1xf32>
    %max3A = arith.constant 1.000000e+00 : f32
    %max3A_16 = vector.broadcast %max3A : f32 to vector<1280x1xf32>
    %max3A_17 = arith.maximumf %add3A_15, %max3A_16 : vector<1280x1xf32>
    %div3A = vector.broadcast %max3A_17 : vector<1280x1xf32> to vector<1280x128xf32>
    %div3A_18 = arith.divf %add3A, %div3A : vector<1280x128xf32>
    %get3A_19 = arith.constant 0 : index
    %get3A_20 = arith.constant 0 : index
    %get3A_21 = vector.load %arg4[%get3A_19, %get3A_20] : memref<128x128xf32, #tpu.memory_space<vmem>>, vector<128x128xf32>
    %dot_general3A = arith.constant dense<0.000000e+00> : vector<1280x128xf32>
    %dot_general3A_22 = tpu.matmul %div3A_18, %get3A_21, %dot_general3A {dimension_numbers = #tpu.dot_dimension_numbers<[1], [0], [0], [1], [0, 0, 1, 1], [], []>, transpose_lhs_hint = false} : vector<1280x128xf32>, vector<128x128xf32>, vector<1280x128xf32> -> vector<1280x128xf32>
    %get3A_23 = arith.constant 0 : index
    %get3A_24 = arith.constant 0 : index
    %get3A_25 = vector.load %arg3[%get3A_23, %get3A_24] : memref<1280x128xf32, #tpu.memory_space<vmem>>, vector<1280x128xf32>
    %get3A_26 = arith.constant 0 : index
    %get3A_27 = arith.constant 0 : index
    %get3A_28 = vector.load %arg5[%get3A_26, %get3A_27] : memref<128x128xf32, #tpu.memory_space<vmem>>, vector<128x128xf32>
    %dot_general3A_29 = arith.constant dense<0.000000e+00> : vector<1280x128xf32>
    %dot_general3A_30 = tpu.matmul %get3A_25, %get3A_28, %dot_general3A_29 {dimension_numbers = #tpu.dot_dimension_numbers<[1], [0], [0], [1], [0, 0, 1, 1], [], []>, transpose_lhs_hint = false} : vector<1280x128xf32>, vector<128x128xf32>, vector<1280x128xf32> -> vector<1280x128xf32>
    %add3A_31 = arith.addf %dot_general3A_22, %dot_general3A_30 : vector<1280x128xf32>
    %get3A_32 = arith.constant 0 : index
    %get3A_33 = arith.constant 0 : index
    %get3A_34 = vector.load %arg6[%get3A_32, %get3A_33] : memref<1x128xf32, #tpu.memory_space<vmem>>, vector<1x128xf32>
    %add3A_35 = vector.broadcast %get3A_34 : vector<1x128xf32> to vector<1280x128xf32>
    %add3A_36 = arith.addf %add3A_31, %add3A_35 : vector<1280x128xf32>
    %swap3A = arith.constant 0 : index
    %swap3A_37 = arith.constant 0 : index
    %swap3A_38 = vector.load %arg7[%swap3A, %swap3A_37] : memref<1280x128xf32, #tpu.memory_space<vmem>>, vector<1280x128xf32>
    tpu.vector_store %arg7[%swap3A, %swap3A_37], %add3A_36 {strides = array<i32>} : memref<1280x128xf32, #tpu.memory_space<vmem>>, vector<1280x128xf32>,
    return
  }
  func.func @transform_0(%arg0: i32) -> (i32, i32, i32) {
    %c0_i32 = arith.constant 0 : i32
    %c0_i32_0 = arith.constant 0 : i32
    %c0_i32_1 = arith.constant 0 : i32
    return %c0_i32, %arg0, %c0_i32_0 : i32, i32, i32
  }
  func.func @transform_1(%arg0: i32) -> (i32, i32, i32) {
    %c0_i32 = arith.constant 0 : i32
    %c0_i32_0 = arith.constant 0 : i32
    %c0_i32_1 = arith.constant 0 : i32
    return %c0_i32, %arg0, %c0_i32_0 : i32, i32, i32
  }
  func.func @transform_2(%arg0: i32) -> (i32, i32) {
    %c0_i32 = arith.constant 0 : i32
    %c0_i32_0 = arith.constant 0 : i32
    return %arg0, %c0_i32 : i32, i32
  }
  func.func @transform_3(%arg0: i32) -> (i32, i32) {
    %c0_i32 = arith.constant 0 : i32
    %c0_i32_0 = arith.constant 0 : i32
    %c0_i32_1 = arith.constant 0 : i32
    return %c0_i32, %c0_i32_0 : i32, i32
  }
  func.func @transform_4(%arg0: i32) -> (i32, i32) {
    %c0_i32 = arith.constant 0 : i32
    %c0_i32_0 = arith.constant 0 : i32
    %c0_i32_1 = arith.constant 0 : i32
    return %c0_i32, %c0_i32_0 : i32, i32
  }
  func.func @transform_5(%arg0: i32) -> (i32, i32) {
    %c0_i32 = arith.constant 0 : i32
    %c0_i32_0 = arith.constant 0 : i32
    %c0_i32_1 = arith.constant 0 : i32
    return %c0_i32, %c0_i32_0 : i32, i32
  }
  func.func @transform_6(%arg0: i32) -> (i32, i32) {
    %c0_i32 = arith.constant 0 : i32
    %c0_i32_0 = arith.constant 0 : i32
    return %arg0, %c0_i32 : i32, i32
  }
}

</mosaic_0001>

<sc_bundles>
// kernel: kernel.10.cloned.1.call-start
scs
__scs_entry_jumppad:
0x0: {  	(pc) =	sbr.rel $0x88, $3  }
0x1: {  	(tag) =	ssettag $0x0;
	lr =	simm.s32 $0x1  }
0x2: {  	[smem:$0x3F99] =	sst lr;
	_ =	strace $0xD0000000  }
0x3: {  	_ = 	snop  }
0x4: {  	_ = 	snop  }
0x5: {  	_ = 	snop  }
0x6: {  	_ = 	snop  }
0x7: {  	_ = 	snop  }
__scs_overlays_trampoline_lowered:
0x8: {  	[smem:$0x3FA8] =	sst s0  }
0x9: {  	[smem:$0x3FA9] =	sst s1  }
0xa: {  	[smem:$0x3FAA] =	sst s2  }
0xb: {  	[smem:$0x3FAB] =	sst s3  }
0xc: {  	[smem:$0x3FAC] =	sst s4  }
0xd: {  	[smem:$0x3FAD] =	sst s5  }
0xe: {  	[smem:$0x3FAE] =	sst s6  }
0xf: {  	[smem:$0x3FAF] =	sst s7  }
0x10: {  	[smem:$0x3FB0] =	sst s8  }
0x11: {  	[smem:$0x3FB1] =	sst s9;
	s0 =	simm.s32 @!p0 $0x0  }
0x12: {  	s1 =	sld [smem:$0x3F97];
	s0 =	simm.s32 @p0 $0x1  }
0x13: {  	[smem:$0x3FB2] =	sst s0;
	s0 =	simm.s32 @!p1 $0x0  }
0x14: {  	s2 =	sld [smem:$0x3F96];
	s0 =	simm.s32 @p1 $0x1  }
0x15: {  	[smem:$0x3FB3] =	sst s0;
	s0 =	simm.s32 @!p2 $0x0  }
0x16: {  	s3 =	sld [smem:$0x3FDB];
	s0 =	simm.s32 @p2 $0x1  }
0x17: {  	s4 =	simm.s32 $0x1BF5;
	[smem:$0x3FB5] =	sst s0  }
0x18: {  	s0 =	sld [smem:$0x3F98];
	_ =	swait.ge [sflag:s4], $0x0  }
0x19: {  	s7 =	sld [smem:$0x3F99]  }
0x1a: {  	s8 =	sadd.s32 $0xFFFFE003, lr  }
0x1b: {  	s9 =	sadd.s32 $0xFFFFFEF7, lr;
	s5 =	simm.s32 $0xFFFFFFFF;
	p2 =	slt.u32 s8, $0xFFFFF086  }
0x1c: {  	p1 =	slt.u32 s9, $0xF7A;
	s5 =	simm.s32 @!p2 $0x0  }
0x1d: {  	s5 =	simm.s32 @p1 $0x1;
	p0 =	seq.s32 s7, s2  }
0x1e: {  	s7 =	smul.u32 @!p0 $0xF7A, s2;
	p2 =	seq.s32 @!p0 s5, $0x0  }
0x1f: {  	s9 =	smul.u32 $0xF7A, s1;
	s8 =	simm.s32 @!p0 $0x1BF5;
	p2 =	por !p2, p0  }
0x20: {  	[sflag:s8] =	ssyncset.s32 @!p0 $0xFFFFF086;
	s6 =	sadd.s32 @!p0 s3, s7;
	s7 =	simm.s32 @!p0 $0x108  }
0x21: {  	s3 =	sadd.s32 s3, s9;
	s6 =	sadd.s32 @!p0 $0x88, s6;
	s7 =	simm.s32 @p2 $0x1082  }
0x22: {  	[simem:s7], [sflag:s8] =	dma.local @!p0 [hbm:s6], $0xF7A  }
0x23: {  	s9 =	sor.u32 $0xD0000000, s2;
	s6 =	simm.s32 $0x108;
	_ =	swait.ge @!p0 [sflag:s8], $0x0  }
0x24: {  	s3 =	sadd.s32 $0x88, s3;
	s6 =	simm.s32 @!p1 $0x1082;
	[sflag:s4] =	ssyncset.s32 $0xFFFFF086  }
0x25: {  	[simem:s6], [sflag:s4] =	dma.local [hbm:s3], $0xF7A  }
0x26: {  	[smem:$0x3F99] =	sst s1;
	(tag) =	ssettag s2;
	_ =	strace s9  }
0x27: {  	s1 =	sld [smem:$0x3FA9]  }
0x28: {  	s2 =	sld [smem:$0x3FAA]  }
0x29: {  	s4 =	sld [smem:$0x3FAC]  }
0x2a: {  	p0 =	seq.s32 s5, $0x0;
	s5 =	sld [smem:$0x3FAD]  }
0x2b: {  	s6 =	sld [smem:$0x3FAE]  }
0x2c: {  	s7 =	sld [smem:$0x3FAF]  }
0x2d: {  	s3 =	simm.s32 $0x108;
	s8 =	sld [smem:$0x3FB0]  }
0x2e: {  	s3 =	simm.s32 @!p0 $0x1082;
	s9 =	sld [smem:$0x3FB1]  }
0x2f: {  	lr =	sadd.s32 s0, s3;
	s0 =	sld [smem:$0x3FA8]  }
0x30: {  	s3 =	sld [smem:$0x3FAB]  }
0x31: {  	[smem:$0x3FB4] =	sst s10  }
0x32: {  	s10 =	sld [smem:$0x3FB2];
	_ =	sdelay $0x3  }
0x33: {  	p0 =	seq.s32 s10, $0x1;
	s10 =	sld [smem:$0x3FB4];
	_ =	sdelay $0x3  }
0x34: {  	[smem:$0x3FB4] =	sst s10  }
0x35: {  	s10 =	sld [smem:$0x3FB3];
	_ =	sdelay $0x3  }
0x36: {  	p1 =	seq.s32 s10, $0x1;
	s10 =	sld [smem:$0x3FB4];
	_ =	sdelay $0x3  }
0x37: {  	[smem:$0x3FB4] =	sst s10  }
0x38: {  	s10 =	sld [smem:$0x3FB5]  }
0x39: {  	_ = 	snop;
	(pc) =	sbr.ind lr, $3  }
0x3a: {  	_ = 	snop  }
0x3b: {  	_ = 	snop  }
0x3c: {  	p2 =	seq.s32 s10, $0x1;
	s10 =	sld [smem:$0x3FB4]  }
0x3d: {  	_ =	shalt  }
0x3e: {  	_ =	shalt  }
0x3f: {  	_ =	shalt  }
0x40: {  	_ =	shalt  }
0x41: {  	_ =	shalt  }
0x42: {  	_ =	shalt  }
0x43: {  	_ =	shalt  }
0x44: {  	_ =	shalt  }
0x45: {  	_ =	shalt  }
0x46: {  	_ =	shalt  }
0x47: {  	_ =	shalt  }
0x48: {  	_ =	shalt  }
0x49: {  	_ =	shalt  }
0x4a: {  	_ =	shalt  }
0x4b: {  	_ =	shalt  }
0x4c: {  	_ =	shalt  }
0x4d: {  	_ =	shalt  }
0x4e: {  	_ =	shalt  }
0x4f: {  	_ =	shalt  }
0x50: {  	_ =	shalt  }
0x51: {  	_ =	shalt  }
0x52: {  	_ =	shalt  }
0x53: {  	_ =	shalt  }
0x54: {  	_ =	shalt  }
0x55: {  	_ =	shalt  }
0x56: {  	_ =	shalt  }
0x57: {  	_ =	shalt  }
0x58: {  	_ =	shalt  }
0x59: {  	_ =	shalt  }
0x5a: {  	_ =	shalt  }
0x5b: {  	_ =	shalt  }
0x5c: {  	_ =	shalt  }
0x5d: {  	_ =	shalt  }
0x5e: {  	_ =	shalt  }
0x5f: {  	_ =	shalt  }
0x60: {  	_ =	shalt  }
0x61: {  	_ =	shalt  }
0x62: {  	_ =	shalt  }
0x63: {  	_ =	shalt  }
0x64: {  	_ =	shalt  }
0x65: {  	_ =	shalt  }
0x66: {  	_ =	shalt  }
0x67: {  	_ =	shalt  }
0x68: {  	_ =	shalt  }
0x69: {  	_ =	shalt  }
0x6a: {  	_ =	shalt  }
0x6b: {  	_ =	shalt  }
0x6c: {  	_ =	shalt  }
0x6d: {  	_ =	shalt  }
0x6e: {  	_ =	shalt  }
0x6f: {  	_ =	shalt  }
0x70: {  	_ =	shalt  }
0x71: {  	_ =	shalt  }
0x72: {  	_ =	shalt  }
0x73: {  	_ =	shalt  }
0x74: {  	_ =	shalt  }
0x75: {  	_ =	shalt  }
0x76: {  	_ =	shalt  }
0x77: {  	_ =	shalt  }
0x78: {  	_ =	shalt  }
0x79: {  	_ =	shalt  }
0x7a: {  	_ =	shalt  }
0x7b: {  	_ =	shalt  }
0x7c: {  	_ =	shalt  }
0x7d: {  	_ =	shalt  }
0x7e: {  	_ =	shalt  }
0x7f: {  	_ =	shalt  }
0x80: {  	_ =	shalt  }
0x81: {  	_ =	shalt  }
0x82: {  	_ =	shalt  }
0x83: {  	_ =	shalt  }
0x84: {  	_ =	shalt  }
0x85: {  	_ =	shalt  }
0x86: {  	_ =	shalt  }
0x87: {  	_ =	shalt  }
.Lfunc_end0:
.L_simem_size_0:
called_computation.1_lowered:
.L_overlay_start_0:
0x88: {  	s2 =	sld [smem:$0x3FD9]  }
0x89: {  	s3 =	sld [smem:$0x3FFE];
	_ =	sdelay $0x1  }
0x8a: {  	s1 =	srdreg.scid  }
0x8b: {  	s0 =	sand.u32 $0x1, s1  }
0x8c: {  	s16 =	sshll.u32 s0, $0xA;
	s2 =	sadd.s32 s3, s2  }
0x8d: {  	s2 =	sadd.s32 s2, s16  }
0x8e: {  	[smem:$0x3FC0] =	sst s2  }
0x8f: {  	_ = 	snop  }
0x90: {  	(tm) =	ssettm $0x1  }
0x91: {  	s17 =	sld [smem:$0x3FFB];
	_ =	sdelay $0x3  }
0x92: {  	_ =	strace s17  }
0x93: {  	s2 =	sld [smem:$0x3FFC];
	_ =	sdelay $0x3  }
0x94: {  	_ =	strace s2  }
0x95: {  	s2 =	sld [smem:$0x3FFD];
	_ =	sdelay $0x3  }
0x96: {  	_ =	strace s2  }
0x97: {  	_ =	strace $0x8FFFFFFF  }
0x98: {  	s18 =	sld [smem:$0x3FDB];
	_ =	sdelay $0x1  }
0x99: {  	s19 =	simm.s32 $_scs_section_size  }
0x9a: {  	s4 =	simm.s32 $_size__tile_overlayer_lowered;
	s5 =	simm.s32 $_tile_overlayer_lowered  }
0x9b: {  	s22 =	simm.s32 $0x1BFF;
	s21 =	sshll.u32 s5, $0x1;
	s2 =	sadd.s32 s19, s18  }
0x9c: {  	s6 =	simm.s32 $0x0;
	s20 =	sshll.u32 s4, $0x1;
	s4 =	sadd.s32 s21, s2  }
0x9d: {  	[timem:s6], [sflag:s22] =	dma.local [hbm:s4], s20  }
0x9e: {  	_ =	swait.ge [sflag:s22], s20  }
0x9f: {  	s3 =	ssub.s32 $0x0, s20;
	[sflag:s22] =	ssyncset.done $0x0  }
0xa0: {  	[sflag:s22] =	ssyncadd.s32 s3;
	_ =	sdelay $0x1  }
0xa1: {  	s23 =	simm.s32 $0x1B8B  }
0xa2: {  	_ =	swait.ge [sflag:s23], $0x1  }
0xa3: {  	[sflag:s23] =	ssyncset.done $0x0  }
0xa4: {  	s25 =	simm.s32 $0x1B8E;
	s24 =	sld [smem:$0x3FFE];
	[sflag:s23] =	ssyncadd.s32 $0xFFFFFFFF  }
0xa5: {  	s26 =	simm.s32 $execute0_lowered;
	[smem:$0x3FD2] =	sst s25  }
0xa6: {  	s4 =	sshll.u32 s26, $0x1;
	_ =	strace $0x80000046;
	[dreg:$0x1] =	wrdreg $0xFFFFFFFF  }
0xa7: {  	s28 =	simm.s32 $_size_execute0_lowered;
	s2 =	sadd.s32 s2, s4;
	[dreg:$0x0] =	wrdreg $0x0  }
0xa8: {  	s4 =	sshll.u32 s28, $0x1;
	[dreg:$0x2] =	wrdreg s2  }
0xa9: {  	[dreg:$0x3] =	wrdreg s4  }
0xaa: {  	[dreg:$0x4] =	wrdreg $0xC0  }
0xab: {  	_ =	task [dreg:s6], $0x5FFFF  }
0xac: {  	[dreg:$0x1] =	wrdreg $0xFFFFFFFF  }
0xad: {  	[dreg:$0x0] =	wrdreg $0x60  }
0xae: {  	[dreg:$0x2] =	wrdreg s24  }
0xaf: {  	[dreg:$0x3] =	wrdreg $0x88000  }
0xb0: {  	[dreg:$0x4] =	wrdreg $0xA  }
0xb1: {  	_ =	task.clear_ibuf [dreg:s6], $0x5FFFF;
	_ =	strace $0x90000046  }
0xb2: {  	s29 =	simm.s32 $0xA;
	_ =	strace $0x80000048  }
0xb3: {  	_ =	swait.ge [sflag:s29], $0x1  }
0xb4: {  	[sflag:s29] =	ssyncadd.s32 $0xFFFFFFFF  }
0xb5: {  	_ =	strace $0x90000048  }
0xb6: {  	_ =	sfence  }
0xb7: {  	s30 =	sld [smem:$0x0];
	_ =	sdelay $0x2  }
0xb8: {  	s31 =	sshll.u32 s1, $0xD;
	s1 =	sshrl.u32 s1, $0x2  }
0xb9: {  	s3 =	sand.u32 $0x4000, s31;
	s1 =	sadd.s32 s1, s30  }
0xba: {  	s0 =	sor.u32 s3, s0;
	s1 =	sshll.u32 s1, $0x11  }
0xbb: {  	s0 =	sor.u32 s1, s0  }
0xbc: {  	s0 =	sadd.s32 $0x8F2B, s0  }
0xbd: {  	[sflag:s0] =	ssyncadd.remote.s32 $0x1  }
0xbe: {  	_ =	sfence.sel $0xFFFF  }
0xbf: {  	[dreg:$0x0] =	wrdreg $0xFFFFFFFF;
	(pc) =	sbr.abs _section_cstart, $3  }
0xc0: {  	[dreg:$0x1] =	wrdreg $0xFFFFFFFF  }
0xc1: {  	_ =	task.clear_ibuf [dreg:s6], $0x2FFFF;
	_ =	strace $0x9FFFFFFF  }
0xc2: {  	(tm) =	ssettm $0x7FFFFFFF  }
0xc3: {  	_ =	shalt  }
tec
execute0_lowered:
.L_overlay_start_1:
0x0: {  	(tag) =	ssettag $0x1  }
0x1: {  	s0 =	rddreg [dreg:$0x0]  }
0x2: {  	s1 =	rddreg [dreg:$0x1];
	s2 =	srdreg.scid  }
0x3: {  	s3 =	simm.s32 $0x0;
	s11 =	stileid.u32;
	s14 =	simm.s32 $0xD  }
0x4: {  	s28 =	simm.s32 $0xB;
	s29 =	simm.s32 $0xC;
	s30 =	simm.s32 $0x1  }
0x5: {  	s12 =	simm.s32 $0x6;
	s13 =	simm.s32 $0x8;
	s31 =	simm.s32 $0x680  }
0x6: {  	s2 =	sand.u32 $0x1, s2;
	[smem:$0x7FF] =	sst s3;
	s6 =	smul.u32 $0x14000, s11  }
0x7: {  	s4 =	sadd.s32 $0x2A400, s0;
	s7 =	sadd.s32 $0x2400, s0;
	s8 =	sadd.s32 $0x52400, s0  }
0x8: {  	s15 =	sshll.u32 s11, $0x1;
	s9 =	smul.u32 $0x50000, s11;
	s17 =	sshll.u32 s11, $0x6  }
0x9: {  	s5 =	smul.u32 $0x140000, s2;
	_ =	strace $0x80000047;
	[dreg:$0x7] =	wrdreg s8  }
0xa: {  	s8 =	sor.u32 s2, s15;
	s16 =	ssub.s32 $0x2, s2;
	s2 =	smul.u32 $0xA000, s2  }
0xb: {  	s11 =	simm.s32 $0x5;
	s15 =	simm.s32 $0x200;
	s8 =	smul.u32 $0xA000, s8  }
0xc: {  	s10 =	sshrl.u32 s16, $0x1;
	s9 =	sshrl.u32 s9, $0x2;
	s5 =	sadd.s32 s6, s5  }
0xd: {  	s9 =	sadd.s32 s9, s1;
	s2 =	sadd.s32 s2, s6;
	s5 =	sshrl.u32 s5, $0x3  }
0xe: {  	s8 =	sshrl.u32 s8, $0x3;
	s19 =	sor.u32 $0xE00, s2;
	s22 =	sor.u32 $0xC00, s2  }
0xf: {  	s24 =	sor.u32 $0xA00, s2;
	s2 =	sor.u32 $0x800, s2;
	s0 =	sadd.s32 s5, s0  }
0x10: {  	s5 =	ssub.s32 s16, s10;
	s8 =	sadd.s32 s7, s8;
	s10 =	sor.u32 $0x1C0D, s17  }
0x11: {  	s6 =	sshrl.u32 s19, $0x3;
	s23 =	sshrl.u32 s22, $0x3;
	s2 =	sshrl.u32 s2, $0x3  }
0x12: {  	s16 =	simm.s32 $0x400;
	s17 =	simm.s32 $0x600;
	[dreg:$0x8] =	wrdreg s8  }
0x13: {  	s19 =	simm.s32 $0xA;
	s18 =	sadd.s32 $0x40, s8;
	[dreg:$0x9] =	wrdreg s10  }
0x14: {  	s22 =	simm.s32 $0x0;
	s20 =	sadd.s32 $0x80, s8;
	[dreg:$0xa] =	wrdreg s18  }
0x15: {  	s8 =	sadd.s32 $0xC0, s8;
	s0 =	sadd.s32 $0x54C00, s0;
	[dreg:$0xb] =	wrdreg s20  }
0x16: {  	s21 =	sadd.s32 s6, s7;
	s6 =	sshrl.u32 s24, $0x3;
	[dreg:$0xc] =	wrdreg s8  }
0x17: {  	s5 =	smax.u32 s5, $0x1;
	s26 =	sadd.s32 s2, s7;
	[dreg:$0xd] =	wrdreg s0  }
0x18: {  	s24 =	simm.s32 $0x4800;
	s2 =	simm.s32 $0x780;
	[dreg:$0x3] =	wrdreg s21  }
0x19: {  	s0 =	sadd.s32 s23, s7;
	s25 =	sadd.s32 s6, s7;
	[dreg:$0xe] =	wrdreg s5  }
0x1a: {  	[dreg:$0x6] =	wrdreg s26;
	s8 =	sshrl.u32 s9, $0x3;
	s18 =	simm.s32 $0x9  }
0x1b: {  	s20 =	simm.s32 $0x40;
	s21 =	simm.s32 $0x800;
	s23 =	simm.s32 $0x2800  }
0x1c: {  	s26 =	simm.s32 $0x6800;
	s5 =	simm.s32 $0x3;
	[dreg:$0x4] =	wrdreg s0  }
0x1d: {  	s9 =	simm.s32 $0x4;
	s7 =	simm.s32 $0x7;
	[dreg:$0x5] =	wrdreg s25  }
0x1e: {  	s0 =	simm.s32 $0x2;
	[dreg:$0xf] =	wrdreg s8;
	s25 =	simm.s32 $0x280  }
.LBB2_1:
0x1f: {  	[dreg:$0x10] =	wrdreg s22  }
0x20: {  	s6 =	rddreg [dreg:$0x7]  }
0x21: {  	[spmem:s8], [sflag:s10] =	dma.local [hbm:s6], $0x2800  }
0x22: {  	_ =	swait.ge [sflag:s14], $0x2800  }
0x23: {  	[sflag:s14] =	ssyncset.done $0x0  }
0x24: {  	[sflag:s14] =	ssyncadd.s32 $0xFFFFD800  }
0x25: {  	[bflag:$0x0] =	sbarrier.arrive $0xFFFF  }
0x26: {  	s8 =	rddreg [dreg:$0x8]  }
0x27: {  	[tilespmem:s3], [sflag:$0x9] =	stream.linear.gather [hbm4b:s8+s3], $0x200, $0x38;
	[tilespmem:$0x1C800] =	vst v63  }
0x28: {  	s10 =	rddreg [dreg:$0xa]  }
0x29: {  	[tilespmem:s15], [sflag:$0xA] =	stream.linear.gather [hbm4b:s10+s3], $0x200, $0x38;
	[tilespmem:$0x1C800] =	vst v63  }
0x2a: {  	s14 =	rddreg [dreg:$0xb]  }
0x2b: {  	[tilespmem:s16], [sflag:$0xB] =	stream.linear.gather [hbm4b:s14+s3], $0x200, $0x38;
	[tilespmem:$0x1C800] =	vst v63  }
0x2c: {  	s22 =	rddreg [dreg:$0xc]  }
0x2d: {  	[tilespmem:s17], [sflag:$0xC] =	stream.linear.gather [hbm4b:s22+s3], $0x200, $0x38;
	[tilespmem:$0x1C800] =	vst v63  }
0x2e: {  	_ =	swait.ge [sflag:s18], $0x200  }
0x2f: {  	[sflag:s18] =	ssyncset.done $0x0  }
0x30: {  	[sflag:s18] =	ssyncadd.s32 $0xFFFFFE00  }
0x31: {  	_ =	swait.ge [sflag:s19], $0x200  }
0x32: {  	[sflag:s19] =	ssyncset.done $0x0  }
0x33: {  	[sflag:s19] =	ssyncadd.s32 $0xFFFFFE00  }
0x34: {  	[tilespmem:s21], [sflag:$0x1] =	stream.indirect.gather [hbm4b:s4+s20], $0x80, s3, s20, $0xb8;
	[tilespmem:$0x1C800] =	vst v63  }
0x35: {  	s22 =	simm.s32 $0x80  }
0x36: {  	[tilespmem:s23], [sflag:$0x2] =	stream.indirect.gather [hbm4b:s4+s20], $0x80, s22, s20, $0xb8;
	[tilespmem:$0x1C800] =	vst v63  }
0x37: {  	_ = 	snop  }
0x38: {  	[tilespmem:s24], [sflag:$0x3] =	stream.indirect.gather [hbm4b:s4+s20], $0x80, s15, s20, $0xb8;
	[tilespmem:$0x1C800] =	vst v63  }
0x39: {  	_ = 	snop  }
0x3a: {  	[tilespmem:s26], [sflag:$0x4] =	stream.indirect.gather [hbm4b:s4+s20], $0x80, s25, s20, $0xb8;
	[tilespmem:$0x1C800] =	vst v63  }
0x3b: {  	_ =	swait.ge [sflag:s28], $0x200  }
0x3c: {  	[sflag:s28] =	ssyncset.done $0x0  }
0x3d: {  	[sflag:s28] =	ssyncadd.s32 $0xFFFFFE00  }
0x3e: {  	_ =	swait.ge [sflag:s29], $0x200  }
0x3f: {  	[sflag:s29] =	ssyncset.done $0x0  }
0x40: {  	[sflag:s29] =	ssyncadd.s32 $0xFFFFFE00  }
0x41: {  	_ =	swait.ge [sflag:s30], $0x2000  }
0x42: {  	[sflag:s30] =	ssyncset.done $0x0  }
0x43: {  	s8 =	simm.s32 $0x100;
	[sflag:s30] =	ssyncadd.s32 $0xFFFFE000  }
0x44: {  	[spmem:s1] =	stream.indirect.scatter.add.f32 [tilespmem:s21], [sflag:$0x5], $0x80, s8, s20, $0xb8;
	[tilespmem:$0x1C800] =	vst v63  }
0x45: {  	_ =	swait.ge [sflag:s0], $0x2000  }
0x46: {  	[sflag:s0] =	ssyncset.done $0x0  }
0x47: {  	s10 =	simm.s32 $0x180;
	[sflag:s0] =	ssyncadd.s32 $0xFFFFE000  }
0x48: {  	[spmem:s1] =	stream.indirect.scatter.add.f32 [tilespmem:s23], [sflag:$0x6], $0x80, s10, s20, $0xb8;
	[tilespmem:$0x1C800] =	vst v63  }
0x49: {  	_ =	swait.ge [sflag:s5], $0x2000  }
0x4a: {  	[sflag:s5] =	ssyncset.done $0x0  }
0x4b: {  	s14 =	simm.s32 $0x300;
	[sflag:s5] =	ssyncadd.s32 $0xFFFFE000  }
0x4c: {  	[spmem:s1] =	stream.indirect.scatter.add.f32 [tilespmem:s24], [sflag:$0x7], $0x80, s14, s20, $0xb8;
	[tilespmem:$0x1C800] =	vst v63  }
0x4d: {  	_ =	swait.ge [sflag:s9], $0x2000  }
0x4e: {  	[sflag:s9] =	ssyncset.done $0x0  }
0x4f: {  	s8 =	simm.s32 $0x380;
	[sflag:s9] =	ssyncadd.s32 $0xFFFFE000  }
0x50: {  	[spmem:s1] =	stream.indirect.scatter.add.f32 [tilespmem:s26], [sflag:$0x8], $0x80, s8, s20, $0xb8;
	[tilespmem:$0x1C800] =	vst v63  }
0x51: {  	_ =	swait.ge [sflag:s11], $0x2000  }
0x52: {  	[sflag:s11] =	ssyncset.done $0x0  }
0x53: {  	[sflag:s11] =	ssyncadd.s32 $0xFFFFE000  }
0x54: {  	[tilespmem:s21], [sflag:$0x1] =	stream.indirect.gather [hbm4b:s4+s20], $0x80, s16, s20, $0xb8;
	[tilespmem:$0x1C800] =	vst v63  }
0x55: {  	_ =	swait.ge [sflag:s12], $0x2000  }
0x56: {  	[sflag:s12] =	ssyncset.done $0x0  }
0x57: {  	s10 =	simm.s32 $0x480;
	[sflag:s12] =	ssyncadd.s32 $0xFFFFE000  }
0x58: {  	[tilespmem:s23], [sflag:$0x2] =	stream.indirect.gather [hbm4b:s4+s20], $0x80, s10, s20, $0xb8;
	[tilespmem:$0x1C800] =	vst v63  }
0x59: {  	_ =	swait.ge [sflag:s7], $0x2000  }
0x5a: {  	[sflag:s7] =	ssyncset.done $0x0  }
0x5b: {  	[sflag:s7] =	ssyncadd.s32 $0xFFFFE000  }
0x5c: {  	[tilespmem:s24], [sflag:$0x3] =	stream.indirect.gather [hbm4b:s4+s20], $0x80, s17, s20, $0xb8;
	[tilespmem:$0x1C800] =	vst v63  }
0x5d: {  	_ =	swait.ge [sflag:s13], $0x2000  }
0x5e: {  	[sflag:s13] =	ssyncset.done $0x0  }
0x5f: {  	s14 =	simm.s32 $0x680;
	s8 =	rddreg [dreg:$0x6];
	[sflag:s13] =	ssyncadd.s32 $0xFFFFE000  }
0x60: {  	[tilespmem:s26], [sflag:$0x4] =	stream.indirect.gather [hbm4b:s4+s20], $0x80, s14, s20, $0xb8;
	[tilespmem:$0x1C800] =	vst v63  }
0x61: {  	s10 =	rddreg [dreg:$0x5];
	s8 =	sadd.s32 $0x0, s8  }
0x62: {  	[tilespmem:s3], [sflag:$0x9] =	stream.linear.gather [hbm4b:s8+s3], $0x200, $0x38;
	[tilespmem:$0x1C800] =	vst v63  }
0x63: {  	s6 =	sadd.s32 $0x0, s10  }
0x64: {  	[tilespmem:s15], [sflag:$0xA] =	stream.linear.gather [hbm4b:s6+s3], $0x200, $0x38;
	[tilespmem:$0x1C800] =	vst v63  }
0x65: {  	_ =	swait.ge [sflag:s18], $0x200  }
0x66: {  	[sflag:s18] =	ssyncset.done $0x0  }
0x67: {  	[sflag:s18] =	ssyncadd.s32 $0xFFFFFE00  }
0x68: {  	_ =	swait.ge [sflag:s19], $0x200  }
0x69: {  	[sflag:s19] =	ssyncset.done $0x0  }
0x6a: {  	[sflag:s19] =	ssyncadd.s32 $0xFFFFFE00  }
0x6b: {  	_ =	swait.ge [sflag:s30], $0x2000  }
0x6c: {  	[sflag:s30] =	ssyncset.done $0x0  }
0x6d: {  	s10 =	simm.s32 $0x500;
	[sflag:s30] =	ssyncadd.s32 $0xFFFFE000  }
0x6e: {  	[spmem:s1] =	stream.indirect.scatter.add.f32 [tilespmem:s21], [sflag:$0x5], $0x80, s10, s20, $0xb8;
	[tilespmem:$0x1C800] =	vst v63  }
0x6f: {  	_ =	swait.ge [sflag:s0], $0x2000  }
0x70: {  	[sflag:s0] =	ssyncset.done $0x0  }
0x71: {  	s14 =	simm.s32 $0x580;
	[sflag:s0] =	ssyncadd.s32 $0xFFFFE000  }
0x72: {  	[spmem:s1] =	stream.indirect.scatter.add.f32 [tilespmem:s23], [sflag:$0x6], $0x80, s14, s20, $0xb8;
	[tilespmem:$0x1C800] =	vst v63  }
0x73: {  	_ =	swait.ge [sflag:s5], $0x2000  }
0x74: {  	[sflag:s5] =	ssyncset.done $0x0  }
0x75: {  	s8 =	simm.s32 $0x700;
	[sflag:s5] =	ssyncadd.s32 $0xFFFFE000  }
0x76: {  	[spmem:s1] =	stream.indirect.scatter.add.f32 [tilespmem:s24], [sflag:$0x7], $0x80, s8, s20, $0xb8;
	[tilespmem:$0x1C800] =	vst v63  }
0x77: {  	_ =	swait.ge [sflag:s9], $0x2000  }
0x78: {  	[sflag:s9] =	ssyncset.done $0x0  }
0x79: {  	[sflag:s9] =	ssyncadd.s32 $0xFFFFE000  }
0x7a: {  	[spmem:s1] =	stream.indirect.scatter.add.f32 [tilespmem:s26], [sflag:$0x8], $0x80, s2, s20, $0xb8;
	[tilespmem:$0x1C800] =	vst v63  }
0x7b: {  	_ =	swait.ge [sflag:s11], $0x2000  }
0x7c: {  	[sflag:s11] =	ssyncset.done $0x0  }
0x7d: {  	[sflag:s11] =	ssyncadd.s32 $0xFFFFE000  }
0x7e: {  	[tilespmem:s21], [sflag:$0x1] =	stream.indirect.gather [hbm4b:s4+s20], $0x80, s3, s20, $0xb8;
	[tilespmem:$0x1C800] =	vst v63  }
0x7f: {  	_ =	swait.ge [sflag:s12], $0x2000  }
0x80: {  	[sflag:s12] =	ssyncset.done $0x0  }
0x81: {  	[sflag:s12] =	ssyncadd.s32 $0xFFFFE000  }
0x82: {  	[tilespmem:s23], [sflag:$0x2] =	stream.indirect.gather [hbm4b:s4+s20], $0x80, s22, s20, $0xb8;
	[tilespmem:$0x1C800] =	vst v63  }
0x83: {  	_ =	swait.ge [sflag:s7], $0x2000  }
0x84: {  	[sflag:s7] =	ssyncset.done $0x0  }
0x85: {  	[sflag:s7] =	ssyncadd.s32 $0xFFFFE000  }
0x86: {  	[tilespmem:s24], [sflag:$0x3] =	stream.indirect.gather [hbm4b:s4+s20], $0x80, s15, s20, $0xb8;
	[tilespmem:$0x1C800] =	vst v63  }
0x87: {  	_ =	swait.ge [sflag:s13], $0x2000  }
0x88: {  	[sflag:s13] =	ssyncset.done $0x0  }
0x89: {  	s10 =	rddreg [dreg:$0x4];
	[sflag:s13] =	ssyncadd.s32 $0xFFFFE000  }
0x8a: {  	[tilespmem:s26], [sflag:$0x4] =	stream.indirect.gather [hbm4b:s4+s20], $0x80, s25, s20, $0xb8;
	[tilespmem:$0x1C800] =	vst v63  }
0x8b: {  	s14 =	rddreg [dreg:$0x3];
	s8 =	sadd.s32 $0x0, s10  }
0x8c: {  	[tilespmem:s16], [sflag:$0xB] =	stream.linear.gather [hbm4b:s8+s3], $0x200, $0x38;
	[tilespmem:$0x1C800] =	vst v63  }
0x8d: {  	s10 =	sadd.s32 $0x0, s14;
	s8 =	simm.s32 $0x100  }
.LBB2_2:
0x8e: {  	[tilespmem:s17], [sflag:$0xC] =	stream.linear.gather [hbm4b:s10+s3], $0x200, $0x38;
	[tilespmem:$0x1C800] =	vst v63  }
0x8f: {  	_ =	swait.ge [sflag:s28], $0x200  }
0x90: {  	[sflag:s28] =	ssyncset.done $0x0  }
0x91: {  	[sflag:s28] =	ssyncadd.s32 $0xFFFFFE00  }
0x92: {  	_ =	swait.ge [sflag:s29], $0x200  }
0x93: {  	[sflag:s29] =	ssyncset.done $0x0  }
0x94: {  	[sflag:s29] =	ssyncadd.s32 $0xFFFFFE00  }
0x95: {  	_ =	swait.ge [sflag:s30], $0x2000  }
0x96: {  	[sflag:s30] =	ssyncset.done $0x0  }
0x97: {  	s6 =	simm.s32 $0x100;
	[sflag:s30] =	ssyncadd.s32 $0xFFFFE000  }
0x98: {  	[spmem:s1] =	stream.indirect.scatter.add.f32 [tilespmem:s21], [sflag:$0x5], $0x80, s6, s20, $0xb8;
	[tilespmem:$0x1C800] =	vst v63  }
0x99: {  	_ =	swait.ge [sflag:s0], $0x2000  }
0x9a: {  	[sflag:s0] =	ssyncset.done $0x0  }
0x9b: {  	s14 =	simm.s32 $0x180;
	[sflag:s0] =	ssyncadd.s32 $0xFFFFE000  }
0x9c: {  	[spmem:s1] =	stream.indirect.scatter.add.f32 [tilespmem:s23], [sflag:$0x6], $0x80, s14, s20, $0xb8;
	[tilespmem:$0x1C800] =	vst v63  }
0x9d: {  	_ =	swait.ge [sflag:s5], $0x2000  }
0x9e: {  	[sflag:s5] =	ssyncset.done $0x0  }
0x9f: {  	s14 =	simm.s32 $0x300;
	[sflag:s5] =	ssyncadd.s32 $0xFFFFE000  }
0xa0: {  	[spmem:s1] =	stream.indirect.scatter.add.f32 [tilespmem:s24], [sflag:$0x7], $0x80, s14, s20, $0xb8;
	[tilespmem:$0x1C800] =	vst v63  }
0xa1: {  	_ =	swait.ge [sflag:s9], $0x2000  }
0xa2: {  	[sflag:s9] =	ssyncset.done $0x0  }
0xa3: {  	s14 =	simm.s32 $0x380;
	[sflag:s9] =	ssyncadd.s32 $0xFFFFE000  }
0xa4: {  	[spmem:s1] =	stream.indirect.scatter.add.f32 [tilespmem:s26], [sflag:$0x8], $0x80, s14, s20, $0xb8;
	[tilespmem:$0x1C800] =	vst v63  }
0xa5: {  	_ =	swait.ge [sflag:s11], $0x2000  }
0xa6: {  	[sflag:s11] =	ssyncset.done $0x0  }
0xa7: {  	[sflag:s11] =	ssyncadd.s32 $0xFFFFE000  }
0xa8: {  	[tilespmem:s21], [sflag:$0x1] =	stream.indirect.gather [hbm4b:s4+s20], $0x80, s16, s20, $0xb8;
	[tilespmem:$0x1C800] =	vst v63  }
0xa9: {  	_ =	swait.ge [sflag:s12], $0x2000  }
0xaa: {  	[sflag:s12] =	ssyncset.done $0x0  }
0xab: {  	s14 =	simm.s32 $0x480;
	[sflag:s12] =	ssyncadd.s32 $0xFFFFE000  }
0xac: {  	[tilespmem:s23], [sflag:$0x2] =	stream.indirect.gather [hbm4b:s4+s20], $0x80, s14, s20, $0xb8;
	[tilespmem:$0x1C800] =	vst v63  }
0xad: {  	_ =	swait.ge [sflag:s7], $0x2000  }
0xae: {  	[sflag:s7] =	ssyncset.done $0x0  }
0xaf: {  	[sflag:s7] =	ssyncadd.s32 $0xFFFFE000  }
0xb0: {  	[tilespmem:s24], [sflag:$0x3] =	stream.indirect.gather [hbm4b:s4+s20], $0x80, s17, s20, $0xb8;
	[tilespmem:$0x1C800] =	vst v63  }
0xb1: {  	_ =	swait.ge [sflag:s13], $0x2000  }
0xb2: {  	[sflag:s13] =	ssyncset.done $0x0  }
0xb3: {  	s10 =	smov.u32 s8;
	s6 =	rddreg [dreg:$0x6];
	[sflag:s13] =	ssyncadd.s32 $0xFFFFE000  }
0xb4: {  	[tilespmem:s26], [sflag:$0x4] =	stream.indirect.gather [hbm4b:s4+s20], $0x80, s31, s20, $0xb8;
	[tilespmem:$0x1C800] =	vst v63  }
0xb5: {  	s14 =	rddreg [dreg:$0x5];
	s6 =	sadd.s32 s10, s6  }
0xb6: {  	[tilespmem:s3], [sflag:$0x9] =	stream.linear.gather [hbm4b:s6+s3], $0x200, $0x38;
	[tilespmem:$0x1C800] =	vst v63  }
0xb7: {  	s14 =	sadd.s32 s10, s14  }
0xb8: {  	[tilespmem:s15], [sflag:$0xA] =	stream.linear.gather [hbm4b:s14+s3], $0x200, $0x38;
	[tilespmem:$0x1C800] =	vst v63  }
0xb9: {  	_ =	swait.ge [sflag:s18], $0x200  }
0xba: {  	[sflag:s18] =	ssyncset.done $0x0  }
0xbb: {  	[sflag:s18] =	ssyncadd.s32 $0xFFFFFE00  }
0xbc: {  	_ =	swait.ge [sflag:s19], $0x200  }
0xbd: {  	[sflag:s19] =	ssyncset.done $0x0  }
0xbe: {  	[sflag:s19] =	ssyncadd.s32 $0xFFFFFE00  }
0xbf: {  	_ =	swait.ge [sflag:s30], $0x2000  }
0xc0: {  	[sflag:s30] =	ssyncset.done $0x0  }
0xc1: {  	s14 =	simm.s32 $0x500;
	[sflag:s30] =	ssyncadd.s32 $0xFFFFE000  }
0xc2: {  	[spmem:s1] =	stream.indirect.scatter.add.f32 [tilespmem:s21], [sflag:$0x5], $0x80, s14, s20, $0xb8;
	[tilespmem:$0x1C800] =	vst v63  }
0xc3: {  	_ =	swait.ge [sflag:s0], $0x2000  }
0xc4: {  	[sflag:s0] =	ssyncset.done $0x0  }
0xc5: {  	s14 =	simm.s32 $0x580;
	[sflag:s0] =	ssyncadd.s32 $0xFFFFE000  }
0xc6: {  	[spmem:s1] =	stream.indirect.scatter.add.f32 [tilespmem:s23], [sflag:$0x6], $0x80, s14, s20, $0xb8;
	[tilespmem:$0x1C800] =	vst v63  }
0xc7: {  	_ =	swait.ge [sflag:s5], $0x2000  }
0xc8: {  	[sflag:s5] =	ssyncset.done $0x0  }
0xc9: {  	s14 =	simm.s32 $0x700;
	[sflag:s5] =	ssyncadd.s32 $0xFFFFE000  }
0xca: {  	[spmem:s1] =	stream.indirect.scatter.add.f32 [tilespmem:s24], [sflag:$0x7], $0x80, s14, s20, $0xb8;
	[tilespmem:$0x1C800] =	vst v63  }
0xcb: {  	_ =	swait.ge [sflag:s9], $0x2000  }
0xcc: {  	[sflag:s9] =	ssyncset.done $0x0  }
0xcd: {  	[sflag:s9] =	ssyncadd.s32 $0xFFFFE000  }
0xce: {  	[spmem:s1] =	stream.indirect.scatter.add.f32 [tilespmem:s26], [sflag:$0x8], $0x80, s2, s20, $0xb8;
	[tilespmem:$0x1C800] =	vst v63  }
0xcf: {  	_ =	swait.ge [sflag:s11], $0x2000  }
0xd0: {  	[sflag:s11] =	ssyncset.done $0x0  }
0xd1: {  	[sflag:s11] =	ssyncadd.s32 $0xFFFFE000  }
0xd2: {  	[tilespmem:s21], [sflag:$0x1] =	stream.indirect.gather [hbm4b:s4+s20], $0x80, s3, s20, $0xb8;
	[tilespmem:$0x1C800] =	vst v63  }
0xd3: {  	_ =	swait.ge [sflag:s12], $0x2000  }
0xd4: {  	[sflag:s12] =	ssyncset.done $0x0  }
0xd5: {  	[sflag:s12] =	ssyncadd.s32 $0xFFFFE000  }
0xd6: {  	[tilespmem:s23], [sflag:$0x2] =	stream.indirect.gather [hbm4b:s4+s20], $0x80, s22, s20, $0xb8;
	[tilespmem:$0x1C800] =	vst v63  }
0xd7: {  	_ =	swait.ge [sflag:s7], $0x2000  }
0xd8: {  	[sflag:s7] =	ssyncset.done $0x0  }
0xd9: {  	[sflag:s7] =	ssyncadd.s32 $0xFFFFE000  }
0xda: {  	[tilespmem:s24], [sflag:$0x3] =	stream.indirect.gather [hbm4b:s4+s20], $0x80, s15, s20, $0xb8;
	[tilespmem:$0x1C800] =	vst v63  }
0xdb: {  	p0 =	sne.s32 s8, $0x1200;
	_ =	swait.ge [sflag:s13], $0x2000  }
.Ltmp0:
0xdc: {  	[sflag:s13] =	ssyncset.done $0x0;
	s6 =	rddreg [dreg:$0x4];
	(pc) =	sbr.rel @p0 .LBB2_2-.Ltmp0, $4  }
0xdd: {  	s14 =	rddreg [dreg:$0x3];
	[sflag:s13] =	ssyncadd.s32 $0xFFFFE000  }
0xde: {  	[tilespmem:s26], [sflag:$0x4] =	stream.indirect.gather [hbm4b:s4+s20], $0x80, s25, s20, $0xb8;
	[tilespmem:$0x1C800] =	vst v63  }
0xdf: {  	s8 =	sadd.s32 $0x100, s8;
	s6 =	sadd.s32 s10, s6;
	s10 =	sadd.s32 s10, s14  }
0xe0: {  	[tilespmem:s16], [sflag:$0xB] =	stream.linear.gather [hbm4b:s6+s3], $0x200, $0x38;
	[tilespmem:$0x1C800] =	vst v63  }
0xe1: {  	[tilespmem:s17], [sflag:$0xC] =	stream.linear.gather [hbm4b:s10+s3], $0x200, $0x38;
	[tilespmem:$0x1C800] =	vst v63  }
0xe2: {  	_ =	swait.ge [sflag:s28], $0x200  }
0xe3: {  	[sflag:s28] =	ssyncset.done $0x0  }
0xe4: {  	[sflag:s28] =	ssyncadd.s32 $0xFFFFFE00  }
0xe5: {  	_ =	swait.ge [sflag:s29], $0x200  }
0xe6: {  	[sflag:s29] =	ssyncset.done $0x0  }
0xe7: {  	[sflag:s29] =	ssyncadd.s32 $0xFFFFFE00  }
0xe8: {  	_ =	swait.ge [sflag:s30], $0x2000  }
0xe9: {  	[sflag:s30] =	ssyncset.done $0x0  }
0xea: {  	s6 =	simm.s32 $0x100;
	[sflag:s30] =	ssyncadd.s32 $0xFFFFE000  }
0xeb: {  	[spmem:s1] =	stream.indirect.scatter.add.f32 [tilespmem:s21], [sflag:$0x5], $0x80, s6, s20, $0xb8;
	[tilespmem:$0x1C800] =	vst v63  }
0xec: {  	_ =	swait.ge [sflag:s0], $0x2000  }
0xed: {  	[sflag:s0] =	ssyncset.done $0x0  }
0xee: {  	s22 =	simm.s32 $0x180;
	[sflag:s0] =	ssyncadd.s32 $0xFFFFE000  }
0xef: {  	[spmem:s1] =	stream.indirect.scatter.add.f32 [tilespmem:s23], [sflag:$0x6], $0x80, s22, s20, $0xb8;
	[tilespmem:$0x1C800] =	vst v63  }
0xf0: {  	_ =	swait.ge [sflag:s5], $0x2000  }
0xf1: {  	[sflag:s5] =	ssyncset.done $0x0  }
0xf2: {  	s8 =	simm.s32 $0x300;
	[sflag:s5] =	ssyncadd.s32 $0xFFFFE000  }
0xf3: {  	[spmem:s1] =	stream.indirect.scatter.add.f32 [tilespmem:s24], [sflag:$0x7], $0x80, s8, s20, $0xb8;
	[tilespmem:$0x1C800] =	vst v63  }
0xf4: {  	_ =	swait.ge [sflag:s9], $0x2000  }
0xf5: {  	[sflag:s9] =	ssyncset.done $0x0  }
0xf6: {  	s10 =	simm.s32 $0x380;
	[sflag:s9] =	ssyncadd.s32 $0xFFFFE000  }
0xf7: {  	[spmem:s1] =	stream.indirect.scatter.add.f32 [tilespmem:s26], [sflag:$0x8], $0x80, s10, s20, $0xb8;
	[tilespmem:$0x1C800] =	vst v63  }
0xf8: {  	_ =	swait.ge [sflag:s11], $0x2000  }
0xf9: {  	[sflag:s11] =	ssyncset.done $0x0  }
0xfa: {  	[sflag:s11] =	ssyncadd.s32 $0xFFFFE000  }
0xfb: {  	[tilespmem:s21], [sflag:$0x1] =	stream.indirect.gather [hbm4b:s4+s20], $0x80, s16, s20, $0xb8;
	[tilespmem:$0x1C800] =	vst v63  }
0xfc: {  	_ =	swait.ge [sflag:s12], $0x2000  }
0xfd: {  	[sflag:s12] =	ssyncset.done $0x0  }
0xfe: {  	s14 =	simm.s32 $0x480;
	[sflag:s12] =	ssyncadd.s32 $0xFFFFE000  }
0xff: {  	[tilespmem:s23], [sflag:$0x2] =	stream.indirect.gather [hbm4b:s4+s20], $0x80, s14, s20, $0xb8;
	[tilespmem:$0x1C800] =	vst v63  }
0x100: {  	_ =	swait.ge [sflag:s7], $0x2000  }
0x101: {  	[sflag:s7] =	ssyncset.done $0x0  }
0x102: {  	[sflag:s7] =	ssyncadd.s32 $0xFFFFE000  }
0x103: {  	[tilespmem:s24], [sflag:$0x3] =	stream.indirect.gather [hbm4b:s4+s20], $0x80, s17, s20, $0xb8;
	[tilespmem:$0x1C800] =	vst v63  }
0x104: {  	_ =	swait.ge [sflag:s13], $0x2000  }
0x105: {  	[sflag:s13] =	ssyncset.done $0x0  }
0x106: {  	s22 =	simm.s32 $0x680;
	[sflag:s13] =	ssyncadd.s32 $0xFFFFE000  }
0x107: {  	[tilespmem:s26], [sflag:$0x4] =	stream.indirect.gather [hbm4b:s4+s20], $0x80, s22, s20, $0xb8;
	[tilespmem:$0x1C800] =	vst v63  }
0x108: {  	_ =	swait.ge [sflag:s30], $0x2000  }
0x109: {  	[sflag:s30] =	ssyncset.done $0x0  }
0x10a: {  	s8 =	simm.s32 $0x500;
	[sflag:s30] =	ssyncadd.s32 $0xFFFFE000  }
0x10b: {  	[spmem:s1] =	stream.indirect.scatter.add.f32 [tilespmem:s21], [sflag:$0x5], $0x80, s8, s20, $0xb8;
	[tilespmem:$0x1C800] =	vst v63  }
0x10c: {  	_ =	swait.ge [sflag:s0], $0x2000  }
0x10d: {  	[sflag:s0] =	ssyncset.done $0x0  }
0x10e: {  	s10 =	simm.s32 $0x580;
	[sflag:s0] =	ssyncadd.s32 $0xFFFFE000  }
0x10f: {  	[spmem:s1] =	stream.indirect.scatter.add.f32 [tilespmem:s23], [sflag:$0x6], $0x80, s10, s20, $0xb8;
	[tilespmem:$0x1C800] =	vst v63  }
0x110: {  	_ =	swait.ge [sflag:s5], $0x2000  }
0x111: {  	[sflag:s5] =	ssyncset.done $0x0  }
0x112: {  	s14 =	simm.s32 $0x700;
	[sflag:s5] =	ssyncadd.s32 $0xFFFFE000  }
0x113: {  	[spmem:s1] =	stream.indirect.scatter.add.f32 [tilespmem:s24], [sflag:$0x7], $0x80, s14, s20, $0xb8;
	[tilespmem:$0x1C800] =	vst v63  }
0x114: {  	_ =	swait.ge [sflag:s9], $0x2000  }
0x115: {  	[sflag:s9] =	ssyncset.done $0x0  }
0x116: {  	[sflag:s9] =	ssyncadd.s32 $0xFFFFE000  }
0x117: {  	[spmem:s1] =	stream.indirect.scatter.add.f32 [tilespmem:s26], [sflag:$0x8], $0x80, s2, s20, $0xb8;
	[tilespmem:$0x1C800] =	vst v63  }
0x118: {  	_ =	swait.ge [sflag:s11], $0x2000  }
0x119: {  	[sflag:s11] =	ssyncset.done $0x0  }
0x11a: {  	[sflag:s11] =	ssyncadd.s32 $0xFFFFE000  }
0x11b: {  	_ =	swait.ge [sflag:s12], $0x2000  }
0x11c: {  	[sflag:s12] =	ssyncset.done $0x0  }
0x11d: {  	[sflag:s12] =	ssyncadd.s32 $0xFFFFE000  }
0x11e: {  	_ =	swait.ge [sflag:s7], $0x2000  }
0x11f: {  	[sflag:s7] =	ssyncset.done $0x0  }
0x120: {  	[sflag:s7] =	ssyncadd.s32 $0xFFFFE000  }
0x121: {  	_ =	swait.ge [sflag:s13], $0x2000  }
0x122: {  	[sflag:s13] =	ssyncset.done $0x0  }
0x123: {  	[sflag:s13] =	ssyncadd.s32 $0xFFFFE000  }
0x124: {  	[bflag:$0x0] =	sbarrier.arrive $0xFFFF  }
0x125: {  	s10 =	rddreg [dreg:$0x9]  }
0x126: {  	s22 =	rddreg [dreg:$0xd]  }
0x127: {  	s14 =	simm.s32 $0xD;
	s8 =	rddreg [dreg:$0xf]  }
0x128: {  	[hbm:s22], [sflag:s10] =	dma.local [spmem:s8], $0x2800  }
0x129: {  	_ =	swait.ge [sflag:s14], $0x2800  }
0x12a: {  	s22 =	rddreg [dreg:$0x10]  }
0x12b: {  	s6 =	rddreg [dreg:$0xe];
	s22 =	sadd.s32 $0x1, s22  }
0x12c: {  	p0 =	sne.s32 s22, s6  }
.Ltmp1:
0x12d: {  	_ = 	snop;
	(pc) =	sbr.rel @p0 .LBB2_1-.Ltmp1, $3  }
0x12e: {  	_ =	sdelay $0x1  }
0x12f: {  	[sflag:s14] =	ssyncset.done $0x0  }
0x130: {  	[sflag:s14] =	ssyncadd.s32 $0xFFFFD800  }
0x131: {  	_ =	sfence.sel $0x180000  }
0x132: {  	[bflag:$0x0] =	sbarrier.arrive $0xFFFF  }
0x133: {  	_ =	strace $0x90000047  }
0x134: {  	s0 =	stileid.u32;
	[bflag:$0x2] =	sbarrier.arrive $0xFFFF  }
0x135: {  	p0 =	sne.s32 s0, $0x0;
	s0 =	rddreg [dreg:$0x2]  }
0x136: {  	s0 =	sadd.s32 @!p0 $0x100000, s0  }
0x137: {  	[sflag:s0] =	ssyncadd.tile.s32 @!p0 $0x1;
	_ =	shalt  }
.Lfunc_end2:
_tile_overlayer_lowered:
.L_overlay_start_2:
0x138: {  	(tag) =	ssettag $0x2  }
0x139: {  	s0 =	rddreg [dreg:$0x0];
	s2 =	stileid.u32  }
0x13a: {  	s1 =	rddreg [dreg:$0x1];
	p0 =	sne.s32 s2, $0x0  }
0x13b: {  	s3 =	rddreg [dreg:$0x2];
	[bflag:$0x3] =	sbarrier.arrive $0xFFFF;
	s2 =	simm.s32 @!p0 $0x1C0D  }
0x13c: {  	[timem:s3], [sflag:s2] =	dma.local @!p0 [hbm:s0], s1  }
0x13d: {  	s0 =	simm.s32 @!p0 $0xD  }
0x13e: {  	_ =	swait.ge @!p0 [sflag:s0], s1  }
0x13f: {  	s1 =	ssub.s32 @!p0 $0x0, s1;
	[sflag:s0] =	ssyncset.done @!p0 $0x0  }
0x140: {  	[sflag:s0] =	ssyncadd.s32 @!p0 s1  }
0x141: {  	[bflag:$0x3] =	sbarrier.arrive $0xFFFF  }
0x142: {  	_ =	shalt  }

// kernel: kernel.13.cloned.1.call-start
scs
__scs_entry_jumppad:
0x0: {  	(pc) =	sbr.rel $0x88, $3  }
0x1: {  	(tag) =	ssettag $0x0;
	lr =	simm.s32 $0x1  }
0x2: {  	[smem:$0x3F99] =	sst lr;
	_ =	strace $0xD0000000  }
0x3: {  	_ = 	snop  }
0x4: {  	_ = 	snop  }
0x5: {  	_ = 	snop  }
0x6: {  	_ = 	snop  }
0x7: {  	_ = 	snop  }
__scs_overlays_trampoline_lowered:
0x8: {  	[smem:$0x3FA8] =	sst s0  }
0x9: {  	[smem:$0x3FA9] =	sst s1  }
0xa: {  	[smem:$0x3FAA] =	sst s2  }
0xb: {  	[smem:$0x3FAB] =	sst s3  }
0xc: {  	[smem:$0x3FAC] =	sst s4  }
0xd: {  	[smem:$0x3FAD] =	sst s5  }
0xe: {  	[smem:$0x3FAE] =	sst s6  }
0xf: {  	[smem:$0x3FAF] =	sst s7  }
0x10: {  	[smem:$0x3FB0] =	sst s8  }
0x11: {  	[smem:$0x3FB1] =	sst s9;
	s0 =	simm.s32 @!p0 $0x0  }
0x12: {  	s1 =	sld [smem:$0x3F97];
	s0 =	simm.s32 @p0 $0x1  }
0x13: {  	[smem:$0x3FB2] =	sst s0;
	s0 =	simm.s32 @!p1 $0x0  }
0x14: {  	s2 =	sld [smem:$0x3F96];
	s0 =	simm.s32 @p1 $0x1  }
0x15: {  	[smem:$0x3FB3] =	sst s0;
	s0 =	simm.s32 @!p2 $0x0  }
0x16: {  	s3 =	sld [smem:$0x3FDB];
	s0 =	simm.s32 @p2 $0x1  }
0x17: {  	s4 =	simm.s32 $0x1BF5;
	[smem:$0x3FB5] =	sst s0  }
0x18: {  	s0 =	sld [smem:$0x3F98];
	_ =	swait.ge [sflag:s4], $0x0  }
0x19: {  	s7 =	sld [smem:$0x3F99]  }
0x1a: {  	s8 =	sadd.s32 $0xFFFFE003, lr  }
0x1b: {  	s9 =	sadd.s32 $0xFFFFFEF7, lr;
	s5 =	simm.s32 $0xFFFFFFFF;
	p2 =	slt.u32 s8, $0xFFFFF086  }
0x1c: {  	p1 =	slt.u32 s9, $0xF7A;
	s5 =	simm.s32 @!p2 $0x0  }
0x1d: {  	s5 =	simm.s32 @p1 $0x1;
	p0 =	seq.s32 s7, s2  }
0x1e: {  	s7 =	smul.u32 @!p0 $0xF7A, s2;
	p2 =	seq.s32 @!p0 s5, $0x0  }
0x1f: {  	s9 =	smul.u32 $0xF7A, s1;
	s8 =	simm.s32 @!p0 $0x1BF5;
	p2 =	por !p2, p0  }
0x20: {  	[sflag:s8] =	ssyncset.s32 @!p0 $0xFFFFF086;
	s6 =	sadd.s32 @!p0 s3, s7;
	s7 =	simm.s32 @!p0 $0x108  }
0x21: {  	s3 =	sadd.s32 s3, s9;
	s6 =	sadd.s32 @!p0 $0x88, s6;
	s7 =	simm.s32 @p2 $0x1082  }
0x22: {  	[simem:s7], [sflag:s8] =	dma.local @!p0 [hbm:s6], $0xF7A  }
0x23: {  	s9 =	sor.u32 $0xD0000000, s2;
	s6 =	simm.s32 $0x108;
	_ =	swait.ge @!p0 [sflag:s8], $0x0  }
0x24: {  	s3 =	sadd.s32 $0x88, s3;
	s6 =	simm.s32 @!p1 $0x1082;
	[sflag:s4] =	ssyncset.s32 $0xFFFFF086  }
0x25: {  	[simem:s6], [sflag:s4] =	dma.local [hbm:s3], $0xF7A  }
0x26: {  	[smem:$0x3F99] =	sst s1;
	(tag) =	ssettag s2;
	_ =	strace s9  }
0x27: {  	s1 =	sld [smem:$0x3FA9]  }
0x28: {  	s2 =	sld [smem:$0x3FAA]  }
0x29: {  	s4 =	sld [smem:$0x3FAC]  }
0x2a: {  	p0 =	seq.s32 s5, $0x0;
	s5 =	sld [smem:$0x3FAD]  }
0x2b: {  	s6 =	sld [smem:$0x3FAE]  }
0x2c: {  	s7 =	sld [smem:$0x3FAF]  }
0x2d: {  	s3 =	simm.s32 $0x108;
	s8 =	sld [smem:$0x3FB0]  }
0x2e: {  	s3 =	simm.s32 @!p0 $0x1082;
	s9 =	sld [smem:$0x3FB1]  }
0x2f: {  	lr =	sadd.s32 s0, s3;
	s0 =	sld [smem:$0x3FA8]  }
0x30: {  	s3 =	sld [smem:$0x3FAB]  }
0x31: {  	[smem:$0x3FB4] =	sst s10  }
0x32: {  	s10 =	sld [smem:$0x3FB2];
	_ =	sdelay $0x3  }
0x33: {  	p0 =	seq.s32 s10, $0x1;
	s10 =	sld [smem:$0x3FB4];
	_ =	sdelay $0x3  }
0x34: {  	[smem:$0x3FB4] =	sst s10  }
0x35: {  	s10 =	sld [smem:$0x3FB3];
	_ =	sdelay $0x3  }
0x36: {  	p1 =	seq.s32 s10, $0x1;
	s10 =	sld [smem:$0x3FB4];
	_ =	sdelay $0x3  }
0x37: {  	[smem:$0x3FB4] =	sst s10  }
0x38: {  	s10 =	sld [smem:$0x3FB5]  }
0x39: {  	_ = 	snop;
	(pc) =	sbr.ind lr, $3  }
0x3a: {  	_ = 	snop  }
0x3b: {  	_ = 	snop  }
0x3c: {  	p2 =	seq.s32 s10, $0x1;
	s10 =	sld [smem:$0x3FB4]  }
0x3d: {  	_ =	shalt  }
0x3e: {  	_ =	shalt  }
0x3f: {  	_ =	shalt  }
0x40: {  	_ =	shalt  }
0x41: {  	_ =	shalt  }
0x42: {  	_ =	shalt  }
0x43: {  	_ =	shalt  }
0x44: {  	_ =	shalt  }
0x45: {  	_ =	shalt  }
0x46: {  	_ =	shalt  }
0x47: {  	_ =	shalt  }
0x48: {  	_ =	shalt  }
0x49: {  	_ =	shalt  }
0x4a: {  	_ =	shalt  }
0x4b: {  	_ =	shalt  }
0x4c: {  	_ =	shalt  }
0x4d: {  	_ =	shalt  }
0x4e: {  	_ =	shalt  }
0x4f: {  	_ =	shalt  }
0x50: {  	_ =	shalt  }
0x51: {  	_ =	shalt  }
0x52: {  	_ =	shalt  }
0x53: {  	_ =	shalt  }
0x54: {  	_ =	shalt  }
0x55: {  	_ =	shalt  }
0x56: {  	_ =	shalt  }
0x57: {  	_ =	shalt  }
0x58: {  	_ =	shalt  }
0x59: {  	_ =	shalt  }
0x5a: {  	_ =	shalt  }
0x5b: {  	_ =	shalt  }
0x5c: {  	_ =	shalt  }
0x5d: {  	_ =	shalt  }
0x5e: {  	_ =	shalt  }
0x5f: {  	_ =	shalt  }
0x60: {  	_ =	shalt  }
0x61: {  	_ =	shalt  }
0x62: {  	_ =	shalt  }
0x63: {  	_ =	shalt  }
0x64: {  	_ =	shalt  }
0x65: {  	_ =	shalt  }
0x66: {  	_ =	shalt  }
0x67: {  	_ =	shalt  }
0x68: {  	_ =	shalt  }
0x69: {  	_ =	shalt  }
0x6a: {  	_ =	shalt  }
0x6b: {  	_ =	shalt  }
0x6c: {  	_ =	shalt  }
0x6d: {  	_ =	shalt  }
0x6e: {  	_ =	shalt  }
0x6f: {  	_ =	shalt  }
0x70: {  	_ =	shalt  }
0x71: {  	_ =	shalt  }
0x72: {  	_ =	shalt  }
0x73: {  	_ =	shalt  }
0x74: {  	_ =	shalt  }
0x75: {  	_ =	shalt  }
0x76: {  	_ =	shalt  }
0x77: {  	_ =	shalt  }
0x78: {  	_ =	shalt  }
0x79: {  	_ =	shalt  }
0x7a: {  	_ =	shalt  }
0x7b: {  	_ =	shalt  }
0x7c: {  	_ =	shalt  }
0x7d: {  	_ =	shalt  }
0x7e: {  	_ =	shalt  }
0x7f: {  	_ =	shalt  }
0x80: {  	_ =	shalt  }
0x81: {  	_ =	shalt  }
0x82: {  	_ =	shalt  }
0x83: {  	_ =	shalt  }
0x84: {  	_ =	shalt  }
0x85: {  	_ =	shalt  }
0x86: {  	_ =	shalt  }
0x87: {  	_ =	shalt  }
.Lfunc_end0:
.L_simem_size_0:
called_computation.2_lowered:
.L_overlay_start_0:
0x88: {  	s2 =	sld [smem:$0x3FD9]  }
0x89: {  	s3 =	sld [smem:$0x3FFE];
	_ =	sdelay $0x1  }
0x8a: {  	s1 =	srdreg.scid  }
0x8b: {  	s0 =	sand.u32 $0x1, s1  }
0x8c: {  	s16 =	sshll.u32 s0, $0xA;
	s2 =	sadd.s32 s3, s2  }
0x8d: {  	s2 =	sadd.s32 s2, s16  }
0x8e: {  	[smem:$0x3FC0] =	sst s2  }
0x8f: {  	_ = 	snop  }
0x90: {  	(tm) =	ssettm $0x1  }
0x91: {  	s17 =	sld [smem:$0x3FFB];
	_ =	sdelay $0x3  }
0x92: {  	_ =	strace s17  }
0x93: {  	s2 =	sld [smem:$0x3FFC];
	_ =	sdelay $0x3  }
0x94: {  	_ =	strace s2  }
0x95: {  	s2 =	sld [smem:$0x3FFD];
	_ =	sdelay $0x3  }
0x96: {  	_ =	strace s2  }
0x97: {  	_ =	strace $0x8FFFFFFF  }
0x98: {  	s18 =	sld [smem:$0x3FDB];
	_ =	sdelay $0x1  }
0x99: {  	s19 =	simm.s32 $_scs_section_size  }
0x9a: {  	s4 =	simm.s32 $_size__tile_overlayer_lowered;
	s5 =	simm.s32 $_tile_overlayer_lowered  }
0x9b: {  	s22 =	simm.s32 $0x1BFF;
	s21 =	sshll.u32 s5, $0x1;
	s2 =	sadd.s32 s19, s18  }
0x9c: {  	s6 =	simm.s32 $0x0;
	s20 =	sshll.u32 s4, $0x1;
	s4 =	sadd.s32 s21, s2  }
0x9d: {  	[timem:s6], [sflag:s22] =	dma.local [hbm:s4], s20  }
0x9e: {  	_ =	swait.ge [sflag:s22], s20  }
0x9f: {  	s3 =	ssub.s32 $0x0, s20;
	[sflag:s22] =	ssyncset.done $0x0  }
0xa0: {  	[sflag:s22] =	ssyncadd.s32 s3;
	_ =	sdelay $0x1  }
0xa1: {  	s23 =	simm.s32 $0x1B8B  }
0xa2: {  	_ =	swait.ge [sflag:s23], $0x1  }
0xa3: {  	[sflag:s23] =	ssyncset.done $0x0  }
0xa4: {  	s25 =	simm.s32 $0x1B8E;
	s24 =	sld [smem:$0x3FFE];
	[sflag:s23] =	ssyncadd.s32 $0xFFFFFFFF  }
0xa5: {  	s26 =	simm.s32 $execute0_lowered;
	[smem:$0x3FD2] =	sst s25  }
0xa6: {  	s4 =	sshll.u32 s26, $0x1;
	_ =	strace $0x8000004C;
	[dreg:$0x1] =	wrdreg $0xFFFFFFFF  }
0xa7: {  	s28 =	simm.s32 $_size_execute0_lowered;
	s2 =	sadd.s32 s2, s4;
	[dreg:$0x0] =	wrdreg $0x0  }
0xa8: {  	s4 =	sshll.u32 s28, $0x1;
	[dreg:$0x2] =	wrdreg s2  }
0xa9: {  	[dreg:$0x3] =	wrdreg s4  }
0xaa: {  	[dreg:$0x4] =	wrdreg $0xC0  }
0xab: {  	_ =	task [dreg:s6], $0x5FFFF  }
0xac: {  	[dreg:$0x1] =	wrdreg $0xFFFFFFFF  }
0xad: {  	[dreg:$0x0] =	wrdreg $0x60  }
0xae: {  	[dreg:$0x2] =	wrdreg s24  }
0xaf: {  	[dreg:$0x3] =	wrdreg $0x88000  }
0xb0: {  	[dreg:$0x4] =	wrdreg $0x9  }
0xb1: {  	_ =	task.clear_ibuf [dreg:s6], $0x5FFFF;
	_ =	strace $0x9000004C  }
0xb2: {  	s29 =	simm.s32 $0x9;
	_ =	strace $0x8000004E  }
0xb3: {  	_ =	swait.ge [sflag:s29], $0x1  }
0xb4: {  	[sflag:s29] =	ssyncadd.s32 $0xFFFFFFFF  }
0xb5: {  	_ =	strace $0x9000004E  }
0xb6: {  	_ =	sfence  }
0xb7: {  	s30 =	sld [smem:$0x0];
	_ =	sdelay $0x2  }
0xb8: {  	s31 =	sshll.u32 s1, $0xD;
	s1 =	sshrl.u32 s1, $0x2  }
0xb9: {  	s3 =	sand.u32 $0x4000, s31;
	s1 =	sadd.s32 s1, s30  }
0xba: {  	s0 =	sor.u32 s3, s0;
	s1 =	sshll.u32 s1, $0x11  }
0xbb: {  	s0 =	sor.u32 s1, s0  }
0xbc: {  	s0 =	sadd.s32 $0x8F2B, s0  }
0xbd: {  	[sflag:s0] =	ssyncadd.remote.s32 $0x1  }
0xbe: {  	_ =	sfence.sel $0xFFFF  }
0xbf: {  	[dreg:$0x0] =	wrdreg $0xFFFFFFFF;
	(pc) =	sbr.abs _section_cstart, $3  }
0xc0: {  	[dreg:$0x1] =	wrdreg $0xFFFFFFFF  }
0xc1: {  	_ =	task.clear_ibuf [dreg:s6], $0x2FFFF;
	_ =	strace $0x9FFFFFFF  }
0xc2: {  	(tm) =	ssettm $0x7FFFFFFF  }
0xc3: {  	_ =	shalt  }
tec
execute0_lowered:
.L_overlay_start_1:
0x0: {  	(tag) =	ssettag $0x1  }
0x1: {  	s0 =	rddreg [dreg:$0x0]  }
0x2: {  	s1 =	rddreg [dreg:$0x1];
	s2 =	srdreg.scid  }
0x3: {  	s3 =	simm.s32 $0x0;
	s11 =	stileid.u32;
	s14 =	simm.s32 $0xD  }
0x4: {  	s28 =	simm.s32 $0xB;
	s29 =	simm.s32 $0xC;
	s30 =	simm.s32 $0x1  }
0x5: {  	s12 =	simm.s32 $0x6;
	s13 =	simm.s32 $0x8;
	s31 =	simm.s32 $0x680  }
0x6: {  	s2 =	sand.u32 $0x1, s2;
	[smem:$0x7FF] =	sst s3;
	s6 =	smul.u32 $0x14000, s11  }
0x7: {  	s4 =	sadd.s32 $0x2A400, s0;
	s7 =	sadd.s32 $0x2400, s0;
	s8 =	sadd.s32 $0x52400, s0  }
0x8: {  	s15 =	sshll.u32 s11, $0x1;
	s9 =	smul.u32 $0x50000, s11;
	s17 =	sshll.u32 s11, $0x6  }
0x9: {  	s5 =	smul.u32 $0x140000, s2;
	_ =	strace $0x8000004D;
	[dreg:$0x7] =	wrdreg s8  }
0xa: {  	s8 =	sor.u32 s2, s15;
	s16 =	ssub.s32 $0x2, s2;
	s2 =	smul.u32 $0xA000, s2  }
0xb: {  	s11 =	simm.s32 $0x5;
	s15 =	simm.s32 $0x200;
	s8 =	smul.u32 $0xA000, s8  }
0xc: {  	s10 =	sshrl.u32 s16, $0x1;
	s9 =	sshrl.u32 s9, $0x2;
	s5 =	sadd.s32 s6, s5  }
0xd: {  	s9 =	sadd.s32 s9, s1;
	s2 =	sadd.s32 s2, s6;
	s5 =	sshrl.u32 s5, $0x3  }
0xe: {  	s8 =	sshrl.u32 s8, $0x3;
	s19 =	sor.u32 $0xE00, s2;
	s22 =	sor.u32 $0xC00, s2  }
0xf: {  	s24 =	sor.u32 $0xA00, s2;
	s2 =	sor.u32 $0x800, s2;
	s0 =	sadd.s32 s5, s0  }
0x10: {  	s5 =	ssub.s32 s16, s10;
	s8 =	sadd.s32 s7, s8;
	s10 =	sor.u32 $0x1C0D, s17  }
0x11: {  	s6 =	sshrl.u32 s19, $0x3;
	s23 =	sshrl.u32 s22, $0x3;
	s2 =	sshrl.u32 s2, $0x3  }
0x12: {  	s16 =	simm.s32 $0x400;
	s17 =	simm.s32 $0x600;
	[dreg:$0x8] =	wrdreg s8  }
0x13: {  	s19 =	simm.s32 $0xA;
	s18 =	sadd.s32 $0x40, s8;
	[dreg:$0x9] =	wrdreg s10  }
0x14: {  	s22 =	simm.s32 $0x0;
	s20 =	sadd.s32 $0x80, s8;
	[dreg:$0xa] =	wrdreg s18  }
0x15: {  	s8 =	sadd.s32 $0xC0, s8;
	s0 =	sadd.s32 $0x54C00, s0;
	[dreg:$0xb] =	wrdreg s20  }
0x16: {  	s21 =	sadd.s32 s6, s7;
	s6 =	sshrl.u32 s24, $0x3;
	[dreg:$0xc] =	wrdreg s8  }
0x17: {  	s5 =	smax.u32 s5, $0x1;
	s26 =	sadd.s32 s2, s7;
	[dreg:$0xd] =	wrdreg s0  }
0x18: {  	s24 =	simm.s32 $0x4800;
	s2 =	simm.s32 $0x780;
	[dreg:$0x3] =	wrdreg s21  }
0x19: {  	s0 =	sadd.s32 s23, s7;
	s25 =	sadd.s32 s6, s7;
	[dreg:$0xe] =	wrdreg s5  }
0x1a: {  	[dreg:$0x6] =	wrdreg s26;
	s8 =	sshrl.u32 s9, $0x3;
	s18 =	simm.s32 $0x9  }
0x1b: {  	s20 =	simm.s32 $0x40;
	s21 =	simm.s32 $0x800;
	s23 =	simm.s32 $0x2800  }
0x1c: {  	s26 =	simm.s32 $0x6800;
	s5 =	simm.s32 $0x3;
	[dreg:$0x4] =	wrdreg s0  }
0x1d: {  	s9 =	simm.s32 $0x4;
	s7 =	simm.s32 $0x7;
	[dreg:$0x5] =	wrdreg s25  }
0x1e: {  	s0 =	simm.s32 $0x2;
	[dreg:$0xf] =	wrdreg s8;
	s25 =	simm.s32 $0x280  }
.LBB2_1:
0x1f: {  	[dreg:$0x10] =	wrdreg s22  }
0x20: {  	s6 =	rddreg [dreg:$0x7]  }
0x21: {  	[spmem:s8], [sflag:s10] =	dma.local [hbm:s6], $0x2800  }
0x22: {  	_ =	swait.ge [sflag:s14], $0x2800  }
0x23: {  	[sflag:s14] =	ssyncset.done $0x0  }
0x24: {  	[sflag:s14] =	ssyncadd.s32 $0xFFFFD800  }
0x25: {  	[bflag:$0x0] =	sbarrier.arrive $0xFFFF  }
0x26: {  	s8 =	rddreg [dreg:$0x8]  }
0x27: {  	[tilespmem:s3], [sflag:$0x9] =	stream.linear.gather [hbm4b:s8+s3], $0x200, $0x38;
	[tilespmem:$0x1C800] =	vst v63  }
0x28: {  	s10 =	rddreg [dreg:$0xa]  }
0x29: {  	[tilespmem:s15], [sflag:$0xA] =	stream.linear.gather [hbm4b:s10+s3], $0x200, $0x38;
	[tilespmem:$0x1C800] =	vst v63  }
0x2a: {  	s14 =	rddreg [dreg:$0xb]  }
0x2b: {  	[tilespmem:s16], [sflag:$0xB] =	stream.linear.gather [hbm4b:s14+s3], $0x200, $0x38;
	[tilespmem:$0x1C800] =	vst v63  }
0x2c: {  	s22 =	rddreg [dreg:$0xc]  }
0x2d: {  	[tilespmem:s17], [sflag:$0xC] =	stream.linear.gather [hbm4b:s22+s3], $0x200, $0x38;
	[tilespmem:$0x1C800] =	vst v63  }
0x2e: {  	_ =	swait.ge [sflag:s18], $0x200  }
0x2f: {  	[sflag:s18] =	ssyncset.done $0x0  }
0x30: {  	[sflag:s18] =	ssyncadd.s32 $0xFFFFFE00  }
0x31: {  	_ =	swait.ge [sflag:s19], $0x200  }
0x32: {  	[sflag:s19] =	ssyncset.done $0x0  }
0x33: {  	[sflag:s19] =	ssyncadd.s32 $0xFFFFFE00  }
0x34: {  	[tilespmem:s21], [sflag:$0x1] =	stream.indirect.gather [hbm4b:s4+s20], $0x80, s3, s20, $0xb8;
	[tilespmem:$0x1C800] =	vst v63  }
0x35: {  	s22 =	simm.s32 $0x80  }
0x36: {  	[tilespmem:s23], [sflag:$0x2] =	stream.indirect.gather [hbm4b:s4+s20], $0x80, s22, s20, $0xb8;
	[tilespmem:$0x1C800] =	vst v63  }
0x37: {  	_ = 	snop  }
0x38: {  	[tilespmem:s24], [sflag:$0x3] =	stream.indirect.gather [hbm4b:s4+s20], $0x80, s15, s20, $0xb8;
	[tilespmem:$0x1C800] =	vst v63  }
0x39: {  	_ = 	snop  }
0x3a: {  	[tilespmem:s26], [sflag:$0x4] =	stream.indirect.gather [hbm4b:s4+s20], $0x80, s25, s20, $0xb8;
	[tilespmem:$0x1C800] =	vst v63  }
0x3b: {  	_ =	swait.ge [sflag:s28], $0x200  }
0x3c: {  	[sflag:s28] =	ssyncset.done $0x0  }
0x3d: {  	[sflag:s28] =	ssyncadd.s32 $0xFFFFFE00  }
0x3e: {  	_ =	swait.ge [sflag:s29], $0x200  }
0x3f: {  	[sflag:s29] =	ssyncset.done $0x0  }
0x40: {  	[sflag:s29] =	ssyncadd.s32 $0xFFFFFE00  }
0x41: {  	_ =	swait.ge [sflag:s30], $0x2000  }
0x42: {  	[sflag:s30] =	ssyncset.done $0x0  }
0x43: {  	s8 =	simm.s32 $0x100;
	[sflag:s30] =	ssyncadd.s32 $0xFFFFE000  }
0x44: {  	[spmem:s1] =	stream.indirect.scatter.add.f32 [tilespmem:s21], [sflag:$0x5], $0x80, s8, s20, $0xb8;
	[tilespmem:$0x1C800] =	vst v63  }
0x45: {  	_ =	swait.ge [sflag:s0], $0x2000  }
0x46: {  	[sflag:s0] =	ssyncset.done $0x0  }
0x47: {  	s10 =	simm.s32 $0x180;
	[sflag:s0] =	ssyncadd.s32 $0xFFFFE000  }
0x48: {  	[spmem:s1] =	stream.indirect.scatter.add.f32 [tilespmem:s23], [sflag:$0x6], $0x80, s10, s20, $0xb8;
	[tilespmem:$0x1C800] =	vst v63  }
0x49: {  	_ =	swait.ge [sflag:s5], $0x2000  }
0x4a: {  	[sflag:s5] =	ssyncset.done $0x0  }
0x4b: {  	s14 =	simm.s32 $0x300;
	[sflag:s5] =	ssyncadd.s32 $0xFFFFE000  }
0x4c: {  	[spmem:s1] =	stream.indirect.scatter.add.f32 [tilespmem:s24], [sflag:$0x7], $0x80, s14, s20, $0xb8;
	[tilespmem:$0x1C800] =	vst v63  }
0x4d: {  	_ =	swait.ge [sflag:s9], $0x2000  }
0x4e: {  	[sflag:s9] =	ssyncset.done $0x0  }
0x4f: {  	s8 =	simm.s32 $0x380;
	[sflag:s9] =	ssyncadd.s32 $0xFFFFE000  }
0x50: {  	[spmem:s1] =	stream.indirect.scatter.add.f32 [tilespmem:s26], [sflag:$0x8], $0x80, s8, s20, $0xb8;
	[tilespmem:$0x1C800] =	vst v63  }
0x51: {  	_ =	swait.ge [sflag:s11], $0x2000  }
0x52: {  	[sflag:s11] =	ssyncset.done $0x0  }
0x53: {  	[sflag:s11] =	ssyncadd.s32 $0xFFFFE000  }
0x54: {  	[tilespmem:s21], [sflag:$0x1] =	stream.indirect.gather [hbm4b:s4+s20], $0x80, s16, s20, $0xb8;
	[tilespmem:$0x1C800] =	vst v63  }
0x55: {  	_ =	swait.ge [sflag:s12], $0x2000  }
0x56: {  	[sflag:s12] =	ssyncset.done $0x0  }
0x57: {  	s10 =	simm.s32 $0x480;
	[sflag:s12] =	ssyncadd.s32 $0xFFFFE000  }
0x58: {  	[tilespmem:s23], [sflag:$0x2] =	stream.indirect.gather [hbm4b:s4+s20], $0x80, s10, s20, $0xb8;
	[tilespmem:$0x1C800] =	vst v63  }
0x59: {  	_ =	swait.ge [sflag:s7], $0x2000  }
0x5a: {  	[sflag:s7] =	ssyncset.done $0x0  }
0x5b: {  	[sflag:s7] =	ssyncadd.s32 $0xFFFFE000  }
0x5c: {  	[tilespmem:s24], [sflag:$0x3] =	stream.indirect.gather [hbm4b:s4+s20], $0x80, s17, s20, $0xb8;
	[tilespmem:$0x1C800] =	vst v63  }
0x5d: {  	_ =	swait.ge [sflag:s13], $0x2000  }
0x5e: {  	[sflag:s13] =	ssyncset.done $0x0  }
0x5f: {  	s14 =	simm.s32 $0x680;
	s8 =	rddreg [dreg:$0x6];
	[sflag:s13] =	ssyncadd.s32 $0xFFFFE000  }
0x60: {  	[tilespmem:s26], [sflag:$0x4] =	stream.indirect.gather [hbm4b:s4+s20], $0x80, s14, s20, $0xb8;
	[tilespmem:$0x1C800] =	vst v63  }
0x61: {  	s10 =	rddreg [dreg:$0x5];
	s8 =	sadd.s32 $0x0, s8  }
0x62: {  	[tilespmem:s3], [sflag:$0x9] =	stream.linear.gather [hbm4b:s8+s3], $0x200, $0x38;
	[tilespmem:$0x1C800] =	vst v63  }
0x63: {  	s6 =	sadd.s32 $0x0, s10  }
0x64: {  	[tilespmem:s15], [sflag:$0xA] =	stream.linear.gather [hbm4b:s6+s3], $0x200, $0x38;
	[tilespmem:$0x1C800] =	vst v63  }
0x65: {  	_ =	swait.ge [sflag:s18], $0x200  }
0x66: {  	[sflag:s18] =	ssyncset.done $0x0  }
0x67: {  	[sflag:s18] =	ssyncadd.s32 $0xFFFFFE00  }
0x68: {  	_ =	swait.ge [sflag:s19], $0x200  }
0x69: {  	[sflag:s19] =	ssyncset.done $0x0  }
0x6a: {  	[sflag:s19] =	ssyncadd.s32 $0xFFFFFE00  }
0x6b: {  	_ =	swait.ge [sflag:s30], $0x2000  }
0x6c: {  	[sflag:s30] =	ssyncset.done $0x0  }
0x6d: {  	s10 =	simm.s32 $0x500;
	[sflag:s30] =	ssyncadd.s32 $0xFFFFE000  }
0x6e: {  	[spmem:s1] =	stream.indirect.scatter.add.f32 [tilespmem:s21], [sflag:$0x5], $0x80, s10, s20, $0xb8;
	[tilespmem:$0x1C800] =	vst v63  }
0x6f: {  	_ =	swait.ge [sflag:s0], $0x2000  }
0x70: {  	[sflag:s0] =	ssyncset.done $0x0  }
0x71: {  	s14 =	simm.s32 $0x580;
	[sflag:s0] =	ssyncadd.s32 $0xFFFFE000  }
0x72: {  	[spmem:s1] =	stream.indirect.scatter.add.f32 [tilespmem:s23], [sflag:$0x6], $0x80, s14, s20, $0xb8;
	[tilespmem:$0x1C800] =	vst v63  }
0x73: {  	_ =	swait.ge [sflag:s5], $0x2000  }
0x74: {  	[sflag:s5] =	ssyncset.done $0x0  }
0x75: {  	s8 =	simm.s32 $0x700;
	[sflag:s5] =	ssyncadd.s32 $0xFFFFE000  }
0x76: {  	[spmem:s1] =	stream.indirect.scatter.add.f32 [tilespmem:s24], [sflag:$0x7], $0x80, s8, s20, $0xb8;
	[tilespmem:$0x1C800] =	vst v63  }
0x77: {  	_ =	swait.ge [sflag:s9], $0x2000  }
0x78: {  	[sflag:s9] =	ssyncset.done $0x0  }
0x79: {  	[sflag:s9] =	ssyncadd.s32 $0xFFFFE000  }
0x7a: {  	[spmem:s1] =	stream.indirect.scatter.add.f32 [tilespmem:s26], [sflag:$0x8], $0x80, s2, s20, $0xb8;
	[tilespmem:$0x1C800] =	vst v63  }
0x7b: {  	_ =	swait.ge [sflag:s11], $0x2000  }
0x7c: {  	[sflag:s11] =	ssyncset.done $0x0  }
0x7d: {  	[sflag:s11] =	ssyncadd.s32 $0xFFFFE000  }
0x7e: {  	[tilespmem:s21], [sflag:$0x1] =	stream.indirect.gather [hbm4b:s4+s20], $0x80, s3, s20, $0xb8;
	[tilespmem:$0x1C800] =	vst v63  }
0x7f: {  	_ =	swait.ge [sflag:s12], $0x2000  }
0x80: {  	[sflag:s12] =	ssyncset.done $0x0  }
0x81: {  	[sflag:s12] =	ssyncadd.s32 $0xFFFFE000  }
0x82: {  	[tilespmem:s23], [sflag:$0x2] =	stream.indirect.gather [hbm4b:s4+s20], $0x80, s22, s20, $0xb8;
	[tilespmem:$0x1C800] =	vst v63  }
0x83: {  	_ =	swait.ge [sflag:s7], $0x2000  }
0x84: {  	[sflag:s7] =	ssyncset.done $0x0  }
0x85: {  	[sflag:s7] =	ssyncadd.s32 $0xFFFFE000  }
0x86: {  	[tilespmem:s24], [sflag:$0x3] =	stream.indirect.gather [hbm4b:s4+s20], $0x80, s15, s20, $0xb8;
	[tilespmem:$0x1C800] =	vst v63  }
0x87: {  	_ =	swait.ge [sflag:s13], $0x2000  }
0x88: {  	[sflag:s13] =	ssyncset.done $0x0  }
0x89: {  	s10 =	rddreg [dreg:$0x4];
	[sflag:s13] =	ssyncadd.s32 $0xFFFFE000  }
0x8a: {  	[tilespmem:s26], [sflag:$0x4] =	stream.indirect.gather [hbm4b:s4+s20], $0x80, s25, s20, $0xb8;
	[tilespmem:$0x1C800] =	vst v63  }
0x8b: {  	s14 =	rddreg [dreg:$0x3];
	s8 =	sadd.s32 $0x0, s10  }
0x8c: {  	[tilespmem:s16], [sflag:$0xB] =	stream.linear.gather [hbm4b:s8+s3], $0x200, $0x38;
	[tilespmem:$0x1C800] =	vst v63  }
0x8d: {  	s10 =	sadd.s32 $0x0, s14;
	s8 =	simm.s32 $0x100  }
.LBB2_2:
0x8e: {  	[tilespmem:s17], [sflag:$0xC] =	stream.linear.gather [hbm4b:s10+s3], $0x200, $0x38;
	[tilespmem:$0x1C800] =	vst v63  }
0x8f: {  	_ =	swait.ge [sflag:s28], $0x200  }
0x90: {  	[sflag:s28] =	ssyncset.done $0x0  }
0x91: {  	[sflag:s28] =	ssyncadd.s32 $0xFFFFFE00  }
0x92: {  	_ =	swait.ge [sflag:s29], $0x200  }
0x93: {  	[sflag:s29] =	ssyncset.done $0x0  }
0x94: {  	[sflag:s29] =	ssyncadd.s32 $0xFFFFFE00  }
0x95: {  	_ =	swait.ge [sflag:s30], $0x2000  }
0x96: {  	[sflag:s30] =	ssyncset.done $0x0  }
0x97: {  	s6 =	simm.s32 $0x100;
	[sflag:s30] =	ssyncadd.s32 $0xFFFFE000  }
0x98: {  	[spmem:s1] =	stream.indirect.scatter.add.f32 [tilespmem:s21], [sflag:$0x5], $0x80, s6, s20, $0xb8;
	[tilespmem:$0x1C800] =	vst v63  }
0x99: {  	_ =	swait.ge [sflag:s0], $0x2000  }
0x9a: {  	[sflag:s0] =	ssyncset.done $0x0  }
0x9b: {  	s14 =	simm.s32 $0x180;
	[sflag:s0] =	ssyncadd.s32 $0xFFFFE000  }
0x9c: {  	[spmem:s1] =	stream.indirect.scatter.add.f32 [tilespmem:s23], [sflag:$0x6], $0x80, s14, s20, $0xb8;
	[tilespmem:$0x1C800] =	vst v63  }
0x9d: {  	_ =	swait.ge [sflag:s5], $0x2000  }
0x9e: {  	[sflag:s5] =	ssyncset.done $0x0  }
0x9f: {  	s14 =	simm.s32 $0x300;
	[sflag:s5] =	ssyncadd.s32 $0xFFFFE000  }
0xa0: {  	[spmem:s1] =	stream.indirect.scatter.add.f32 [tilespmem:s24], [sflag:$0x7], $0x80, s14, s20, $0xb8;
	[tilespmem:$0x1C800] =	vst v63  }
0xa1: {  	_ =	swait.ge [sflag:s9], $0x2000  }
0xa2: {  	[sflag:s9] =	ssyncset.done $0x0  }
0xa3: {  	s14 =	simm.s32 $0x380;
	[sflag:s9] =	ssyncadd.s32 $0xFFFFE000  }
0xa4: {  	[spmem:s1] =	stream.indirect.scatter.add.f32 [tilespmem:s26], [sflag:$0x8], $0x80, s14, s20, $0xb8;
	[tilespmem:$0x1C800] =	vst v63  }
0xa5: {  	_ =	swait.ge [sflag:s11], $0x2000  }
0xa6: {  	[sflag:s11] =	ssyncset.done $0x0  }
0xa7: {  	[sflag:s11] =	ssyncadd.s32 $0xFFFFE000  }
0xa8: {  	[tilespmem:s21], [sflag:$0x1] =	stream.indirect.gather [hbm4b:s4+s20], $0x80, s16, s20, $0xb8;
	[tilespmem:$0x1C800] =	vst v63  }
0xa9: {  	_ =	swait.ge [sflag:s12], $0x2000  }
0xaa: {  	[sflag:s12] =	ssyncset.done $0x0  }
0xab: {  	s14 =	simm.s32 $0x480;
	[sflag:s12] =	ssyncadd.s32 $0xFFFFE000  }
0xac: {  	[tilespmem:s23], [sflag:$0x2] =	stream.indirect.gather [hbm4b:s4+s20], $0x80, s14, s20, $0xb8;
	[tilespmem:$0x1C800] =	vst v63  }
0xad: {  	_ =	swait.ge [sflag:s7], $0x2000  }
0xae: {  	[sflag:s7] =	ssyncset.done $0x0  }
0xaf: {  	[sflag:s7] =	ssyncadd.s32 $0xFFFFE000  }
0xb0: {  	[tilespmem:s24], [sflag:$0x3] =	stream.indirect.gather [hbm4b:s4+s20], $0x80, s17, s20, $0xb8;
	[tilespmem:$0x1C800] =	vst v63  }
0xb1: {  	_ =	swait.ge [sflag:s13], $0x2000  }
0xb2: {  	[sflag:s13] =	ssyncset.done $0x0  }
0xb3: {  	s10 =	smov.u32 s8;
	s6 =	rddreg [dreg:$0x6];
	[sflag:s13] =	ssyncadd.s32 $0xFFFFE000  }
0xb4: {  	[tilespmem:s26], [sflag:$0x4] =	stream.indirect.gather [hbm4b:s4+s20], $0x80, s31, s20, $0xb8;
	[tilespmem:$0x1C800] =	vst v63  }
0xb5: {  	s14 =	rddreg [dreg:$0x5];
	s6 =	sadd.s32 s10, s6  }
0xb6: {  	[tilespmem:s3], [sflag:$0x9] =	stream.linear.gather [hbm4b:s6+s3], $0x200, $0x38;
	[tilespmem:$0x1C800] =	vst v63  }
0xb7: {  	s14 =	sadd.s32 s10, s14  }
0xb8: {  	[tilespmem:s15], [sflag:$0xA] =	stream.linear.gather [hbm4b:s14+s3], $0x200, $0x38;
	[tilespmem:$0x1C800] =	vst v63  }
0xb9: {  	_ =	swait.ge [sflag:s18], $0x200  }
0xba: {  	[sflag:s18] =	ssyncset.done $0x0  }
0xbb: {  	[sflag:s18] =	ssyncadd.s32 $0xFFFFFE00  }
0xbc: {  	_ =	swait.ge [sflag:s19], $0x200  }
0xbd: {  	[sflag:s19] =	ssyncset.done $0x0  }
0xbe: {  	[sflag:s19] =	ssyncadd.s32 $0xFFFFFE00  }
0xbf: {  	_ =	swait.ge [sflag:s30], $0x2000  }
0xc0: {  	[sflag:s30] =	ssyncset.done $0x0  }
0xc1: {  	s14 =	simm.s32 $0x500;
	[sflag:s30] =	ssyncadd.s32 $0xFFFFE000  }
0xc2: {  	[spmem:s1] =	stream.indirect.scatter.add.f32 [tilespmem:s21], [sflag:$0x5], $0x80, s14, s20, $0xb8;
	[tilespmem:$0x1C800] =	vst v63  }
0xc3: {  	_ =	swait.ge [sflag:s0], $0x2000  }
0xc4: {  	[sflag:s0] =	ssyncset.done $0x0  }
0xc5: {  	s14 =	simm.s32 $0x580;
	[sflag:s0] =	ssyncadd.s32 $0xFFFFE000  }
0xc6: {  	[spmem:s1] =	stream.indirect.scatter.add.f32 [tilespmem:s23], [sflag:$0x6], $0x80, s14, s20, $0xb8;
	[tilespmem:$0x1C800] =	vst v63  }
0xc7: {  	_ =	swait.ge [sflag:s5], $0x2000  }
0xc8: {  	[sflag:s5] =	ssyncset.done $0x0  }
0xc9: {  	s14 =	simm.s32 $0x700;
	[sflag:s5] =	ssyncadd.s32 $0xFFFFE000  }
0xca: {  	[spmem:s1] =	stream.indirect.scatter.add.f32 [tilespmem:s24], [sflag:$0x7], $0x80, s14, s20, $0xb8;
	[tilespmem:$0x1C800] =	vst v63  }
0xcb: {  	_ =	swait.ge [sflag:s9], $0x2000  }
0xcc: {  	[sflag:s9] =	ssyncset.done $0x0  }
0xcd: {  	[sflag:s9] =	ssyncadd.s32 $0xFFFFE000  }
0xce: {  	[spmem:s1] =	stream.indirect.scatter.add.f32 [tilespmem:s26], [sflag:$0x8], $0x80, s2, s20, $0xb8;
	[tilespmem:$0x1C800] =	vst v63  }
0xcf: {  	_ =	swait.ge [sflag:s11], $0x2000  }
0xd0: {  	[sflag:s11] =	ssyncset.done $0x0  }
0xd1: {  	[sflag:s11] =	ssyncadd.s32 $0xFFFFE000  }
0xd2: {  	[tilespmem:s21], [sflag:$0x1] =	stream.indirect.gather [hbm4b:s4+s20], $0x80, s3, s20, $0xb8;
	[tilespmem:$0x1C800] =	vst v63  }
0xd3: {  	_ =	swait.ge [sflag:s12], $0x2000  }
0xd4: {  	[sflag:s12] =	ssyncset.done $0x0  }
0xd5: {  	[sflag:s12] =	ssyncadd.s32 $0xFFFFE000  }
0xd6: {  	[tilespmem:s23], [sflag:$0x2] =	stream.indirect.gather [hbm4b:s4+s20], $0x80, s22, s20, $0xb8;
	[tilespmem:$0x1C800] =	vst v63  }
0xd7: {  	_ =	swait.ge [sflag:s7], $0x2000  }
0xd8: {  	[sflag:s7] =	ssyncset.done $0x0  }
0xd9: {  	[sflag:s7] =	ssyncadd.s32 $0xFFFFE000  }
0xda: {  	[tilespmem:s24], [sflag:$0x3] =	stream.indirect.gather [hbm4b:s4+s20], $0x80, s15, s20, $0xb8;
	[tilespmem:$0x1C800] =	vst v63  }
0xdb: {  	p0 =	sne.s32 s8, $0x1200;
	_ =	swait.ge [sflag:s13], $0x2000  }
.Ltmp0:
0xdc: {  	[sflag:s13] =	ssyncset.done $0x0;
	s6 =	rddreg [dreg:$0x4];
	(pc) =	sbr.rel @p0 .LBB2_2-.Ltmp0, $4  }
0xdd: {  	s14 =	rddreg [dreg:$0x3];
	[sflag:s13] =	ssyncadd.s32 $0xFFFFE000  }
0xde: {  	[tilespmem:s26], [sflag:$0x4] =	stream.indirect.gather [hbm4b:s4+s20], $0x80, s25, s20, $0xb8;
	[tilespmem:$0x1C800] =	vst v63  }
0xdf: {  	s8 =	sadd.s32 $0x100, s8;
	s6 =	sadd.s32 s10, s6;
	s10 =	sadd.s32 s10, s14  }
0xe0: {  	[tilespmem:s16], [sflag:$0xB] =	stream.linear.gather [hbm4b:s6+s3], $0x200, $0x38;
	[tilespmem:$0x1C800] =	vst v63  }
0xe1: {  	[tilespmem:s17], [sflag:$0xC] =	stream.linear.gather [hbm4b:s10+s3], $0x200, $0x38;
	[tilespmem:$0x1C800] =	vst v63  }
0xe2: {  	_ =	swait.ge [sflag:s28], $0x200  }
0xe3: {  	[sflag:s28] =	ssyncset.done $0x0  }
0xe4: {  	[sflag:s28] =	ssyncadd.s32 $0xFFFFFE00  }
0xe5: {  	_ =	swait.ge [sflag:s29], $0x200  }
0xe6: {  	[sflag:s29] =	ssyncset.done $0x0  }
0xe7: {  	[sflag:s29] =	ssyncadd.s32 $0xFFFFFE00  }
0xe8: {  	_ =	swait.ge [sflag:s30], $0x2000  }
0xe9: {  	[sflag:s30] =	ssyncset.done $0x0  }
0xea: {  	s6 =	simm.s32 $0x100;
	[sflag:s30] =	ssyncadd.s32 $0xFFFFE000  }
0xeb: {  	[spmem:s1] =	stream.indirect.scatter.add.f32 [tilespmem:s21], [sflag:$0x5], $0x80, s6, s20, $0xb8;
	[tilespmem:$0x1C800] =	vst v63  }
0xec: {  	_ =	swait.ge [sflag:s0], $0x2000  }
0xed: {  	[sflag:s0] =	ssyncset.done $0x0  }
0xee: {  	s22 =	simm.s32 $0x180;
	[sflag:s0] =	ssyncadd.s32 $0xFFFFE000  }
0xef: {  	[spmem:s1] =	stream.indirect.scatter.add.f32 [tilespmem:s23], [sflag:$0x6], $0x80, s22, s20, $0xb8;
	[tilespmem:$0x1C800] =	vst v63  }
0xf0: {  	_ =	swait.ge [sflag:s5], $0x2000  }
0xf1: {  	[sflag:s5] =	ssyncset.done $0x0  }
0xf2: {  	s8 =	simm.s32 $0x300;
	[sflag:s5] =	ssyncadd.s32 $0xFFFFE000  }
0xf3: {  	[spmem:s1] =	stream.indirect.scatter.add.f32 [tilespmem:s24], [sflag:$0x7], $0x80, s8, s20, $0xb8;
	[tilespmem:$0x1C800] =	vst v63  }
0xf4: {  	_ =	swait.ge [sflag:s9], $0x2000  }
0xf5: {  	[sflag:s9] =	ssyncset.done $0x0  }
0xf6: {  	s10 =	simm.s32 $0x380;
	[sflag:s9] =	ssyncadd.s32 $0xFFFFE000  }
0xf7: {  	[spmem:s1] =	stream.indirect.scatter.add.f32 [tilespmem:s26], [sflag:$0x8], $0x80, s10, s20, $0xb8;
	[tilespmem:$0x1C800] =	vst v63  }
0xf8: {  	_ =	swait.ge [sflag:s11], $0x2000  }
0xf9: {  	[sflag:s11] =	ssyncset.done $0x0  }
0xfa: {  	[sflag:s11] =	ssyncadd.s32 $0xFFFFE000  }
0xfb: {  	[tilespmem:s21], [sflag:$0x1] =	stream.indirect.gather [hbm4b:s4+s20], $0x80, s16, s20, $0xb8;
	[tilespmem:$0x1C800] =	vst v63  }
0xfc: {  	_ =	swait.ge [sflag:s12], $0x2000  }
0xfd: {  	[sflag:s12] =	ssyncset.done $0x0  }
0xfe: {  	s14 =	simm.s32 $0x480;
	[sflag:s12] =	ssyncadd.s32 $0xFFFFE000  }
0xff: {  	[tilespmem:s23], [sflag:$0x2] =	stream.indirect.gather [hbm4b:s4+s20], $0x80, s14, s20, $0xb8;
	[tilespmem:$0x1C800] =	vst v63  }
0x100: {  	_ =	swait.ge [sflag:s7], $0x2000  }
0x101: {  	[sflag:s7] =	ssyncset.done $0x0  }
0x102: {  	[sflag:s7] =	ssyncadd.s32 $0xFFFFE000  }
0x103: {  	[tilespmem:s24], [sflag:$0x3] =	stream.indirect.gather [hbm4b:s4+s20], $0x80, s17, s20, $0xb8;
	[tilespmem:$0x1C800] =	vst v63  }
0x104: {  	_ =	swait.ge [sflag:s13], $0x2000  }
0x105: {  	[sflag:s13] =	ssyncset.done $0x0  }
0x106: {  	s22 =	simm.s32 $0x680;
	[sflag:s13] =	ssyncadd.s32 $0xFFFFE000  }
0x107: {  	[tilespmem:s26], [sflag:$0x4] =	stream.indirect.gather [hbm4b:s4+s20], $0x80, s22, s20, $0xb8;
	[tilespmem:$0x1C800] =	vst v63  }
0x108: {  	_ =	swait.ge [sflag:s30], $0x2000  }
0x109: {  	[sflag:s30] =	ssyncset.done $0x0  }
0x10a: {  	s8 =	simm.s32 $0x500;
	[sflag:s30] =	ssyncadd.s32 $0xFFFFE000  }
0x10b: {  	[spmem:s1] =	stream.indirect.scatter.add.f32 [tilespmem:s21], [sflag:$0x5], $0x80, s8, s20, $0xb8;
	[tilespmem:$0x1C800] =	vst v63  }
0x10c: {  	_ =	swait.ge [sflag:s0], $0x2000  }
0x10d: {  	[sflag:s0] =	ssyncset.done $0x0  }
0x10e: {  	s10 =	simm.s32 $0x580;
	[sflag:s0] =	ssyncadd.s32 $0xFFFFE000  }
0x10f: {  	[spmem:s1] =	stream.indirect.scatter.add.f32 [tilespmem:s23], [sflag:$0x6], $0x80, s10, s20, $0xb8;
	[tilespmem:$0x1C800] =	vst v63  }
0x110: {  	_ =	swait.ge [sflag:s5], $0x2000  }
0x111: {  	[sflag:s5] =	ssyncset.done $0x0  }
0x112: {  	s14 =	simm.s32 $0x700;
	[sflag:s5] =	ssyncadd.s32 $0xFFFFE000  }
0x113: {  	[spmem:s1] =	stream.indirect.scatter.add.f32 [tilespmem:s24], [sflag:$0x7], $0x80, s14, s20, $0xb8;
	[tilespmem:$0x1C800] =	vst v63  }
0x114: {  	_ =	swait.ge [sflag:s9], $0x2000  }
0x115: {  	[sflag:s9] =	ssyncset.done $0x0  }
0x116: {  	[sflag:s9] =	ssyncadd.s32 $0xFFFFE000  }
0x117: {  	[spmem:s1] =	stream.indirect.scatter.add.f32 [tilespmem:s26], [sflag:$0x8], $0x80, s2, s20, $0xb8;
	[tilespmem:$0x1C800] =	vst v63  }
0x118: {  	_ =	swait.ge [sflag:s11], $0x2000  }
0x119: {  	[sflag:s11] =	ssyncset.done $0x0  }
0x11a: {  	[sflag:s11] =	ssyncadd.s32 $0xFFFFE000  }
0x11b: {  	_ =	swait.ge [sflag:s12], $0x2000  }
0x11c: {  	[sflag:s12] =	ssyncset.done $0x0  }
0x11d: {  	[sflag:s12] =	ssyncadd.s32 $0xFFFFE000  }
0x11e: {  	_ =	swait.ge [sflag:s7], $0x2000  }
0x11f: {  	[sflag:s7] =	ssyncset.done $0x0  }
0x120: {  	[sflag:s7] =	ssyncadd.s32 $0xFFFFE000  }
0x121: {  	_ =	swait.ge [sflag:s13], $0x2000  }
0x122: {  	[sflag:s13] =	ssyncset.done $0x0  }
0x123: {  	[sflag:s13] =	ssyncadd.s32 $0xFFFFE000  }
0x124: {  	[bflag:$0x0] =	sbarrier.arrive $0xFFFF  }
0x125: {  	s10 =	rddreg [dreg:$0x9]  }
0x126: {  	s22 =	rddreg [dreg:$0xd]  }
0x127: {  	s14 =	simm.s32 $0xD;
	s8 =	rddreg [dreg:$0xf]  }
0x128: {  	[hbm:s22], [sflag:s10] =	dma.local [spmem:s8], $0x2800  }
0x129: {  	_ =	swait.ge [sflag:s14], $0x2800  }
0x12a: {  	s22 =	rddreg [dreg:$0x10]  }
0x12b: {  	s6 =	rddreg [dreg:$0xe];
	s22 =	sadd.s32 $0x1, s22  }
0x12c: {  	p0 =	sne.s32 s22, s6  }
.Ltmp1:
0x12d: {  	_ = 	snop;
	(pc) =	sbr.rel @p0 .LBB2_1-.Ltmp1, $3  }
0x12e: {  	_ =	sdelay $0x1  }
0x12f: {  	[sflag:s14] =	ssyncset.done $0x0  }
0x130: {  	[sflag:s14] =	ssyncadd.s32 $0xFFFFD800  }
0x131: {  	_ =	sfence.sel $0x180000  }
0x132: {  	[bflag:$0x0] =	sbarrier.arrive $0xFFFF  }
0x133: {  	_ =	strace $0x9000004D  }
0x134: {  	s0 =	stileid.u32;
	[bflag:$0x2] =	sbarrier.arrive $0xFFFF  }
0x135: {  	p0 =	sne.s32 s0, $0x0;
	s0 =	rddreg [dreg:$0x2]  }
0x136: {  	s0 =	sadd.s32 @!p0 $0x100000, s0  }
0x137: {  	[sflag:s0] =	ssyncadd.tile.s32 @!p0 $0x1;
	_ =	shalt  }
.Lfunc_end2:
_tile_overlayer_lowered:
.L_overlay_start_2:
0x138: {  	(tag) =	ssettag $0x2  }
0x139: {  	s0 =	rddreg [dreg:$0x0];
	s2 =	stileid.u32  }
0x13a: {  	s1 =	rddreg [dreg:$0x1];
	p0 =	sne.s32 s2, $0x0  }
0x13b: {  	s3 =	rddreg [dreg:$0x2];
	[bflag:$0x3] =	sbarrier.arrive $0xFFFF;
	s2 =	simm.s32 @!p0 $0x1C0D  }
0x13c: {  	[timem:s3], [sflag:s2] =	dma.local @!p0 [hbm:s0], s1  }
0x13d: {  	s0 =	simm.s32 @!p0 $0xD  }
0x13e: {  	_ =	swait.ge @!p0 [sflag:s0], s1  }
0x13f: {  	s1 =	ssub.s32 @!p0 $0x0, s1;
	[sflag:s0] =	ssyncset.done @!p0 $0x0  }
0x140: {  	[sflag:s0] =	ssyncadd.s32 @!p0 s1  }
0x141: {  	[bflag:$0x3] =	sbarrier.arrive $0xFFFF  }
0x142: {  	_ =	shalt  }

// kernel: kernel.7.cloned.1.call-start
scs
__scs_entry_jumppad:
0x0: {  	(pc) =	sbr.rel $0x88, $3  }
0x1: {  	(tag) =	ssettag $0x0;
	lr =	simm.s32 $0x1  }
0x2: {  	[smem:$0x3F99] =	sst lr;
	_ =	strace $0xD0000000  }
0x3: {  	_ = 	snop  }
0x4: {  	_ = 	snop  }
0x5: {  	_ = 	snop  }
0x6: {  	_ = 	snop  }
0x7: {  	_ = 	snop  }
__scs_overlays_trampoline_lowered:
0x8: {  	[smem:$0x3FA8] =	sst s0  }
0x9: {  	[smem:$0x3FA9] =	sst s1  }
0xa: {  	[smem:$0x3FAA] =	sst s2  }
0xb: {  	[smem:$0x3FAB] =	sst s3  }
0xc: {  	[smem:$0x3FAC] =	sst s4  }
0xd: {  	[smem:$0x3FAD] =	sst s5  }
0xe: {  	[smem:$0x3FAE] =	sst s6  }
0xf: {  	[smem:$0x3FAF] =	sst s7  }
0x10: {  	[smem:$0x3FB0] =	sst s8  }
0x11: {  	[smem:$0x3FB1] =	sst s9;
	s0 =	simm.s32 @!p0 $0x0  }
0x12: {  	s1 =	sld [smem:$0x3F97];
	s0 =	simm.s32 @p0 $0x1  }
0x13: {  	[smem:$0x3FB2] =	sst s0;
	s0 =	simm.s32 @!p1 $0x0  }
0x14: {  	s2 =	sld [smem:$0x3F96];
	s0 =	simm.s32 @p1 $0x1  }
0x15: {  	[smem:$0x3FB3] =	sst s0;
	s0 =	simm.s32 @!p2 $0x0  }
0x16: {  	s3 =	sld [smem:$0x3FDB];
	s0 =	simm.s32 @p2 $0x1  }
0x17: {  	s4 =	simm.s32 $0x1BF5;
	[smem:$0x3FB5] =	sst s0  }
0x18: {  	s0 =	sld [smem:$0x3F98];
	_ =	swait.ge [sflag:s4], $0x0  }
0x19: {  	s7 =	sld [smem:$0x3F99]  }
0x1a: {  	s8 =	sadd.s32 $0xFFFFE003, lr  }
0x1b: {  	s9 =	sadd.s32 $0xFFFFFEF7, lr;
	s5 =	simm.s32 $0xFFFFFFFF;
	p2 =	slt.u32 s8, $0xFFFFF086  }
0x1c: {  	p1 =	slt.u32 s9, $0xF7A;
	s5 =	simm.s32 @!p2 $0x0  }
0x1d: {  	s5 =	simm.s32 @p1 $0x1;
	p0 =	seq.s32 s7, s2  }
0x1e: {  	s7 =	smul.u32 @!p0 $0xF7A, s2;
	p2 =	seq.s32 @!p0 s5, $0x0  }
0x1f: {  	s9 =	smul.u32 $0xF7A, s1;
	s8 =	simm.s32 @!p0 $0x1BF5;
	p2 =	por !p2, p0  }
0x20: {  	[sflag:s8] =	ssyncset.s32 @!p0 $0xFFFFF086;
	s6 =	sadd.s32 @!p0 s3, s7;
	s7 =	simm.s32 @!p0 $0x108  }
0x21: {  	s3 =	sadd.s32 s3, s9;
	s6 =	sadd.s32 @!p0 $0x88, s6;
	s7 =	simm.s32 @p2 $0x1082  }
0x22: {  	[simem:s7], [sflag:s8] =	dma.local @!p0 [hbm:s6], $0xF7A  }
0x23: {  	s9 =	sor.u32 $0xD0000000, s2;
	s6 =	simm.s32 $0x108;
	_ =	swait.ge @!p0 [sflag:s8], $0x0  }
0x24: {  	s3 =	sadd.s32 $0x88, s3;
	s6 =	simm.s32 @!p1 $0x1082;
	[sflag:s4] =	ssyncset.s32 $0xFFFFF086  }
0x25: {  	[simem:s6], [sflag:s4] =	dma.local [hbm:s3], $0xF7A  }
0x26: {  	[smem:$0x3F99] =	sst s1;
	(tag) =	ssettag s2;
	_ =	strace s9  }
0x27: {  	s1 =	sld [smem:$0x3FA9]  }
0x28: {  	s2 =	sld [smem:$0x3FAA]  }
0x29: {  	s4 =	sld [smem:$0x3FAC]  }
0x2a: {  	p0 =	seq.s32 s5, $0x0;
	s5 =	sld [smem:$0x3FAD]  }
0x2b: {  	s6 =	sld [smem:$0x3FAE]  }
0x2c: {  	s7 =	sld [smem:$0x3FAF]  }
0x2d: {  	s3 =	simm.s32 $0x108;
	s8 =	sld [smem:$0x3FB0]  }
0x2e: {  	s3 =	simm.s32 @!p0 $0x1082;
	s9 =	sld [smem:$0x3FB1]  }
0x2f: {  	lr =	sadd.s32 s0, s3;
	s0 =	sld [smem:$0x3FA8]  }
0x30: {  	s3 =	sld [smem:$0x3FAB]  }
0x31: {  	[smem:$0x3FB4] =	sst s10  }
0x32: {  	s10 =	sld [smem:$0x3FB2];
	_ =	sdelay $0x3  }
0x33: {  	p0 =	seq.s32 s10, $0x1;
	s10 =	sld [smem:$0x3FB4];
	_ =	sdelay $0x3  }
0x34: {  	[smem:$0x3FB4] =	sst s10  }
0x35: {  	s10 =	sld [smem:$0x3FB3];
	_ =	sdelay $0x3  }
0x36: {  	p1 =	seq.s32 s10, $0x1;
	s10 =	sld [smem:$0x3FB4];
	_ =	sdelay $0x3  }
0x37: {  	[smem:$0x3FB4] =	sst s10  }
0x38: {  	s10 =	sld [smem:$0x3FB5]  }
0x39: {  	_ = 	snop;
	(pc) =	sbr.ind lr, $3  }
0x3a: {  	_ = 	snop  }
0x3b: {  	_ = 	snop  }
0x3c: {  	p2 =	seq.s32 s10, $0x1;
	s10 =	sld [smem:$0x3FB4]  }
0x3d: {  	_ =	shalt  }
0x3e: {  	_ =	shalt  }
0x3f: {  	_ =	shalt  }
0x40: {  	_ =	shalt  }
0x41: {  	_ =	shalt  }
0x42: {  	_ =	shalt  }
0x43: {  	_ =	shalt  }
0x44: {  	_ =	shalt  }
0x45: {  	_ =	shalt  }
0x46: {  	_ =	shalt  }
0x47: {  	_ =	shalt  }
0x48: {  	_ =	shalt  }
0x49: {  	_ =	shalt  }
0x4a: {  	_ =	shalt  }
0x4b: {  	_ =	shalt  }
0x4c: {  	_ =	shalt  }
0x4d: {  	_ =	shalt  }
0x4e: {  	_ =	shalt  }
0x4f: {  	_ =	shalt  }
0x50: {  	_ =	shalt  }
0x51: {  	_ =	shalt  }
0x52: {  	_ =	shalt  }
0x53: {  	_ =	shalt  }
0x54: {  	_ =	shalt  }
0x55: {  	_ =	shalt  }
0x56: {  	_ =	shalt  }
0x57: {  	_ =	shalt  }
0x58: {  	_ =	shalt  }
0x59: {  	_ =	shalt  }
0x5a: {  	_ =	shalt  }
0x5b: {  	_ =	shalt  }
0x5c: {  	_ =	shalt  }
0x5d: {  	_ =	shalt  }
0x5e: {  	_ =	shalt  }
0x5f: {  	_ =	shalt  }
0x60: {  	_ =	shalt  }
0x61: {  	_ =	shalt  }
0x62: {  	_ =	shalt  }
0x63: {  	_ =	shalt  }
0x64: {  	_ =	shalt  }
0x65: {  	_ =	shalt  }
0x66: {  	_ =	shalt  }
0x67: {  	_ =	shalt  }
0x68: {  	_ =	shalt  }
0x69: {  	_ =	shalt  }
0x6a: {  	_ =	shalt  }
0x6b: {  	_ =	shalt  }
0x6c: {  	_ =	shalt  }
0x6d: {  	_ =	shalt  }
0x6e: {  	_ =	shalt  }
0x6f: {  	_ =	shalt  }
0x70: {  	_ =	shalt  }
0x71: {  	_ =	shalt  }
0x72: {  	_ =	shalt  }
0x73: {  	_ =	shalt  }
0x74: {  	_ =	shalt  }
0x75: {  	_ =	shalt  }
0x76: {  	_ =	shalt  }
0x77: {  	_ =	shalt  }
0x78: {  	_ =	shalt  }
0x79: {  	_ =	shalt  }
0x7a: {  	_ =	shalt  }
0x7b: {  	_ =	shalt  }
0x7c: {  	_ =	shalt  }
0x7d: {  	_ =	shalt  }
0x7e: {  	_ =	shalt  }
0x7f: {  	_ =	shalt  }
0x80: {  	_ =	shalt  }
0x81: {  	_ =	shalt  }
0x82: {  	_ =	shalt  }
0x83: {  	_ =	shalt  }
0x84: {  	_ =	shalt  }
0x85: {  	_ =	shalt  }
0x86: {  	_ =	shalt  }
0x87: {  	_ =	shalt  }
.Lfunc_end0:
.L_simem_size_0:
called_computation_lowered:
.L_overlay_start_0:
0x88: {  	s2 =	sld [smem:$0x3FD9]  }
0x89: {  	s3 =	sld [smem:$0x3FFE];
	_ =	sdelay $0x1  }
0x8a: {  	s1 =	srdreg.scid  }
0x8b: {  	s0 =	sand.u32 $0x1, s1  }
0x8c: {  	s17 =	sshll.u32 s0, $0xA;
	s2 =	sadd.s32 s3, s2  }
0x8d: {  	s2 =	sadd.s32 s2, s17  }
0x8e: {  	[smem:$0x3FC0] =	sst s2  }
0x8f: {  	_ = 	snop  }
0x90: {  	s18 =	sld [smem:$0x3FD0];
	(tm) =	ssettm $0x1  }
0x91: {  	s19 =	sld [smem:$0x3FFB];
	_ =	sdelay $0x3  }
0x92: {  	_ =	strace s19  }
0x93: {  	s2 =	sld [smem:$0x3FFC];
	_ =	sdelay $0x3  }
0x94: {  	_ =	strace s2  }
0x95: {  	s2 =	sld [smem:$0x3FFD];
	_ =	sdelay $0x3  }
0x96: {  	_ =	strace s2  }
0x97: {  	_ =	strace $0x8FFFFFFF  }
0x98: {  	s20 =	sld [smem:$0x3FDB];
	_ =	sdelay $0x1  }
0x99: {  	s4 =	simm.s32 $_scs_section_size  }
0x9a: {  	s5 =	simm.s32 $_size__tile_overlayer_lowered;
	s6 =	simm.s32 $_tile_overlayer_lowered  }
0x9b: {  	s7 =	simm.s32 $0x1BFF;
	s21 =	sshll.u32 s6, $0x1;
	s4 =	sadd.s32 s4, s20  }
0x9c: {  	s22 =	simm.s32 $0x0;
	s5 =	sshll.u32 s5, $0x1;
	s6 =	sadd.s32 s21, s4  }
0x9d: {  	[timem:s22], [sflag:s7] =	dma.local [hbm:s6], s5  }
0x9e: {  	_ =	swait.ge [sflag:s7], s5  }
0x9f: {  	s5 =	ssub.s32 $0x0, s5;
	[sflag:s7] =	ssyncset.done $0x0  }
0xa0: {  	[sflag:s7] =	ssyncadd.s32 s5;
	_ =	sdelay $0x1  }
0xa1: {  	s23 =	simm.s32 $0x1B8B  }
0xa2: {  	_ =	swait.ge [sflag:s23], $0x1  }
0xa3: {  	[sflag:s23] =	ssyncset.done $0x0  }
0xa4: {  	[sflag:s23] =	ssyncadd.s32 $0xFFFFFFFF  }
0xa5: {  	s5 =	sld [smem:$0x0]  }
0xa6: {  	s6 =	sand.u32 $0xFFFFFFFE, s1  }
0xa7: {  	p0 =	sne.s32 s1, s6  }
0xa8: {  	s6 =	sshll.u32 @p0 s6, $0xE  }
0xa9: {  	s6 =	sadd.s32 @p0 $0x11B8D, s6;
	s7 =	sshll.u32 @p0 s5, $0x11  }
0xaa: {  	s6 =	sor.u32 @p0 s7, s6  }
0xab: {  	[sflag:s6] =	ssyncadd.remote.s32 @p0 $0x1;
	_ =	sdelay $0x1  }
0xac: {  	s6 =	simm.s32 @p0 $0x1B8D  }
0xad: {  	_ =	swait.eq @p0 [sflag:s6], $0x1  }
0xae: {  	[sflag:s6] =	ssyncadd.s32 @p0 $0xFFFFFFFF  }
0xaf: {  	s7 =	sshll.u32 @!p0 s1, $0xE  }
0xb0: {  	s7 =	sor.u32 @!p0 $0x4000, s7;
	s6 =	simm.s32 @!p0 $0x1B8D  }
0xb1: {  	s5 =	sshll.u32 @!p0 s5, $0x11;
	s7 =	sadd.s32 @!p0 $0x11B8D, s7;
	_ =	swait.eq @!p0 [sflag:s6], $0x1  }
0xb2: {  	s5 =	sor.u32 @!p0 s5, s7;
	[sflag:s6] =	ssyncadd.s32 @!p0 $0xFFFFFFFF  }
0xb3: {  	s25 =	simm.s32 $0x1B8E;
	s24 =	sld [smem:$0x3FFE];
	[sflag:s5] =	ssyncadd.remote.s32 @!p0 $0x1  }
0xb4: {  	s26 =	simm.s32 $execute0_lowered;
	[smem:$0x3FD2] =	sst s25  }
0xb5: {  	s6 =	sshll.u32 s26, $0x1;
	_ =	strace $0x80000049;
	[dreg:$0x1] =	wrdreg $0xFFFFFFFF  }
0xb6: {  	s28 =	simm.s32 $_size_execute0_lowered;
	s4 =	sadd.s32 s4, s6;
	[dreg:$0x0] =	wrdreg $0x0  }
0xb7: {  	s6 =	sshll.u32 s28, $0x1;
	[dreg:$0x2] =	wrdreg s4  }
0xb8: {  	[dreg:$0x3] =	wrdreg s6  }
0xb9: {  	[dreg:$0x4] =	wrdreg $0xC0  }
0xba: {  	_ =	task [dreg:s22], $0x5FFFF  }
0xbb: {  	[dreg:$0x1] =	wrdreg $0xFFFFFFFF  }
0xbc: {  	[dreg:$0x0] =	wrdreg $0x60  }
0xbd: {  	[dreg:$0x2] =	wrdreg s18  }
0xbe: {  	[dreg:$0x3] =	wrdreg s24  }
0xbf: {  	[dreg:$0x4] =	wrdreg $0x68000  }
0xc0: {  	[dreg:$0x5] =	wrdreg $0x9  }
0xc1: {  	_ =	task.clear_ibuf [dreg:s22], $0x6FFFF;
	_ =	strace $0x90000049  }
0xc2: {  	s29 =	simm.s32 $0x9;
	_ =	strace $0x8000004B  }
0xc3: {  	_ =	swait.ge [sflag:s29], $0x1  }
0xc4: {  	[sflag:s29] =	ssyncadd.s32 $0xFFFFFFFF  }
0xc5: {  	_ =	strace $0x9000004B  }
0xc6: {  	_ =	sfence  }
0xc7: {  	s30 =	sld [smem:$0x0];
	_ =	sdelay $0x2  }
0xc8: {  	s31 =	sshll.u32 s1, $0xD;
	s1 =	sshrl.u32 s1, $0x2  }
0xc9: {  	s4 =	sand.u32 $0x4000, s31;
	s1 =	sadd.s32 s1, s30  }
0xca: {  	s0 =	sor.u32 s4, s0;
	s1 =	sshll.u32 s1, $0x11  }
0xcb: {  	s0 =	sor.u32 s1, s0  }
0xcc: {  	s0 =	sadd.s32 $0x8F2B, s0  }
0xcd: {  	[sflag:s0] =	ssyncadd.remote.s32 $0x1  }
0xce: {  	_ =	sfence.sel $0xFFFF  }
0xcf: {  	[dreg:$0x0] =	wrdreg $0xFFFFFFFF;
	(pc) =	sbr.abs _section_cstart, $3  }
0xd0: {  	[dreg:$0x1] =	wrdreg $0xFFFFFFFF  }
0xd1: {  	_ =	task.clear_ibuf [dreg:s22], $0x2FFFF;
	_ =	strace $0x9FFFFFFF  }
0xd2: {  	(tm) =	ssettm $0x7FFFFFFF  }
0xd3: {  	_ =	shalt  }
tec
execute0_lowered:
.L_overlay_start_1:
0x0: {  	(tag) =	ssettag $0x1  }
0x1: {  	s7 =	rddreg [dreg:$0x0]  }
0x2: {  	s6 =	rddreg [dreg:$0x1]  }
0x3: {  	s0 =	srdreg.scid;
	s2 =	rddreg [dreg:$0x2]  }
0x4: {  	s1 =	stileid.u32;
	s3 =	simm.s32 $0x0;
	s13 =	simm.s32 $0x80  }
0x5: {  	s14 =	simm.s32 $0x1;
	s8 =	sand.u32 $0x1, s0;
	s0 =	rddreg [dreg:$0x3]  }
0x6: {  	s15 =	simm.s32 $0x0;
	s5 =	smul.u32 $0x14000, s1;
	[smem:$0x7FF] =	sst s3  }
0x7: {  	s11 =	smul.u32 $0x50000, s1;
	s12 =	sshll.u32 s1, $0x1;
	s31 =	sshll.u32 s1, $0x6  }
0x8: {  	s4 =	smul.u32 $0x140000, s8;
	_ =	strace $0x8000004A;
	s10 =	ssub.s32 $0x2, s8  }
0x9: {  	s8 =	sor.u32 s8, s12;
	s12 =	simm.s32 $0x2800;
	s30 =	sshrl.u32 s10, $0x1  }
0xa: {  	s11 =	sshrl.u32 s11, $0x2;
	s8 =	smul.u32 $0x500, s8;
	s9 =	sadd.s32 s5, s4  }
0xb: {  	s4 =	sadd.s32 $0x52400, s6;
	s5 =	sadd.s32 $0xA4C00, s6;
	s9 =	sshrl.u32 s9, $0x3  }
0xc: {  	s10 =	ssub.s32 s10, s30;
	s11 =	sadd.s32 s11, s2;
	s9 =	sadd.s32 s9, s6  }
0xd: {  	s7 =	sadd.s32 s7, s8;
	s6 =	sor.u32 $0x1C02, s31;
	s8 =	sadd.s32 $0xA5400, s9  }
0xe: {  	s9 =	smax.u32 s10, $0x1;
	s10 =	sshrl.u32 s11, $0x3;
	s11 =	simm.s32 $0x2  }
.LBB2_1:
0xf: {  	[spmem:s10], [sflag:s6] =	dma.local [hbm:s4], $0x2800  }
0x10: {  	_ =	swait.ge [sflag:s11], $0x2800  }
0x11: {  	[sflag:s11] =	ssyncset.done $0x0  }
0x12: {  	[sflag:s11] =	ssyncadd.s32 $0xFFFFD800  }
0x13: {  	[tilespmem:s12], [sflag:$0x2] =	stream.linear.gather [hbm4b:s5+s3], $0x4000, $0x38;
	[tilespmem:$0x1A800] =	vst v63  }
0x14: {  	_ =	swait.ge [sflag:s11], $0x4000  }
0x15: {  	[sflag:s11] =	ssyncset.done $0x0  }
0x16: {  	[sflag:s11] =	ssyncadd.s32 $0xFFFFC000  }
0x17: {  	[tilespmem:s3], [sflag:$0x2] =	stream.linear.gather [hbm4b:s7+s3], $0x2800, $0x38;
	[tilespmem:$0x1A800] =	vst v63  }
0x18: {  	_ =	swait.ge [sflag:s11], $0x2800  }
0x19: {  	[sflag:s11] =	ssyncset.done $0x0  }
0x1a: {  	[sflag:s11] =	ssyncadd.s32 $0xFFFFD800  }
0x1b: {  	s16 =	simm.s32 $0x0;
	[bflag:$0x0] =	sbarrier.arrive $0xFFFF  }
0x1c: {  	[spmem:s2] =	stream.indirect.scatter.add.f32 [tilespmem:s12], [sflag:$0x1], $0x80, s16, s13, $0xb8;
	[tilespmem:$0x1A800] =	vst v63  }
0x1d: {  	s29 =	simm.s32 $0x80  }
0x1e: {  	[spmem:s2] =	stream.indirect.scatter.add.f32 [tilespmem:s12], [sflag:$0x1], $0x80, s29, s13, $0xb8;
	[tilespmem:$0x1A800] =	vst v63  }
0x1f: {  	s30 =	simm.s32 $0x100  }
0x20: {  	[spmem:s2] =	stream.indirect.scatter.add.f32 [tilespmem:s12], [sflag:$0x1], $0x80, s30, s13, $0xb8;
	[tilespmem:$0x1A800] =	vst v63  }
0x21: {  	s31 =	simm.s32 $0x180  }
0x22: {  	[spmem:s2] =	stream.indirect.scatter.add.f32 [tilespmem:s12], [sflag:$0x1], $0x80, s31, s13, $0xb8;
	[tilespmem:$0x1A800] =	vst v63  }
0x23: {  	_ =	swait.ge [sflag:s14], $0x4000  }
0x24: {  	[sflag:s14] =	ssyncset.done $0x0  }
0x25: {  	[sflag:s14] =	ssyncadd.s32 $0xFFFFC000  }
0x26: {  	_ =	swait.ge [sflag:s14], $0x4000  }
0x27: {  	[sflag:s14] =	ssyncset.done $0x0  }
0x28: {  	[sflag:s14] =	ssyncadd.s32 $0xFFFFC000  }
0x29: {  	_ =	swait.ge [sflag:s14], $0x4000  }
0x2a: {  	[sflag:s14] =	ssyncset.done $0x0  }
0x2b: {  	[sflag:s14] =	ssyncadd.s32 $0xFFFFC000  }
0x2c: {  	_ =	swait.ge [sflag:s14], $0x4000  }
0x2d: {  	s17 =	simm.s32 $0x1000;
	s16 =	simm.s32 $0x800;
	[sflag:s14] =	ssyncset.done $0x0  }
.LBB2_2:
0x2e: {  	s18 =	sshra.s32 s16, $0x2  }
0x2f: {  	[sflag:s14] =	ssyncadd.s32 $0xFFFFC000;
	s16 =	smov.u32 s17;
	s19 =	sadd.s32 $0x800, s17  }
0x30: {  	[spmem:s2] =	stream.indirect.scatter.add.f32 [tilespmem:s12], [sflag:$0x1], $0x80, s18, s13, $0xb8;
	[tilespmem:$0x1A800] =	vst v63  }
0x31: {  	p0 =	sne.s32 s17, $0x9800;
	s17 =	sadd.s32 $0x80, s18  }
0x32: {  	[spmem:s2] =	stream.indirect.scatter.add.f32 [tilespmem:s12], [sflag:$0x1], $0x80, s17, s13, $0xb8;
	[tilespmem:$0x1A800] =	vst v63  }
0x33: {  	s17 =	sadd.s32 $0x100, s18  }
0x34: {  	[spmem:s2] =	stream.indirect.scatter.add.f32 [tilespmem:s12], [sflag:$0x1], $0x80, s17, s13, $0xb8;
	[tilespmem:$0x1A800] =	vst v63  }
0x35: {  	s17 =	sadd.s32 $0x180, s18  }
0x36: {  	[spmem:s2] =	stream.indirect.scatter.add.f32 [tilespmem:s12], [sflag:$0x1], $0x80, s17, s13, $0xb8;
	[tilespmem:$0x1A800] =	vst v63  }
0x37: {  	_ =	swait.ge [sflag:s14], $0x4000  }
0x38: {  	[sflag:s14] =	ssyncset.done $0x0  }
0x39: {  	[sflag:s14] =	ssyncadd.s32 $0xFFFFC000  }
0x3a: {  	_ =	swait.ge [sflag:s14], $0x4000  }
0x3b: {  	[sflag:s14] =	ssyncset.done $0x0  }
0x3c: {  	[sflag:s14] =	ssyncadd.s32 $0xFFFFC000  }
.Ltmp0:
0x3d: {  	_ =	swait.ge [sflag:s14], $0x4000;
	(pc) =	sbr.rel @p0 .LBB2_2-.Ltmp0, $4  }
0x3e: {  	[sflag:s14] =	ssyncset.done $0x0  }
0x3f: {  	[sflag:s14] =	ssyncadd.s32 $0xFFFFC000  }
0x40: {  	_ =	swait.ge [sflag:s14], $0x4000  }
0x41: {  	s17 =	smov.u32 s19;
	[sflag:s14] =	ssyncset.done $0x0  }
0x42: {  	s16 =	sshra.s32 s16, $0x2;
	[sflag:s14] =	ssyncadd.s32 $0xFFFFC000  }
0x43: {  	[spmem:s2] =	stream.indirect.scatter.add.f32 [tilespmem:s12], [sflag:$0x1], $0x80, s16, s13, $0xb8;
	[tilespmem:$0x1A800] =	vst v63  }
0x44: {  	s17 =	sadd.s32 $0x80, s16  }
0x45: {  	[spmem:s2] =	stream.indirect.scatter.add.f32 [tilespmem:s12], [sflag:$0x1], $0x80, s17, s13, $0xb8;
	[tilespmem:$0x1A800] =	vst v63  }
0x46: {  	s31 =	sadd.s32 $0x100, s16  }
0x47: {  	[spmem:s2] =	stream.indirect.scatter.add.f32 [tilespmem:s12], [sflag:$0x1], $0x80, s31, s13, $0xb8;
	[tilespmem:$0x1A800] =	vst v63  }
0x48: {  	s16 =	sadd.s32 $0x180, s16  }
0x49: {  	[spmem:s2] =	stream.indirect.scatter.add.f32 [tilespmem:s12], [sflag:$0x1], $0x80, s16, s13, $0xb8;
	[tilespmem:$0x1A800] =	vst v63  }
0x4a: {  	_ =	swait.ge [sflag:s14], $0x4000  }
0x4b: {  	[sflag:s14] =	ssyncset.done $0x0  }
0x4c: {  	[sflag:s14] =	ssyncadd.s32 $0xFFFFC000  }
0x4d: {  	_ =	swait.ge [sflag:s14], $0x4000  }
0x4e: {  	[sflag:s14] =	ssyncset.done $0x0  }
0x4f: {  	[sflag:s14] =	ssyncadd.s32 $0xFFFFC000  }
0x50: {  	_ =	swait.ge [sflag:s14], $0x4000  }
0x51: {  	[sflag:s14] =	ssyncset.done $0x0  }
0x52: {  	[sflag:s14] =	ssyncadd.s32 $0xFFFFC000  }
0x53: {  	_ =	swait.ge [sflag:s14], $0x4000  }
0x54: {  	s15 =	sadd.s32 $0x1, s15;
	[sflag:s14] =	ssyncset.done $0x0  }
0x55: {  	p0 =	sne.s32 s15, s9;
	[sflag:s14] =	ssyncadd.s32 $0xFFFFC000  }
.Ltmp1:
0x56: {  	[bflag:$0x0] =	sbarrier.arrive $0xFFFF;
	(pc) =	sbr.rel @p0 .LBB2_1-.Ltmp1, $4  }
0x57: {  	[hbm:s8], [sflag:s6] =	dma.local [spmem:s10], $0x2800  }
0x58: {  	_ =	swait.ge [sflag:s11], $0x2800  }
0x59: {  	[sflag:s11] =	ssyncset.done $0x0  }
0x5a: {  	[sflag:s11] =	ssyncadd.s32 $0xFFFFD800  }
0x5b: {  	_ =	sfence.sel $0x180000  }
0x5c: {  	[bflag:$0x0] =	sbarrier.arrive $0xFFFF  }
0x5d: {  	p0 =	sne.s32 s1, $0x0;
	_ =	strace $0x9000004A  }
0x5e: {  	s0 =	sadd.s32 @!p0 $0x100000, s0;
	[bflag:$0x2] =	sbarrier.arrive $0xFFFF  }
0x5f: {  	[sflag:s0] =	ssyncadd.tile.s32 @!p0 $0x1;
	_ =	shalt  }
.Lfunc_end2:
_tile_overlayer_lowered:
.L_overlay_start_2:
0x60: {  	(tag) =	ssettag $0x2  }
0x61: {  	s0 =	rddreg [dreg:$0x0];
	s2 =	stileid.u32  }
0x62: {  	s1 =	rddreg [dreg:$0x1];
	p0 =	sne.s32 s2, $0x0  }
0x63: {  	s3 =	rddreg [dreg:$0x2];
	[bflag:$0x3] =	sbarrier.arrive $0xFFFF;
	s2 =	simm.s32 @!p0 $0x1C02  }
0x64: {  	[timem:s3], [sflag:s2] =	dma.local @!p0 [hbm:s0], s1  }
0x65: {  	s0 =	simm.s32 @!p0 $0x2  }
0x66: {  	_ =	swait.ge @!p0 [sflag:s0], s1  }
0x67: {  	s1 =	ssub.s32 @!p0 $0x0, s1;
	[sflag:s0] =	ssyncset.done @!p0 $0x0  }
0x68: {  	[sflag:s0] =	ssyncadd.s32 @!p0 s1  }
0x69: {  	[bflag:$0x3] =	sbarrier.arrive $0xFFFF  }
0x6a: {  	_ =	shalt  }

</sc_bundles>
